<compile_context>
chip_gen: v7x
topology: tpu7x:2x2x1
jax: 0.10.2.dev20260603
libtpu: 0.0.44.dev20260713+nightly
codegen_flags: <defaults>
</compile_context>

<pallas_src>
import functools

import jax
import jax.numpy as jnp
from jax import lax
from jax.experimental import pallas as pl
from jax.experimental.pallas import tpu as pltpu
from jax.experimental.pallas import tpu_sc as plsc

SLOPE = 0.2
CHUNK = 80
NS = 16

_MESH = plsc.VectorSubcoreMesh(core_axis_name="c", subcore_axis_name="s")
_PARAMS = pltpu.CompilerParams(needs_layout_passes=False)


def _blockdiag(a):
    H, C = a.shape
    eye = jnp.eye(H, dtype=a.dtype)
    return (a[:, :, None] * eye[:, None, :]).reshape(H * C, H)


def _dense_tc(xs, Ws, ABs):
    G, N, D = xs.shape
    RB = 2000

    def body(x_ref, w_ref, ab_ref, h_ref, abo_ref):
        x = x_ref[0]
        h = jnp.dot(x, w_ref[0], preferred_element_type=jnp.float32)
        h_ref[0] = h
        abo_ref[0] = jnp.dot(h, ab_ref[0], preferred_element_type=jnp.float32)

    return pl.pallas_call(
        body,
        grid=(G, N // RB),
        in_specs=[
            pl.BlockSpec((1, RB, D), lambda g, i: (g, i, 0)),
            pl.BlockSpec((1, D, D), lambda g, i: (g, 0, 0)),
            pl.BlockSpec((1, D, 8), lambda g, i: (g, 0, 0)),
        ],
        out_specs=[
            pl.BlockSpec((1, RB, D), lambda g, i: (g, i, 0)),
            pl.BlockSpec((1, RB, 8), lambda g, i: (g, i, 0)),
        ],
        out_shape=[
            jax.ShapeDtypeStruct((G, N, D), jnp.float32),
            jax.ShapeDtypeStruct((G, N, 8), jnp.float32),
        ],
    )(xs, Ws, ABs)


def _edge_w_sc(ab_q, src_q, dst_q, ab_u, src_u, dst_u):
    E = src_q.shape[0]
    H = 4
    NA = ab_q.shape[0]
    ept = E // NS
    WB = 2000
    n_batches = ept // WB

    @functools.partial(
        pl.kernel,
        out_type=(
            jax.ShapeDtypeStruct((E * H,), jnp.float32),
            jax.ShapeDtypeStruct((E * H,), jnp.float32),
        ),
        mesh=_MESH,
        compiler_params=_PARAMS,
        scratch_types=[
            pltpu.VMEM((NA,), jnp.float32),
            pltpu.VMEM((WB,), jnp.int32),
            pltpu.VMEM((WB,), jnp.int32),
            pltpu.VMEM((WB * H,), jnp.float32),
        ],
    )
    def k(abq_hbm, sq_hbm, dq_hbm, abu_hbm, su_hbm, du_hbm,
          wq_hbm, wu_hbm, abv, srcv, dstv, wout):
        cid = lax.axis_index("c")
        sid = lax.axis_index("s")
        lanes = lax.iota(jnp.int32, 16)

        def run(ab_hbm, src_hbm, dst_hbm, w_hbm):
            pltpu.sync_copy(ab_hbm, abv)
            ebase = sid * ept

            def ebatch(bi, _):
                off = ebase + bi * WB
                pltpu.sync_copy(src_hbm.at[pl.ds(off, WB)], srcv)
                pltpu.sync_copy(dst_hbm.at[pl.ds(off, WB)], dstv)

                def group(g, _):
                    e16 = lanes + g * 16
                    s16 = srcv[pl.ds(g * 16, 16)]
                    d16 = dstv[pl.ds(g * 16, 16)]
                    for hh in range(H):
                        a_s = plsc.load_gather(abv, [s16 * 8 + hh])
                        a_d = plsc.load_gather(abv, [d16 * 8 + (H + hh)])
                        ee = a_s + a_d
                        ee = jnp.where(ee > 0, ee, SLOPE * ee)
                        w = jnp.exp(ee)
                        plsc.store_scatter(wout, [e16 * H + hh], w)
                    return 0
                lax.fori_loop(0, WB // 16, group, 0)
                pltpu.sync_copy(wout, w_hbm.at[pl.ds(off * H, WB * H)])
                return 0
            lax.fori_loop(0, n_batches, ebatch, 0)

        @pl.when(cid == 0)
        def _():
            run(abq_hbm, sq_hbm, dq_hbm, wq_hbm)

        @pl.when(cid == 1)
        def _():
            run(abu_hbm, su_hbm, du_hbm, wu_hbm)

    return k(ab_q, src_q, dst_q, ab_u, src_u, dst_u)


def _aggregate_sc(h_q, w_q, b_q, src_q, dst_q, h_u, w_u, b_u, src_u, dst_u):
    N, D = h_q.shape
    E = src_q.shape[0]
    H = 4
    C = D // H
    ept = E // NS
    EB = 2000
    n_batches = ept // EB
    n_sub = EB // CHUNK
    row_chunks = N // CHUNK
    iters = -(-row_chunks // NS)
    DR = (N * H + 127) // 128
    DRP = -(-DR // CHUNK) * CHUNK

    @functools.partial(
        pl.kernel,
        out_type=(
            jax.ShapeDtypeStruct((N, D), jnp.float32),
            jax.ShapeDtypeStruct((N, D), jnp.float32),
        ),
        mesh=_MESH,
        compiler_params=_PARAMS,
        scratch_types=[
            pltpu.VMEM_SHARED((N, D), jnp.float32),
            pltpu.VMEM_SHARED((DRP, 128), jnp.float32),
            pltpu.VMEM((EB,), jnp.int32),
            pltpu.VMEM((EB,), jnp.int32),
            pltpu.VMEM((2 * CHUNK * H,), jnp.float32),
            pltpu.VMEM((2, CHUNK), jnp.int32),
            pltpu.VMEM((CHUNK,), jnp.int32),
            pltpu.VMEM((2 * CHUNK, D), jnp.float32),
            pltpu.VMEM((CHUNK, D), jnp.float32),
            pltpu.VMEM((CHUNK, 128), jnp.float32),
            pltpu.VMEM((16, 128), jnp.float32),
            pltpu.VMEM((D,), jnp.float32),
            pltpu.SemaphoreType.DMA,
            pltpu.SemaphoreType.DMA,
            pltpu.SemaphoreType.DMA,
        ],
    )
    def k(hq_hbm, wq_hbm, bq_hbm, sq_hbm, dq_hbm,
          hu_hbm, wu_hbm, bu_hbm, su_hbm, du_hbm,
          outq_hbm, outu_hbm,
          acc, accd, srcb, dstb, wb, dstv, drow, hbuf, msg, mden,
          dbuf, biasv, sem, sem2, sem3):
        cid = lax.axis_index("c")
        sid = lax.axis_index("s")
        zero16 = jnp.zeros((16,), jnp.float32)
        lanes = lax.iota(jnp.int32, 16)

        def run(h_hbm, w_hbm, b_hbm, src_hbm, dst_hbm, out_hbm):
            pltpu.sync_copy(b_hbm, biasv)

            def zmsg(e, _):
                for kk in range(D // 16):
                    msg[e, pl.ds(kk * 16, 16)] = zero16
                for kk in range(128 // 16):
                    mden[e, pl.ds(kk * 16, 16)] = zero16
                return 0
            lax.fori_loop(0, CHUNK, zmsg, 0)

            def zacc(i, _):
                c = sid + i * NS

                @pl.when(c < row_chunks)
                def _():
                    pltpu.sync_copy(msg, acc.at[pl.ds(c * CHUNK, CHUNK)])
                return 0
            lax.fori_loop(0, iters, zacc, 0)

            @pl.when(sid < DRP // CHUNK)
            def _():
                pltpu.sync_copy(msg, accd.at[pl.ds(sid * CHUNK, CHUNK)])
            plsc.subcore_barrier()

            ebase = sid * ept

            def drain():
                pltpu.make_async_copy(
                    h_hbm.at[srcb.at[pl.ds(0, CHUNK)]],
                    hbuf.at[pl.ds(0, CHUNK)], sem).wait()
                pltpu.make_async_copy(
                    w_hbm.at[pl.ds(0, CHUNK * H)],
                    wb.at[pl.ds(0, CHUNK * H)], sem).wait()

            def ebatch(bi, _):
                boff = ebase + bi * EB
                pltpu.sync_copy(src_hbm.at[pl.ds(boff, EB)], srcb)
                pltpu.sync_copy(dst_hbm.at[pl.ds(boff, EB)], dstb)
                wboff = boff * H

                def fire(si, pb):
                    s0 = si * CHUNK
                    pltpu.async_copy(
                        h_hbm.at[srcb.at[pl.ds(s0, CHUNK)]],
                        hbuf.at[pl.ds(pb * CHUNK, CHUNK)], sem)
                    pltpu.async_copy(
                        w_hbm.at[pl.ds(wboff + s0 * H, CHUNK * H)],
                        wb.at[pl.ds(pb * CHUNK * H, CHUNK * H)], sem)

                fire(0, 0)

                def sub(si, _):
                    s0 = si * CHUNK
                    p = si & 1
                    ph = p * CHUNK
                    pw = p * CHUNK * H
                    drain()

                    @pl.when(si + 1 < n_sub)
                    def _():
                        fire(si + 1, 1 - p)

                    for g in range(CHUNK // 16):
                        e16 = lanes + g * 16
                        d16 = dstb[pl.ds(s0 + g * 16, 16)]
                        dstv[p, pl.ds(g * 16, 16)] = d16
                        drow[pl.ds(g * 16, 16)] = d16 >> 5
                        colb = (d16 & 31) * H
                        for hh in range(H):
                            w = plsc.load_gather(wb, [pw + e16 * H + hh])
                            plsc.store_scatter(mden, [e16, colb + hh], w)

                    pltpu.async_copy(mden, accd.at[drow], sem3, add=True)

                    @pl.when(bi * n_sub + si > 0)
                    def _():
                        pltpu.make_async_copy(
                            msg, acc.at[dstv.at[0]], sem2).wait()

                    def medge(e, _):
                        for hh in range(H):
                            wv = plsc.load_gather(
                                wb, [jnp.full((16,), e * H + hh, jnp.int32)
                                     + pw])
                            for half in range(C // 16):
                                col = hh * C + half * 16
                                msg[e, pl.ds(col, 16)] = \
                                    hbuf[ph + e, pl.ds(col, 16)] * wv
                        return 0
                    lax.fori_loop(0, CHUNK, medge, 0)
                    pltpu.async_copy(msg, acc.at[dstv.at[p]], sem2, add=True)
                    pltpu.make_async_copy(mden, accd.at[drow], sem3).wait()
                    for g in range(CHUNK // 16):
                        e16 = lanes + g * 16
                        d16 = dstb[pl.ds(s0 + g * 16, 16)]
                        colb = (d16 & 31) * H
                        for hh in range(H):
                            plsc.store_scatter(mden, [e16, colb + hh], zero16)
                    return 0
                lax.fori_loop(0, n_sub, sub, 0)
                return 0
            lax.fori_loop(0, n_batches, ebatch, 0)
            pltpu.make_async_copy(msg, acc.at[dstv.at[0]], sem2).wait()
            plsc.subcore_barrier()

            def nchunk(i, _):
                c = sid + i * NS

                @pl.when(c < row_chunks)
                def _():
                    base = c * CHUNK
                    pltpu.sync_copy(acc.at[pl.ds(base, CHUNK)], msg)
                    r0a = ((base // 32) // 8) * 8
                    pltpu.sync_copy(accd.at[pl.ds(r0a, 16)], dbuf)

                    def node(n, _):
                        p = (base + n) * H - r0a * 128
                        for hh in range(H):
                            rv = jnp.full((16,), (p + hh) >> 7, jnp.int32)
                            cv = jnp.full((16,), (p + hh) & 127, jnp.int32)
                            dv = plsc.load_gather(dbuf, [rv, cv])
                            invv = 1.0 / (dv + 1e-16)
                            for half in range(C // 16):
                                col = hh * C + half * 16
                                v = msg[n, pl.ds(col, 16)] * invv \
                                    + biasv[pl.ds(col, 16)]
                                hbuf[n, pl.ds(col, 16)] = jnp.maximum(v, 0.0)
                        return 0
                    lax.fori_loop(0, CHUNK, node, 0)
                    pltpu.sync_copy(hbuf.at[pl.ds(0, CHUNK)],
                                    out_hbm.at[pl.ds(base, CHUNK)])
                return 0
            lax.fori_loop(0, iters, nchunk, 0)

        @pl.when(cid == 0)
        def _():
            run(hq_hbm, wq_hbm, bq_hbm, sq_hbm, dq_hbm, outq_hbm)

        @pl.when(cid == 1)
        def _():
            run(hu_hbm, wu_hbm, bu_hbm, su_hbm, du_hbm, outu_hbm)

    return k(h_q, w_q, b_q, src_q, dst_q, h_u, w_u, b_u, src_u, dst_u)


def _session_gather_sc(pq, pu, vid_table, click_table, pos_table,
                       qidx, uidx, vidx, cidx, pidx):
    N, D = pq.shape
    BS = qidx.shape[0]
    per_tile = BS // (2 * NS)
    n_chunks = per_tile // CHUNK

    @functools.partial(
        pl.kernel,
        out_type=(
            jax.ShapeDtypeStruct((BS, D), jnp.float32),
            jax.ShapeDtypeStruct((BS, D), jnp.float32),
            jax.ShapeDtypeStruct((BS, 16), jnp.float32),
            jax.ShapeDtypeStruct((BS, 16), jnp.float32),
            jax.ShapeDtypeStruct((BS, 16), jnp.float32),
        ),
        mesh=_MESH,
        compiler_params=_PARAMS,
        scratch_types=[
            pltpu.VMEM((CHUNK,), jnp.int32),
            pltpu.VMEM((CHUNK, D), jnp.float32),
            pltpu.VMEM((CHUNK, 16), jnp.float32),
            pltpu.VMEM((16, 16), jnp.float32),
            pltpu.SemaphoreType.DMA,
        ],
    )
    def k(pq_hbm, pu_hbm, vid_hbm, click_hbm, pos_hbm,
          qi_hbm, ui_hbm, vi_hbm, ci_hbm, pi_hbm,
          oq, ou, ov, oc, op_,
          idxv, bigbuf, smallbuf, tabv, sem):
        wid = lax.axis_index("s") * 2 + lax.axis_index("c")
        base = wid * per_tile
        lanes = lax.iota(jnp.int32, 16)

        def gather_big(tab, idx_hbm, out_hbm):
            def step(j, _):
                off = base + j * CHUNK
                pltpu.sync_copy(idx_hbm.at[pl.ds(off, CHUNK)], idxv)
                pltpu.async_copy(tab.at[idxv], bigbuf, sem).wait()
                pltpu.sync_copy(bigbuf, out_hbm.at[pl.ds(off, CHUNK)])
                return 0
            lax.fori_loop(0, n_chunks, step, 0)

        def gather_small(tab, rows, idx_hbm, out_hbm):
            pltpu.sync_copy(tab, tabv.at[pl.ds(0, rows)])

            def step(j, _):
                off = base + j * CHUNK
                pltpu.sync_copy(idx_hbm.at[pl.ds(off, CHUNK)], idxv)

                def row(r, _):
                    ispl = plsc.load_gather(
                        idxv, [jnp.full((16,), r, jnp.int32)])
                    smallbuf[r, pl.ds(0, 16)] = plsc.load_gather(
                        tabv, [ispl, lanes])
                    return 0
                lax.fori_loop(0, CHUNK, row, 0)
                pltpu.sync_copy(smallbuf, out_hbm.at[pl.ds(off, CHUNK)])
                return 0
            lax.fori_loop(0, n_chunks, step, 0)

        gather_big(pq_hbm, qi_hbm, oq)
        gather_big(pu_hbm, ui_hbm, ou)
        gather_small(vid_hbm, vid_hbm.shape[0], vi_hbm, ov)
        gather_small(click_hbm, click_hbm.shape[0], ci_hbm, oc)
        gather_small(pos_hbm, pos_hbm.shape[0], pi_hbm, op_)

    return k(pq, pu, vid_table, click_table, pos_table,
             qidx, uidx, vidx, cidx, pidx)


def kernel(qid_table, uid_table, click_table, vid_table, pos_table,
           W_q, a_src_q, a_dst_q, b_q, W_u, a_src_u, a_dst_u, b_u,
           qid_edge_index, uid_edge_index, QIDS, UIDS, VIDS, CLICKS):
    B, S = QIDS.shape
    D = qid_table.shape[1]
    xs = jnp.stack([qid_table, uid_table])
    Ws = jnp.stack([W_q, W_u])
    ABs = jnp.stack([
        jnp.concatenate([_blockdiag(a_src_q), _blockdiag(a_dst_q)], axis=1),
        jnp.concatenate([_blockdiag(a_src_u), _blockdiag(a_dst_u)], axis=1),
    ])
    hs, abs_ = _dense_tc(xs, Ws, ABs)

    w_q, w_u = _edge_w_sc(
        abs_[0].reshape(-1), qid_edge_index[0], qid_edge_index[1],
        abs_[1].reshape(-1), uid_edge_index[0], uid_edge_index[1])

    pq, pu = _aggregate_sc(
        hs[0], w_q, b_q, qid_edge_index[0], qid_edge_index[1],
        hs[1], w_u, b_u, uid_edge_index[0], uid_edge_index[1])

    pidx = jnp.tile(jnp.arange(10, dtype=jnp.int32), (B * S) // 10)
    qe, ue, ve, ce, pe = _session_gather_sc(
        pq, pu, vid_table, click_table, pos_table,
        QIDS.reshape(-1), UIDS.reshape(-1), VIDS.reshape(-1),
        CLICKS.reshape(-1), pidx)
    return (qe.reshape(B, S, D), ue.reshape(B, S, D),
            ve.reshape(B, S, 16), ce.reshape(B, S, 16),
            pe.reshape(B, S, 16))

# --- scband reference (transcript-rebuilt; emitter-appended) ---
"""Pipeline reference for scband-dgatlayer-3238405342014 (READ-ONLY COPY).

The authoritative reference and input builder live on the scoring server;
editing this copy changes nothing except your own understanding.
"""

import jax, jax.numpy as jnp
import numpy as np

N_Q = 10000
N_U = 10000
E_Q = 160000
E_U = 160000
D = 128
H = 4
C = 32  # D // H, concat=True
B = 1024
S = 10
VT = 10
SLOPE = 0.2


def setup_inputs(seed: int = 0) -> dict:
    key = jax.random.key(seed)
    ks = jax.random.split(key, 24)
    inp = {}
    # embedding tables (learned params)
    inp['qid_table'] = jax.random.normal(ks[0], (N_Q, D), jnp.float32) * 0.1
    inp['uid_table'] = jax.random.normal(ks[1], (N_U, D), jnp.float32) * 0.1
    inp['click_table'] = jax.random.normal(ks[2], (2, 16), jnp.float32) * 0.1
    inp['vid_table'] = jax.random.normal(ks[3], (VT, 16), jnp.float32) * 0.1
    inp['pos_table'] = jax.random.normal(ks[4], (10, 16), jnp.float32) * 0.1
    # GATConv params for qid graph: lin weight [D, H*C], att_src/att_dst [H, C], bias [H*C]
    inp['W_q'] = jax.random.normal(ks[5], (D, H * C), jnp.float32) * (1.0 / np.sqrt(D))
    inp['a_src_q'] = jax.random.normal(ks[6], (H, C), jnp.float32) * 0.1
    inp['a_dst_q'] = jax.random.normal(ks[7], (H, C), jnp.float32) * 0.1
    inp['b_q'] = jnp.zeros((H * C,), jnp.float32)
    # GATConv params for uid graph
    inp['W_u'] = jax.random.normal(ks[8], (D, H * C), jnp.float32) * (1.0 / np.sqrt(D))
    inp['a_src_u'] = jax.random.normal(ks[9], (H, C), jnp.float32) * 0.1
    inp['a_dst_u'] = jax.random.normal(ks[10], (H, C), jnp.float32) * 0.1
    inp['b_u'] = jnp.zeros((H * C,), jnp.float32)
    # graph structure (loaded from disk in the original; constants here)
    inp['qid_edge_index'] = jax.random.randint(ks[11], (2, E_Q), 0, N_Q, dtype=jnp.int32)
    inp['uid_edge_index'] = jax.random.randint(ks[12], (2, E_U), 0, N_U, dtype=jnp.int32)
    # padded session batches
    inp['QIDS'] = jax.random.randint(ks[13], (B, S), 0, N_Q, dtype=jnp.int32)
    inp['UIDS'] = jax.random.randint(ks[14], (B, S), 0, N_U, dtype=jnp.int32)
    inp['VIDS'] = jax.random.randint(ks[15], (B, S), 0, VT, dtype=jnp.int32)
    inp['CLICKS'] = jax.random.randint(ks[16], (B, S), 0, 2, dtype=jnp.int32)
    return inp


def _gat(x, edge_index, W, a_src, a_dst, b):
    # PyG GATConv, concat=True, dropout=0 (eval)
    N = x.shape[0]
    h = (x @ W).reshape(N, H, C)  # [N, H, C]
    src = edge_index[0]
    dst = edge_index[1]
    alpha_src = jnp.sum(h * a_src[None, :, :], axis=-1)  # [N, H]
    alpha_dst = jnp.sum(h * a_dst[None, :, :], axis=-1)  # [N, H]
    e = alpha_src[src] + alpha_dst[dst]  # [E, H]
    e = jnp.where(e > 0, e, SLOPE * e)  # leaky_relu
    # softmax over incoming edges per dst node
    m = jax.ops.segment_max(e, dst, num_segments=N)
    m = jnp.where(jnp.isfinite(m), m, 0.0)
    ex = jnp.exp(e - m[dst])
    den = jax.ops.segment_sum(ex, dst, num_segments=N)
    alpha = ex / (den[dst] + 1e-16)  # [E, H]
    msg = h[src] * alpha[:, :, None]  # gather + weight
    out = jax.ops.segment_sum(msg, dst, num_segments=N)  # scatter-add [N, H, C]
    return out.reshape(N, H * C) + b


def reference(qid_table, uid_table, click_table, vid_table, pos_table,
              W_q, a_src_q, a_dst_q, b_q, W_u, a_src_u, a_dst_u, b_u,
              qid_edge_index, uid_edge_index, QIDS, UIDS, VIDS, CLICKS):
    # full-graph GAT pass (NeighborSampler with batch_size = full node set =>
    # single batch over all nodes; identity node ordering so argsort is identity)
    processed_qid = jax.nn.relu(_gat(qid_table, qid_edge_index, W_q, a_src_q, a_dst_q, b_q))
    processed_uid = jax.nn.relu(_gat(uid_table, uid_edge_index, W_u, a_src_u, a_dst_u, b_u))
    qid_embedding = jnp.take(processed_qid, QIDS, axis=0)  # [B, S, D]
    uid_embedding = jnp.take(processed_uid, UIDS, axis=0)  # [B, S, D]
    vid_embedding = jnp.take(vid_table, VIDS, axis=0)  # [B, S, 16]
    click_embedding = jnp.take(click_table, CLICKS, axis=0)  # [B, S, 16]
    bsz, seq = QIDS.shape
    pos_embedding = jnp.tile(pos_table[None, :, :], (bsz, seq // 10, 1))  # [B, S, 16]
    return (qid_embedding, uid_embedding, vid_embedding, click_embedding, pos_embedding)

if __name__ == "__main__":
    import jax
    _d = setup_inputs()
    print(jax.jit(kernel)(*tuple(_d.values())))

</pallas_src>

<mosaic_0001>
#map = affine_map<(d0, d1) -> (0)>
module attributes {stable_mosaic.version = 14 : i64} {
  func.func @k(%arg0: i32, %arg1: i32, %arg2: memref<80000xf32, #tpu.memory_space<hbm>>, %arg3: memref<160000xi32, #tpu.memory_space<hbm>>, %arg4: memref<160000xi32, #tpu.memory_space<hbm>>, %arg5: memref<80000xf32, #tpu.memory_space<hbm>>, %arg6: memref<160000xi32, #tpu.memory_space<hbm>>, %arg7: memref<160000xi32, #tpu.memory_space<hbm>>, %arg8: memref<640000xf32, #tpu.memory_space<hbm>>, %arg9: memref<640000xf32, #tpu.memory_space<hbm>>, %arg10: memref<80000xf32, #tpu.memory_space<vmem>>, %arg11: memref<2000xi32, #tpu.memory_space<vmem>>, %arg12: memref<2000xi32, #tpu.memory_space<vmem>>, %arg13: memref<8000xf32, #tpu.memory_space<vmem>>) attributes {dimension_semantics = [#tpu.dimension_semantics<core_parallel>, #tpu.dimension_semantics<subcore_parallel>], iteration_bounds = array<i64: 2, 16>, scalar_prefetch = 0 : i64, scratch_operands = 4 : i64, tpu.core_type = #tpu.core_type<sc_vector_subcore>, window_params = [{transform_indices = #map}, {transform_indices = #map}, {transform_indices = #map}, {transform_indices = #map}, {transform_indices = #map}, {transform_indices = #map}, {transform_indices = #map}, {transform_indices = #map}]} {
    %iota3A = tpu.iota {dimensions = array<i32: 0>} : vector<16xi32>
    %eq3A = arith.constant 0 : i32
    %eq3A_0 = arith.cmpi eq, %arg0, %eq3A : i32
    %convert_element_type3A = arith.extui %eq3A_0 : i1 to i32
    %cond3A = arith.constant 0 : i32
    %cond3A_1 = arith.cmpi ne, %convert_element_type3A, %cond3A : i32
    scf.if %cond3A_1 {
      "tpu.region"() ({
        %run_scoped3A = tpu.sem_alloc : memref<!tpu.dma_semaphore, #tpu.memory_space<semaphore_mem>>
        tpu.enqueue_dma source(%arg2 : memref<80000xf32, #tpu.memory_space<hbm>>) target(%arg10 : memref<80000xf32, #tpu.memory_space<vmem>>) target_semaphore(%run_scoped3A : memref<!tpu.dma_semaphore, #tpu.memory_space<semaphore_mem>>)
        tpu.wait_dma2 semaphore(%run_scoped3A : memref<!tpu.dma_semaphore, #tpu.memory_space<semaphore_mem>>) src(%arg2 : memref<80000xf32, #tpu.memory_space<hbm>>) dst(%arg10 : memref<80000xf32, #tpu.memory_space<vmem>>)
        tpu.yield
      }) : () -> ()
      %mul3A = arith.constant 10000 : i32
      %mul3A_7 = arith.muli %arg1, %mul3A : i32
      %scan3A = arith.constant 0 : i32
      %scan3A_8 = arith.constant 0 : i32
      %scan3A_9 = arith.constant 5 : i32
      %scan3A_10 = arith.addi %scan3A_8, %scan3A_9 : i32
      %scan3A_11 = arith.constant 1 : i32
      %scan3A_12 = scf.for %scan3A_14 = %scan3A_8 to %scan3A_10 step %scan3A_11 iter_args(%scan3A_15 = %scan3A) -> (i32)  : i32 {
        %mul3A_16 = arith.constant 2000 : i32
        %mul3A_17 = arith.muli %scan3A_14, %mul3A_16 : i32
        %add3A = arith.addi %mul3A_7, %mul3A_17 : i32
        "tpu.region"() ({
          %run_scoped3A = tpu.sem_alloc : memref<!tpu.dma_semaphore, #tpu.memory_space<semaphore_mem>>
          %dma_start3A = tpu.memref_slice %arg3[%add3A] : memref<160000xi32, #tpu.memory_space<hbm>> -> memref<2000xi32, #tpu.memory_space<hbm>>
          %dma_start3A_28 = tpu.memref_slice %arg3[%add3A] : memref<160000xi32, #tpu.memory_space<hbm>> -> memref<2000xi32, #tpu.memory_space<hbm>>
          tpu.enqueue_dma source(%dma_start3A_28 : memref<2000xi32, #tpu.memory_space<hbm>>) target(%arg11 : memref<2000xi32, #tpu.memory_space<vmem>>) target_semaphore(%run_scoped3A : memref<!tpu.dma_semaphore, #tpu.memory_space<semaphore_mem>>)
          %dma_wait3A = tpu.memref_slice %arg3[%add3A] : memref<160000xi32, #tpu.memory_space<hbm>> -> memref<2000xi32, #tpu.memory_space<hbm>>
          %dma_wait3A_29 = tpu.memref_slice %arg3[%add3A] : memref<160000xi32, #tpu.memory_space<hbm>> -> memref<2000xi32, #tpu.memory_space<hbm>>
          tpu.wait_dma2 semaphore(%run_scoped3A : memref<!tpu.dma_semaphore, #tpu.memory_space<semaphore_mem>>) src(%dma_wait3A_29 : memref<2000xi32, #tpu.memory_space<hbm>>) dst(%arg11 : memref<2000xi32, #tpu.memory_space<vmem>>)
          tpu.yield
        }) : () -> ()
        "tpu.region"() ({
          %run_scoped3A = tpu.sem_alloc : memref<!tpu.dma_semaphore, #tpu.memory_space<semaphore_mem>>
          %dma_start3A = tpu.memref_slice %arg4[%add3A] : memref<160000xi32, #tpu.memory_space<hbm>> -> memref<2000xi32, #tpu.memory_space<hbm>>
          %dma_start3A_28 = tpu.memref_slice %arg4[%add3A] : memref<160000xi32, #tpu.memory_space<hbm>> -> memref<2000xi32, #tpu.memory_space<hbm>>
          tpu.enqueue_dma source(%dma_start3A_28 : memref<2000xi32, #tpu.memory_space<hbm>>) target(%arg12 : memref<2000xi32, #tpu.memory_space<vmem>>) target_semaphore(%run_scoped3A : memref<!tpu.dma_semaphore, #tpu.memory_space<semaphore_mem>>)
          %dma_wait3A = tpu.memref_slice %arg4[%add3A] : memref<160000xi32, #tpu.memory_space<hbm>> -> memref<2000xi32, #tpu.memory_space<hbm>>
          %dma_wait3A_29 = tpu.memref_slice %arg4[%add3A] : memref<160000xi32, #tpu.memory_space<hbm>> -> memref<2000xi32, #tpu.memory_space<hbm>>
          tpu.wait_dma2 semaphore(%run_scoped3A : memref<!tpu.dma_semaphore, #tpu.memory_space<semaphore_mem>>) src(%dma_wait3A_29 : memref<2000xi32, #tpu.memory_space<hbm>>) dst(%arg12 : memref<2000xi32, #tpu.memory_space<vmem>>)
          tpu.yield
        }) : () -> ()
        %scan3A_18 = arith.constant 0 : i32
        %scan3A_19 = arith.constant 0 : i32
        %scan3A_20 = arith.constant 125 : i32
        %scan3A_21 = arith.addi %scan3A_19, %scan3A_20 : i32
        %scan3A_22 = arith.constant 1 : i32
        %scan3A_23 = scf.for %scan3A_28 = %scan3A_19 to %scan3A_21 step %scan3A_22 iter_args(%scan3A_29 = %scan3A_18) -> (i32)  : i32 {
          %mul3A_30 = arith.constant 16 : i32
          %mul3A_31 = arith.muli %scan3A_28, %mul3A_30 : i32
          %add3A_32 = vector.broadcast %mul3A_31 : i32 to vector<16xi32>
          %add3A_33 = arith.addi %iota3A, %add3A_32 : vector<16xi32>
          %mul3A_34 = arith.constant 16 : i32
          %mul3A_35 = arith.muli %scan3A_28, %mul3A_34 : i32
          %get3A = arith.index_cast %mul3A_35 : i32 to index
          %get3A_36 = tpu.vector_load %arg11[%get3A] {strides = array<i32>} : memref<2000xi32, #tpu.memory_space<vmem>>, vector<16xi32>,
          %mul3A_37 = arith.constant 16 : i32
          %mul3A_38 = arith.muli %scan3A_28, %mul3A_37 : i32
          %get3A_39 = arith.index_cast %mul3A_38 : i32 to index
          %get3A_40 = tpu.vector_load %arg12[%get3A_39] {strides = array<i32>} : memref<2000xi32, #tpu.memory_space<vmem>>, vector<16xi32>,
          %mul3A_41 = arith.constant 8 : i32
          %mul3A_42 = vector.broadcast %mul3A_41 : i32 to vector<16xi32>
          %mul3A_43 = arith.muli %get3A_36, %mul3A_42 : vector<16xi32>
          %add3A_44 = arith.constant 0 : i32
          %add3A_45 = vector.broadcast %add3A_44 : i32 to vector<16xi32>
          %add3A_46 = arith.addi %mul3A_43, %add3A_45 : vector<16xi32>
          %gather3A = tpu.vector_load_idx %arg10[%add3A_46] : memref<80000xf32, #tpu.memory_space<vmem>>[vector<16xi32>], vector<16xf32>,
          %mul3A_47 = arith.constant 8 : i32
          %mul3A_48 = vector.broadcast %mul3A_47 : i32 to vector<16xi32>
          %mul3A_49 = arith.muli %get3A_40, %mul3A_48 : vector<16xi32>
          %add3A_50 = arith.constant 4 : i32
          %add3A_51 = vector.broadcast %add3A_50 : i32 to vector<16xi32>
          %add3A_52 = arith.addi %mul3A_49, %add3A_51 : vector<16xi32>
          %gather3A_53 = tpu.vector_load_idx %arg10[%add3A_52] : memref<80000xf32, #tpu.memory_space<vmem>>[vector<16xi32>], vector<16xf32>,
          %add3A_54 = arith.addf %gather3A, %gather3A_53 : vector<16xf32>
          %gt3A = arith.constant 0.000000e+00 : f32
          %gt3A_55 = vector.broadcast %gt3A : f32 to vector<16xf32>
          %gt3A_56 = arith.cmpf ogt, %add3A_54, %gt3A_55 : vector<16xf32>
          %mul3A_57 = arith.constant 2.000000e-01 : f32
          %mul3A_58 = vector.broadcast %mul3A_57 : f32 to vector<16xf32>
          %mul3A_59 = arith.mulf %mul3A_58, %add3A_54 : vector<16xf32>
          %select_n3A = arith.select %gt3A_56, %add3A_54, %mul3A_59 : vector<16xi1>, vector<16xf32>
          %exp3A = math.exp %select_n3A : vector<16xf32>
          %mul3A_60 = arith.constant 4 : i32
          %mul3A_61 = vector.broadcast %mul3A_60 : i32 to vector<16xi32>
          %mul3A_62 = arith.muli %add3A_33, %mul3A_61 : vector<16xi32>
          %add3A_63 = arith.constant 0 : i32
          %add3A_64 = vector.broadcast %add3A_63 : i32 to vector<16xi32>
          %add3A_65 = arith.addi %mul3A_62, %add3A_64 : vector<16xi32>
          tpu.vector_store_idx %arg13[%add3A_65], %exp3A : memref<8000xf32, #tpu.memory_space<vmem>>[vector<16xi32>], vector<16xf32>,
          %mul3A_66 = arith.constant 8 : i32
          %mul3A_67 = vector.broadcast %mul3A_66 : i32 to vector<16xi32>
          %mul3A_68 = arith.muli %get3A_36, %mul3A_67 : vector<16xi32>
          %add3A_69 = arith.constant 1 : i32
          %add3A_70 = vector.broadcast %add3A_69 : i32 to vector<16xi32>
          %add3A_71 = arith.addi %mul3A_68, %add3A_70 : vector<16xi32>
          %gather3A_72 = tpu.vector_load_idx %arg10[%add3A_71] : memref<80000xf32, #tpu.memory_space<vmem>>[vector<16xi32>], vector<16xf32>,
          %mul3A_73 = arith.constant 8 : i32
          %mul3A_74 = vector.broadcast %mul3A_73 : i32 to vector<16xi32>
          %mul3A_75 = arith.muli %get3A_40, %mul3A_74 : vector<16xi32>
          %add3A_76 = arith.constant 5 : i32
          %add3A_77 = vector.broadcast %add3A_76 : i32 to vector<16xi32>
          %add3A_78 = arith.addi %mul3A_75, %add3A_77 : vector<16xi32>
          %gather3A_79 = tpu.vector_load_idx %arg10[%add3A_78] : memref<80000xf32, #tpu.memory_space<vmem>>[vector<16xi32>], vector<16xf32>,
          %add3A_80 = arith.addf %gather3A_72, %gather3A_79 : vector<16xf32>
          %gt3A_81 = arith.constant 0.000000e+00 : f32
          %gt3A_82 = vector.broadcast %gt3A_81 : f32 to vector<16xf32>
          %gt3A_83 = arith.cmpf ogt, %add3A_80, %gt3A_82 : vector<16xf32>
          %mul3A_84 = arith.constant 2.000000e-01 : f32
          %mul3A_85 = vector.broadcast %mul3A_84 : f32 to vector<16xf32>
          %mul3A_86 = arith.mulf %mul3A_85, %add3A_80 : vector<16xf32>
          %select_n3A_87 = arith.select %gt3A_83, %add3A_80, %mul3A_86 : vector<16xi1>, vector<16xf32>
          %exp3A_88 = math.exp %select_n3A_87 : vector<16xf32>
          %mul3A_89 = arith.constant 4 : i32
          %mul3A_90 = vector.broadcast %mul3A_89 : i32 to vector<16xi32>
          %mul3A_91 = arith.muli %add3A_33, %mul3A_90 : vector<16xi32>
          %add3A_92 = arith.constant 1 : i32
          %add3A_93 = vector.broadcast %add3A_92 : i32 to vector<16xi32>
          %add3A_94 = arith.addi %mul3A_91, %add3A_93 : vector<16xi32>
          tpu.vector_store_idx %arg13[%add3A_94], %exp3A_88 : memref<8000xf32, #tpu.memory_space<vmem>>[vector<16xi32>], vector<16xf32>,
          %mul3A_95 = arith.constant 8 : i32
          %mul3A_96 = vector.broadcast %mul3A_95 : i32 to vector<16xi32>
          %mul3A_97 = arith.muli %get3A_36, %mul3A_96 : vector<16xi32>
          %add3A_98 = arith.constant 2 : i32
          %add3A_99 = vector.broadcast %add3A_98 : i32 to vector<16xi32>
          %add3A_100 = arith.addi %mul3A_97, %add3A_99 : vector<16xi32>
          %gather3A_101 = tpu.vector_load_idx %arg10[%add3A_100] : memref<80000xf32, #tpu.memory_space<vmem>>[vector<16xi32>], vector<16xf32>,
          %mul3A_102 = arith.constant 8 : i32
          %mul3A_103 = vector.broadcast %mul3A_102 : i32 to vector<16xi32>
          %mul3A_104 = arith.muli %get3A_40, %mul3A_103 : vector<16xi32>
          %add3A_105 = arith.constant 6 : i32
          %add3A_106 = vector.broadcast %add3A_105 : i32 to vector<16xi32>
          %add3A_107 = arith.addi %mul3A_104, %add3A_106 : vector<16xi32>
          %gather3A_108 = tpu.vector_load_idx %arg10[%add3A_107] : memref<80000xf32, #tpu.memory_space<vmem>>[vector<16xi32>], vector<16xf32>,
          %add3A_109 = arith.addf %gather3A_101, %gather3A_108 : vector<16xf32>
          %gt3A_110 = arith.constant 0.000000e+00 : f32
          %gt3A_111 = vector.broadcast %gt3A_110 : f32 to vector<16xf32>
          %gt3A_112 = arith.cmpf ogt, %add3A_109, %gt3A_111 : vector<16xf32>
          %mul3A_113 = arith.constant 2.000000e-01 : f32
          %mul3A_114 = vector.broadcast %mul3A_113 : f32 to vector<16xf32>
          %mul3A_115 = arith.mulf %mul3A_114, %add3A_109 : vector<16xf32>
          %select_n3A_116 = arith.select %gt3A_112, %add3A_109, %mul3A_115 : vector<16xi1>, vector<16xf32>
          %exp3A_117 = math.exp %select_n3A_116 : vector<16xf32>
          %mul3A_118 = arith.constant 4 : i32
          %mul3A_119 = vector.broadcast %mul3A_118 : i32 to vector<16xi32>
          %mul3A_120 = arith.muli %add3A_33, %mul3A_119 : vector<16xi32>
          %add3A_121 = arith.constant 2 : i32
          %add3A_122 = vector.broadcast %add3A_121 : i32 to vector<16xi32>
          %add3A_123 = arith.addi %mul3A_120, %add3A_122 : vector<16xi32>
          tpu.vector_store_idx %arg13[%add3A_123], %exp3A_117 : memref<8000xf32, #tpu.memory_space<vmem>>[vector<16xi32>], vector<16xf32>,
          %mul3A_124 = arith.constant 8 : i32
          %mul3A_125 = vector.broadcast %mul3A_124 : i32 to vector<16xi32>
          %mul3A_126 = arith.muli %get3A_36, %mul3A_125 : vector<16xi32>
          %add3A_127 = arith.constant 3 : i32
          %add3A_128 = vector.broadcast %add3A_127 : i32 to vector<16xi32>
          %add3A_129 = arith.addi %mul3A_126, %add3A_128 : vector<16xi32>
          %gather3A_130 = tpu.vector_load_idx %arg10[%add3A_129] : memref<80000xf32, #tpu.memory_space<vmem>>[vector<16xi32>], vector<16xf32>,
          %mul3A_131 = arith.constant 8 : i32
          %mul3A_132 = vector.broadcast %mul3A_131 : i32 to vector<16xi32>
          %mul3A_133 = arith.muli %get3A_40, %mul3A_132 : vector<16xi32>
          %add3A_134 = arith.constant 7 : i32
          %add3A_135 = vector.broadcast %add3A_134 : i32 to vector<16xi32>
          %add3A_136 = arith.addi %mul3A_133, %add3A_135 : vector<16xi32>
          %gather3A_137 = tpu.vector_load_idx %arg10[%add3A_136] : memref<80000xf32, #tpu.memory_space<vmem>>[vector<16xi32>], vector<16xf32>,
          %add3A_138 = arith.addf %gather3A_130, %gather3A_137 : vector<16xf32>
          %gt3A_139 = arith.constant 0.000000e+00 : f32
          %gt3A_140 = vector.broadcast %gt3A_139 : f32 to vector<16xf32>
          %gt3A_141 = arith.cmpf ogt, %add3A_138, %gt3A_140 : vector<16xf32>
          %mul3A_142 = arith.constant 2.000000e-01 : f32
          %mul3A_143 = vector.broadcast %mul3A_142 : f32 to vector<16xf32>
          %mul3A_144 = arith.mulf %mul3A_143, %add3A_138 : vector<16xf32>
          %select_n3A_145 = arith.select %gt3A_141, %add3A_138, %mul3A_144 : vector<16xi1>, vector<16xf32>
          %exp3A_146 = math.exp %select_n3A_145 : vector<16xf32>
          %mul3A_147 = arith.constant 4 : i32
          %mul3A_148 = vector.broadcast %mul3A_147 : i32 to vector<16xi32>
          %mul3A_149 = arith.muli %add3A_33, %mul3A_148 : vector<16xi32>
          %add3A_150 = arith.constant 3 : i32
          %add3A_151 = vector.broadcast %add3A_150 : i32 to vector<16xi32>
          %add3A_152 = arith.addi %mul3A_149, %add3A_151 : vector<16xi32>
          tpu.vector_store_idx %arg13[%add3A_152], %exp3A_146 : memref<8000xf32, #tpu.memory_space<vmem>>[vector<16xi32>], vector<16xf32>,
          %scan3A_153 = arith.constant 0 : i32
          scf.yield %scan3A_153 : i32
        }
        %scan3A_24 = arith.constant 125 : i32
        %mul3A_25 = arith.constant 4 : i32
        %mul3A_26 = arith.muli %add3A, %mul3A_25 : i32
        "tpu.region"() ({
          %run_scoped3A = tpu.sem_alloc : memref<!tpu.dma_semaphore, #tpu.memory_space<semaphore_mem>>
          %dma_start3A = tpu.memref_slice %arg8[%mul3A_26] : memref<640000xf32, #tpu.memory_space<hbm>> -> memref<8000xf32, #tpu.memory_space<hbm>>
          %dma_start3A_28 = tpu.memref_slice %arg8[%mul3A_26] : memref<640000xf32, #tpu.memory_space<hbm>> -> memref<8000xf32, #tpu.memory_space<hbm>>
          tpu.enqueue_dma source(%arg13 : memref<8000xf32, #tpu.memory_space<vmem>>) target(%dma_start3A_28 : memref<8000xf32, #tpu.memory_space<hbm>>) target_semaphore(%run_scoped3A : memref<!tpu.dma_semaphore, #tpu.memory_space<semaphore_mem>>)
          %dma_wait3A = tpu.memref_slice %arg8[%mul3A_26] : memref<640000xf32, #tpu.memory_space<hbm>> -> memref<8000xf32, #tpu.memory_space<hbm>>
          %dma_wait3A_29 = tpu.memref_slice %arg8[%mul3A_26] : memref<640000xf32, #tpu.memory_space<hbm>> -> memref<8000xf32, #tpu.memory_space<hbm>>
          tpu.wait_dma2 semaphore(%run_scoped3A : memref<!tpu.dma_semaphore, #tpu.memory_space<semaphore_mem>>) src(%arg13 : memref<8000xf32, #tpu.memory_space<vmem>>) dst(%dma_wait3A_29 : memref<8000xf32, #tpu.memory_space<hbm>>)
          tpu.yield
        }) : () -> ()
        %scan3A_27 = arith.constant 0 : i32
        scf.yield %scan3A_27 : i32
      }
      %scan3A_13 = arith.constant 5 : i32
    } else {
    }
    %eq3A_2 = arith.constant 1 : i32
    %eq3A_3 = arith.cmpi eq, %arg0, %eq3A_2 : i32
    %convert_element_type3A_4 = arith.extui %eq3A_3 : i1 to i32
    %cond3A_5 = arith.constant 0 : i32
    %cond3A_6 = arith.cmpi ne, %convert_element_type3A_4, %cond3A_5 : i32
    scf.if %cond3A_6 {
      "tpu.region"() ({
        %run_scoped3A = tpu.sem_alloc : memref<!tpu.dma_semaphore, #tpu.memory_space<semaphore_mem>>
        tpu.enqueue_dma source(%arg5 : memref<80000xf32, #tpu.memory_space<hbm>>) target(%arg10 : memref<80000xf32, #tpu.memory_space<vmem>>) target_semaphore(%run_scoped3A : memref<!tpu.dma_semaphore, #tpu.memory_space<semaphore_mem>>)
        tpu.wait_dma2 semaphore(%run_scoped3A : memref<!tpu.dma_semaphore, #tpu.memory_space<semaphore_mem>>) src(%arg5 : memref<80000xf32, #tpu.memory_space<hbm>>) dst(%arg10 : memref<80000xf32, #tpu.memory_space<vmem>>)
        tpu.yield
      }) : () -> ()
      %mul3A = arith.constant 10000 : i32
      %mul3A_7 = arith.muli %arg1, %mul3A : i32
      %scan3A = arith.constant 0 : i32
      %scan3A_8 = arith.constant 0 : i32
      %scan3A_9 = arith.constant 5 : i32
      %scan3A_10 = arith.addi %scan3A_8, %scan3A_9 : i32
      %scan3A_11 = arith.constant 1 : i32
      %scan3A_12 = scf.for %scan3A_14 = %scan3A_8 to %scan3A_10 step %scan3A_11 iter_args(%scan3A_15 = %scan3A) -> (i32)  : i32 {
        %mul3A_16 = arith.constant 2000 : i32
        %mul3A_17 = arith.muli %scan3A_14, %mul3A_16 : i32
        %add3A = arith.addi %mul3A_7, %mul3A_17 : i32
        "tpu.region"() ({
          %run_scoped3A = tpu.sem_alloc : memref<!tpu.dma_semaphore, #tpu.memory_space<semaphore_mem>>
          %dma_start3A = tpu.memref_slice %arg6[%add3A] : memref<160000xi32, #tpu.memory_space<hbm>> -> memref<2000xi32, #tpu.memory_space<hbm>>
          %dma_start3A_28 = tpu.memref_slice %arg6[%add3A] : memref<160000xi32, #tpu.memory_space<hbm>> -> memref<2000xi32, #tpu.memory_space<hbm>>
          tpu.enqueue_dma source(%dma_start3A_28 : memref<2000xi32, #tpu.memory_space<hbm>>) target(%arg11 : memref<2000xi32, #tpu.memory_space<vmem>>) target_semaphore(%run_scoped3A : memref<!tpu.dma_semaphore, #tpu.memory_space<semaphore_mem>>)
          %dma_wait3A = tpu.memref_slice %arg6[%add3A] : memref<160000xi32, #tpu.memory_space<hbm>> -> memref<2000xi32, #tpu.memory_space<hbm>>
          %dma_wait3A_29 = tpu.memref_slice %arg6[%add3A] : memref<160000xi32, #tpu.memory_space<hbm>> -> memref<2000xi32, #tpu.memory_space<hbm>>
          tpu.wait_dma2 semaphore(%run_scoped3A : memref<!tpu.dma_semaphore, #tpu.memory_space<semaphore_mem>>) src(%dma_wait3A_29 : memref<2000xi32, #tpu.memory_space<hbm>>) dst(%arg11 : memref<2000xi32, #tpu.memory_space<vmem>>)
          tpu.yield
        }) : () -> ()
        "tpu.region"() ({
          %run_scoped3A = tpu.sem_alloc : memref<!tpu.dma_semaphore, #tpu.memory_space<semaphore_mem>>
          %dma_start3A = tpu.memref_slice %arg7[%add3A] : memref<160000xi32, #tpu.memory_space<hbm>> -> memref<2000xi32, #tpu.memory_space<hbm>>
          %dma_start3A_28 = tpu.memref_slice %arg7[%add3A] : memref<160000xi32, #tpu.memory_space<hbm>> -> memref<2000xi32, #tpu.memory_space<hbm>>
          tpu.enqueue_dma source(%dma_start3A_28 : memref<2000xi32, #tpu.memory_space<hbm>>) target(%arg12 : memref<2000xi32, #tpu.memory_space<vmem>>) target_semaphore(%run_scoped3A : memref<!tpu.dma_semaphore, #tpu.memory_space<semaphore_mem>>)
          %dma_wait3A = tpu.memref_slice %arg7[%add3A] : memref<160000xi32, #tpu.memory_space<hbm>> -> memref<2000xi32, #tpu.memory_space<hbm>>
          %dma_wait3A_29 = tpu.memref_slice %arg7[%add3A] : memref<160000xi32, #tpu.memory_space<hbm>> -> memref<2000xi32, #tpu.memory_space<hbm>>
          tpu.wait_dma2 semaphore(%run_scoped3A : memref<!tpu.dma_semaphore, #tpu.memory_space<semaphore_mem>>) src(%dma_wait3A_29 : memref<2000xi32, #tpu.memory_space<hbm>>) dst(%arg12 : memref<2000xi32, #tpu.memory_space<vmem>>)
          tpu.yield
        }) : () -> ()
        %scan3A_18 = arith.constant 0 : i32
        %scan3A_19 = arith.constant 0 : i32
        %scan3A_20 = arith.constant 125 : i32
        %scan3A_21 = arith.addi %scan3A_19, %scan3A_20 : i32
        %scan3A_22 = arith.constant 1 : i32
        %scan3A_23 = scf.for %scan3A_28 = %scan3A_19 to %scan3A_21 step %scan3A_22 iter_args(%scan3A_29 = %scan3A_18) -> (i32)  : i32 {
          %mul3A_30 = arith.constant 16 : i32
          %mul3A_31 = arith.muli %scan3A_28, %mul3A_30 : i32
          %add3A_32 = vector.broadcast %mul3A_31 : i32 to vector<16xi32>
          %add3A_33 = arith.addi %iota3A, %add3A_32 : vector<16xi32>
          %mul3A_34 = arith.constant 16 : i32
          %mul3A_35 = arith.muli %scan3A_28, %mul3A_34 : i32
          %get3A = arith.index_cast %mul3A_35 : i32 to index
          %get3A_36 = tpu.vector_load %arg11[%get3A] {strides = array<i32>} : memref<2000xi32, #tpu.memory_space<vmem>>, vector<16xi32>,
          %mul3A_37 = arith.constant 16 : i32
          %mul3A_38 = arith.muli %scan3A_28, %mul3A_37 : i32
          %get3A_39 = arith.index_cast %mul3A_38 : i32 to index
          %get3A_40 = tpu.vector_load %arg12[%get3A_39] {strides = array<i32>} : memref<2000xi32, #tpu.memory_space<vmem>>, vector<16xi32>,
          %mul3A_41 = arith.constant 8 : i32
          %mul3A_42 = vector.broadcast %mul3A_41 : i32 to vector<16xi32>
          %mul3A_43 = arith.muli %get3A_36, %mul3A_42 : vector<16xi32>
          %add3A_44 = arith.constant 0 : i32
          %add3A_45 = vector.broadcast %add3A_44 : i32 to vector<16xi32>
          %add3A_46 = arith.addi %mul3A_43, %add3A_45 : vector<16xi32>
          %gather3A = tpu.vector_load_idx %arg10[%add3A_46] : memref<80000xf32, #tpu.memory_space<vmem>>[vector<16xi32>], vector<16xf32>,
          %mul3A_47 = arith.constant 8 : i32
          %mul3A_48 = vector.broadcast %mul3A_47 : i32 to vector<16xi32>
          %mul3A_49 = arith.muli %get3A_40, %mul3A_48 : vector<16xi32>
          %add3A_50 = arith.constant 4 : i32
          %add3A_51 = vector.broadcast %add3A_50 : i32 to vector<16xi32>
          %add3A_52 = arith.addi %mul3A_49, %add3A_51 : vector<16xi32>
          %gather3A_53 = tpu.vector_load_idx %arg10[%add3A_52] : memref<80000xf32, #tpu.memory_space<vmem>>[vector<16xi32>], vector<16xf32>,
          %add3A_54 = arith.addf %gather3A, %gather3A_53 : vector<16xf32>
          %gt3A = arith.constant 0.000000e+00 : f32
          %gt3A_55 = vector.broadcast %gt3A : f32 to vector<16xf32>
          %gt3A_56 = arith.cmpf ogt, %add3A_54, %gt3A_55 : vector<16xf32>
          %mul3A_57 = arith.constant 2.000000e-01 : f32
          %mul3A_58 = vector.broadcast %mul3A_57 : f32 to vector<16xf32>
          %mul3A_59 = arith.mulf %mul3A_58, %add3A_54 : vector<16xf32>
          %select_n3A = arith.select %gt3A_56, %add3A_54, %mul3A_59 : vector<16xi1>, vector<16xf32>
          %exp3A = math.exp %select_n3A : vector<16xf32>
          %mul3A_60 = arith.constant 4 : i32
          %mul3A_61 = vector.broadcast %mul3A_60 : i32 to vector<16xi32>
          %mul3A_62 = arith.muli %add3A_33, %mul3A_61 : vector<16xi32>
          %add3A_63 = arith.constant 0 : i32
          %add3A_64 = vector.broadcast %add3A_63 : i32 to vector<16xi32>
          %add3A_65 = arith.addi %mul3A_62, %add3A_64 : vector<16xi32>
          tpu.vector_store_idx %arg13[%add3A_65], %exp3A : memref<8000xf32, #tpu.memory_space<vmem>>[vector<16xi32>], vector<16xf32>,
          %mul3A_66 = arith.constant 8 : i32
          %mul3A_67 = vector.broadcast %mul3A_66 : i32 to vector<16xi32>
          %mul3A_68 = arith.muli %get3A_36, %mul3A_67 : vector<16xi32>
          %add3A_69 = arith.constant 1 : i32
          %add3A_70 = vector.broadcast %add3A_69 : i32 to vector<16xi32>
          %add3A_71 = arith.addi %mul3A_68, %add3A_70 : vector<16xi32>
          %gather3A_72 = tpu.vector_load_idx %arg10[%add3A_71] : memref<80000xf32, #tpu.memory_space<vmem>>[vector<16xi32>], vector<16xf32>,
          %mul3A_73 = arith.constant 8 : i32
          %mul3A_74 = vector.broadcast %mul3A_73 : i32 to vector<16xi32>
          %mul3A_75 = arith.muli %get3A_40, %mul3A_74 : vector<16xi32>
          %add3A_76 = arith.constant 5 : i32
          %add3A_77 = vector.broadcast %add3A_76 : i32 to vector<16xi32>
          %add3A_78 = arith.addi %mul3A_75, %add3A_77 : vector<16xi32>
          %gather3A_79 = tpu.vector_load_idx %arg10[%add3A_78] : memref<80000xf32, #tpu.memory_space<vmem>>[vector<16xi32>], vector<16xf32>,
          %add3A_80 = arith.addf %gather3A_72, %gather3A_79 : vector<16xf32>
          %gt3A_81 = arith.constant 0.000000e+00 : f32
          %gt3A_82 = vector.broadcast %gt3A_81 : f32 to vector<16xf32>
          %gt3A_83 = arith.cmpf ogt, %add3A_80, %gt3A_82 : vector<16xf32>
          %mul3A_84 = arith.constant 2.000000e-01 : f32
          %mul3A_85 = vector.broadcast %mul3A_84 : f32 to vector<16xf32>
          %mul3A_86 = arith.mulf %mul3A_85, %add3A_80 : vector<16xf32>
          %select_n3A_87 = arith.select %gt3A_83, %add3A_80, %mul3A_86 : vector<16xi1>, vector<16xf32>
          %exp3A_88 = math.exp %select_n3A_87 : vector<16xf32>
          %mul3A_89 = arith.constant 4 : i32
          %mul3A_90 = vector.broadcast %mul3A_89 : i32 to vector<16xi32>
          %mul3A_91 = arith.muli %add3A_33, %mul3A_90 : vector<16xi32>
          %add3A_92 = arith.constant 1 : i32
          %add3A_93 = vector.broadcast %add3A_92 : i32 to vector<16xi32>
          %add3A_94 = arith.addi %mul3A_91, %add3A_93 : vector<16xi32>
          tpu.vector_store_idx %arg13[%add3A_94], %exp3A_88 : memref<8000xf32, #tpu.memory_space<vmem>>[vector<16xi32>], vector<16xf32>,
          %mul3A_95 = arith.constant 8 : i32
          %mul3A_96 = vector.broadcast %mul3A_95 : i32 to vector<16xi32>
          %mul3A_97 = arith.muli %get3A_36, %mul3A_96 : vector<16xi32>
          %add3A_98 = arith.constant 2 : i32
          %add3A_99 = vector.broadcast %add3A_98 : i32 to vector<16xi32>
          %add3A_100 = arith.addi %mul3A_97, %add3A_99 : vector<16xi32>
          %gather3A_101 = tpu.vector_load_idx %arg10[%add3A_100] : memref<80000xf32, #tpu.memory_space<vmem>>[vector<16xi32>], vector<16xf32>,
          %mul3A_102 = arith.constant 8 : i32
          %mul3A_103 = vector.broadcast %mul3A_102 : i32 to vector<16xi32>
          %mul3A_104 = arith.muli %get3A_40, %mul3A_103 : vector<16xi32>
          %add3A_105 = arith.constant 6 : i32
          %add3A_106 = vector.broadcast %add3A_105 : i32 to vector<16xi32>
          %add3A_107 = arith.addi %mul3A_104, %add3A_106 : vector<16xi32>
          %gather3A_108 = tpu.vector_load_idx %arg10[%add3A_107] : memref<80000xf32, #tpu.memory_space<vmem>>[vector<16xi32>], vector<16xf32>,
          %add3A_109 = arith.addf %gather3A_101, %gather3A_108 : vector<16xf32>
          %gt3A_110 = arith.constant 0.000000e+00 : f32
          %gt3A_111 = vector.broadcast %gt3A_110 : f32 to vector<16xf32>
          %gt3A_112 = arith.cmpf ogt, %add3A_109, %gt3A_111 : vector<16xf32>
          %mul3A_113 = arith.constant 2.000000e-01 : f32
          %mul3A_114 = vector.broadcast %mul3A_113 : f32 to vector<16xf32>
          %mul3A_115 = arith.mulf %mul3A_114, %add3A_109 : vector<16xf32>
          %select_n3A_116 = arith.select %gt3A_112, %add3A_109, %mul3A_115 : vector<16xi1>, vector<16xf32>
          %exp3A_117 = math.exp %select_n3A_116 : vector<16xf32>
          %mul3A_118 = arith.constant 4 : i32
          %mul3A_119 = vector.broadcast %mul3A_118 : i32 to vector<16xi32>
          %mul3A_120 = arith.muli %add3A_33, %mul3A_119 : vector<16xi32>
          %add3A_121 = arith.constant 2 : i32
          %add3A_122 = vector.broadcast %add3A_121 : i32 to vector<16xi32>
          %add3A_123 = arith.addi %mul3A_120, %add3A_122 : vector<16xi32>
          tpu.vector_store_idx %arg13[%add3A_123], %exp3A_117 : memref<8000xf32, #tpu.memory_space<vmem>>[vector<16xi32>], vector<16xf32>,
          %mul3A_124 = arith.constant 8 : i32
          %mul3A_125 = vector.broadcast %mul3A_124 : i32 to vector<16xi32>
          %mul3A_126 = arith.muli %get3A_36, %mul3A_125 : vector<16xi32>
          %add3A_127 = arith.constant 3 : i32
          %add3A_128 = vector.broadcast %add3A_127 : i32 to vector<16xi32>
          %add3A_129 = arith.addi %mul3A_126, %add3A_128 : vector<16xi32>
          %gather3A_130 = tpu.vector_load_idx %arg10[%add3A_129] : memref<80000xf32, #tpu.memory_space<vmem>>[vector<16xi32>], vector<16xf32>,
          %mul3A_131 = arith.constant 8 : i32
          %mul3A_132 = vector.broadcast %mul3A_131 : i32 to vector<16xi32>
          %mul3A_133 = arith.muli %get3A_40, %mul3A_132 : vector<16xi32>
          %add3A_134 = arith.constant 7 : i32
          %add3A_135 = vector.broadcast %add3A_134 : i32 to vector<16xi32>
          %add3A_136 = arith.addi %mul3A_133, %add3A_135 : vector<16xi32>
          %gather3A_137 = tpu.vector_load_idx %arg10[%add3A_136] : memref<80000xf32, #tpu.memory_space<vmem>>[vector<16xi32>], vector<16xf32>,
          %add3A_138 = arith.addf %gather3A_130, %gather3A_137 : vector<16xf32>
          %gt3A_139 = arith.constant 0.000000e+00 : f32
          %gt3A_140 = vector.broadcast %gt3A_139 : f32 to vector<16xf32>
          %gt3A_141 = arith.cmpf ogt, %add3A_138, %gt3A_140 : vector<16xf32>
          %mul3A_142 = arith.constant 2.000000e-01 : f32
          %mul3A_143 = vector.broadcast %mul3A_142 : f32 to vector<16xf32>
          %mul3A_144 = arith.mulf %mul3A_143, %add3A_138 : vector<16xf32>
          %select_n3A_145 = arith.select %gt3A_141, %add3A_138, %mul3A_144 : vector<16xi1>, vector<16xf32>
          %exp3A_146 = math.exp %select_n3A_145 : vector<16xf32>
          %mul3A_147 = arith.constant 4 : i32
          %mul3A_148 = vector.broadcast %mul3A_147 : i32 to vector<16xi32>
          %mul3A_149 = arith.muli %add3A_33, %mul3A_148 : vector<16xi32>
          %add3A_150 = arith.constant 3 : i32
          %add3A_151 = vector.broadcast %add3A_150 : i32 to vector<16xi32>
          %add3A_152 = arith.addi %mul3A_149, %add3A_151 : vector<16xi32>
          tpu.vector_store_idx %arg13[%add3A_152], %exp3A_146 : memref<8000xf32, #tpu.memory_space<vmem>>[vector<16xi32>], vector<16xf32>,
          %scan3A_153 = arith.constant 0 : i32
          scf.yield %scan3A_153 : i32
        }
        %scan3A_24 = arith.constant 125 : i32
        %mul3A_25 = arith.constant 4 : i32
        %mul3A_26 = arith.muli %add3A, %mul3A_25 : i32
        "tpu.region"() ({
          %run_scoped3A = tpu.sem_alloc : memref<!tpu.dma_semaphore, #tpu.memory_space<semaphore_mem>>
          %dma_start3A = tpu.memref_slice %arg9[%mul3A_26] : memref<640000xf32, #tpu.memory_space<hbm>> -> memref<8000xf32, #tpu.memory_space<hbm>>
          %dma_start3A_28 = tpu.memref_slice %arg9[%mul3A_26] : memref<640000xf32, #tpu.memory_space<hbm>> -> memref<8000xf32, #tpu.memory_space<hbm>>
          tpu.enqueue_dma source(%arg13 : memref<8000xf32, #tpu.memory_space<vmem>>) target(%dma_start3A_28 : memref<8000xf32, #tpu.memory_space<hbm>>) target_semaphore(%run_scoped3A : memref<!tpu.dma_semaphore, #tpu.memory_space<semaphore_mem>>)
          %dma_wait3A = tpu.memref_slice %arg9[%mul3A_26] : memref<640000xf32, #tpu.memory_space<hbm>> -> memref<8000xf32, #tpu.memory_space<hbm>>
          %dma_wait3A_29 = tpu.memref_slice %arg9[%mul3A_26] : memref<640000xf32, #tpu.memory_space<hbm>> -> memref<8000xf32, #tpu.memory_space<hbm>>
          tpu.wait_dma2 semaphore(%run_scoped3A : memref<!tpu.dma_semaphore, #tpu.memory_space<semaphore_mem>>) src(%arg13 : memref<8000xf32, #tpu.memory_space<vmem>>) dst(%dma_wait3A_29 : memref<8000xf32, #tpu.memory_space<hbm>>)
          tpu.yield
        }) : () -> ()
        %scan3A_27 = arith.constant 0 : i32
        scf.yield %scan3A_27 : i32
      }
      %scan3A_13 = arith.constant 5 : i32
    } else {
    }
    return
  }
}

#map = affine_map<(d0, d1) -> (0, 0)>
#map1 = affine_map<(d0, d1) -> (0)>
module attributes {stable_mosaic.version = 14 : i64} {
  func.func @k(%arg0: i32, %arg1: i32, %arg2: memref<10000x128xf32, #tpu.memory_space<hbm>>, %arg3: memref<10000x128xf32, #tpu.memory_space<hbm>>, %arg4: memref<10x16xf32, #tpu.memory_space<hbm>>, %arg5: memref<2x16xf32, #tpu.memory_space<hbm>>, %arg6: memref<10x16xf32, #tpu.memory_space<hbm>>, %arg7: memref<10240xi32, #tpu.memory_space<hbm>>, %arg8: memref<10240xi32, #tpu.memory_space<hbm>>, %arg9: memref<10240xi32, #tpu.memory_space<hbm>>, %arg10: memref<10240xi32, #tpu.memory_space<hbm>>, %arg11: memref<10240xi32, #tpu.memory_space<hbm>>, %arg12: memref<10240x128xf32, #tpu.memory_space<hbm>>, %arg13: memref<10240x128xf32, #tpu.memory_space<hbm>>, %arg14: memref<10240x16xf32, #tpu.memory_space<hbm>>, %arg15: memref<10240x16xf32, #tpu.memory_space<hbm>>, %arg16: memref<10240x16xf32, #tpu.memory_space<hbm>>, %arg17: memref<80xi32, #tpu.memory_space<vmem>>, %arg18: memref<80x128xf32, #tpu.memory_space<vmem>>, %arg19: memref<80x16xf32, #tpu.memory_space<vmem>>, %arg20: memref<16x16xf32, #tpu.memory_space<vmem>>, %arg21: memref<!tpu.dma_semaphore, #tpu.memory_space<semaphore_mem>>) attributes {dimension_semantics = [#tpu.dimension_semantics<core_parallel>, #tpu.dimension_semantics<subcore_parallel>], iteration_bounds = array<i64: 2, 16>, scalar_prefetch = 0 : i64, scratch_operands = 5 : i64, tpu.core_type = #tpu.core_type<sc_vector_subcore>, window_params = [{transform_indices = #map}, {transform_indices = #map}, {transform_indices = #map}, {transform_indices = #map}, {transform_indices = #map}, {transform_indices = #map1}, {transform_indices = #map1}, {transform_indices = #map1}, {transform_indices = #map1}, {transform_indices = #map1}, {transform_indices = #map}, {transform_indices = #map}, {transform_indices = #map}, {transform_indices = #map}, {transform_indices = #map}]} {
    %mul3A = arith.constant 2 : i32
    %mul3A_0 = arith.muli %arg1, %mul3A : i32
    %add3A = arith.addi %mul3A_0, %arg0 : i32
    %mul3A_1 = arith.constant 320 : i32
    %mul3A_2 = arith.muli %add3A, %mul3A_1 : i32
    %iota3A = tpu.iota {dimensions = array<i32: 0>} : vector<16xi32>
    %scan3A = arith.constant 0 : i32
    %scan3A_3 = arith.constant 0 : i32
    %scan3A_4 = arith.constant 4 : i32
    %scan3A_5 = arith.addi %scan3A_3, %scan3A_4 : i32
    %scan3A_6 = arith.constant 1 : i32
    %scan3A_7 = scf.for %scan3A_37 = %scan3A_3 to %scan3A_5 step %scan3A_6 iter_args(%scan3A_38 = %scan3A) -> (i32)  : i32 {
      %mul3A_39 = arith.constant 80 : i32
      %mul3A_40 = arith.muli %scan3A_37, %mul3A_39 : i32
      %add3A_41 = arith.addi %mul3A_2, %mul3A_40 : i32
      "tpu.region"() ({
        %run_scoped3A = tpu.sem_alloc : memref<!tpu.dma_semaphore, #tpu.memory_space<semaphore_mem>>
        %dma_start3A_47 = tpu.memref_slice %arg7[%add3A_41] : memref<10240xi32, #tpu.memory_space<hbm>> -> memref<80xi32, #tpu.memory_space<hbm>>
        %dma_start3A_48 = tpu.memref_slice %arg7[%add3A_41] : memref<10240xi32, #tpu.memory_space<hbm>> -> memref<80xi32, #tpu.memory_space<hbm>>
        tpu.enqueue_dma source(%dma_start3A_48 : memref<80xi32, #tpu.memory_space<hbm>>) target(%arg17 : memref<80xi32, #tpu.memory_space<vmem>>) target_semaphore(%run_scoped3A : memref<!tpu.dma_semaphore, #tpu.memory_space<semaphore_mem>>)
        %dma_wait3A_49 = tpu.memref_slice %arg7[%add3A_41] : memref<10240xi32, #tpu.memory_space<hbm>> -> memref<80xi32, #tpu.memory_space<hbm>>
        %dma_wait3A_50 = tpu.memref_slice %arg7[%add3A_41] : memref<10240xi32, #tpu.memory_space<hbm>> -> memref<80xi32, #tpu.memory_space<hbm>>
        tpu.wait_dma2 semaphore(%run_scoped3A : memref<!tpu.dma_semaphore, #tpu.memory_space<semaphore_mem>>) src(%dma_wait3A_50 : memref<80xi32, #tpu.memory_space<hbm>>) dst(%arg17 : memref<80xi32, #tpu.memory_space<vmem>>)
        tpu.yield
      }) : () -> ()
      %dma_start3A = arith.constant 0 : i32
      %dma_start3A_42 = arith.constant 0 : i32
      %dma_start3A_43 = tpu.memref_slice %arg2[%dma_start3A, %dma_start3A_42] : memref<10000x128xf32, #tpu.memory_space<hbm>> -> memref<10000x128xf32, #tpu.memory_space<hbm>>
      tpu.enqueue_indirect_dma source(%dma_start3A_43 : memref<10000x128xf32, #tpu.memory_space<hbm>>) target(%arg18 : memref<80x128xf32, #tpu.memory_space<vmem>>) offsets(%arg17 : memref<80xi32, #tpu.memory_space<vmem>>) semaphore(%arg21 : memref<!tpu.dma_semaphore, #tpu.memory_space<semaphore_mem>>)
      %dma_wait3A = arith.constant 0 : i32
      %dma_wait3A_44 = arith.constant 0 : i32
      %dma_wait3A_45 = tpu.memref_slice %arg2[%dma_wait3A, %dma_wait3A_44] : memref<10000x128xf32, #tpu.memory_space<hbm>> -> memref<10000x128xf32, #tpu.memory_space<hbm>>
      tpu.wait_indirect_dma semaphore(%arg21 : memref<!tpu.dma_semaphore, #tpu.memory_space<semaphore_mem>>) src(%dma_wait3A_45 : memref<10000x128xf32, #tpu.memory_space<hbm>>) dst(%arg18 : memref<80x128xf32, #tpu.memory_space<vmem>>)
      "tpu.region"() ({
        %run_scoped3A = tpu.sem_alloc : memref<!tpu.dma_semaphore, #tpu.memory_space<semaphore_mem>>
        %dma_start3A_47 = arith.constant 0 : i32
        %dma_start3A_48 = tpu.memref_slice %arg12[%add3A_41, %dma_start3A_47] : memref<10240x128xf32, #tpu.memory_space<hbm>> -> memref<80x128xf32, #tpu.memory_space<hbm>>
        %dma_start3A_49 = arith.constant 0 : i32
        %dma_start3A_50 = tpu.memref_slice %arg12[%add3A_41, %dma_start3A_49] : memref<10240x128xf32, #tpu.memory_space<hbm>> -> memref<80x128xf32, #tpu.memory_space<hbm>>
        tpu.enqueue_dma source(%arg18 : memref<80x128xf32, #tpu.memory_space<vmem>>) target(%dma_start3A_50 : memref<80x128xf32, #tpu.memory_space<hbm>>) target_semaphore(%run_scoped3A : memref<!tpu.dma_semaphore, #tpu.memory_space<semaphore_mem>>)
        %dma_wait3A_51 = arith.constant 0 : i32
        %dma_wait3A_52 = tpu.memref_slice %arg12[%add3A_41, %dma_wait3A_51] : memref<10240x128xf32, #tpu.memory_space<hbm>> -> memref<80x128xf32, #tpu.memory_space<hbm>>
        %dma_wait3A_53 = arith.constant 0 : i32
        %dma_wait3A_54 = tpu.memref_slice %arg12[%add3A_41, %dma_wait3A_53] : memref<10240x128xf32, #tpu.memory_space<hbm>> -> memref<80x128xf32, #tpu.memory_space<hbm>>
        tpu.wait_dma2 semaphore(%run_scoped3A : memref<!tpu.dma_semaphore, #tpu.memory_space<semaphore_mem>>) src(%arg18 : memref<80x128xf32, #tpu.memory_space<vmem>>) dst(%dma_wait3A_54 : memref<80x128xf32, #tpu.memory_space<hbm>>)
        tpu.yield
      }) : () -> ()
      %scan3A_46 = arith.constant 0 : i32
      scf.yield %scan3A_46 : i32
    }
    %scan3A_8 = arith.constant 4 : i32
    %scan3A_9 = arith.constant 0 : i32
    %scan3A_10 = arith.constant 0 : i32
    %scan3A_11 = arith.constant 4 : i32
    %scan3A_12 = arith.addi %scan3A_10, %scan3A_11 : i32
    %scan3A_13 = arith.constant 1 : i32
    %scan3A_14 = scf.for %scan3A_37 = %scan3A_10 to %scan3A_12 step %scan3A_13 iter_args(%scan3A_38 = %scan3A_9) -> (i32)  : i32 {
      %mul3A_39 = arith.constant 80 : i32
      %mul3A_40 = arith.muli %scan3A_37, %mul3A_39 : i32
      %add3A_41 = arith.addi %mul3A_2, %mul3A_40 : i32
      "tpu.region"() ({
        %run_scoped3A = tpu.sem_alloc : memref<!tpu.dma_semaphore, #tpu.memory_space<semaphore_mem>>
        %dma_start3A_47 = tpu.memref_slice %arg8[%add3A_41] : memref<10240xi32, #tpu.memory_space<hbm>> -> memref<80xi32, #tpu.memory_space<hbm>>
        %dma_start3A_48 = tpu.memref_slice %arg8[%add3A_41] : memref<10240xi32, #tpu.memory_space<hbm>> -> memref<80xi32, #tpu.memory_space<hbm>>
        tpu.enqueue_dma source(%dma_start3A_48 : memref<80xi32, #tpu.memory_space<hbm>>) target(%arg17 : memref<80xi32, #tpu.memory_space<vmem>>) target_semaphore(%run_scoped3A : memref<!tpu.dma_semaphore, #tpu.memory_space<semaphore_mem>>)
        %dma_wait3A_49 = tpu.memref_slice %arg8[%add3A_41] : memref<10240xi32, #tpu.memory_space<hbm>> -> memref<80xi32, #tpu.memory_space<hbm>>
        %dma_wait3A_50 = tpu.memref_slice %arg8[%add3A_41] : memref<10240xi32, #tpu.memory_space<hbm>> -> memref<80xi32, #tpu.memory_space<hbm>>
        tpu.wait_dma2 semaphore(%run_scoped3A : memref<!tpu.dma_semaphore, #tpu.memory_space<semaphore_mem>>) src(%dma_wait3A_50 : memref<80xi32, #tpu.memory_space<hbm>>) dst(%arg17 : memref<80xi32, #tpu.memory_space<vmem>>)
        tpu.yield
      }) : () -> ()
      %dma_start3A = arith.constant 0 : i32
      %dma_start3A_42 = arith.constant 0 : i32
      %dma_start3A_43 = tpu.memref_slice %arg3[%dma_start3A, %dma_start3A_42] : memref<10000x128xf32, #tpu.memory_space<hbm>> -> memref<10000x128xf32, #tpu.memory_space<hbm>>
      tpu.enqueue_indirect_dma source(%dma_start3A_43 : memref<10000x128xf32, #tpu.memory_space<hbm>>) target(%arg18 : memref<80x128xf32, #tpu.memory_space<vmem>>) offsets(%arg17 : memref<80xi32, #tpu.memory_space<vmem>>) semaphore(%arg21 : memref<!tpu.dma_semaphore, #tpu.memory_space<semaphore_mem>>)
      %dma_wait3A = arith.constant 0 : i32
      %dma_wait3A_44 = arith.constant 0 : i32
      %dma_wait3A_45 = tpu.memref_slice %arg3[%dma_wait3A, %dma_wait3A_44] : memref<10000x128xf32, #tpu.memory_space<hbm>> -> memref<10000x128xf32, #tpu.memory_space<hbm>>
      tpu.wait_indirect_dma semaphore(%arg21 : memref<!tpu.dma_semaphore, #tpu.memory_space<semaphore_mem>>) src(%dma_wait3A_45 : memref<10000x128xf32, #tpu.memory_space<hbm>>) dst(%arg18 : memref<80x128xf32, #tpu.memory_space<vmem>>)
      "tpu.region"() ({
        %run_scoped3A = tpu.sem_alloc : memref<!tpu.dma_semaphore, #tpu.memory_space<semaphore_mem>>
        %dma_start3A_47 = arith.constant 0 : i32
        %dma_start3A_48 = tpu.memref_slice %arg13[%add3A_41, %dma_start3A_47] : memref<10240x128xf32, #tpu.memory_space<hbm>> -> memref<80x128xf32, #tpu.memory_space<hbm>>
        %dma_start3A_49 = arith.constant 0 : i32
        %dma_start3A_50 = tpu.memref_slice %arg13[%add3A_41, %dma_start3A_49] : memref<10240x128xf32, #tpu.memory_space<hbm>> -> memref<80x128xf32, #tpu.memory_space<hbm>>
        tpu.enqueue_dma source(%arg18 : memref<80x128xf32, #tpu.memory_space<vmem>>) target(%dma_start3A_50 : memref<80x128xf32, #tpu.memory_space<hbm>>) target_semaphore(%run_scoped3A : memref<!tpu.dma_semaphore, #tpu.memory_space<semaphore_mem>>)
        %dma_wait3A_51 = arith.constant 0 : i32
        %dma_wait3A_52 = tpu.memref_slice %arg13[%add3A_41, %dma_wait3A_51] : memref<10240x128xf32, #tpu.memory_space<hbm>> -> memref<80x128xf32, #tpu.memory_space<hbm>>
        %dma_wait3A_53 = arith.constant 0 : i32
        %dma_wait3A_54 = tpu.memref_slice %arg13[%add3A_41, %dma_wait3A_53] : memref<10240x128xf32, #tpu.memory_space<hbm>> -> memref<80x128xf32, #tpu.memory_space<hbm>>
        tpu.wait_dma2 semaphore(%run_scoped3A : memref<!tpu.dma_semaphore, #tpu.memory_space<semaphore_mem>>) src(%arg18 : memref<80x128xf32, #tpu.memory_space<vmem>>) dst(%dma_wait3A_54 : memref<80x128xf32, #tpu.memory_space<hbm>>)
        tpu.yield
      }) : () -> ()
      %scan3A_46 = arith.constant 0 : i32
      scf.yield %scan3A_46 : i32
    }
    %scan3A_15 = arith.constant 4 : i32
    "tpu.region"() ({
      %run_scoped3A = tpu.sem_alloc : memref<!tpu.dma_semaphore, #tpu.memory_space<semaphore_mem>>
      %dma_start3A = arith.constant 0 : i32
      %dma_start3A_37 = arith.constant 0 : i32
      %dma_start3A_38 = tpu.memref_slice %arg20[%dma_start3A, %dma_start3A_37] : memref<16x16xf32, #tpu.memory_space<vmem>> -> memref<10x16xf32, #tpu.memory_space<vmem>>
      %dma_start3A_39 = arith.constant 0 : i32
      %dma_start3A_40 = arith.constant 0 : i32
      %dma_start3A_41 = tpu.memref_slice %arg20[%dma_start3A_39, %dma_start3A_40] : memref<16x16xf32, #tpu.memory_space<vmem>> -> memref<10x16xf32, #tpu.memory_space<vmem>>
      tpu.enqueue_dma source(%arg4 : memref<10x16xf32, #tpu.memory_space<hbm>>) target(%dma_start3A_41 : memref<10x16xf32, #tpu.memory_space<vmem>>) target_semaphore(%run_scoped3A : memref<!tpu.dma_semaphore, #tpu.memory_space<semaphore_mem>>)
      %dma_wait3A = arith.constant 0 : i32
      %dma_wait3A_42 = arith.constant 0 : i32
      %dma_wait3A_43 = tpu.memref_slice %arg20[%dma_wait3A, %dma_wait3A_42] : memref<16x16xf32, #tpu.memory_space<vmem>> -> memref<10x16xf32, #tpu.memory_space<vmem>>
      %dma_wait3A_44 = arith.constant 0 : i32
      %dma_wait3A_45 = arith.constant 0 : i32
      %dma_wait3A_46 = tpu.memref_slice %arg20[%dma_wait3A_44, %dma_wait3A_45] : memref<16x16xf32, #tpu.memory_space<vmem>> -> memref<10x16xf32, #tpu.memory_space<vmem>>
      tpu.wait_dma2 semaphore(%run_scoped3A : memref<!tpu.dma_semaphore, #tpu.memory_space<semaphore_mem>>) src(%arg4 : memref<10x16xf32, #tpu.memory_space<hbm>>) dst(%dma_wait3A_46 : memref<10x16xf32, #tpu.memory_space<vmem>>)
      tpu.yield
    }) : () -> ()
    %scan3A_16 = arith.constant 0 : i32
    %scan3A_17 = arith.constant 0 : i32
    %scan3A_18 = arith.constant 4 : i32
    %scan3A_19 = arith.addi %scan3A_17, %scan3A_18 : i32
    %scan3A_20 = arith.constant 1 : i32
    %scan3A_21 = scf.for %scan3A_37 = %scan3A_17 to %scan3A_19 step %scan3A_20 iter_args(%scan3A_38 = %scan3A_16) -> (i32)  : i32 {
      %mul3A_39 = arith.constant 80 : i32
      %mul3A_40 = arith.muli %scan3A_37, %mul3A_39 : i32
      %add3A_41 = arith.addi %mul3A_2, %mul3A_40 : i32
      "tpu.region"() ({
        %run_scoped3A = tpu.sem_alloc : memref<!tpu.dma_semaphore, #tpu.memory_space<semaphore_mem>>
        %dma_start3A = tpu.memref_slice %arg9[%add3A_41] : memref<10240xi32, #tpu.memory_space<hbm>> -> memref<80xi32, #tpu.memory_space<hbm>>
        %dma_start3A_50 = tpu.memref_slice %arg9[%add3A_41] : memref<10240xi32, #tpu.memory_space<hbm>> -> memref<80xi32, #tpu.memory_space<hbm>>
        tpu.enqueue_dma source(%dma_start3A_50 : memref<80xi32, #tpu.memory_space<hbm>>) target(%arg17 : memref<80xi32, #tpu.memory_space<vmem>>) target_semaphore(%run_scoped3A : memref<!tpu.dma_semaphore, #tpu.memory_space<semaphore_mem>>)
        %dma_wait3A = tpu.memref_slice %arg9[%add3A_41] : memref<10240xi32, #tpu.memory_space<hbm>> -> memref<80xi32, #tpu.memory_space<hbm>>
        %dma_wait3A_51 = tpu.memref_slice %arg9[%add3A_41] : memref<10240xi32, #tpu.memory_space<hbm>> -> memref<80xi32, #tpu.memory_space<hbm>>
        tpu.wait_dma2 semaphore(%run_scoped3A : memref<!tpu.dma_semaphore, #tpu.memory_space<semaphore_mem>>) src(%dma_wait3A_51 : memref<80xi32, #tpu.memory_space<hbm>>) dst(%arg17 : memref<80xi32, #tpu.memory_space<vmem>>)
        tpu.yield
      }) : () -> ()
      %scan3A_42 = arith.constant 0 : i32
      %scan3A_43 = arith.constant 0 : i32
      %scan3A_44 = arith.constant 80 : i32
      %scan3A_45 = arith.addi %scan3A_43, %scan3A_44 : i32
      %scan3A_46 = arith.constant 1 : i32
      %scan3A_47 = scf.for %scan3A_50 = %scan3A_43 to %scan3A_45 step %scan3A_46 iter_args(%scan3A_51 = %scan3A_42) -> (i32)  : i32 {
        %broadcast_in_dim3A = vector.broadcast %scan3A_50 : i32 to vector<16xi32>
        %gather3A = tpu.vector_load_idx %arg17[%broadcast_in_dim3A] : memref<80xi32, #tpu.memory_space<vmem>>[vector<16xi32>], vector<16xi32>,
        %gather3A_52 = tpu.vector_load_idx %arg20[%gather3A, %iota3A] : memref<16x16xf32, #tpu.memory_space<vmem>>[vector<16xi32>, vector<16xi32>], vector<16xf32>,
        %swap3A = arith.index_cast %scan3A_50 : i32 to index
        %swap3A_53 = arith.constant 0 : index
        %swap3A_54 = tpu.vector_load %arg19[%swap3A, %swap3A_53] {strides = array<i32>} : memref<80x16xf32, #tpu.memory_space<vmem>>, vector<16xf32>,
        tpu.vector_store %arg19[%swap3A, %swap3A_53], %gather3A_52 {strides = array<i32>} : memref<80x16xf32, #tpu.memory_space<vmem>>, vector<16xf32>,
        %scan3A_55 = arith.constant 0 : i32
        scf.yield %scan3A_55 : i32
      }
      %scan3A_48 = arith.constant 80 : i32
      "tpu.region"() ({
        %run_scoped3A = tpu.sem_alloc : memref<!tpu.dma_semaphore, #tpu.memory_space<semaphore_mem>>
        %dma_start3A = arith.constant 0 : i32
        %dma_start3A_50 = tpu.memref_slice %arg14[%add3A_41, %dma_start3A] : memref<10240x16xf32, #tpu.memory_space<hbm>> -> memref<80x16xf32, #tpu.memory_space<hbm>>
        %dma_start3A_51 = arith.constant 0 : i32
        %dma_start3A_52 = tpu.memref_slice %arg14[%add3A_41, %dma_start3A_51] : memref<10240x16xf32, #tpu.memory_space<hbm>> -> memref<80x16xf32, #tpu.memory_space<hbm>>
        tpu.enqueue_dma source(%arg19 : memref<80x16xf32, #tpu.memory_space<vmem>>) target(%dma_start3A_52 : memref<80x16xf32, #tpu.memory_space<hbm>>) target_semaphore(%run_scoped3A : memref<!tpu.dma_semaphore, #tpu.memory_space<semaphore_mem>>)
        %dma_wait3A = arith.constant 0 : i32
        %dma_wait3A_53 = tpu.memref_slice %arg14[%add3A_41, %dma_wait3A] : memref<10240x16xf32, #tpu.memory_space<hbm>> -> memref<80x16xf32, #tpu.memory_space<hbm>>
        %dma_wait3A_54 = arith.constant 0 : i32
        %dma_wait3A_55 = tpu.memref_slice %arg14[%add3A_41, %dma_wait3A_54] : memref<10240x16xf32, #tpu.memory_space<hbm>> -> memref<80x16xf32, #tpu.memory_space<hbm>>
        tpu.wait_dma2 semaphore(%run_scoped3A : memref<!tpu.dma_semaphore, #tpu.memory_space<semaphore_mem>>) src(%arg19 : memref<80x16xf32, #tpu.memory_space<vmem>>) dst(%dma_wait3A_55 : memref<80x16xf32, #tpu.memory_space<hbm>>)
        tpu.yield
      }) : () -> ()
      %scan3A_49 = arith.constant 0 : i32
      scf.yield %scan3A_49 : i32
    }
    %scan3A_22 = arith.constant 4 : i32
    "tpu.region"() ({
      %run_scoped3A = tpu.sem_alloc : memref<!tpu.dma_semaphore, #tpu.memory_space<semaphore_mem>>
      %dma_start3A = arith.constant 0 : i32
      %dma_start3A_37 = arith.constant 0 : i32
      %dma_start3A_38 = tpu.memref_slice %arg20[%dma_start3A, %dma_start3A_37] : memref<16x16xf32, #tpu.memory_space<vmem>> -> memref<2x16xf32, #tpu.memory_space<vmem>>
      %dma_start3A_39 = arith.constant 0 : i32
      %dma_start3A_40 = arith.constant 0 : i32
      %dma_start3A_41 = tpu.memref_slice %arg20[%dma_start3A_39, %dma_start3A_40] : memref<16x16xf32, #tpu.memory_space<vmem>> -> memref<2x16xf32, #tpu.memory_space<vmem>>
      tpu.enqueue_dma source(%arg5 : memref<2x16xf32, #tpu.memory_space<hbm>>) target(%dma_start3A_41 : memref<2x16xf32, #tpu.memory_space<vmem>>) target_semaphore(%run_scoped3A : memref<!tpu.dma_semaphore, #tpu.memory_space<semaphore_mem>>)
      %dma_wait3A = arith.constant 0 : i32
      %dma_wait3A_42 = arith.constant 0 : i32
      %dma_wait3A_43 = tpu.memref_slice %arg20[%dma_wait3A, %dma_wait3A_42] : memref<16x16xf32, #tpu.memory_space<vmem>> -> memref<2x16xf32, #tpu.memory_space<vmem>>
      %dma_wait3A_44 = arith.constant 0 : i32
      %dma_wait3A_45 = arith.constant 0 : i32
      %dma_wait3A_46 = tpu.memref_slice %arg20[%dma_wait3A_44, %dma_wait3A_45] : memref<16x16xf32, #tpu.memory_space<vmem>> -> memref<2x16xf32, #tpu.memory_space<vmem>>
      tpu.wait_dma2 semaphore(%run_scoped3A : memref<!tpu.dma_semaphore, #tpu.memory_space<semaphore_mem>>) src(%arg5 : memref<2x16xf32, #tpu.memory_space<hbm>>) dst(%dma_wait3A_46 : memref<2x16xf32, #tpu.memory_space<vmem>>)
      tpu.yield
    }) : () -> ()
    %scan3A_23 = arith.constant 0 : i32
    %scan3A_24 = arith.constant 0 : i32
    %scan3A_25 = arith.constant 4 : i32
    %scan3A_26 = arith.addi %scan3A_24, %scan3A_25 : i32
    %scan3A_27 = arith.constant 1 : i32
    %scan3A_28 = scf.for %scan3A_37 = %scan3A_24 to %scan3A_26 step %scan3A_27 iter_args(%scan3A_38 = %scan3A_23) -> (i32)  : i32 {
      %mul3A_39 = arith.constant 80 : i32
      %mul3A_40 = arith.muli %scan3A_37, %mul3A_39 : i32
      %add3A_41 = arith.addi %mul3A_2, %mul3A_40 : i32
      "tpu.region"() ({
        %run_scoped3A = tpu.sem_alloc : memref<!tpu.dma_semaphore, #tpu.memory_space<semaphore_mem>>
        %dma_start3A = tpu.memref_slice %arg10[%add3A_41] : memref<10240xi32, #tpu.memory_space<hbm>> -> memref<80xi32, #tpu.memory_space<hbm>>
        %dma_start3A_50 = tpu.memref_slice %arg10[%add3A_41] : memref<10240xi32, #tpu.memory_space<hbm>> -> memref<80xi32, #tpu.memory_space<hbm>>
        tpu.enqueue_dma source(%dma_start3A_50 : memref<80xi32, #tpu.memory_space<hbm>>) target(%arg17 : memref<80xi32, #tpu.memory_space<vmem>>) target_semaphore(%run_scoped3A : memref<!tpu.dma_semaphore, #tpu.memory_space<semaphore_mem>>)
        %dma_wait3A = tpu.memref_slice %arg10[%add3A_41] : memref<10240xi32, #tpu.memory_space<hbm>> -> memref<80xi32, #tpu.memory_space<hbm>>
        %dma_wait3A_51 = tpu.memref_slice %arg10[%add3A_41] : memref<10240xi32, #tpu.memory_space<hbm>> -> memref<80xi32, #tpu.memory_space<hbm>>
        tpu.wait_dma2 semaphore(%run_scoped3A : memref<!tpu.dma_semaphore, #tpu.memory_space<semaphore_mem>>) src(%dma_wait3A_51 : memref<80xi32, #tpu.memory_space<hbm>>) dst(%arg17 : memref<80xi32, #tpu.memory_space<vmem>>)
        tpu.yield
      }) : () -> ()
      %scan3A_42 = arith.constant 0 : i32
      %scan3A_43 = arith.constant 0 : i32
      %scan3A_44 = arith.constant 80 : i32
      %scan3A_45 = arith.addi %scan3A_43, %scan3A_44 : i32
      %scan3A_46 = arith.constant 1 : i32
      %scan3A_47 = scf.for %scan3A_50 = %scan3A_43 to %scan3A_45 step %scan3A_46 iter_args(%scan3A_51 = %scan3A_42) -> (i32)  : i32 {
        %broadcast_in_dim3A = vector.broadcast %scan3A_50 : i32 to vector<16xi32>
        %gather3A = tpu.vector_load_idx %arg17[%broadcast_in_dim3A] : memref<80xi32, #tpu.memory_space<vmem>>[vector<16xi32>], vector<16xi32>,
        %gather3A_52 = tpu.vector_load_idx %arg20[%gather3A, %iota3A] : memref<16x16xf32, #tpu.memory_space<vmem>>[vector<16xi32>, vector<16xi32>], vector<16xf32>,
        %swap3A = arith.index_cast %scan3A_50 : i32 to index
        %swap3A_53 = arith.constant 0 : index
        %swap3A_54 = tpu.vector_load %arg19[%swap3A, %swap3A_53] {strides = array<i32>} : memref<80x16xf32, #tpu.memory_space<vmem>>, vector<16xf32>,
        tpu.vector_store %arg19[%swap3A, %swap3A_53], %gather3A_52 {strides = array<i32>} : memref<80x16xf32, #tpu.memory_space<vmem>>, vector<16xf32>,
        %scan3A_55 = arith.constant 0 : i32
        scf.yield %scan3A_55 : i32
      }
      %scan3A_48 = arith.constant 80 : i32
      "tpu.region"() ({
        %run_scoped3A = tpu.sem_alloc : memref<!tpu.dma_semaphore, #tpu.memory_space<semaphore_mem>>
        %dma_start3A = arith.constant 0 : i32
        %dma_start3A_50 = tpu.memref_slice %arg15[%add3A_41, %dma_start3A] : memref<10240x16xf32, #tpu.memory_space<hbm>> -> memref<80x16xf32, #tpu.memory_space<hbm>>
        %dma_start3A_51 = arith.constant 0 : i32
        %dma_start3A_52 = tpu.memref_slice %arg15[%add3A_41, %dma_start3A_51] : memref<10240x16xf32, #tpu.memory_space<hbm>> -> memref<80x16xf32, #tpu.memory_space<hbm>>
        tpu.enqueue_dma source(%arg19 : memref<80x16xf32, #tpu.memory_space<vmem>>) target(%dma_start3A_52 : memref<80x16xf32, #tpu.memory_space<hbm>>) target_semaphore(%run_scoped3A : memref<!tpu.dma_semaphore, #tpu.memory_space<semaphore_mem>>)
        %dma_wait3A = arith.constant 0 : i32
        %dma_wait3A_53 = tpu.memref_slice %arg15[%add3A_41, %dma_wait3A] : memref<10240x16xf32, #tpu.memory_space<hbm>> -> memref<80x16xf32, #tpu.memory_space<hbm>>
        %dma_wait3A_54 = arith.constant 0 : i32
        %dma_wait3A_55 = tpu.memref_slice %arg15[%add3A_41, %dma_wait3A_54] : memref<10240x16xf32, #tpu.memory_space<hbm>> -> memref<80x16xf32, #tpu.memory_space<hbm>>
        tpu.wait_dma2 semaphore(%run_scoped3A : memref<!tpu.dma_semaphore, #tpu.memory_space<semaphore_mem>>) src(%arg19 : memref<80x16xf32, #tpu.memory_space<vmem>>) dst(%dma_wait3A_55 : memref<80x16xf32, #tpu.memory_space<hbm>>)
        tpu.yield
      }) : () -> ()
      %scan3A_49 = arith.constant 0 : i32
      scf.yield %scan3A_49 : i32
    }
    %scan3A_29 = arith.constant 4 : i32
    "tpu.region"() ({
      %run_scoped3A = tpu.sem_alloc : memref<!tpu.dma_semaphore, #tpu.memory_space<semaphore_mem>>
      %dma_start3A = arith.constant 0 : i32
      %dma_start3A_37 = arith.constant 0 : i32
      %dma_start3A_38 = tpu.memref_slice %arg20[%dma_start3A, %dma_start3A_37] : memref<16x16xf32, #tpu.memory_space<vmem>> -> memref<10x16xf32, #tpu.memory_space<vmem>>
      %dma_start3A_39 = arith.constant 0 : i32
      %dma_start3A_40 = arith.constant 0 : i32
      %dma_start3A_41 = tpu.memref_slice %arg20[%dma_start3A_39, %dma_start3A_40] : memref<16x16xf32, #tpu.memory_space<vmem>> -> memref<10x16xf32, #tpu.memory_space<vmem>>
      tpu.enqueue_dma source(%arg6 : memref<10x16xf32, #tpu.memory_space<hbm>>) target(%dma_start3A_41 : memref<10x16xf32, #tpu.memory_space<vmem>>) target_semaphore(%run_scoped3A : memref<!tpu.dma_semaphore, #tpu.memory_space<semaphore_mem>>)
      %dma_wait3A = arith.constant 0 : i32
      %dma_wait3A_42 = arith.constant 0 : i32
      %dma_wait3A_43 = tpu.memref_slice %arg20[%dma_wait3A, %dma_wait3A_42] : memref<16x16xf32, #tpu.memory_space<vmem>> -> memref<10x16xf32, #tpu.memory_space<vmem>>
      %dma_wait3A_44 = arith.constant 0 : i32
      %dma_wait3A_45 = arith.constant 0 : i32
      %dma_wait3A_46 = tpu.memref_slice %arg20[%dma_wait3A_44, %dma_wait3A_45] : memref<16x16xf32, #tpu.memory_space<vmem>> -> memref<10x16xf32, #tpu.memory_space<vmem>>
      tpu.wait_dma2 semaphore(%run_scoped3A : memref<!tpu.dma_semaphore, #tpu.memory_space<semaphore_mem>>) src(%arg6 : memref<10x16xf32, #tpu.memory_space<hbm>>) dst(%dma_wait3A_46 : memref<10x16xf32, #tpu.memory_space<vmem>>)
      tpu.yield
    }) : () -> ()
    %scan3A_30 = arith.constant 0 : i32
    %scan3A_31 = arith.constant 0 : i32
    %scan3A_32 = arith.constant 4 : i32
    %scan3A_33 = arith.addi %scan3A_31, %scan3A_32 : i32
    %scan3A_34 = arith.constant 1 : i32
    %scan3A_35 = scf.for %scan3A_37 = %scan3A_31 to %scan3A_33 step %scan3A_34 iter_args(%scan3A_38 = %scan3A_30) -> (i32)  : i32 {
      %mul3A_39 = arith.constant 80 : i32
      %mul3A_40 = arith.muli %scan3A_37, %mul3A_39 : i32
      %add3A_41 = arith.addi %mul3A_2, %mul3A_40 : i32
      "tpu.region"() ({
        %run_scoped3A = tpu.sem_alloc : memref<!tpu.dma_semaphore, #tpu.memory_space<semaphore_mem>>
        %dma_start3A = tpu.memref_slice %arg11[%add3A_41] : memref<10240xi32, #tpu.memory_space<hbm>> -> memref<80xi32, #tpu.memory_space<hbm>>
        %dma_start3A_50 = tpu.memref_slice %arg11[%add3A_41] : memref<10240xi32, #tpu.memory_space<hbm>> -> memref<80xi32, #tpu.memory_space<hbm>>
        tpu.enqueue_dma source(%dma_start3A_50 : memref<80xi32, #tpu.memory_space<hbm>>) target(%arg17 : memref<80xi32, #tpu.memory_space<vmem>>) target_semaphore(%run_scoped3A : memref<!tpu.dma_semaphore, #tpu.memory_space<semaphore_mem>>)
        %dma_wait3A = tpu.memref_slice %arg11[%add3A_41] : memref<10240xi32, #tpu.memory_space<hbm>> -> memref<80xi32, #tpu.memory_space<hbm>>
        %dma_wait3A_51 = tpu.memref_slice %arg11[%add3A_41] : memref<10240xi32, #tpu.memory_space<hbm>> -> memref<80xi32, #tpu.memory_space<hbm>>
        tpu.wait_dma2 semaphore(%run_scoped3A : memref<!tpu.dma_semaphore, #tpu.memory_space<semaphore_mem>>) src(%dma_wait3A_51 : memref<80xi32, #tpu.memory_space<hbm>>) dst(%arg17 : memref<80xi32, #tpu.memory_space<vmem>>)
        tpu.yield
      }) : () -> ()
      %scan3A_42 = arith.constant 0 : i32
      %scan3A_43 = arith.constant 0 : i32
      %scan3A_44 = arith.constant 80 : i32
      %scan3A_45 = arith.addi %scan3A_43, %scan3A_44 : i32
      %scan3A_46 = arith.constant 1 : i32
      %scan3A_47 = scf.for %scan3A_50 = %scan3A_43 to %scan3A_45 step %scan3A_46 iter_args(%scan3A_51 = %scan3A_42) -> (i32)  : i32 {
        %broadcast_in_dim3A = vector.broadcast %scan3A_50 : i32 to vector<16xi32>
        %gather3A = tpu.vector_load_idx %arg17[%broadcast_in_dim3A] : memref<80xi32, #tpu.memory_space<vmem>>[vector<16xi32>], vector<16xi32>,
        %gather3A_52 = tpu.vector_load_idx %arg20[%gather3A, %iota3A] : memref<16x16xf32, #tpu.memory_space<vmem>>[vector<16xi32>, vector<16xi32>], vector<16xf32>,
        %swap3A = arith.index_cast %scan3A_50 : i32 to index
        %swap3A_53 = arith.constant 0 : index
        %swap3A_54 = tpu.vector_load %arg19[%swap3A, %swap3A_53] {strides = array<i32>} : memref<80x16xf32, #tpu.memory_space<vmem>>, vector<16xf32>,
        tpu.vector_store %arg19[%swap3A, %swap3A_53], %gather3A_52 {strides = array<i32>} : memref<80x16xf32, #tpu.memory_space<vmem>>, vector<16xf32>,
        %scan3A_55 = arith.constant 0 : i32
        scf.yield %scan3A_55 : i32
      }
      %scan3A_48 = arith.constant 80 : i32
      "tpu.region"() ({
        %run_scoped3A = tpu.sem_alloc : memref<!tpu.dma_semaphore, #tpu.memory_space<semaphore_mem>>
        %dma_start3A = arith.constant 0 : i32
        %dma_start3A_50 = tpu.memref_slice %arg16[%add3A_41, %dma_start3A] : memref<10240x16xf32, #tpu.memory_space<hbm>> -> memref<80x16xf32, #tpu.memory_space<hbm>>
        %dma_start3A_51 = arith.constant 0 : i32
        %dma_start3A_52 = tpu.memref_slice %arg16[%add3A_41, %dma_start3A_51] : memref<10240x16xf32, #tpu.memory_space<hbm>> -> memref<80x16xf32, #tpu.memory_space<hbm>>
        tpu.enqueue_dma source(%arg19 : memref<80x16xf32, #tpu.memory_space<vmem>>) target(%dma_start3A_52 : memref<80x16xf32, #tpu.memory_space<hbm>>) target_semaphore(%run_scoped3A : memref<!tpu.dma_semaphore, #tpu.memory_space<semaphore_mem>>)
        %dma_wait3A = arith.constant 0 : i32
        %dma_wait3A_53 = tpu.memref_slice %arg16[%add3A_41, %dma_wait3A] : memref<10240x16xf32, #tpu.memory_space<hbm>> -> memref<80x16xf32, #tpu.memory_space<hbm>>
        %dma_wait3A_54 = arith.constant 0 : i32
        %dma_wait3A_55 = tpu.memref_slice %arg16[%add3A_41, %dma_wait3A_54] : memref<10240x16xf32, #tpu.memory_space<hbm>> -> memref<80x16xf32, #tpu.memory_space<hbm>>
        tpu.wait_dma2 semaphore(%run_scoped3A : memref<!tpu.dma_semaphore, #tpu.memory_space<semaphore_mem>>) src(%arg19 : memref<80x16xf32, #tpu.memory_space<vmem>>) dst(%dma_wait3A_55 : memref<80x16xf32, #tpu.memory_space<hbm>>)
        tpu.yield
      }) : () -> ()
      %scan3A_49 = arith.constant 0 : i32
      scf.yield %scan3A_49 : i32
    }
    %scan3A_36 = arith.constant 4 : i32
    return
  }
}

#map = affine_map<(d0, d1) -> (0, 0)>
#map1 = affine_map<(d0, d1) -> (0)>
module attributes {stable_mosaic.version = 14 : i64} {
  func.func @k(%arg0: i32, %arg1: i32, %arg2: memref<10000x128xf32, #tpu.memory_space<hbm>>, %arg3: memref<640000xf32, #tpu.memory_space<hbm>>, %arg4: memref<128xf32, #tpu.memory_space<hbm>>, %arg5: memref<160000xi32, #tpu.memory_space<hbm>>, %arg6: memref<160000xi32, #tpu.memory_space<hbm>>, %arg7: memref<10000x128xf32, #tpu.memory_space<hbm>>, %arg8: memref<640000xf32, #tpu.memory_space<hbm>>, %arg9: memref<128xf32, #tpu.memory_space<hbm>>, %arg10: memref<160000xi32, #tpu.memory_space<hbm>>, %arg11: memref<160000xi32, #tpu.memory_space<hbm>>, %arg12: memref<10000x128xf32, #tpu.memory_space<hbm>>, %arg13: memref<10000x128xf32, #tpu.memory_space<hbm>>, %arg14: memref<10000x128xf32, #tpu.memory_space<vmem_shared>>, %arg15: memref<320x128xf32, #tpu.memory_space<vmem_shared>>, %arg16: memref<2000xi32, #tpu.memory_space<vmem>>, %arg17: memref<2000xi32, #tpu.memory_space<vmem>>, %arg18: memref<640xf32, #tpu.memory_space<vmem>>, %arg19: memref<2x80xi32, #tpu.memory_space<vmem>>, %arg20: memref<80xi32, #tpu.memory_space<vmem>>, %arg21: memref<160x128xf32, #tpu.memory_space<vmem>>, %arg22: memref<80x128xf32, #tpu.memory_space<vmem>>, %arg23: memref<80x128xf32, #tpu.memory_space<vmem>>, %arg24: memref<16x128xf32, #tpu.memory_space<vmem>>, %arg25: memref<128xf32, #tpu.memory_space<vmem>>, %arg26: memref<!tpu.dma_semaphore, #tpu.memory_space<semaphore_mem>>, %arg27: memref<!tpu.dma_semaphore, #tpu.memory_space<semaphore_mem>>, %arg28: memref<!tpu.dma_semaphore, #tpu.memory_space<semaphore_mem>>) attributes {dimension_semantics = [#tpu.dimension_semantics<core_parallel>, #tpu.dimension_semantics<subcore_parallel>], iteration_bounds = array<i64: 2, 16>, scalar_prefetch = 0 : i64, scratch_operands = 15 : i64, tpu.core_type = #tpu.core_type<sc_vector_subcore>, window_params = [{transform_indices = #map}, {transform_indices = #map1}, {transform_indices = #map1}, {transform_indices = #map1}, {transform_indices = #map1}, {transform_indices = #map}, {transform_indices = #map1}, {transform_indices = #map1}, {transform_indices = #map1}, {transform_indices = #map1}, {transform_indices = #map}, {transform_indices = #map}]} {
    %broadcast_in_dim3A = arith.constant 0.000000e+00 : f32
    %broadcast_in_dim3A_0 = vector.broadcast %broadcast_in_dim3A : f32 to vector<16xf32>
    %iota3A = tpu.iota {dimensions = array<i32: 0>} : vector<16xi32>
    %eq3A = arith.constant 0 : i32
    %eq3A_1 = arith.cmpi eq, %arg0, %eq3A : i32
    %convert_element_type3A = arith.extui %eq3A_1 : i1 to i32
    %cond3A = arith.constant 0 : i32
    %cond3A_2 = arith.cmpi ne, %convert_element_type3A, %cond3A : i32
    scf.if %cond3A_2 {
      "tpu.region"() ({
        %run_scoped3A = tpu.sem_alloc : memref<!tpu.dma_semaphore, #tpu.memory_space<semaphore_mem>>
        tpu.enqueue_dma source(%arg4 : memref<128xf32, #tpu.memory_space<hbm>>) target(%arg25 : memref<128xf32, #tpu.memory_space<vmem>>) target_semaphore(%run_scoped3A : memref<!tpu.dma_semaphore, #tpu.memory_space<semaphore_mem>>)
        tpu.wait_dma2 semaphore(%run_scoped3A : memref<!tpu.dma_semaphore, #tpu.memory_space<semaphore_mem>>) src(%arg4 : memref<128xf32, #tpu.memory_space<hbm>>) dst(%arg25 : memref<128xf32, #tpu.memory_space<vmem>>)
        tpu.yield
      }) : () -> ()
      %scan3A = arith.constant 0 : i32
      %scan3A_8 = arith.constant 0 : i32
      %scan3A_9 = arith.constant 80 : i32
      %scan3A_10 = arith.addi %scan3A_8, %scan3A_9 : i32
      %scan3A_11 = arith.constant 1 : i32
      %scan3A_12 = scf.for %scan3A_47 = %scan3A_8 to %scan3A_10 step %scan3A_11 iter_args(%scan3A_48 = %scan3A) -> (i32)  : i32 {
        %swap3A = arith.index_cast %scan3A_47 : i32 to index
        %swap3A_49 = arith.constant 0 : index
        %swap3A_50 = tpu.vector_load %arg22[%swap3A, %swap3A_49] {strides = array<i32>} : memref<80x128xf32, #tpu.memory_space<vmem>>, vector<16xf32>,
        tpu.vector_store %arg22[%swap3A, %swap3A_49], %broadcast_in_dim3A_0 {strides = array<i32>} : memref<80x128xf32, #tpu.memory_space<vmem>>, vector<16xf32>,
        %swap3A_51 = arith.index_cast %scan3A_47 : i32 to index
        %swap3A_52 = arith.constant 16 : index
        %swap3A_53 = tpu.vector_load %arg22[%swap3A_51, %swap3A_52] {strides = array<i32>} : memref<80x128xf32, #tpu.memory_space<vmem>>, vector<16xf32>,
        tpu.vector_store %arg22[%swap3A_51, %swap3A_52], %broadcast_in_dim3A_0 {strides = array<i32>} : memref<80x128xf32, #tpu.memory_space<vmem>>, vector<16xf32>,
        %swap3A_54 = arith.index_cast %scan3A_47 : i32 to index
        %swap3A_55 = arith.constant 32 : index
        %swap3A_56 = tpu.vector_load %arg22[%swap3A_54, %swap3A_55] {strides = array<i32>} : memref<80x128xf32, #tpu.memory_space<vmem>>, vector<16xf32>,
        tpu.vector_store %arg22[%swap3A_54, %swap3A_55], %broadcast_in_dim3A_0 {strides = array<i32>} : memref<80x128xf32, #tpu.memory_space<vmem>>, vector<16xf32>,
        %swap3A_57 = arith.index_cast %scan3A_47 : i32 to index
        %swap3A_58 = arith.constant 48 : index
        %swap3A_59 = tpu.vector_load %arg22[%swap3A_57, %swap3A_58] {strides = array<i32>} : memref<80x128xf32, #tpu.memory_space<vmem>>, vector<16xf32>,
        tpu.vector_store %arg22[%swap3A_57, %swap3A_58], %broadcast_in_dim3A_0 {strides = array<i32>} : memref<80x128xf32, #tpu.memory_space<vmem>>, vector<16xf32>,
        %swap3A_60 = arith.index_cast %scan3A_47 : i32 to index
        %swap3A_61 = arith.constant 64 : index
        %swap3A_62 = tpu.vector_load %arg22[%swap3A_60, %swap3A_61] {strides = array<i32>} : memref<80x128xf32, #tpu.memory_space<vmem>>, vector<16xf32>,
        tpu.vector_store %arg22[%swap3A_60, %swap3A_61], %broadcast_in_dim3A_0 {strides = array<i32>} : memref<80x128xf32, #tpu.memory_space<vmem>>, vector<16xf32>,
        %swap3A_63 = arith.index_cast %scan3A_47 : i32 to index
        %swap3A_64 = arith.constant 80 : index
        %swap3A_65 = tpu.vector_load %arg22[%swap3A_63, %swap3A_64] {strides = array<i32>} : memref<80x128xf32, #tpu.memory_space<vmem>>, vector<16xf32>,
        tpu.vector_store %arg22[%swap3A_63, %swap3A_64], %broadcast_in_dim3A_0 {strides = array<i32>} : memref<80x128xf32, #tpu.memory_space<vmem>>, vector<16xf32>,
        %swap3A_66 = arith.index_cast %scan3A_47 : i32 to index
        %swap3A_67 = arith.constant 96 : index
        %swap3A_68 = tpu.vector_load %arg22[%swap3A_66, %swap3A_67] {strides = array<i32>} : memref<80x128xf32, #tpu.memory_space<vmem>>, vector<16xf32>,
        tpu.vector_store %arg22[%swap3A_66, %swap3A_67], %broadcast_in_dim3A_0 {strides = array<i32>} : memref<80x128xf32, #tpu.memory_space<vmem>>, vector<16xf32>,
        %swap3A_69 = arith.index_cast %scan3A_47 : i32 to index
        %swap3A_70 = arith.constant 112 : index
        %swap3A_71 = tpu.vector_load %arg22[%swap3A_69, %swap3A_70] {strides = array<i32>} : memref<80x128xf32, #tpu.memory_space<vmem>>, vector<16xf32>,
        tpu.vector_store %arg22[%swap3A_69, %swap3A_70], %broadcast_in_dim3A_0 {strides = array<i32>} : memref<80x128xf32, #tpu.memory_space<vmem>>, vector<16xf32>,
        %swap3A_72 = arith.index_cast %scan3A_47 : i32 to index
        %swap3A_73 = arith.constant 0 : index
        %swap3A_74 = tpu.vector_load %arg23[%swap3A_72, %swap3A_73] {strides = array<i32>} : memref<80x128xf32, #tpu.memory_space<vmem>>, vector<16xf32>,
        tpu.vector_store %arg23[%swap3A_72, %swap3A_73], %broadcast_in_dim3A_0 {strides = array<i32>} : memref<80x128xf32, #tpu.memory_space<vmem>>, vector<16xf32>,
        %swap3A_75 = arith.index_cast %scan3A_47 : i32 to index
        %swap3A_76 = arith.constant 16 : index
        %swap3A_77 = tpu.vector_load %arg23[%swap3A_75, %swap3A_76] {strides = array<i32>} : memref<80x128xf32, #tpu.memory_space<vmem>>, vector<16xf32>,
        tpu.vector_store %arg23[%swap3A_75, %swap3A_76], %broadcast_in_dim3A_0 {strides = array<i32>} : memref<80x128xf32, #tpu.memory_space<vmem>>, vector<16xf32>,
        %swap3A_78 = arith.index_cast %scan3A_47 : i32 to index
        %swap3A_79 = arith.constant 32 : index
        %swap3A_80 = tpu.vector_load %arg23[%swap3A_78, %swap3A_79] {strides = array<i32>} : memref<80x128xf32, #tpu.memory_space<vmem>>, vector<16xf32>,
        tpu.vector_store %arg23[%swap3A_78, %swap3A_79], %broadcast_in_dim3A_0 {strides = array<i32>} : memref<80x128xf32, #tpu.memory_space<vmem>>, vector<16xf32>,
        %swap3A_81 = arith.index_cast %scan3A_47 : i32 to index
        %swap3A_82 = arith.constant 48 : index
        %swap3A_83 = tpu.vector_load %arg23[%swap3A_81, %swap3A_82] {strides = array<i32>} : memref<80x128xf32, #tpu.memory_space<vmem>>, vector<16xf32>,
        tpu.vector_store %arg23[%swap3A_81, %swap3A_82], %broadcast_in_dim3A_0 {strides = array<i32>} : memref<80x128xf32, #tpu.memory_space<vmem>>, vector<16xf32>,
        %swap3A_84 = arith.index_cast %scan3A_47 : i32 to index
        %swap3A_85 = arith.constant 64 : index
        %swap3A_86 = tpu.vector_load %arg23[%swap3A_84, %swap3A_85] {strides = array<i32>} : memref<80x128xf32, #tpu.memory_space<vmem>>, vector<16xf32>,
        tpu.vector_store %arg23[%swap3A_84, %swap3A_85], %broadcast_in_dim3A_0 {strides = array<i32>} : memref<80x128xf32, #tpu.memory_space<vmem>>, vector<16xf32>,
        %swap3A_87 = arith.index_cast %scan3A_47 : i32 to index
        %swap3A_88 = arith.constant 80 : index
        %swap3A_89 = tpu.vector_load %arg23[%swap3A_87, %swap3A_88] {strides = array<i32>} : memref<80x128xf32, #tpu.memory_space<vmem>>, vector<16xf32>,
        tpu.vector_store %arg23[%swap3A_87, %swap3A_88], %broadcast_in_dim3A_0 {strides = array<i32>} : memref<80x128xf32, #tpu.memory_space<vmem>>, vector<16xf32>,
        %swap3A_90 = arith.index_cast %scan3A_47 : i32 to index
        %swap3A_91 = arith.constant 96 : index
        %swap3A_92 = tpu.vector_load %arg23[%swap3A_90, %swap3A_91] {strides = array<i32>} : memref<80x128xf32, #tpu.memory_space<vmem>>, vector<16xf32>,
        tpu.vector_store %arg23[%swap3A_90, %swap3A_91], %broadcast_in_dim3A_0 {strides = array<i32>} : memref<80x128xf32, #tpu.memory_space<vmem>>, vector<16xf32>,
        %swap3A_93 = arith.index_cast %scan3A_47 : i32 to index
        %swap3A_94 = arith.constant 112 : index
        %swap3A_95 = tpu.vector_load %arg23[%swap3A_93, %swap3A_94] {strides = array<i32>} : memref<80x128xf32, #tpu.memory_space<vmem>>, vector<16xf32>,
        tpu.vector_store %arg23[%swap3A_93, %swap3A_94], %broadcast_in_dim3A_0 {strides = array<i32>} : memref<80x128xf32, #tpu.memory_space<vmem>>, vector<16xf32>,
        %scan3A_96 = arith.constant 0 : i32
        scf.yield %scan3A_96 : i32
      }
      %scan3A_13 = arith.constant 80 : i32
      %scan3A_14 = arith.constant 0 : i32
      %scan3A_15 = arith.constant 0 : i32
      %scan3A_16 = arith.constant 8 : i32
      %scan3A_17 = arith.addi %scan3A_15, %scan3A_16 : i32
      %scan3A_18 = arith.constant 1 : i32
      %scan3A_19 = scf.for %scan3A_47 = %scan3A_15 to %scan3A_17 step %scan3A_18 iter_args(%scan3A_48 = %scan3A_14) -> (i32)  : i32 {
        %mul3A_49 = arith.constant 16 : i32
        %mul3A_50 = arith.muli %scan3A_47, %mul3A_49 : i32
        %add3A = arith.addi %arg1, %mul3A_50 : i32
        %lt3A_51 = arith.constant 125 : i32
        %lt3A_52 = arith.cmpi slt, %add3A, %lt3A_51 : i32
        %convert_element_type3A_53 = arith.extui %lt3A_52 : i1 to i32
        %cond3A_54 = arith.constant 0 : i32
        %cond3A_55 = arith.cmpi ne, %convert_element_type3A_53, %cond3A_54 : i32
        scf.if %cond3A_55 {
          %mul3A_57 = arith.constant 80 : i32
          %mul3A_58 = arith.muli %add3A, %mul3A_57 : i32
          "tpu.region"() ({
            %run_scoped3A = tpu.sem_alloc : memref<!tpu.dma_semaphore, #tpu.memory_space<semaphore_mem>>
            %dma_start3A = arith.constant 0 : i32
            %dma_start3A_59 = tpu.memref_slice %arg14[%mul3A_58, %dma_start3A] : memref<10000x128xf32, #tpu.memory_space<vmem_shared>> -> memref<80x128xf32, #tpu.memory_space<vmem_shared>>
            %dma_start3A_60 = arith.constant 0 : i32
            %dma_start3A_61 = tpu.memref_slice %arg14[%mul3A_58, %dma_start3A_60] : memref<10000x128xf32, #tpu.memory_space<vmem_shared>> -> memref<80x128xf32, #tpu.memory_space<vmem_shared>>
            tpu.enqueue_dma source(%arg22 : memref<80x128xf32, #tpu.memory_space<vmem>>) target(%dma_start3A_61 : memref<80x128xf32, #tpu.memory_space<vmem_shared>>) target_semaphore(%run_scoped3A : memref<!tpu.dma_semaphore, #tpu.memory_space<semaphore_mem>>)
            %dma_wait3A_62 = arith.constant 0 : i32
            %dma_wait3A_63 = tpu.memref_slice %arg14[%mul3A_58, %dma_wait3A_62] : memref<10000x128xf32, #tpu.memory_space<vmem_shared>> -> memref<80x128xf32, #tpu.memory_space<vmem_shared>>
            %dma_wait3A_64 = arith.constant 0 : i32
            %dma_wait3A_65 = tpu.memref_slice %arg14[%mul3A_58, %dma_wait3A_64] : memref<10000x128xf32, #tpu.memory_space<vmem_shared>> -> memref<80x128xf32, #tpu.memory_space<vmem_shared>>
            tpu.wait_dma2 semaphore(%run_scoped3A : memref<!tpu.dma_semaphore, #tpu.memory_space<semaphore_mem>>) src(%arg22 : memref<80x128xf32, #tpu.memory_space<vmem>>) dst(%dma_wait3A_65 : memref<80x128xf32, #tpu.memory_space<vmem_shared>>)
            tpu.yield
          }) : () -> ()
        } else {
        }
        %scan3A_56 = arith.constant 0 : i32
        scf.yield %scan3A_56 : i32
      }
      %scan3A_20 = arith.constant 8 : i32
      %lt3A = arith.constant 4 : i32
      %lt3A_21 = arith.cmpi slt, %arg1, %lt3A : i32
      %convert_element_type3A_22 = arith.extui %lt3A_21 : i1 to i32
      %cond3A_23 = arith.constant 0 : i32
      %cond3A_24 = arith.cmpi ne, %convert_element_type3A_22, %cond3A_23 : i32
      scf.if %cond3A_24 {
        %mul3A_47 = arith.constant 80 : i32
        %mul3A_48 = arith.muli %arg1, %mul3A_47 : i32
        "tpu.region"() ({
          %run_scoped3A = tpu.sem_alloc : memref<!tpu.dma_semaphore, #tpu.memory_space<semaphore_mem>>
          %dma_start3A = arith.constant 0 : i32
          %dma_start3A_49 = tpu.memref_slice %arg15[%mul3A_48, %dma_start3A] : memref<320x128xf32, #tpu.memory_space<vmem_shared>> -> memref<80x128xf32, #tpu.memory_space<vmem_shared>>
          %dma_start3A_50 = arith.constant 0 : i32
          %dma_start3A_51 = tpu.memref_slice %arg15[%mul3A_48, %dma_start3A_50] : memref<320x128xf32, #tpu.memory_space<vmem_shared>> -> memref<80x128xf32, #tpu.memory_space<vmem_shared>>
          tpu.enqueue_dma source(%arg22 : memref<80x128xf32, #tpu.memory_space<vmem>>) target(%dma_start3A_51 : memref<80x128xf32, #tpu.memory_space<vmem_shared>>) target_semaphore(%run_scoped3A : memref<!tpu.dma_semaphore, #tpu.memory_space<semaphore_mem>>)
          %dma_wait3A_52 = arith.constant 0 : i32
          %dma_wait3A_53 = tpu.memref_slice %arg15[%mul3A_48, %dma_wait3A_52] : memref<320x128xf32, #tpu.memory_space<vmem_shared>> -> memref<80x128xf32, #tpu.memory_space<vmem_shared>>
          %dma_wait3A_54 = arith.constant 0 : i32
          %dma_wait3A_55 = tpu.memref_slice %arg15[%mul3A_48, %dma_wait3A_54] : memref<320x128xf32, #tpu.memory_space<vmem_shared>> -> memref<80x128xf32, #tpu.memory_space<vmem_shared>>
          tpu.wait_dma2 semaphore(%run_scoped3A : memref<!tpu.dma_semaphore, #tpu.memory_space<semaphore_mem>>) src(%arg22 : memref<80x128xf32, #tpu.memory_space<vmem>>) dst(%dma_wait3A_55 : memref<80x128xf32, #tpu.memory_space<vmem_shared>>)
          tpu.yield
        }) : () -> ()
      } else {
      }
      %barrier3A = arith.constant 0 : index
      tpu.barrier barrier_id(%barrier3A)
      %mul3A = arith.constant 10000 : i32
      %mul3A_25 = arith.muli %arg1, %mul3A : i32
      %scan3A_26 = arith.constant 0 : i32
      %scan3A_27 = arith.constant 0 : i32
      %scan3A_28 = arith.constant 5 : i32
      %scan3A_29 = arith.addi %scan3A_27, %scan3A_28 : i32
      %scan3A_30 = arith.constant 1 : i32
      %scan3A_31 = scf.for %scan3A_47 = %scan3A_27 to %scan3A_29 step %scan3A_30 iter_args(%scan3A_48 = %scan3A_26) -> (i32)  : i32 {
        %mul3A_49 = arith.constant 2000 : i32
        %mul3A_50 = arith.muli %scan3A_47, %mul3A_49 : i32
        %add3A = arith.addi %mul3A_25, %mul3A_50 : i32
        "tpu.region"() ({
          %run_scoped3A = tpu.sem_alloc : memref<!tpu.dma_semaphore, #tpu.memory_space<semaphore_mem>>
          %dma_start3A_76 = tpu.memref_slice %arg5[%add3A] : memref<160000xi32, #tpu.memory_space<hbm>> -> memref<2000xi32, #tpu.memory_space<hbm>>
          %dma_start3A_77 = tpu.memref_slice %arg5[%add3A] : memref<160000xi32, #tpu.memory_space<hbm>> -> memref<2000xi32, #tpu.memory_space<hbm>>
          tpu.enqueue_dma source(%dma_start3A_77 : memref<2000xi32, #tpu.memory_space<hbm>>) target(%arg16 : memref<2000xi32, #tpu.memory_space<vmem>>) target_semaphore(%run_scoped3A : memref<!tpu.dma_semaphore, #tpu.memory_space<semaphore_mem>>)
          %dma_wait3A_78 = tpu.memref_slice %arg5[%add3A] : memref<160000xi32, #tpu.memory_space<hbm>> -> memref<2000xi32, #tpu.memory_space<hbm>>
          %dma_wait3A_79 = tpu.memref_slice %arg5[%add3A] : memref<160000xi32, #tpu.memory_space<hbm>> -> memref<2000xi32, #tpu.memory_space<hbm>>
          tpu.wait_dma2 semaphore(%run_scoped3A : memref<!tpu.dma_semaphore, #tpu.memory_space<semaphore_mem>>) src(%dma_wait3A_79 : memref<2000xi32, #tpu.memory_space<hbm>>) dst(%arg16 : memref<2000xi32, #tpu.memory_space<vmem>>)
          tpu.yield
        }) : () -> ()
        "tpu.region"() ({
          %run_scoped3A = tpu.sem_alloc : memref<!tpu.dma_semaphore, #tpu.memory_space<semaphore_mem>>
          %dma_start3A_76 = tpu.memref_slice %arg6[%add3A] : memref<160000xi32, #tpu.memory_space<hbm>> -> memref<2000xi32, #tpu.memory_space<hbm>>
          %dma_start3A_77 = tpu.memref_slice %arg6[%add3A] : memref<160000xi32, #tpu.memory_space<hbm>> -> memref<2000xi32, #tpu.memory_space<hbm>>
          tpu.enqueue_dma source(%dma_start3A_77 : memref<2000xi32, #tpu.memory_space<hbm>>) target(%arg17 : memref<2000xi32, #tpu.memory_space<vmem>>) target_semaphore(%run_scoped3A : memref<!tpu.dma_semaphore, #tpu.memory_space<semaphore_mem>>)
          %dma_wait3A_78 = tpu.memref_slice %arg6[%add3A] : memref<160000xi32, #tpu.memory_space<hbm>> -> memref<2000xi32, #tpu.memory_space<hbm>>
          %dma_wait3A_79 = tpu.memref_slice %arg6[%add3A] : memref<160000xi32, #tpu.memory_space<hbm>> -> memref<2000xi32, #tpu.memory_space<hbm>>
          tpu.wait_dma2 semaphore(%run_scoped3A : memref<!tpu.dma_semaphore, #tpu.memory_space<semaphore_mem>>) src(%dma_wait3A_79 : memref<2000xi32, #tpu.memory_space<hbm>>) dst(%arg17 : memref<2000xi32, #tpu.memory_space<vmem>>)
          tpu.yield
        }) : () -> ()
        %mul3A_51 = arith.constant 4 : i32
        %mul3A_52 = arith.muli %add3A, %mul3A_51 : i32
        %dma_start3A = arith.constant 0 : i32
        %dma_start3A_53 = arith.constant 0 : i32
        %dma_start3A_54 = tpu.memref_slice %arg21[%dma_start3A, %dma_start3A_53] : memref<160x128xf32, #tpu.memory_space<vmem>> -> memref<80x128xf32, #tpu.memory_space<vmem>>
        %dma_start3A_55 = arith.constant 0 : i32
        %dma_start3A_56 = tpu.memref_slice %arg16[%dma_start3A_55] : memref<2000xi32, #tpu.memory_space<vmem>> -> memref<80xi32, #tpu.memory_space<vmem>>
        %dma_start3A_57 = arith.constant 0 : i32
        %dma_start3A_58 = arith.constant 0 : i32
        %dma_start3A_59 = tpu.memref_slice %arg2[%dma_start3A_57, %dma_start3A_58] : memref<10000x128xf32, #tpu.memory_space<hbm>> -> memref<10000x128xf32, #tpu.memory_space<hbm>>
        tpu.enqueue_indirect_dma source(%dma_start3A_59 : memref<10000x128xf32, #tpu.memory_space<hbm>>) target(%dma_start3A_54 : memref<80x128xf32, #tpu.memory_space<vmem>>) offsets(%dma_start3A_56 : memref<80xi32, #tpu.memory_space<vmem>>) semaphore(%arg26 : memref<!tpu.dma_semaphore, #tpu.memory_space<semaphore_mem>>)
        %add3A_60 = arith.constant 0 : i32
        %add3A_61 = arith.addi %mul3A_52, %add3A_60 : i32
        %dma_start3A_62 = arith.constant 0 : i32
        %dma_start3A_63 = tpu.memref_slice %arg18[%dma_start3A_62] : memref<640xf32, #tpu.memory_space<vmem>> -> memref<320xf32, #tpu.memory_space<vmem>>
        %dma_start3A_64 = tpu.memref_slice %arg3[%add3A_61] : memref<640000xf32, #tpu.memory_space<hbm>> -> memref<320xf32, #tpu.memory_space<hbm>>
        %dma_start3A_65 = arith.constant 0 : i32
        %dma_start3A_66 = tpu.memref_slice %arg18[%dma_start3A_65] : memref<640xf32, #tpu.memory_space<vmem>> -> memref<320xf32, #tpu.memory_space<vmem>>
        %dma_start3A_67 = tpu.memref_slice %arg3[%add3A_61] : memref<640000xf32, #tpu.memory_space<hbm>> -> memref<320xf32, #tpu.memory_space<hbm>>
        tpu.enqueue_dma source(%dma_start3A_67 : memref<320xf32, #tpu.memory_space<hbm>>) target(%dma_start3A_66 : memref<320xf32, #tpu.memory_space<vmem>>) target_semaphore(%arg26 : memref<!tpu.dma_semaphore, #tpu.memory_space<semaphore_mem>>)
        %scan3A_68 = arith.constant 0 : i32
        %scan3A_69 = arith.constant 0 : i32
        %scan3A_70 = arith.constant 25 : i32
        %scan3A_71 = arith.addi %scan3A_69, %scan3A_70 : i32
        %scan3A_72 = arith.constant 1 : i32
        %scan3A_73 = scf.for %scan3A_76 = %scan3A_69 to %scan3A_71 step %scan3A_72 iter_args(%scan3A_77 = %scan3A_68) -> (i32)  : i32 {
          %mul3A_78 = arith.constant 80 : i32
          %mul3A_79 = arith.muli %scan3A_76, %mul3A_78 : i32
          %and3A = arith.constant 1 : i32
          %and3A_80 = arith.andi %scan3A_76, %and3A : i32
          %mul3A_81 = arith.constant 80 : i32
          %mul3A_82 = arith.muli %and3A_80, %mul3A_81 : i32
          %mul3A_83 = arith.constant 80 : i32
          %mul3A_84 = arith.muli %and3A_80, %mul3A_83 : i32
          %mul3A_85 = arith.constant 4 : i32
          %mul3A_86 = arith.muli %mul3A_84, %mul3A_85 : i32
          %dma_wait3A_87 = arith.constant 0 : i32
          %dma_wait3A_88 = arith.constant 0 : i32
          %dma_wait3A_89 = tpu.memref_slice %arg21[%dma_wait3A_87, %dma_wait3A_88] : memref<160x128xf32, #tpu.memory_space<vmem>> -> memref<80x128xf32, #tpu.memory_space<vmem>>
          %dma_wait3A_90 = arith.constant 0 : i32
          %dma_wait3A_91 = tpu.memref_slice %arg16[%dma_wait3A_90] : memref<2000xi32, #tpu.memory_space<vmem>> -> memref<80xi32, #tpu.memory_space<vmem>>
          %dma_wait3A_92 = arith.constant 0 : i32
          %dma_wait3A_93 = arith.constant 0 : i32
          %dma_wait3A_94 = tpu.memref_slice %arg2[%dma_wait3A_92, %dma_wait3A_93] : memref<10000x128xf32, #tpu.memory_space<hbm>> -> memref<10000x128xf32, #tpu.memory_space<hbm>>
          tpu.wait_indirect_dma semaphore(%arg26 : memref<!tpu.dma_semaphore, #tpu.memory_space<semaphore_mem>>) src(%dma_wait3A_94 : memref<10000x128xf32, #tpu.memory_space<hbm>>) dst(%dma_wait3A_89 : memref<80x128xf32, #tpu.memory_space<vmem>>)
          %dma_wait3A_95 = arith.constant 0 : i32
          %dma_wait3A_96 = tpu.memref_slice %arg18[%dma_wait3A_95] : memref<640xf32, #tpu.memory_space<vmem>> -> memref<320xf32, #tpu.memory_space<vmem>>
          %dma_wait3A_97 = arith.constant 0 : i32
          %dma_wait3A_98 = tpu.memref_slice %arg3[%dma_wait3A_97] : memref<640000xf32, #tpu.memory_space<hbm>> -> memref<320xf32, #tpu.memory_space<hbm>>
          %dma_wait3A_99 = arith.constant 0 : i32
          %dma_wait3A_100 = tpu.memref_slice %arg18[%dma_wait3A_99] : memref<640xf32, #tpu.memory_space<vmem>> -> memref<320xf32, #tpu.memory_space<vmem>>
          %dma_wait3A_101 = arith.constant 0 : i32
          %dma_wait3A_102 = tpu.memref_slice %arg3[%dma_wait3A_101] : memref<640000xf32, #tpu.memory_space<hbm>> -> memref<320xf32, #tpu.memory_space<hbm>>
          tpu.wait_dma2 semaphore(%arg26 : memref<!tpu.dma_semaphore, #tpu.memory_space<semaphore_mem>>) src(%dma_wait3A_102 : memref<320xf32, #tpu.memory_space<hbm>>) dst(%dma_wait3A_100 : memref<320xf32, #tpu.memory_space<vmem>>)
          %add3A_103 = arith.constant 1 : i32
          %add3A_104 = arith.addi %scan3A_76, %add3A_103 : i32
          %lt3A_105 = arith.constant 25 : i32
          %lt3A_106 = arith.cmpi slt, %add3A_104, %lt3A_105 : i32
          %convert_element_type3A_107 = arith.extui %lt3A_106 : i1 to i32
          %cond3A_108 = arith.constant 0 : i32
          %cond3A_109 = arith.cmpi ne, %convert_element_type3A_107, %cond3A_108 : i32
          scf.if %cond3A_109 {
            %add3A_603 = arith.constant 1 : i32
            %add3A_604 = arith.addi %scan3A_76, %add3A_603 : i32
            %sub3A = arith.constant 1 : i32
            %sub3A_605 = arith.subi %sub3A, %and3A_80 : i32
            %mul3A_606 = arith.constant 80 : i32
            %mul3A_607 = arith.muli %add3A_604, %mul3A_606 : i32
            %mul3A_608 = arith.constant 80 : i32
            %mul3A_609 = arith.muli %sub3A_605, %mul3A_608 : i32
            %dma_start3A_610 = arith.constant 0 : i32
            %dma_start3A_611 = tpu.memref_slice %arg21[%mul3A_609, %dma_start3A_610] : memref<160x128xf32, #tpu.memory_space<vmem>> -> memref<80x128xf32, #tpu.memory_space<vmem>>
            %dma_start3A_612 = tpu.memref_slice %arg16[%mul3A_607] : memref<2000xi32, #tpu.memory_space<vmem>> -> memref<80xi32, #tpu.memory_space<vmem>>
            %dma_start3A_613 = arith.constant 0 : i32
            %dma_start3A_614 = arith.constant 0 : i32
            %dma_start3A_615 = tpu.memref_slice %arg2[%dma_start3A_613, %dma_start3A_614] : memref<10000x128xf32, #tpu.memory_space<hbm>> -> memref<10000x128xf32, #tpu.memory_space<hbm>>
            tpu.enqueue_indirect_dma source(%dma_start3A_615 : memref<10000x128xf32, #tpu.memory_space<hbm>>) target(%dma_start3A_611 : memref<80x128xf32, #tpu.memory_space<vmem>>) offsets(%dma_start3A_612 : memref<80xi32, #tpu.memory_space<vmem>>) semaphore(%arg26 : memref<!tpu.dma_semaphore, #tpu.memory_space<semaphore_mem>>)
            %mul3A_616 = arith.constant 4 : i32
            %mul3A_617 = arith.muli %mul3A_607, %mul3A_616 : i32
            %add3A_618 = arith.addi %mul3A_52, %mul3A_617 : i32
            %mul3A_619 = arith.constant 80 : i32
            %mul3A_620 = arith.muli %sub3A_605, %mul3A_619 : i32
            %mul3A_621 = arith.constant 4 : i32
            %mul3A_622 = arith.muli %mul3A_620, %mul3A_621 : i32
            %dma_start3A_623 = tpu.memref_slice %arg18[%mul3A_622] : memref<640xf32, #tpu.memory_space<vmem>> -> memref<320xf32, #tpu.memory_space<vmem>>
            %dma_start3A_624 = tpu.memref_slice %arg3[%add3A_618] : memref<640000xf32, #tpu.memory_space<hbm>> -> memref<320xf32, #tpu.memory_space<hbm>>
            %dma_start3A_625 = tpu.memref_slice %arg18[%mul3A_622] : memref<640xf32, #tpu.memory_space<vmem>> -> memref<320xf32, #tpu.memory_space<vmem>>
            %dma_start3A_626 = tpu.memref_slice %arg3[%add3A_618] : memref<640000xf32, #tpu.memory_space<hbm>> -> memref<320xf32, #tpu.memory_space<hbm>>
            tpu.enqueue_dma source(%dma_start3A_626 : memref<320xf32, #tpu.memory_space<hbm>>) target(%dma_start3A_625 : memref<320xf32, #tpu.memory_space<vmem>>) target_semaphore(%arg26 : memref<!tpu.dma_semaphore, #tpu.memory_space<semaphore_mem>>)
          } else {
          }
          %add3A_110 = arith.constant 0 : i32
          %add3A_111 = vector.broadcast %add3A_110 : i32 to vector<16xi32>
          %add3A_112 = arith.addi %iota3A, %add3A_111 : vector<16xi32>
          %add3A_113 = arith.constant 0 : i32
          %add3A_114 = arith.addi %mul3A_79, %add3A_113 : i32
          %get3A = arith.index_cast %add3A_114 : i32 to index
          %get3A_115 = tpu.vector_load %arg17[%get3A] {strides = array<i32>} : memref<2000xi32, #tpu.memory_space<vmem>>, vector<16xi32>,
          %swap3A = arith.index_cast %and3A_80 : i32 to index
          %swap3A_116 = arith.constant 0 : index
          %swap3A_117 = tpu.vector_load %arg19[%swap3A, %swap3A_116] {strides = array<i32>} : memref<2x80xi32, #tpu.memory_space<vmem>>, vector<16xi32>,
          tpu.vector_store %arg19[%swap3A, %swap3A_116], %get3A_115 {strides = array<i32>} : memref<2x80xi32, #tpu.memory_space<vmem>>, vector<16xi32>,
          %shift_right_arithmetic3A = arith.constant 5 : i32
          %shift_right_arithmetic3A_118 = vector.broadcast %shift_right_arithmetic3A : i32 to vector<16xi32>
          %shift_right_arithmetic3A_119 = arith.shrsi %get3A_115, %shift_right_arithmetic3A_118 : vector<16xi32>
          %swap3A_120 = arith.constant 0 : index
          %swap3A_121 = tpu.vector_load %arg20[%swap3A_120] {strides = array<i32>} : memref<80xi32, #tpu.memory_space<vmem>>, vector<16xi32>,
          tpu.vector_store %arg20[%swap3A_120], %shift_right_arithmetic3A_119 {strides = array<i32>} : memref<80xi32, #tpu.memory_space<vmem>>, vector<16xi32>,
          %and3A_122 = arith.constant 31 : i32
          %and3A_123 = vector.broadcast %and3A_122 : i32 to vector<16xi32>
          %and3A_124 = arith.andi %get3A_115, %and3A_123 : vector<16xi32>
          %mul3A_125 = arith.constant 4 : i32
          %mul3A_126 = vector.broadcast %mul3A_125 : i32 to vector<16xi32>
          %mul3A_127 = arith.muli %and3A_124, %mul3A_126 : vector<16xi32>
          %mul3A_128 = arith.constant 4 : i32
          %mul3A_129 = vector.broadcast %mul3A_128 : i32 to vector<16xi32>
          %mul3A_130 = arith.muli %add3A_112, %mul3A_129 : vector<16xi32>
          %add3A_131 = vector.broadcast %mul3A_86 : i32 to vector<16xi32>
          %add3A_132 = arith.addi %add3A_131, %mul3A_130 : vector<16xi32>
          %add3A_133 = arith.constant 0 : i32
          %add3A_134 = vector.broadcast %add3A_133 : i32 to vector<16xi32>
          %add3A_135 = arith.addi %add3A_132, %add3A_134 : vector<16xi32>
          %gather3A = tpu.vector_load_idx %arg18[%add3A_135] : memref<640xf32, #tpu.memory_space<vmem>>[vector<16xi32>], vector<16xf32>,
          %add3A_136 = arith.constant 0 : i32
          %add3A_137 = vector.broadcast %add3A_136 : i32 to vector<16xi32>
          %add3A_138 = arith.addi %mul3A_127, %add3A_137 : vector<16xi32>
          tpu.vector_store_idx %arg23[%add3A_112, %add3A_138], %gather3A : memref<80x128xf32, #tpu.memory_space<vmem>>[vector<16xi32>, vector<16xi32>], vector<16xf32>,
          %mul3A_139 = arith.constant 4 : i32
          %mul3A_140 = vector.broadcast %mul3A_139 : i32 to vector<16xi32>
          %mul3A_141 = arith.muli %add3A_112, %mul3A_140 : vector<16xi32>
          %add3A_142 = vector.broadcast %mul3A_86 : i32 to vector<16xi32>
          %add3A_143 = arith.addi %add3A_142, %mul3A_141 : vector<16xi32>
          %add3A_144 = arith.constant 1 : i32
          %add3A_145 = vector.broadcast %add3A_144 : i32 to vector<16xi32>
          %add3A_146 = arith.addi %add3A_143, %add3A_145 : vector<16xi32>
          %gather3A_147 = tpu.vector_load_idx %arg18[%add3A_146] : memref<640xf32, #tpu.memory_space<vmem>>[vector<16xi32>], vector<16xf32>,
          %add3A_148 = arith.constant 1 : i32
          %add3A_149 = vector.broadcast %add3A_148 : i32 to vector<16xi32>
          %add3A_150 = arith.addi %mul3A_127, %add3A_149 : vector<16xi32>
          tpu.vector_store_idx %arg23[%add3A_112, %add3A_150], %gather3A_147 : memref<80x128xf32, #tpu.memory_space<vmem>>[vector<16xi32>, vector<16xi32>], vector<16xf32>,
          %mul3A_151 = arith.constant 4 : i32
          %mul3A_152 = vector.broadcast %mul3A_151 : i32 to vector<16xi32>
          %mul3A_153 = arith.muli %add3A_112, %mul3A_152 : vector<16xi32>
          %add3A_154 = vector.broadcast %mul3A_86 : i32 to vector<16xi32>
          %add3A_155 = arith.addi %add3A_154, %mul3A_153 : vector<16xi32>
          %add3A_156 = arith.constant 2 : i32
          %add3A_157 = vector.broadcast %add3A_156 : i32 to vector<16xi32>
          %add3A_158 = arith.addi %add3A_155, %add3A_157 : vector<16xi32>
          %gather3A_159 = tpu.vector_load_idx %arg18[%add3A_158] : memref<640xf32, #tpu.memory_space<vmem>>[vector<16xi32>], vector<16xf32>,
          %add3A_160 = arith.constant 2 : i32
          %add3A_161 = vector.broadcast %add3A_160 : i32 to vector<16xi32>
          %add3A_162 = arith.addi %mul3A_127, %add3A_161 : vector<16xi32>
          tpu.vector_store_idx %arg23[%add3A_112, %add3A_162], %gather3A_159 : memref<80x128xf32, #tpu.memory_space<vmem>>[vector<16xi32>, vector<16xi32>], vector<16xf32>,
          %mul3A_163 = arith.constant 4 : i32
          %mul3A_164 = vector.broadcast %mul3A_163 : i32 to vector<16xi32>
          %mul3A_165 = arith.muli %add3A_112, %mul3A_164 : vector<16xi32>
          %add3A_166 = vector.broadcast %mul3A_86 : i32 to vector<16xi32>
          %add3A_167 = arith.addi %add3A_166, %mul3A_165 : vector<16xi32>
          %add3A_168 = arith.constant 3 : i32
          %add3A_169 = vector.broadcast %add3A_168 : i32 to vector<16xi32>
          %add3A_170 = arith.addi %add3A_167, %add3A_169 : vector<16xi32>
          %gather3A_171 = tpu.vector_load_idx %arg18[%add3A_170] : memref<640xf32, #tpu.memory_space<vmem>>[vector<16xi32>], vector<16xf32>,
          %add3A_172 = arith.constant 3 : i32
          %add3A_173 = vector.broadcast %add3A_172 : i32 to vector<16xi32>
          %add3A_174 = arith.addi %mul3A_127, %add3A_173 : vector<16xi32>
          tpu.vector_store_idx %arg23[%add3A_112, %add3A_174], %gather3A_171 : memref<80x128xf32, #tpu.memory_space<vmem>>[vector<16xi32>, vector<16xi32>], vector<16xf32>,
          %add3A_175 = arith.constant 16 : i32
          %add3A_176 = vector.broadcast %add3A_175 : i32 to vector<16xi32>
          %add3A_177 = arith.addi %iota3A, %add3A_176 : vector<16xi32>
          %add3A_178 = arith.constant 16 : i32
          %add3A_179 = arith.addi %mul3A_79, %add3A_178 : i32
          %get3A_180 = arith.index_cast %add3A_179 : i32 to index
          %get3A_181 = tpu.vector_load %arg17[%get3A_180] {strides = array<i32>} : memref<2000xi32, #tpu.memory_space<vmem>>, vector<16xi32>,
          %swap3A_182 = arith.index_cast %and3A_80 : i32 to index
          %swap3A_183 = arith.constant 16 : index
          %swap3A_184 = tpu.vector_load %arg19[%swap3A_182, %swap3A_183] {strides = array<i32>} : memref<2x80xi32, #tpu.memory_space<vmem>>, vector<16xi32>,
          tpu.vector_store %arg19[%swap3A_182, %swap3A_183], %get3A_181 {strides = array<i32>} : memref<2x80xi32, #tpu.memory_space<vmem>>, vector<16xi32>,
          %shift_right_arithmetic3A_185 = arith.constant 5 : i32
          %shift_right_arithmetic3A_186 = vector.broadcast %shift_right_arithmetic3A_185 : i32 to vector<16xi32>
          %shift_right_arithmetic3A_187 = arith.shrsi %get3A_181, %shift_right_arithmetic3A_186 : vector<16xi32>
          %swap3A_188 = arith.constant 16 : index
          %swap3A_189 = tpu.vector_load %arg20[%swap3A_188] {strides = array<i32>} : memref<80xi32, #tpu.memory_space<vmem>>, vector<16xi32>,
          tpu.vector_store %arg20[%swap3A_188], %shift_right_arithmetic3A_187 {strides = array<i32>} : memref<80xi32, #tpu.memory_space<vmem>>, vector<16xi32>,
          %and3A_190 = arith.constant 31 : i32
          %and3A_191 = vector.broadcast %and3A_190 : i32 to vector<16xi32>
          %and3A_192 = arith.andi %get3A_181, %and3A_191 : vector<16xi32>
          %mul3A_193 = arith.constant 4 : i32
          %mul3A_194 = vector.broadcast %mul3A_193 : i32 to vector<16xi32>
          %mul3A_195 = arith.muli %and3A_192, %mul3A_194 : vector<16xi32>
          %mul3A_196 = arith.constant 4 : i32
          %mul3A_197 = vector.broadcast %mul3A_196 : i32 to vector<16xi32>
          %mul3A_198 = arith.muli %add3A_177, %mul3A_197 : vector<16xi32>
          %add3A_199 = vector.broadcast %mul3A_86 : i32 to vector<16xi32>
          %add3A_200 = arith.addi %add3A_199, %mul3A_198 : vector<16xi32>
          %add3A_201 = arith.constant 0 : i32
          %add3A_202 = vector.broadcast %add3A_201 : i32 to vector<16xi32>
          %add3A_203 = arith.addi %add3A_200, %add3A_202 : vector<16xi32>
          %gather3A_204 = tpu.vector_load_idx %arg18[%add3A_203] : memref<640xf32, #tpu.memory_space<vmem>>[vector<16xi32>], vector<16xf32>,
          %add3A_205 = arith.constant 0 : i32
          %add3A_206 = vector.broadcast %add3A_205 : i32 to vector<16xi32>
          %add3A_207 = arith.addi %mul3A_195, %add3A_206 : vector<16xi32>
          tpu.vector_store_idx %arg23[%add3A_177, %add3A_207], %gather3A_204 : memref<80x128xf32, #tpu.memory_space<vmem>>[vector<16xi32>, vector<16xi32>], vector<16xf32>,
          %mul3A_208 = arith.constant 4 : i32
          %mul3A_209 = vector.broadcast %mul3A_208 : i32 to vector<16xi32>
          %mul3A_210 = arith.muli %add3A_177, %mul3A_209 : vector<16xi32>
          %add3A_211 = vector.broadcast %mul3A_86 : i32 to vector<16xi32>
          %add3A_212 = arith.addi %add3A_211, %mul3A_210 : vector<16xi32>
          %add3A_213 = arith.constant 1 : i32
          %add3A_214 = vector.broadcast %add3A_213 : i32 to vector<16xi32>
          %add3A_215 = arith.addi %add3A_212, %add3A_214 : vector<16xi32>
          %gather3A_216 = tpu.vector_load_idx %arg18[%add3A_215] : memref<640xf32, #tpu.memory_space<vmem>>[vector<16xi32>], vector<16xf32>,
          %add3A_217 = arith.constant 1 : i32
          %add3A_218 = vector.broadcast %add3A_217 : i32 to vector<16xi32>
          %add3A_219 = arith.addi %mul3A_195, %add3A_218 : vector<16xi32>
          tpu.vector_store_idx %arg23[%add3A_177, %add3A_219], %gather3A_216 : memref<80x128xf32, #tpu.memory_space<vmem>>[vector<16xi32>, vector<16xi32>], vector<16xf32>,
          %mul3A_220 = arith.constant 4 : i32
          %mul3A_221 = vector.broadcast %mul3A_220 : i32 to vector<16xi32>
          %mul3A_222 = arith.muli %add3A_177, %mul3A_221 : vector<16xi32>
          %add3A_223 = vector.broadcast %mul3A_86 : i32 to vector<16xi32>
          %add3A_224 = arith.addi %add3A_223, %mul3A_222 : vector<16xi32>
          %add3A_225 = arith.constant 2 : i32
          %add3A_226 = vector.broadcast %add3A_225 : i32 to vector<16xi32>
          %add3A_227 = arith.addi %add3A_224, %add3A_226 : vector<16xi32>
          %gather3A_228 = tpu.vector_load_idx %arg18[%add3A_227] : memref<640xf32, #tpu.memory_space<vmem>>[vector<16xi32>], vector<16xf32>,
          %add3A_229 = arith.constant 2 : i32
          %add3A_230 = vector.broadcast %add3A_229 : i32 to vector<16xi32>
          %add3A_231 = arith.addi %mul3A_195, %add3A_230 : vector<16xi32>
          tpu.vector_store_idx %arg23[%add3A_177, %add3A_231], %gather3A_228 : memref<80x128xf32, #tpu.memory_space<vmem>>[vector<16xi32>, vector<16xi32>], vector<16xf32>,
          %mul3A_232 = arith.constant 4 : i32
          %mul3A_233 = vector.broadcast %mul3A_232 : i32 to vector<16xi32>
          %mul3A_234 = arith.muli %add3A_177, %mul3A_233 : vector<16xi32>
          %add3A_235 = vector.broadcast %mul3A_86 : i32 to vector<16xi32>
          %add3A_236 = arith.addi %add3A_235, %mul3A_234 : vector<16xi32>
          %add3A_237 = arith.constant 3 : i32
          %add3A_238 = vector.broadcast %add3A_237 : i32 to vector<16xi32>
          %add3A_239 = arith.addi %add3A_236, %add3A_238 : vector<16xi32>
          %gather3A_240 = tpu.vector_load_idx %arg18[%add3A_239] : memref<640xf32, #tpu.memory_space<vmem>>[vector<16xi32>], vector<16xf32>,
          %add3A_241 = arith.constant 3 : i32
          %add3A_242 = vector.broadcast %add3A_241 : i32 to vector<16xi32>
          %add3A_243 = arith.addi %mul3A_195, %add3A_242 : vector<16xi32>
          tpu.vector_store_idx %arg23[%add3A_177, %add3A_243], %gather3A_240 : memref<80x128xf32, #tpu.memory_space<vmem>>[vector<16xi32>, vector<16xi32>], vector<16xf32>,
          %add3A_244 = arith.constant 32 : i32
          %add3A_245 = vector.broadcast %add3A_244 : i32 to vector<16xi32>
          %add3A_246 = arith.addi %iota3A, %add3A_245 : vector<16xi32>
          %add3A_247 = arith.constant 32 : i32
          %add3A_248 = arith.addi %mul3A_79, %add3A_247 : i32
          %get3A_249 = arith.index_cast %add3A_248 : i32 to index
          %get3A_250 = tpu.vector_load %arg17[%get3A_249] {strides = array<i32>} : memref<2000xi32, #tpu.memory_space<vmem>>, vector<16xi32>,
          %swap3A_251 = arith.index_cast %and3A_80 : i32 to index
          %swap3A_252 = arith.constant 32 : index
          %swap3A_253 = tpu.vector_load %arg19[%swap3A_251, %swap3A_252] {strides = array<i32>} : memref<2x80xi32, #tpu.memory_space<vmem>>, vector<16xi32>,
          tpu.vector_store %arg19[%swap3A_251, %swap3A_252], %get3A_250 {strides = array<i32>} : memref<2x80xi32, #tpu.memory_space<vmem>>, vector<16xi32>,
          %shift_right_arithmetic3A_254 = arith.constant 5 : i32
          %shift_right_arithmetic3A_255 = vector.broadcast %shift_right_arithmetic3A_254 : i32 to vector<16xi32>
          %shift_right_arithmetic3A_256 = arith.shrsi %get3A_250, %shift_right_arithmetic3A_255 : vector<16xi32>
          %swap3A_257 = arith.constant 32 : index
          %swap3A_258 = tpu.vector_load %arg20[%swap3A_257] {strides = array<i32>} : memref<80xi32, #tpu.memory_space<vmem>>, vector<16xi32>,
          tpu.vector_store %arg20[%swap3A_257], %shift_right_arithmetic3A_256 {strides = array<i32>} : memref<80xi32, #tpu.memory_space<vmem>>, vector<16xi32>,
          %and3A_259 = arith.constant 31 : i32
          %and3A_260 = vector.broadcast %and3A_259 : i32 to vector<16xi32>
          %and3A_261 = arith.andi %get3A_250, %and3A_260 : vector<16xi32>
          %mul3A_262 = arith.constant 4 : i32
          %mul3A_263 = vector.broadcast %mul3A_262 : i32 to vector<16xi32>
          %mul3A_264 = arith.muli %and3A_261, %mul3A_263 : vector<16xi32>
          %mul3A_265 = arith.constant 4 : i32
          %mul3A_266 = vector.broadcast %mul3A_265 : i32 to vector<16xi32>
          %mul3A_267 = arith.muli %add3A_246, %mul3A_266 : vector<16xi32>
          %add3A_268 = vector.broadcast %mul3A_86 : i32 to vector<16xi32>
          %add3A_269 = arith.addi %add3A_268, %mul3A_267 : vector<16xi32>
          %add3A_270 = arith.constant 0 : i32
          %add3A_271 = vector.broadcast %add3A_270 : i32 to vector<16xi32>
          %add3A_272 = arith.addi %add3A_269, %add3A_271 : vector<16xi32>
          %gather3A_273 = tpu.vector_load_idx %arg18[%add3A_272] : memref<640xf32, #tpu.memory_space<vmem>>[vector<16xi32>], vector<16xf32>,
          %add3A_274 = arith.constant 0 : i32
          %add3A_275 = vector.broadcast %add3A_274 : i32 to vector<16xi32>
          %add3A_276 = arith.addi %mul3A_264, %add3A_275 : vector<16xi32>
          tpu.vector_store_idx %arg23[%add3A_246, %add3A_276], %gather3A_273 : memref<80x128xf32, #tpu.memory_space<vmem>>[vector<16xi32>, vector<16xi32>], vector<16xf32>,
          %mul3A_277 = arith.constant 4 : i32
          %mul3A_278 = vector.broadcast %mul3A_277 : i32 to vector<16xi32>
          %mul3A_279 = arith.muli %add3A_246, %mul3A_278 : vector<16xi32>
          %add3A_280 = vector.broadcast %mul3A_86 : i32 to vector<16xi32>
          %add3A_281 = arith.addi %add3A_280, %mul3A_279 : vector<16xi32>
          %add3A_282 = arith.constant 1 : i32
          %add3A_283 = vector.broadcast %add3A_282 : i32 to vector<16xi32>
          %add3A_284 = arith.addi %add3A_281, %add3A_283 : vector<16xi32>
          %gather3A_285 = tpu.vector_load_idx %arg18[%add3A_284] : memref<640xf32, #tpu.memory_space<vmem>>[vector<16xi32>], vector<16xf32>,
          %add3A_286 = arith.constant 1 : i32
          %add3A_287 = vector.broadcast %add3A_286 : i32 to vector<16xi32>
          %add3A_288 = arith.addi %mul3A_264, %add3A_287 : vector<16xi32>
          tpu.vector_store_idx %arg23[%add3A_246, %add3A_288], %gather3A_285 : memref<80x128xf32, #tpu.memory_space<vmem>>[vector<16xi32>, vector<16xi32>], vector<16xf32>,
          %mul3A_289 = arith.constant 4 : i32
          %mul3A_290 = vector.broadcast %mul3A_289 : i32 to vector<16xi32>
          %mul3A_291 = arith.muli %add3A_246, %mul3A_290 : vector<16xi32>
          %add3A_292 = vector.broadcast %mul3A_86 : i32 to vector<16xi32>
          %add3A_293 = arith.addi %add3A_292, %mul3A_291 : vector<16xi32>
          %add3A_294 = arith.constant 2 : i32
          %add3A_295 = vector.broadcast %add3A_294 : i32 to vector<16xi32>
          %add3A_296 = arith.addi %add3A_293, %add3A_295 : vector<16xi32>
          %gather3A_297 = tpu.vector_load_idx %arg18[%add3A_296] : memref<640xf32, #tpu.memory_space<vmem>>[vector<16xi32>], vector<16xf32>,
          %add3A_298 = arith.constant 2 : i32
          %add3A_299 = vector.broadcast %add3A_298 : i32 to vector<16xi32>
          %add3A_300 = arith.addi %mul3A_264, %add3A_299 : vector<16xi32>
          tpu.vector_store_idx %arg23[%add3A_246, %add3A_300], %gather3A_297 : memref<80x128xf32, #tpu.memory_space<vmem>>[vector<16xi32>, vector<16xi32>], vector<16xf32>,
          %mul3A_301 = arith.constant 4 : i32
          %mul3A_302 = vector.broadcast %mul3A_301 : i32 to vector<16xi32>
          %mul3A_303 = arith.muli %add3A_246, %mul3A_302 : vector<16xi32>
          %add3A_304 = vector.broadcast %mul3A_86 : i32 to vector<16xi32>
          %add3A_305 = arith.addi %add3A_304, %mul3A_303 : vector<16xi32>
          %add3A_306 = arith.constant 3 : i32
          %add3A_307 = vector.broadcast %add3A_306 : i32 to vector<16xi32>
          %add3A_308 = arith.addi %add3A_305, %add3A_307 : vector<16xi32>
          %gather3A_309 = tpu.vector_load_idx %arg18[%add3A_308] : memref<640xf32, #tpu.memory_space<vmem>>[vector<16xi32>], vector<16xf32>,
          %add3A_310 = arith.constant 3 : i32
          %add3A_311 = vector.broadcast %add3A_310 : i32 to vector<16xi32>
          %add3A_312 = arith.addi %mul3A_264, %add3A_311 : vector<16xi32>
          tpu.vector_store_idx %arg23[%add3A_246, %add3A_312], %gather3A_309 : memref<80x128xf32, #tpu.memory_space<vmem>>[vector<16xi32>, vector<16xi32>], vector<16xf32>,
          %add3A_313 = arith.constant 48 : i32
          %add3A_314 = vector.broadcast %add3A_313 : i32 to vector<16xi32>
          %add3A_315 = arith.addi %iota3A, %add3A_314 : vector<16xi32>
          %add3A_316 = arith.constant 48 : i32
          %add3A_317 = arith.addi %mul3A_79, %add3A_316 : i32
          %get3A_318 = arith.index_cast %add3A_317 : i32 to index
          %get3A_319 = tpu.vector_load %arg17[%get3A_318] {strides = array<i32>} : memref<2000xi32, #tpu.memory_space<vmem>>, vector<16xi32>,
          %swap3A_320 = arith.index_cast %and3A_80 : i32 to index
          %swap3A_321 = arith.constant 48 : index
          %swap3A_322 = tpu.vector_load %arg19[%swap3A_320, %swap3A_321] {strides = array<i32>} : memref<2x80xi32, #tpu.memory_space<vmem>>, vector<16xi32>,
          tpu.vector_store %arg19[%swap3A_320, %swap3A_321], %get3A_319 {strides = array<i32>} : memref<2x80xi32, #tpu.memory_space<vmem>>, vector<16xi32>,
          %shift_right_arithmetic3A_323 = arith.constant 5 : i32
          %shift_right_arithmetic3A_324 = vector.broadcast %shift_right_arithmetic3A_323 : i32 to vector<16xi32>
          %shift_right_arithmetic3A_325 = arith.shrsi %get3A_319, %shift_right_arithmetic3A_324 : vector<16xi32>
          %swap3A_326 = arith.constant 48 : index
          %swap3A_327 = tpu.vector_load %arg20[%swap3A_326] {strides = array<i32>} : memref<80xi32, #tpu.memory_space<vmem>>, vector<16xi32>,
          tpu.vector_store %arg20[%swap3A_326], %shift_right_arithmetic3A_325 {strides = array<i32>} : memref<80xi32, #tpu.memory_space<vmem>>, vector<16xi32>,
          %and3A_328 = arith.constant 31 : i32
          %and3A_329 = vector.broadcast %and3A_328 : i32 to vector<16xi32>
          %and3A_330 = arith.andi %get3A_319, %and3A_329 : vector<16xi32>
          %mul3A_331 = arith.constant 4 : i32
          %mul3A_332 = vector.broadcast %mul3A_331 : i32 to vector<16xi32>
          %mul3A_333 = arith.muli %and3A_330, %mul3A_332 : vector<16xi32>
          %mul3A_334 = arith.constant 4 : i32
          %mul3A_335 = vector.broadcast %mul3A_334 : i32 to vector<16xi32>
          %mul3A_336 = arith.muli %add3A_315, %mul3A_335 : vector<16xi32>
          %add3A_337 = vector.broadcast %mul3A_86 : i32 to vector<16xi32>
          %add3A_338 = arith.addi %add3A_337, %mul3A_336 : vector<16xi32>
          %add3A_339 = arith.constant 0 : i32
          %add3A_340 = vector.broadcast %add3A_339 : i32 to vector<16xi32>
          %add3A_341 = arith.addi %add3A_338, %add3A_340 : vector<16xi32>
          %gather3A_342 = tpu.vector_load_idx %arg18[%add3A_341] : memref<640xf32, #tpu.memory_space<vmem>>[vector<16xi32>], vector<16xf32>,
          %add3A_343 = arith.constant 0 : i32
          %add3A_344 = vector.broadcast %add3A_343 : i32 to vector<16xi32>
          %add3A_345 = arith.addi %mul3A_333, %add3A_344 : vector<16xi32>
          tpu.vector_store_idx %arg23[%add3A_315, %add3A_345], %gather3A_342 : memref<80x128xf32, #tpu.memory_space<vmem>>[vector<16xi32>, vector<16xi32>], vector<16xf32>,
          %mul3A_346 = arith.constant 4 : i32
          %mul3A_347 = vector.broadcast %mul3A_346 : i32 to vector<16xi32>
          %mul3A_348 = arith.muli %add3A_315, %mul3A_347 : vector<16xi32>
          %add3A_349 = vector.broadcast %mul3A_86 : i32 to vector<16xi32>
          %add3A_350 = arith.addi %add3A_349, %mul3A_348 : vector<16xi32>
          %add3A_351 = arith.constant 1 : i32
          %add3A_352 = vector.broadcast %add3A_351 : i32 to vector<16xi32>
          %add3A_353 = arith.addi %add3A_350, %add3A_352 : vector<16xi32>
          %gather3A_354 = tpu.vector_load_idx %arg18[%add3A_353] : memref<640xf32, #tpu.memory_space<vmem>>[vector<16xi32>], vector<16xf32>,
          %add3A_355 = arith.constant 1 : i32
          %add3A_356 = vector.broadcast %add3A_355 : i32 to vector<16xi32>
          %add3A_357 = arith.addi %mul3A_333, %add3A_356 : vector<16xi32>
          tpu.vector_store_idx %arg23[%add3A_315, %add3A_357], %gather3A_354 : memref<80x128xf32, #tpu.memory_space<vmem>>[vector<16xi32>, vector<16xi32>], vector<16xf32>,
          %mul3A_358 = arith.constant 4 : i32
          %mul3A_359 = vector.broadcast %mul3A_358 : i32 to vector<16xi32>
          %mul3A_360 = arith.muli %add3A_315, %mul3A_359 : vector<16xi32>
          %add3A_361 = vector.broadcast %mul3A_86 : i32 to vector<16xi32>
          %add3A_362 = arith.addi %add3A_361, %mul3A_360 : vector<16xi32>
          %add3A_363 = arith.constant 2 : i32
          %add3A_364 = vector.broadcast %add3A_363 : i32 to vector<16xi32>
          %add3A_365 = arith.addi %add3A_362, %add3A_364 : vector<16xi32>
          %gather3A_366 = tpu.vector_load_idx %arg18[%add3A_365] : memref<640xf32, #tpu.memory_space<vmem>>[vector<16xi32>], vector<16xf32>,
          %add3A_367 = arith.constant 2 : i32
          %add3A_368 = vector.broadcast %add3A_367 : i32 to vector<16xi32>
          %add3A_369 = arith.addi %mul3A_333, %add3A_368 : vector<16xi32>
          tpu.vector_store_idx %arg23[%add3A_315, %add3A_369], %gather3A_366 : memref<80x128xf32, #tpu.memory_space<vmem>>[vector<16xi32>, vector<16xi32>], vector<16xf32>,
          %mul3A_370 = arith.constant 4 : i32
          %mul3A_371 = vector.broadcast %mul3A_370 : i32 to vector<16xi32>
          %mul3A_372 = arith.muli %add3A_315, %mul3A_371 : vector<16xi32>
          %add3A_373 = vector.broadcast %mul3A_86 : i32 to vector<16xi32>
          %add3A_374 = arith.addi %add3A_373, %mul3A_372 : vector<16xi32>
          %add3A_375 = arith.constant 3 : i32
          %add3A_376 = vector.broadcast %add3A_375 : i32 to vector<16xi32>
          %add3A_377 = arith.addi %add3A_374, %add3A_376 : vector<16xi32>
          %gather3A_378 = tpu.vector_load_idx %arg18[%add3A_377] : memref<640xf32, #tpu.memory_space<vmem>>[vector<16xi32>], vector<16xf32>,
          %add3A_379 = arith.constant 3 : i32
          %add3A_380 = vector.broadcast %add3A_379 : i32 to vector<16xi32>
          %add3A_381 = arith.addi %mul3A_333, %add3A_380 : vector<16xi32>
          tpu.vector_store_idx %arg23[%add3A_315, %add3A_381], %gather3A_378 : memref<80x128xf32, #tpu.memory_space<vmem>>[vector<16xi32>, vector<16xi32>], vector<16xf32>,
          %add3A_382 = arith.constant 64 : i32
          %add3A_383 = vector.broadcast %add3A_382 : i32 to vector<16xi32>
          %add3A_384 = arith.addi %iota3A, %add3A_383 : vector<16xi32>
          %add3A_385 = arith.constant 64 : i32
          %add3A_386 = arith.addi %mul3A_79, %add3A_385 : i32
          %get3A_387 = arith.index_cast %add3A_386 : i32 to index
          %get3A_388 = tpu.vector_load %arg17[%get3A_387] {strides = array<i32>} : memref<2000xi32, #tpu.memory_space<vmem>>, vector<16xi32>,
          %swap3A_389 = arith.index_cast %and3A_80 : i32 to index
          %swap3A_390 = arith.constant 64 : index
          %swap3A_391 = tpu.vector_load %arg19[%swap3A_389, %swap3A_390] {strides = array<i32>} : memref<2x80xi32, #tpu.memory_space<vmem>>, vector<16xi32>,
          tpu.vector_store %arg19[%swap3A_389, %swap3A_390], %get3A_388 {strides = array<i32>} : memref<2x80xi32, #tpu.memory_space<vmem>>, vector<16xi32>,
          %shift_right_arithmetic3A_392 = arith.constant 5 : i32
          %shift_right_arithmetic3A_393 = vector.broadcast %shift_right_arithmetic3A_392 : i32 to vector<16xi32>
          %shift_right_arithmetic3A_394 = arith.shrsi %get3A_388, %shift_right_arithmetic3A_393 : vector<16xi32>
          %swap3A_395 = arith.constant 64 : index
          %swap3A_396 = tpu.vector_load %arg20[%swap3A_395] {strides = array<i32>} : memref<80xi32, #tpu.memory_space<vmem>>, vector<16xi32>,
          tpu.vector_store %arg20[%swap3A_395], %shift_right_arithmetic3A_394 {strides = array<i32>} : memref<80xi32, #tpu.memory_space<vmem>>, vector<16xi32>,
          %and3A_397 = arith.constant 31 : i32
          %and3A_398 = vector.broadcast %and3A_397 : i32 to vector<16xi32>
          %and3A_399 = arith.andi %get3A_388, %and3A_398 : vector<16xi32>
          %mul3A_400 = arith.constant 4 : i32
          %mul3A_401 = vector.broadcast %mul3A_400 : i32 to vector<16xi32>
          %mul3A_402 = arith.muli %and3A_399, %mul3A_401 : vector<16xi32>
          %mul3A_403 = arith.constant 4 : i32
          %mul3A_404 = vector.broadcast %mul3A_403 : i32 to vector<16xi32>
          %mul3A_405 = arith.muli %add3A_384, %mul3A_404 : vector<16xi32>
          %add3A_406 = vector.broadcast %mul3A_86 : i32 to vector<16xi32>
          %add3A_407 = arith.addi %add3A_406, %mul3A_405 : vector<16xi32>
          %add3A_408 = arith.constant 0 : i32
          %add3A_409 = vector.broadcast %add3A_408 : i32 to vector<16xi32>
          %add3A_410 = arith.addi %add3A_407, %add3A_409 : vector<16xi32>
          %gather3A_411 = tpu.vector_load_idx %arg18[%add3A_410] : memref<640xf32, #tpu.memory_space<vmem>>[vector<16xi32>], vector<16xf32>,
          %add3A_412 = arith.constant 0 : i32
          %add3A_413 = vector.broadcast %add3A_412 : i32 to vector<16xi32>
          %add3A_414 = arith.addi %mul3A_402, %add3A_413 : vector<16xi32>
          tpu.vector_store_idx %arg23[%add3A_384, %add3A_414], %gather3A_411 : memref<80x128xf32, #tpu.memory_space<vmem>>[vector<16xi32>, vector<16xi32>], vector<16xf32>,
          %mul3A_415 = arith.constant 4 : i32
          %mul3A_416 = vector.broadcast %mul3A_415 : i32 to vector<16xi32>
          %mul3A_417 = arith.muli %add3A_384, %mul3A_416 : vector<16xi32>
          %add3A_418 = vector.broadcast %mul3A_86 : i32 to vector<16xi32>
          %add3A_419 = arith.addi %add3A_418, %mul3A_417 : vector<16xi32>
          %add3A_420 = arith.constant 1 : i32
          %add3A_421 = vector.broadcast %add3A_420 : i32 to vector<16xi32>
          %add3A_422 = arith.addi %add3A_419, %add3A_421 : vector<16xi32>
          %gather3A_423 = tpu.vector_load_idx %arg18[%add3A_422] : memref<640xf32, #tpu.memory_space<vmem>>[vector<16xi32>], vector<16xf32>,
          %add3A_424 = arith.constant 1 : i32
          %add3A_425 = vector.broadcast %add3A_424 : i32 to vector<16xi32>
          %add3A_426 = arith.addi %mul3A_402, %add3A_425 : vector<16xi32>
          tpu.vector_store_idx %arg23[%add3A_384, %add3A_426], %gather3A_423 : memref<80x128xf32, #tpu.memory_space<vmem>>[vector<16xi32>, vector<16xi32>], vector<16xf32>,
          %mul3A_427 = arith.constant 4 : i32
          %mul3A_428 = vector.broadcast %mul3A_427 : i32 to vector<16xi32>
          %mul3A_429 = arith.muli %add3A_384, %mul3A_428 : vector<16xi32>
          %add3A_430 = vector.broadcast %mul3A_86 : i32 to vector<16xi32>
          %add3A_431 = arith.addi %add3A_430, %mul3A_429 : vector<16xi32>
          %add3A_432 = arith.constant 2 : i32
          %add3A_433 = vector.broadcast %add3A_432 : i32 to vector<16xi32>
          %add3A_434 = arith.addi %add3A_431, %add3A_433 : vector<16xi32>
          %gather3A_435 = tpu.vector_load_idx %arg18[%add3A_434] : memref<640xf32, #tpu.memory_space<vmem>>[vector<16xi32>], vector<16xf32>,
          %add3A_436 = arith.constant 2 : i32
          %add3A_437 = vector.broadcast %add3A_436 : i32 to vector<16xi32>
          %add3A_438 = arith.addi %mul3A_402, %add3A_437 : vector<16xi32>
          tpu.vector_store_idx %arg23[%add3A_384, %add3A_438], %gather3A_435 : memref<80x128xf32, #tpu.memory_space<vmem>>[vector<16xi32>, vector<16xi32>], vector<16xf32>,
          %mul3A_439 = arith.constant 4 : i32
          %mul3A_440 = vector.broadcast %mul3A_439 : i32 to vector<16xi32>
          %mul3A_441 = arith.muli %add3A_384, %mul3A_440 : vector<16xi32>
          %add3A_442 = vector.broadcast %mul3A_86 : i32 to vector<16xi32>
          %add3A_443 = arith.addi %add3A_442, %mul3A_441 : vector<16xi32>
          %add3A_444 = arith.constant 3 : i32
          %add3A_445 = vector.broadcast %add3A_444 : i32 to vector<16xi32>
          %add3A_446 = arith.addi %add3A_443, %add3A_445 : vector<16xi32>
          %gather3A_447 = tpu.vector_load_idx %arg18[%add3A_446] : memref<640xf32, #tpu.memory_space<vmem>>[vector<16xi32>], vector<16xf32>,
          %add3A_448 = arith.constant 3 : i32
          %add3A_449 = vector.broadcast %add3A_448 : i32 to vector<16xi32>
          %add3A_450 = arith.addi %mul3A_402, %add3A_449 : vector<16xi32>
          tpu.vector_store_idx %arg23[%add3A_384, %add3A_450], %gather3A_447 : memref<80x128xf32, #tpu.memory_space<vmem>>[vector<16xi32>, vector<16xi32>], vector<16xf32>,
          %dma_start3A_451 = arith.constant 0 : i32
          %dma_start3A_452 = arith.constant 0 : i32
          %dma_start3A_453 = tpu.memref_slice %arg15[%dma_start3A_451, %dma_start3A_452] : memref<320x128xf32, #tpu.memory_space<vmem_shared>> -> memref<320x128xf32, #tpu.memory_space<vmem_shared>>
          tpu.enqueue_indirect_dma source(%arg23 : memref<80x128xf32, #tpu.memory_space<vmem>>) target(%dma_start3A_453 : memref<320x128xf32, #tpu.memory_space<vmem_shared>>) offsets(%arg20 : memref<80xi32, #tpu.memory_space<vmem>>) semaphore(%arg28 : memref<!tpu.dma_semaphore, #tpu.memory_space<semaphore_mem>>) {add = true}
          %mul3A_454 = arith.constant 25 : i32
          %mul3A_455 = arith.muli %scan3A_47, %mul3A_454 : i32
          %add3A_456 = arith.addi %mul3A_455, %scan3A_76 : i32
          %gt3A = arith.constant 0 : i32
          %gt3A_457 = arith.cmpi sgt, %add3A_456, %gt3A : i32
          %convert_element_type3A_458 = arith.extui %gt3A_457 : i1 to i32
          %cond3A_459 = arith.constant 0 : i32
          %cond3A_460 = arith.cmpi ne, %convert_element_type3A_458, %cond3A_459 : i32
          scf.if %cond3A_460 {
            %dma_wait3A_603 = arith.constant 0 : i32
            %dma_wait3A_604 = arith.constant 0 : i32
            %dma_wait3A_605 = tpu.memref_slice %arg19[%dma_wait3A_603, %dma_wait3A_604] : memref<2x80xi32, #tpu.memory_space<vmem>> -> memref<1x80xi32, #tpu.memory_space<vmem>>
            %dma_wait3A_606 = tpu.memref_squeeze %dma_wait3A_605 : memref<1x80xi32, #tpu.memory_space<vmem>> -> memref<80xi32, #tpu.memory_space<vmem>>
            %dma_wait3A_607 = arith.constant 0 : i32
            %dma_wait3A_608 = arith.constant 0 : i32
            %dma_wait3A_609 = tpu.memref_slice %arg14[%dma_wait3A_607, %dma_wait3A_608] : memref<10000x128xf32, #tpu.memory_space<vmem_shared>> -> memref<10000x128xf32, #tpu.memory_space<vmem_shared>>
            tpu.wait_indirect_dma semaphore(%arg27 : memref<!tpu.dma_semaphore, #tpu.memory_space<semaphore_mem>>) src(%arg22 : memref<80x128xf32, #tpu.memory_space<vmem>>) dst(%dma_wait3A_609 : memref<10000x128xf32, #tpu.memory_space<vmem_shared>>)
          } else {
          }
          %scan3A_461 = arith.constant 0 : i32
          %scan3A_462 = arith.constant 0 : i32
          %scan3A_463 = arith.constant 80 : i32
          %scan3A_464 = arith.addi %scan3A_462, %scan3A_463 : i32
          %scan3A_465 = arith.constant 1 : i32
          %scan3A_466 = scf.for %scan3A_603 = %scan3A_462 to %scan3A_464 step %scan3A_465 iter_args(%scan3A_604 = %scan3A_461) -> (i32)  : i32 {
            %mul3A_605 = arith.constant 4 : i32
            %mul3A_606 = arith.muli %scan3A_603, %mul3A_605 : i32
            %add3A_607 = arith.constant 0 : i32
            %add3A_608 = arith.addi %mul3A_606, %add3A_607 : i32
            %broadcast_in_dim3A_609 = vector.broadcast %add3A_608 : i32 to vector<16xi32>
            %add3A_610 = vector.broadcast %mul3A_86 : i32 to vector<16xi32>
            %add3A_611 = arith.addi %broadcast_in_dim3A_609, %add3A_610 : vector<16xi32>
            %gather3A_612 = tpu.vector_load_idx %arg18[%add3A_611] : memref<640xf32, #tpu.memory_space<vmem>>[vector<16xi32>], vector<16xf32>,
            %add3A_613 = arith.addi %mul3A_82, %scan3A_603 : i32
            %get3A_614 = arith.index_cast %add3A_613 : i32 to index
            %get3A_615 = arith.constant 0 : index
            %get3A_616 = tpu.vector_load %arg21[%get3A_614, %get3A_615] {strides = array<i32>} : memref<160x128xf32, #tpu.memory_space<vmem>>, vector<16xf32>,
            %mul3A_617 = arith.mulf %get3A_616, %gather3A_612 : vector<16xf32>
            %swap3A_618 = arith.index_cast %scan3A_603 : i32 to index
            %swap3A_619 = arith.constant 0 : index
            %swap3A_620 = tpu.vector_load %arg22[%swap3A_618, %swap3A_619] {strides = array<i32>} : memref<80x128xf32, #tpu.memory_space<vmem>>, vector<16xf32>,
            tpu.vector_store %arg22[%swap3A_618, %swap3A_619], %mul3A_617 {strides = array<i32>} : memref<80x128xf32, #tpu.memory_space<vmem>>, vector<16xf32>,
            %add3A_621 = arith.addi %mul3A_82, %scan3A_603 : i32
            %get3A_622 = arith.index_cast %add3A_621 : i32 to index
            %get3A_623 = arith.constant 16 : index
            %get3A_624 = tpu.vector_load %arg21[%get3A_622, %get3A_623] {strides = array<i32>} : memref<160x128xf32, #tpu.memory_space<vmem>>, vector<16xf32>,
            %mul3A_625 = arith.mulf %get3A_624, %gather3A_612 : vector<16xf32>
            %swap3A_626 = arith.index_cast %scan3A_603 : i32 to index
            %swap3A_627 = arith.constant 16 : index
            %swap3A_628 = tpu.vector_load %arg22[%swap3A_626, %swap3A_627] {strides = array<i32>} : memref<80x128xf32, #tpu.memory_space<vmem>>, vector<16xf32>,
            tpu.vector_store %arg22[%swap3A_626, %swap3A_627], %mul3A_625 {strides = array<i32>} : memref<80x128xf32, #tpu.memory_space<vmem>>, vector<16xf32>,
            %mul3A_629 = arith.constant 4 : i32
            %mul3A_630 = arith.muli %scan3A_603, %mul3A_629 : i32
            %add3A_631 = arith.constant 1 : i32
            %add3A_632 = arith.addi %mul3A_630, %add3A_631 : i32
            %broadcast_in_dim3A_633 = vector.broadcast %add3A_632 : i32 to vector<16xi32>
            %add3A_634 = vector.broadcast %mul3A_86 : i32 to vector<16xi32>
            %add3A_635 = arith.addi %broadcast_in_dim3A_633, %add3A_634 : vector<16xi32>
            %gather3A_636 = tpu.vector_load_idx %arg18[%add3A_635] : memref<640xf32, #tpu.memory_space<vmem>>[vector<16xi32>], vector<16xf32>,
            %add3A_637 = arith.addi %mul3A_82, %scan3A_603 : i32
            %get3A_638 = arith.index_cast %add3A_637 : i32 to index
            %get3A_639 = arith.constant 32 : index
            %get3A_640 = tpu.vector_load %arg21[%get3A_638, %get3A_639] {strides = array<i32>} : memref<160x128xf32, #tpu.memory_space<vmem>>, vector<16xf32>,
            %mul3A_641 = arith.mulf %get3A_640, %gather3A_636 : vector<16xf32>
            %swap3A_642 = arith.index_cast %scan3A_603 : i32 to index
            %swap3A_643 = arith.constant 32 : index
            %swap3A_644 = tpu.vector_load %arg22[%swap3A_642, %swap3A_643] {strides = array<i32>} : memref<80x128xf32, #tpu.memory_space<vmem>>, vector<16xf32>,
            tpu.vector_store %arg22[%swap3A_642, %swap3A_643], %mul3A_641 {strides = array<i32>} : memref<80x128xf32, #tpu.memory_space<vmem>>, vector<16xf32>,
            %add3A_645 = arith.addi %mul3A_82, %scan3A_603 : i32
            %get3A_646 = arith.index_cast %add3A_645 : i32 to index
            %get3A_647 = arith.constant 48 : index
            %get3A_648 = tpu.vector_load %arg21[%get3A_646, %get3A_647] {strides = array<i32>} : memref<160x128xf32, #tpu.memory_space<vmem>>, vector<16xf32>,
            %mul3A_649 = arith.mulf %get3A_648, %gather3A_636 : vector<16xf32>
            %swap3A_650 = arith.index_cast %scan3A_603 : i32 to index
            %swap3A_651 = arith.constant 48 : index
            %swap3A_652 = tpu.vector_load %arg22[%swap3A_650, %swap3A_651] {strides = array<i32>} : memref<80x128xf32, #tpu.memory_space<vmem>>, vector<16xf32>,
            tpu.vector_store %arg22[%swap3A_650, %swap3A_651], %mul3A_649 {strides = array<i32>} : memref<80x128xf32, #tpu.memory_space<vmem>>, vector<16xf32>,
            %mul3A_653 = arith.constant 4 : i32
            %mul3A_654 = arith.muli %scan3A_603, %mul3A_653 : i32
            %add3A_655 = arith.constant 2 : i32
            %add3A_656 = arith.addi %mul3A_654, %add3A_655 : i32
            %broadcast_in_dim3A_657 = vector.broadcast %add3A_656 : i32 to vector<16xi32>
            %add3A_658 = vector.broadcast %mul3A_86 : i32 to vector<16xi32>
            %add3A_659 = arith.addi %broadcast_in_dim3A_657, %add3A_658 : vector<16xi32>
            %gather3A_660 = tpu.vector_load_idx %arg18[%add3A_659] : memref<640xf32, #tpu.memory_space<vmem>>[vector<16xi32>], vector<16xf32>,
            %add3A_661 = arith.addi %mul3A_82, %scan3A_603 : i32
            %get3A_662 = arith.index_cast %add3A_661 : i32 to index
            %get3A_663 = arith.constant 64 : index
            %get3A_664 = tpu.vector_load %arg21[%get3A_662, %get3A_663] {strides = array<i32>} : memref<160x128xf32, #tpu.memory_space<vmem>>, vector<16xf32>,
            %mul3A_665 = arith.mulf %get3A_664, %gather3A_660 : vector<16xf32>
            %swap3A_666 = arith.index_cast %scan3A_603 : i32 to index
            %swap3A_667 = arith.constant 64 : index
            %swap3A_668 = tpu.vector_load %arg22[%swap3A_666, %swap3A_667] {strides = array<i32>} : memref<80x128xf32, #tpu.memory_space<vmem>>, vector<16xf32>,
            tpu.vector_store %arg22[%swap3A_666, %swap3A_667], %mul3A_665 {strides = array<i32>} : memref<80x128xf32, #tpu.memory_space<vmem>>, vector<16xf32>,
            %add3A_669 = arith.addi %mul3A_82, %scan3A_603 : i32
            %get3A_670 = arith.index_cast %add3A_669 : i32 to index
            %get3A_671 = arith.constant 80 : index
            %get3A_672 = tpu.vector_load %arg21[%get3A_670, %get3A_671] {strides = array<i32>} : memref<160x128xf32, #tpu.memory_space<vmem>>, vector<16xf32>,
            %mul3A_673 = arith.mulf %get3A_672, %gather3A_660 : vector<16xf32>
            %swap3A_674 = arith.index_cast %scan3A_603 : i32 to index
            %swap3A_675 = arith.constant 80 : index
            %swap3A_676 = tpu.vector_load %arg22[%swap3A_674, %swap3A_675] {strides = array<i32>} : memref<80x128xf32, #tpu.memory_space<vmem>>, vector<16xf32>,
            tpu.vector_store %arg22[%swap3A_674, %swap3A_675], %mul3A_673 {strides = array<i32>} : memref<80x128xf32, #tpu.memory_space<vmem>>, vector<16xf32>,
            %mul3A_677 = arith.constant 4 : i32
            %mul3A_678 = arith.muli %scan3A_603, %mul3A_677 : i32
            %add3A_679 = arith.constant 3 : i32
            %add3A_680 = arith.addi %mul3A_678, %add3A_679 : i32
            %broadcast_in_dim3A_681 = vector.broadcast %add3A_680 : i32 to vector<16xi32>
            %add3A_682 = vector.broadcast %mul3A_86 : i32 to vector<16xi32>
            %add3A_683 = arith.addi %broadcast_in_dim3A_681, %add3A_682 : vector<16xi32>
            %gather3A_684 = tpu.vector_load_idx %arg18[%add3A_683] : memref<640xf32, #tpu.memory_space<vmem>>[vector<16xi32>], vector<16xf32>,
            %add3A_685 = arith.addi %mul3A_82, %scan3A_603 : i32
            %get3A_686 = arith.index_cast %add3A_685 : i32 to index
            %get3A_687 = arith.constant 96 : index
            %get3A_688 = tpu.vector_load %arg21[%get3A_686, %get3A_687] {strides = array<i32>} : memref<160x128xf32, #tpu.memory_space<vmem>>, vector<16xf32>,
            %mul3A_689 = arith.mulf %get3A_688, %gather3A_684 : vector<16xf32>
            %swap3A_690 = arith.index_cast %scan3A_603 : i32 to index
            %swap3A_691 = arith.constant 96 : index
            %swap3A_692 = tpu.vector_load %arg22[%swap3A_690, %swap3A_691] {strides = array<i32>} : memref<80x128xf32, #tpu.memory_space<vmem>>, vector<16xf32>,
            tpu.vector_store %arg22[%swap3A_690, %swap3A_691], %mul3A_689 {strides = array<i32>} : memref<80x128xf32, #tpu.memory_space<vmem>>, vector<16xf32>,
            %add3A_693 = arith.addi %mul3A_82, %scan3A_603 : i32
            %get3A_694 = arith.index_cast %add3A_693 : i32 to index
            %get3A_695 = arith.constant 112 : index
            %get3A_696 = tpu.vector_load %arg21[%get3A_694, %get3A_695] {strides = array<i32>} : memref<160x128xf32, #tpu.memory_space<vmem>>, vector<16xf32>,
            %mul3A_697 = arith.mulf %get3A_696, %gather3A_684 : vector<16xf32>
            %swap3A_698 = arith.index_cast %scan3A_603 : i32 to index
            %swap3A_699 = arith.constant 112 : index
            %swap3A_700 = tpu.vector_load %arg22[%swap3A_698, %swap3A_699] {strides = array<i32>} : memref<80x128xf32, #tpu.memory_space<vmem>>, vector<16xf32>,
            tpu.vector_store %arg22[%swap3A_698, %swap3A_699], %mul3A_697 {strides = array<i32>} : memref<80x128xf32, #tpu.memory_space<vmem>>, vector<16xf32>,
            %scan3A_701 = arith.constant 0 : i32
            scf.yield %scan3A_701 : i32
          }
          %scan3A_467 = arith.constant 80 : i32
          %dma_start3A_468 = arith.constant 0 : i32
          %dma_start3A_469 = tpu.memref_slice %arg19[%and3A_80, %dma_start3A_468] : memref<2x80xi32, #tpu.memory_space<vmem>> -> memref<1x80xi32, #tpu.memory_space<vmem>>
          %dma_start3A_470 = tpu.memref_squeeze %dma_start3A_469 : memref<1x80xi32, #tpu.memory_space<vmem>> -> memref<80xi32, #tpu.memory_space<vmem>>
          %dma_start3A_471 = arith.constant 0 : i32
          %dma_start3A_472 = arith.constant 0 : i32
          %dma_start3A_473 = tpu.memref_slice %arg14[%dma_start3A_471, %dma_start3A_472] : memref<10000x128xf32, #tpu.memory_space<vmem_shared>> -> memref<10000x128xf32, #tpu.memory_space<vmem_shared>>
          tpu.enqueue_indirect_dma source(%arg22 : memref<80x128xf32, #tpu.memory_space<vmem>>) target(%dma_start3A_473 : memref<10000x128xf32, #tpu.memory_space<vmem_shared>>) offsets(%dma_start3A_470 : memref<80xi32, #tpu.memory_space<vmem>>) semaphore(%arg27 : memref<!tpu.dma_semaphore, #tpu.memory_space<semaphore_mem>>) {add = true}
          %dma_wait3A_474 = arith.constant 0 : i32
          %dma_wait3A_475 = arith.constant 0 : i32
          %dma_wait3A_476 = tpu.memref_slice %arg15[%dma_wait3A_474, %dma_wait3A_475] : memref<320x128xf32, #tpu.memory_space<vmem_shared>> -> memref<320x128xf32, #tpu.memory_space<vmem_shared>>
          tpu.wait_indirect_dma semaphore(%arg28 : memref<!tpu.dma_semaphore, #tpu.memory_space<semaphore_mem>>) src(%arg23 : memref<80x128xf32, #tpu.memory_space<vmem>>) dst(%dma_wait3A_476 : memref<320x128xf32, #tpu.memory_space<vmem_shared>>)
          %add3A_477 = arith.constant 0 : i32
          %add3A_478 = vector.broadcast %add3A_477 : i32 to vector<16xi32>
          %add3A_479 = arith.addi %iota3A, %add3A_478 : vector<16xi32>
          %add3A_480 = arith.constant 0 : i32
          %add3A_481 = arith.addi %mul3A_79, %add3A_480 : i32
          %get3A_482 = arith.index_cast %add3A_481 : i32 to index
          %get3A_483 = tpu.vector_load %arg17[%get3A_482] {strides = array<i32>} : memref<2000xi32, #tpu.memory_space<vmem>>, vector<16xi32>,
          %and3A_484 = arith.constant 31 : i32
          %and3A_485 = vector.broadcast %and3A_484 : i32 to vector<16xi32>
          %and3A_486 = arith.andi %get3A_483, %and3A_485 : vector<16xi32>
          %mul3A_487 = arith.constant 4 : i32
          %mul3A_488 = vector.broadcast %mul3A_487 : i32 to vector<16xi32>
          %mul3A_489 = arith.muli %and3A_486, %mul3A_488 : vector<16xi32>
          %add3A_490 = arith.constant 0 : i32
          %add3A_491 = vector.broadcast %add3A_490 : i32 to vector<16xi32>
          %add3A_492 = arith.addi %mul3A_489, %add3A_491 : vector<16xi32>
          tpu.vector_store_idx %arg23[%add3A_479, %add3A_492], %broadcast_in_dim3A_0 : memref<80x128xf32, #tpu.memory_space<vmem>>[vector<16xi32>, vector<16xi32>], vector<16xf32>,
          %add3A_493 = arith.constant 1 : i32
          %add3A_494 = vector.broadcast %add3A_493 : i32 to vector<16xi32>
          %add3A_495 = arith.addi %mul3A_489, %add3A_494 : vector<16xi32>
          tpu.vector_store_idx %arg23[%add3A_479, %add3A_495], %broadcast_in_dim3A_0 : memref<80x128xf32, #tpu.memory_space<vmem>>[vector<16xi32>, vector<16xi32>], vector<16xf32>,
          %add3A_496 = arith.constant 2 : i32
          %add3A_497 = vector.broadcast %add3A_496 : i32 to vector<16xi32>
          %add3A_498 = arith.addi %mul3A_489, %add3A_497 : vector<16xi32>
          tpu.vector_store_idx %arg23[%add3A_479, %add3A_498], %broadcast_in_dim3A_0 : memref<80x128xf32, #tpu.memory_space<vmem>>[vector<16xi32>, vector<16xi32>], vector<16xf32>,
          %add3A_499 = arith.constant 3 : i32
          %add3A_500 = vector.broadcast %add3A_499 : i32 to vector<16xi32>
          %add3A_501 = arith.addi %mul3A_489, %add3A_500 : vector<16xi32>
          tpu.vector_store_idx %arg23[%add3A_479, %add3A_501], %broadcast_in_dim3A_0 : memref<80x128xf32, #tpu.memory_space<vmem>>[vector<16xi32>, vector<16xi32>], vector<16xf32>,
          %add3A_502 = arith.constant 16 : i32
          %add3A_503 = vector.broadcast %add3A_502 : i32 to vector<16xi32>
          %add3A_504 = arith.addi %iota3A, %add3A_503 : vector<16xi32>
          %add3A_505 = arith.constant 16 : i32
          %add3A_506 = arith.addi %mul3A_79, %add3A_505 : i32
          %get3A_507 = arith.index_cast %add3A_506 : i32 to index
          %get3A_508 = tpu.vector_load %arg17[%get3A_507] {strides = array<i32>} : memref<2000xi32, #tpu.memory_space<vmem>>, vector<16xi32>,
          %and3A_509 = arith.constant 31 : i32
          %and3A_510 = vector.broadcast %and3A_509 : i32 to vector<16xi32>
          %and3A_511 = arith.andi %get3A_508, %and3A_510 : vector<16xi32>
          %mul3A_512 = arith.constant 4 : i32
          %mul3A_513 = vector.broadcast %mul3A_512 : i32 to vector<16xi32>
          %mul3A_514 = arith.muli %and3A_511, %mul3A_513 : vector<16xi32>
          %add3A_515 = arith.constant 0 : i32
          %add3A_516 = vector.broadcast %add3A_515 : i32 to vector<16xi32>
          %add3A_517 = arith.addi %mul3A_514, %add3A_516 : vector<16xi32>
          tpu.vector_store_idx %arg23[%add3A_504, %add3A_517], %broadcast_in_dim3A_0 : memref<80x128xf32, #tpu.memory_space<vmem>>[vector<16xi32>, vector<16xi32>], vector<16xf32>,
          %add3A_518 = arith.constant 1 : i32
          %add3A_519 = vector.broadcast %add3A_518 : i32 to vector<16xi32>
          %add3A_520 = arith.addi %mul3A_514, %add3A_519 : vector<16xi32>
          tpu.vector_store_idx %arg23[%add3A_504, %add3A_520], %broadcast_in_dim3A_0 : memref<80x128xf32, #tpu.memory_space<vmem>>[vector<16xi32>, vector<16xi32>], vector<16xf32>,
          %add3A_521 = arith.constant 2 : i32
          %add3A_522 = vector.broadcast %add3A_521 : i32 to vector<16xi32>
          %add3A_523 = arith.addi %mul3A_514, %add3A_522 : vector<16xi32>
          tpu.vector_store_idx %arg23[%add3A_504, %add3A_523], %broadcast_in_dim3A_0 : memref<80x128xf32, #tpu.memory_space<vmem>>[vector<16xi32>, vector<16xi32>], vector<16xf32>,
          %add3A_524 = arith.constant 3 : i32
          %add3A_525 = vector.broadcast %add3A_524 : i32 to vector<16xi32>
          %add3A_526 = arith.addi %mul3A_514, %add3A_525 : vector<16xi32>
          tpu.vector_store_idx %arg23[%add3A_504, %add3A_526], %broadcast_in_dim3A_0 : memref<80x128xf32, #tpu.memory_space<vmem>>[vector<16xi32>, vector<16xi32>], vector<16xf32>,
          %add3A_527 = arith.constant 32 : i32
          %add3A_528 = vector.broadcast %add3A_527 : i32 to vector<16xi32>
          %add3A_529 = arith.addi %iota3A, %add3A_528 : vector<16xi32>
          %add3A_530 = arith.constant 32 : i32
          %add3A_531 = arith.addi %mul3A_79, %add3A_530 : i32
          %get3A_532 = arith.index_cast %add3A_531 : i32 to index
          %get3A_533 = tpu.vector_load %arg17[%get3A_532] {strides = array<i32>} : memref<2000xi32, #tpu.memory_space<vmem>>, vector<16xi32>,
          %and3A_534 = arith.constant 31 : i32
          %and3A_535 = vector.broadcast %and3A_534 : i32 to vector<16xi32>
          %and3A_536 = arith.andi %get3A_533, %and3A_535 : vector<16xi32>
          %mul3A_537 = arith.constant 4 : i32
          %mul3A_538 = vector.broadcast %mul3A_537 : i32 to vector<16xi32>
          %mul3A_539 = arith.muli %and3A_536, %mul3A_538 : vector<16xi32>
          %add3A_540 = arith.constant 0 : i32
          %add3A_541 = vector.broadcast %add3A_540 : i32 to vector<16xi32>
          %add3A_542 = arith.addi %mul3A_539, %add3A_541 : vector<16xi32>
          tpu.vector_store_idx %arg23[%add3A_529, %add3A_542], %broadcast_in_dim3A_0 : memref<80x128xf32, #tpu.memory_space<vmem>>[vector<16xi32>, vector<16xi32>], vector<16xf32>,
          %add3A_543 = arith.constant 1 : i32
          %add3A_544 = vector.broadcast %add3A_543 : i32 to vector<16xi32>
          %add3A_545 = arith.addi %mul3A_539, %add3A_544 : vector<16xi32>
          tpu.vector_store_idx %arg23[%add3A_529, %add3A_545], %broadcast_in_dim3A_0 : memref<80x128xf32, #tpu.memory_space<vmem>>[vector<16xi32>, vector<16xi32>], vector<16xf32>,
          %add3A_546 = arith.constant 2 : i32
          %add3A_547 = vector.broadcast %add3A_546 : i32 to vector<16xi32>
          %add3A_548 = arith.addi %mul3A_539, %add3A_547 : vector<16xi32>
          tpu.vector_store_idx %arg23[%add3A_529, %add3A_548], %broadcast_in_dim3A_0 : memref<80x128xf32, #tpu.memory_space<vmem>>[vector<16xi32>, vector<16xi32>], vector<16xf32>,
          %add3A_549 = arith.constant 3 : i32
          %add3A_550 = vector.broadcast %add3A_549 : i32 to vector<16xi32>
          %add3A_551 = arith.addi %mul3A_539, %add3A_550 : vector<16xi32>
          tpu.vector_store_idx %arg23[%add3A_529, %add3A_551], %broadcast_in_dim3A_0 : memref<80x128xf32, #tpu.memory_space<vmem>>[vector<16xi32>, vector<16xi32>], vector<16xf32>,
          %add3A_552 = arith.constant 48 : i32
          %add3A_553 = vector.broadcast %add3A_552 : i32 to vector<16xi32>
          %add3A_554 = arith.addi %iota3A, %add3A_553 : vector<16xi32>
          %add3A_555 = arith.constant 48 : i32
          %add3A_556 = arith.addi %mul3A_79, %add3A_555 : i32
          %get3A_557 = arith.index_cast %add3A_556 : i32 to index
          %get3A_558 = tpu.vector_load %arg17[%get3A_557] {strides = array<i32>} : memref<2000xi32, #tpu.memory_space<vmem>>, vector<16xi32>,
          %and3A_559 = arith.constant 31 : i32
          %and3A_560 = vector.broadcast %and3A_559 : i32 to vector<16xi32>
          %and3A_561 = arith.andi %get3A_558, %and3A_560 : vector<16xi32>
          %mul3A_562 = arith.constant 4 : i32
          %mul3A_563 = vector.broadcast %mul3A_562 : i32 to vector<16xi32>
          %mul3A_564 = arith.muli %and3A_561, %mul3A_563 : vector<16xi32>
          %add3A_565 = arith.constant 0 : i32
          %add3A_566 = vector.broadcast %add3A_565 : i32 to vector<16xi32>
          %add3A_567 = arith.addi %mul3A_564, %add3A_566 : vector<16xi32>
          tpu.vector_store_idx %arg23[%add3A_554, %add3A_567], %broadcast_in_dim3A_0 : memref<80x128xf32, #tpu.memory_space<vmem>>[vector<16xi32>, vector<16xi32>], vector<16xf32>,
          %add3A_568 = arith.constant 1 : i32
          %add3A_569 = vector.broadcast %add3A_568 : i32 to vector<16xi32>
          %add3A_570 = arith.addi %mul3A_564, %add3A_569 : vector<16xi32>
          tpu.vector_store_idx %arg23[%add3A_554, %add3A_570], %broadcast_in_dim3A_0 : memref<80x128xf32, #tpu.memory_space<vmem>>[vector<16xi32>, vector<16xi32>], vector<16xf32>,
          %add3A_571 = arith.constant 2 : i32
          %add3A_572 = vector.broadcast %add3A_571 : i32 to vector<16xi32>
          %add3A_573 = arith.addi %mul3A_564, %add3A_572 : vector<16xi32>
          tpu.vector_store_idx %arg23[%add3A_554, %add3A_573], %broadcast_in_dim3A_0 : memref<80x128xf32, #tpu.memory_space<vmem>>[vector<16xi32>, vector<16xi32>], vector<16xf32>,
          %add3A_574 = arith.constant 3 : i32
          %add3A_575 = vector.broadcast %add3A_574 : i32 to vector<16xi32>
          %add3A_576 = arith.addi %mul3A_564, %add3A_575 : vector<16xi32>
          tpu.vector_store_idx %arg23[%add3A_554, %add3A_576], %broadcast_in_dim3A_0 : memref<80x128xf32, #tpu.memory_space<vmem>>[vector<16xi32>, vector<16xi32>], vector<16xf32>,
          %add3A_577 = arith.constant 64 : i32
          %add3A_578 = vector.broadcast %add3A_577 : i32 to vector<16xi32>
          %add3A_579 = arith.addi %iota3A, %add3A_578 : vector<16xi32>
          %add3A_580 = arith.constant 64 : i32
          %add3A_581 = arith.addi %mul3A_79, %add3A_580 : i32
          %get3A_582 = arith.index_cast %add3A_581 : i32 to index
          %get3A_583 = tpu.vector_load %arg17[%get3A_582] {strides = array<i32>} : memref<2000xi32, #tpu.memory_space<vmem>>, vector<16xi32>,
          %and3A_584 = arith.constant 31 : i32
          %and3A_585 = vector.broadcast %and3A_584 : i32 to vector<16xi32>
          %and3A_586 = arith.andi %get3A_583, %and3A_585 : vector<16xi32>
          %mul3A_587 = arith.constant 4 : i32
          %mul3A_588 = vector.broadcast %mul3A_587 : i32 to vector<16xi32>
          %mul3A_589 = arith.muli %and3A_586, %mul3A_588 : vector<16xi32>
          %add3A_590 = arith.constant 0 : i32
          %add3A_591 = vector.broadcast %add3A_590 : i32 to vector<16xi32>
          %add3A_592 = arith.addi %mul3A_589, %add3A_591 : vector<16xi32>
          tpu.vector_store_idx %arg23[%add3A_579, %add3A_592], %broadcast_in_dim3A_0 : memref<80x128xf32, #tpu.memory_space<vmem>>[vector<16xi32>, vector<16xi32>], vector<16xf32>,
          %add3A_593 = arith.constant 1 : i32
          %add3A_594 = vector.broadcast %add3A_593 : i32 to vector<16xi32>
          %add3A_595 = arith.addi %mul3A_589, %add3A_594 : vector<16xi32>
          tpu.vector_store_idx %arg23[%add3A_579, %add3A_595], %broadcast_in_dim3A_0 : memref<80x128xf32, #tpu.memory_space<vmem>>[vector<16xi32>, vector<16xi32>], vector<16xf32>,
          %add3A_596 = arith.constant 2 : i32
          %add3A_597 = vector.broadcast %add3A_596 : i32 to vector<16xi32>
          %add3A_598 = arith.addi %mul3A_589, %add3A_597 : vector<16xi32>
          tpu.vector_store_idx %arg23[%add3A_579, %add3A_598], %broadcast_in_dim3A_0 : memref<80x128xf32, #tpu.memory_space<vmem>>[vector<16xi32>, vector<16xi32>], vector<16xf32>,
          %add3A_599 = arith.constant 3 : i32
          %add3A_600 = vector.broadcast %add3A_599 : i32 to vector<16xi32>
          %add3A_601 = arith.addi %mul3A_589, %add3A_600 : vector<16xi32>
          tpu.vector_store_idx %arg23[%add3A_579, %add3A_601], %broadcast_in_dim3A_0 : memref<80x128xf32, #tpu.memory_space<vmem>>[vector<16xi32>, vector<16xi32>], vector<16xf32>,
          %scan3A_602 = arith.constant 0 : i32
          scf.yield %scan3A_602 : i32
        }
        %scan3A_74 = arith.constant 25 : i32
        %scan3A_75 = arith.constant 0 : i32
        scf.yield %scan3A_75 : i32
      }
      %scan3A_32 = arith.constant 5 : i32
      %dma_wait3A = arith.constant 0 : i32
      %dma_wait3A_33 = arith.constant 0 : i32
      %dma_wait3A_34 = tpu.memref_slice %arg19[%dma_wait3A, %dma_wait3A_33] : memref<2x80xi32, #tpu.memory_space<vmem>> -> memref<1x80xi32, #tpu.memory_space<vmem>>
      %dma_wait3A_35 = tpu.memref_squeeze %dma_wait3A_34 : memref<1x80xi32, #tpu.memory_space<vmem>> -> memref<80xi32, #tpu.memory_space<vmem>>
      %dma_wait3A_36 = arith.constant 0 : i32
      %dma_wait3A_37 = arith.constant 0 : i32
      %dma_wait3A_38 = tpu.memref_slice %arg14[%dma_wait3A_36, %dma_wait3A_37] : memref<10000x128xf32, #tpu.memory_space<vmem_shared>> -> memref<10000x128xf32, #tpu.memory_space<vmem_shared>>
      tpu.wait_indirect_dma semaphore(%arg27 : memref<!tpu.dma_semaphore, #tpu.memory_space<semaphore_mem>>) src(%arg22 : memref<80x128xf32, #tpu.memory_space<vmem>>) dst(%dma_wait3A_38 : memref<10000x128xf32, #tpu.memory_space<vmem_shared>>)
      %barrier3A_39 = arith.constant 0 : index
      tpu.barrier barrier_id(%barrier3A_39)
      %scan3A_40 = arith.constant 0 : i32
      %scan3A_41 = arith.constant 0 : i32
      %scan3A_42 = arith.constant 8 : i32
      %scan3A_43 = arith.addi %scan3A_41, %scan3A_42 : i32
      %scan3A_44 = arith.constant 1 : i32
      %scan3A_45 = scf.for %scan3A_47 = %scan3A_41 to %scan3A_43 step %scan3A_44 iter_args(%scan3A_48 = %scan3A_40) -> (i32)  : i32 {
        %mul3A_49 = arith.constant 16 : i32
        %mul3A_50 = arith.muli %scan3A_47, %mul3A_49 : i32
        %add3A = arith.addi %arg1, %mul3A_50 : i32
        %lt3A_51 = arith.constant 125 : i32
        %lt3A_52 = arith.cmpi slt, %add3A, %lt3A_51 : i32
        %convert_element_type3A_53 = arith.extui %lt3A_52 : i1 to i32
        %cond3A_54 = arith.constant 0 : i32
        %cond3A_55 = arith.cmpi ne, %convert_element_type3A_53, %cond3A_54 : i32
        scf.if %cond3A_55 {
          %mul3A_57 = arith.constant 80 : i32
          %mul3A_58 = arith.muli %add3A, %mul3A_57 : i32
          "tpu.region"() ({
            %run_scoped3A = tpu.sem_alloc : memref<!tpu.dma_semaphore, #tpu.memory_space<semaphore_mem>>
            %dma_start3A = arith.constant 0 : i32
            %dma_start3A_108 = tpu.memref_slice %arg14[%mul3A_58, %dma_start3A] : memref<10000x128xf32, #tpu.memory_space<vmem_shared>> -> memref<80x128xf32, #tpu.memory_space<vmem_shared>>
            %dma_start3A_109 = arith.constant 0 : i32
            %dma_start3A_110 = tpu.memref_slice %arg14[%mul3A_58, %dma_start3A_109] : memref<10000x128xf32, #tpu.memory_space<vmem_shared>> -> memref<80x128xf32, #tpu.memory_space<vmem_shared>>
            tpu.enqueue_dma source(%dma_start3A_110 : memref<80x128xf32, #tpu.memory_space<vmem_shared>>) target(%arg22 : memref<80x128xf32, #tpu.memory_space<vmem>>) target_semaphore(%run_scoped3A : memref<!tpu.dma_semaphore, #tpu.memory_space<semaphore_mem>>)
            %dma_wait3A_111 = arith.constant 0 : i32
            %dma_wait3A_112 = tpu.memref_slice %arg14[%mul3A_58, %dma_wait3A_111] : memref<10000x128xf32, #tpu.memory_space<vmem_shared>> -> memref<80x128xf32, #tpu.memory_space<vmem_shared>>
            %dma_wait3A_113 = arith.constant 0 : i32
            %dma_wait3A_114 = tpu.memref_slice %arg14[%mul3A_58, %dma_wait3A_113] : memref<10000x128xf32, #tpu.memory_space<vmem_shared>> -> memref<80x128xf32, #tpu.memory_space<vmem_shared>>
            tpu.wait_dma2 semaphore(%run_scoped3A : memref<!tpu.dma_semaphore, #tpu.memory_space<semaphore_mem>>) src(%dma_wait3A_114 : memref<80x128xf32, #tpu.memory_space<vmem_shared>>) dst(%arg22 : memref<80x128xf32, #tpu.memory_space<vmem>>)
            tpu.yield
          }) : () -> ()
          %jit3A = arith.constant 32 : i32
          %div3A = arith.divsi %mul3A_58, %jit3A : i32
          %sign3A = arith.constant 0 : i32
          %sign3A_59 = arith.cmpi sgt, %mul3A_58, %sign3A : i32
          %sign3A_60 = arith.extui %sign3A_59 : i1 to i32
          %sign3A_61 = arith.constant 0 : i32
          %sign3A_62 = arith.cmpi slt, %mul3A_58, %sign3A_61 : i32
          %sign3A_63 = arith.extui %sign3A_62 : i1 to i32
          %sign3A_64 = arith.subi %sign3A_60, %sign3A_63 : i32
          %sign3A_65 = arith.constant 0 : i32
          %sign3A_66 = arith.cmpi sgt, %jit3A, %sign3A_65 : i32
          %sign3A_67 = arith.extui %sign3A_66 : i1 to i32
          %sign3A_68 = arith.constant 0 : i32
          %sign3A_69 = arith.cmpi slt, %jit3A, %sign3A_68 : i32
          %sign3A_70 = arith.extui %sign3A_69 : i1 to i32
          %sign3A_71 = arith.subi %sign3A_67, %sign3A_70 : i32
          %ne3A = arith.cmpi ne, %sign3A_64, %sign3A_71 : i32
          %rem3A = arith.remsi %mul3A_58, %jit3A : i32
          %ne3A_72 = arith.constant 0 : i32
          %ne3A_73 = arith.cmpi ne, %rem3A, %ne3A_72 : i32
          %and3A = arith.andi %ne3A, %ne3A_73 : i1
          %sub3A = arith.constant 1 : i32
          %sub3A_74 = arith.subi %div3A, %sub3A : i32
          %select_n3A = arith.select %and3A, %sub3A_74, %div3A : i32
          %jit3A_75 = arith.constant 8 : i32
          %div3A_76 = arith.divsi %select_n3A, %jit3A_75 : i32
          %sign3A_77 = arith.constant 0 : i32
          %sign3A_78 = arith.cmpi sgt, %select_n3A, %sign3A_77 : i32
          %sign3A_79 = arith.extui %sign3A_78 : i1 to i32
          %sign3A_80 = arith.constant 0 : i32
          %sign3A_81 = arith.cmpi slt, %select_n3A, %sign3A_80 : i32
          %sign3A_82 = arith.extui %sign3A_81 : i1 to i32
          %sign3A_83 = arith.subi %sign3A_79, %sign3A_82 : i32
          %sign3A_84 = arith.constant 0 : i32
          %sign3A_85 = arith.cmpi sgt, %jit3A_75, %sign3A_84 : i32
          %sign3A_86 = arith.extui %sign3A_85 : i1 to i32
          %sign3A_87 = arith.constant 0 : i32
          %sign3A_88 = arith.cmpi slt, %jit3A_75, %sign3A_87 : i32
          %sign3A_89 = arith.extui %sign3A_88 : i1 to i32
          %sign3A_90 = arith.subi %sign3A_86, %sign3A_89 : i32
          %ne3A_91 = arith.cmpi ne, %sign3A_83, %sign3A_90 : i32
          %rem3A_92 = arith.remsi %select_n3A, %jit3A_75 : i32
          %ne3A_93 = arith.constant 0 : i32
          %ne3A_94 = arith.cmpi ne, %rem3A_92, %ne3A_93 : i32
          %and3A_95 = arith.andi %ne3A_91, %ne3A_94 : i1
          %sub3A_96 = arith.constant 1 : i32
          %sub3A_97 = arith.subi %div3A_76, %sub3A_96 : i32
          %select_n3A_98 = arith.select %and3A_95, %sub3A_97, %div3A_76 : i32
          %mul3A_99 = arith.constant 8 : i32
          %mul3A_100 = arith.muli %select_n3A_98, %mul3A_99 : i32
          "tpu.region"() ({
            %run_scoped3A = tpu.sem_alloc : memref<!tpu.dma_semaphore, #tpu.memory_space<semaphore_mem>>
            %dma_start3A = arith.constant 0 : i32
            %dma_start3A_108 = tpu.memref_slice %arg15[%mul3A_100, %dma_start3A] : memref<320x128xf32, #tpu.memory_space<vmem_shared>> -> memref<16x128xf32, #tpu.memory_space<vmem_shared>>
            %dma_start3A_109 = arith.constant 0 : i32
            %dma_start3A_110 = tpu.memref_slice %arg15[%mul3A_100, %dma_start3A_109] : memref<320x128xf32, #tpu.memory_space<vmem_shared>> -> memref<16x128xf32, #tpu.memory_space<vmem_shared>>
            tpu.enqueue_dma source(%dma_start3A_110 : memref<16x128xf32, #tpu.memory_space<vmem_shared>>) target(%arg24 : memref<16x128xf32, #tpu.memory_space<vmem>>) target_semaphore(%run_scoped3A : memref<!tpu.dma_semaphore, #tpu.memory_space<semaphore_mem>>)
            %dma_wait3A_111 = arith.constant 0 : i32
            %dma_wait3A_112 = tpu.memref_slice %arg15[%mul3A_100, %dma_wait3A_111] : memref<320x128xf32, #tpu.memory_space<vmem_shared>> -> memref<16x128xf32, #tpu.memory_space<vmem_shared>>
            %dma_wait3A_113 = arith.constant 0 : i32
            %dma_wait3A_114 = tpu.memref_slice %arg15[%mul3A_100, %dma_wait3A_113] : memref<320x128xf32, #tpu.memory_space<vmem_shared>> -> memref<16x128xf32, #tpu.memory_space<vmem_shared>>
            tpu.wait_dma2 semaphore(%run_scoped3A : memref<!tpu.dma_semaphore, #tpu.memory_space<semaphore_mem>>) src(%dma_wait3A_114 : memref<16x128xf32, #tpu.memory_space<vmem_shared>>) dst(%arg24 : memref<16x128xf32, #tpu.memory_space<vmem>>)
            tpu.yield
          }) : () -> ()
          %scan3A_101 = arith.constant 0 : i32
          %scan3A_102 = arith.constant 0 : i32
          %scan3A_103 = arith.constant 80 : i32
          %scan3A_104 = arith.addi %scan3A_102, %scan3A_103 : i32
          %scan3A_105 = arith.constant 1 : i32
          %scan3A_106 = scf.for %scan3A_108 = %scan3A_102 to %scan3A_104 step %scan3A_105 iter_args(%scan3A_109 = %scan3A_101) -> (i32)  : i32 {
            %add3A_110 = arith.addi %mul3A_58, %scan3A_108 : i32
            %mul3A_111 = arith.constant 4 : i32
            %mul3A_112 = arith.muli %add3A_110, %mul3A_111 : i32
            %mul3A_113 = arith.constant 128 : i32
            %mul3A_114 = arith.muli %mul3A_100, %mul3A_113 : i32
            %sub3A_115 = arith.subi %mul3A_112, %mul3A_114 : i32
            %add3A_116 = arith.constant 0 : i32
            %add3A_117 = arith.addi %sub3A_115, %add3A_116 : i32
            %shift_right_arithmetic3A = arith.constant 7 : i32
            %shift_right_arithmetic3A_118 = arith.shrsi %add3A_117, %shift_right_arithmetic3A : i32
            %broadcast_in_dim3A_119 = vector.broadcast %shift_right_arithmetic3A_118 : i32 to vector<16xi32>
            %add3A_120 = arith.constant 0 : i32
            %add3A_121 = arith.addi %sub3A_115, %add3A_120 : i32
            %and3A_122 = arith.constant 127 : i32
            %and3A_123 = arith.andi %add3A_121, %and3A_122 : i32
            %broadcast_in_dim3A_124 = vector.broadcast %and3A_123 : i32 to vector<16xi32>
            %gather3A = tpu.vector_load_idx %arg24[%broadcast_in_dim3A_119, %broadcast_in_dim3A_124] : memref<16x128xf32, #tpu.memory_space<vmem>>[vector<16xi32>, vector<16xi32>], vector<16xf32>,
            %add3A_125 = arith.constant 1.000000e-16 : f32
            %add3A_126 = vector.broadcast %add3A_125 : f32 to vector<16xf32>
            %add3A_127 = arith.addf %gather3A, %add3A_126 : vector<16xf32>
            %div3A_128 = arith.constant 1.000000e+00 : f32
            %div3A_129 = vector.broadcast %div3A_128 : f32 to vector<16xf32>
            %div3A_130 = arith.divf %div3A_129, %add3A_127 : vector<16xf32>
            %get3A = arith.index_cast %scan3A_108 : i32 to index
            %get3A_131 = arith.constant 0 : index
            %get3A_132 = tpu.vector_load %arg22[%get3A, %get3A_131] {strides = array<i32>} : memref<80x128xf32, #tpu.memory_space<vmem>>, vector<16xf32>,
            %mul3A_133 = arith.mulf %get3A_132, %div3A_130 : vector<16xf32>
            %get3A_134 = arith.constant 0 : index
            %get3A_135 = tpu.vector_load %arg25[%get3A_134] {strides = array<i32>} : memref<128xf32, #tpu.memory_space<vmem>>, vector<16xf32>,
            %add3A_136 = arith.addf %mul3A_133, %get3A_135 : vector<16xf32>
            %max3A = arith.constant 0.000000e+00 : f32
            %max3A_137 = vector.broadcast %max3A : f32 to vector<16xf32>
            %max3A_138 = arith.maximumf %add3A_136, %max3A_137 : vector<16xf32>
            %swap3A = arith.index_cast %scan3A_108 : i32 to index
            %swap3A_139 = arith.constant 0 : index
            %swap3A_140 = tpu.vector_load %arg21[%swap3A, %swap3A_139] {strides = array<i32>} : memref<160x128xf32, #tpu.memory_space<vmem>>, vector<16xf32>,
            tpu.vector_store %arg21[%swap3A, %swap3A_139], %max3A_138 {strides = array<i32>} : memref<160x128xf32, #tpu.memory_space<vmem>>, vector<16xf32>,
            %get3A_141 = arith.index_cast %scan3A_108 : i32 to index
            %get3A_142 = arith.constant 16 : index
            %get3A_143 = tpu.vector_load %arg22[%get3A_141, %get3A_142] {strides = array<i32>} : memref<80x128xf32, #tpu.memory_space<vmem>>, vector<16xf32>,
            %mul3A_144 = arith.mulf %get3A_143, %div3A_130 : vector<16xf32>
            %get3A_145 = arith.constant 16 : index
            %get3A_146 = tpu.vector_load %arg25[%get3A_145] {strides = array<i32>} : memref<128xf32, #tpu.memory_space<vmem>>, vector<16xf32>,
            %add3A_147 = arith.addf %mul3A_144, %get3A_146 : vector<16xf32>
            %max3A_148 = arith.constant 0.000000e+00 : f32
            %max3A_149 = vector.broadcast %max3A_148 : f32 to vector<16xf32>
            %max3A_150 = arith.maximumf %add3A_147, %max3A_149 : vector<16xf32>
            %swap3A_151 = arith.index_cast %scan3A_108 : i32 to index
            %swap3A_152 = arith.constant 16 : index
            %swap3A_153 = tpu.vector_load %arg21[%swap3A_151, %swap3A_152] {strides = array<i32>} : memref<160x128xf32, #tpu.memory_space<vmem>>, vector<16xf32>,
            tpu.vector_store %arg21[%swap3A_151, %swap3A_152], %max3A_150 {strides = array<i32>} : memref<160x128xf32, #tpu.memory_space<vmem>>, vector<16xf32>,
            %add3A_154 = arith.constant 1 : i32
            %add3A_155 = arith.addi %sub3A_115, %add3A_154 : i32
            %shift_right_arithmetic3A_156 = arith.constant 7 : i32
            %shift_right_arithmetic3A_157 = arith.shrsi %add3A_155, %shift_right_arithmetic3A_156 : i32
            %broadcast_in_dim3A_158 = vector.broadcast %shift_right_arithmetic3A_157 : i32 to vector<16xi32>
            %add3A_159 = arith.constant 1 : i32
            %add3A_160 = arith.addi %sub3A_115, %add3A_159 : i32
            %and3A_161 = arith.constant 127 : i32
            %and3A_162 = arith.andi %add3A_160, %and3A_161 : i32
            %broadcast_in_dim3A_163 = vector.broadcast %and3A_162 : i32 to vector<16xi32>
            %gather3A_164 = tpu.vector_load_idx %arg24[%broadcast_in_dim3A_158, %broadcast_in_dim3A_163] : memref<16x128xf32, #tpu.memory_space<vmem>>[vector<16xi32>, vector<16xi32>], vector<16xf32>,
            %add3A_165 = arith.constant 1.000000e-16 : f32
            %add3A_166 = vector.broadcast %add3A_165 : f32 to vector<16xf32>
            %add3A_167 = arith.addf %gather3A_164, %add3A_166 : vector<16xf32>
            %div3A_168 = arith.constant 1.000000e+00 : f32
            %div3A_169 = vector.broadcast %div3A_168 : f32 to vector<16xf32>
            %div3A_170 = arith.divf %div3A_169, %add3A_167 : vector<16xf32>
            %get3A_171 = arith.index_cast %scan3A_108 : i32 to index
            %get3A_172 = arith.constant 32 : index
            %get3A_173 = tpu.vector_load %arg22[%get3A_171, %get3A_172] {strides = array<i32>} : memref<80x128xf32, #tpu.memory_space<vmem>>, vector<16xf32>,
            %mul3A_174 = arith.mulf %get3A_173, %div3A_170 : vector<16xf32>
            %get3A_175 = arith.constant 32 : index
            %get3A_176 = tpu.vector_load %arg25[%get3A_175] {strides = array<i32>} : memref<128xf32, #tpu.memory_space<vmem>>, vector<16xf32>,
            %add3A_177 = arith.addf %mul3A_174, %get3A_176 : vector<16xf32>
            %max3A_178 = arith.constant 0.000000e+00 : f32
            %max3A_179 = vector.broadcast %max3A_178 : f32 to vector<16xf32>
            %max3A_180 = arith.maximumf %add3A_177, %max3A_179 : vector<16xf32>
            %swap3A_181 = arith.index_cast %scan3A_108 : i32 to index
            %swap3A_182 = arith.constant 32 : index
            %swap3A_183 = tpu.vector_load %arg21[%swap3A_181, %swap3A_182] {strides = array<i32>} : memref<160x128xf32, #tpu.memory_space<vmem>>, vector<16xf32>,
            tpu.vector_store %arg21[%swap3A_181, %swap3A_182], %max3A_180 {strides = array<i32>} : memref<160x128xf32, #tpu.memory_space<vmem>>, vector<16xf32>,
            %get3A_184 = arith.index_cast %scan3A_108 : i32 to index
            %get3A_185 = arith.constant 48 : index
            %get3A_186 = tpu.vector_load %arg22[%get3A_184, %get3A_185] {strides = array<i32>} : memref<80x128xf32, #tpu.memory_space<vmem>>, vector<16xf32>,
            %mul3A_187 = arith.mulf %get3A_186, %div3A_170 : vector<16xf32>
            %get3A_188 = arith.constant 48 : index
            %get3A_189 = tpu.vector_load %arg25[%get3A_188] {strides = array<i32>} : memref<128xf32, #tpu.memory_space<vmem>>, vector<16xf32>,
            %add3A_190 = arith.addf %mul3A_187, %get3A_189 : vector<16xf32>
            %max3A_191 = arith.constant 0.000000e+00 : f32
            %max3A_192 = vector.broadcast %max3A_191 : f32 to vector<16xf32>
            %max3A_193 = arith.maximumf %add3A_190, %max3A_192 : vector<16xf32>
            %swap3A_194 = arith.index_cast %scan3A_108 : i32 to index
            %swap3A_195 = arith.constant 48 : index
            %swap3A_196 = tpu.vector_load %arg21[%swap3A_194, %swap3A_195] {strides = array<i32>} : memref<160x128xf32, #tpu.memory_space<vmem>>, vector<16xf32>,
            tpu.vector_store %arg21[%swap3A_194, %swap3A_195], %max3A_193 {strides = array<i32>} : memref<160x128xf32, #tpu.memory_space<vmem>>, vector<16xf32>,
            %add3A_197 = arith.constant 2 : i32
            %add3A_198 = arith.addi %sub3A_115, %add3A_197 : i32
            %shift_right_arithmetic3A_199 = arith.constant 7 : i32
            %shift_right_arithmetic3A_200 = arith.shrsi %add3A_198, %shift_right_arithmetic3A_199 : i32
            %broadcast_in_dim3A_201 = vector.broadcast %shift_right_arithmetic3A_200 : i32 to vector<16xi32>
            %add3A_202 = arith.constant 2 : i32
            %add3A_203 = arith.addi %sub3A_115, %add3A_202 : i32
            %and3A_204 = arith.constant 127 : i32
            %and3A_205 = arith.andi %add3A_203, %and3A_204 : i32
            %broadcast_in_dim3A_206 = vector.broadcast %and3A_205 : i32 to vector<16xi32>
            %gather3A_207 = tpu.vector_load_idx %arg24[%broadcast_in_dim3A_201, %broadcast_in_dim3A_206] : memref<16x128xf32, #tpu.memory_space<vmem>>[vector<16xi32>, vector<16xi32>], vector<16xf32>,
            %add3A_208 = arith.constant 1.000000e-16 : f32
            %add3A_209 = vector.broadcast %add3A_208 : f32 to vector<16xf32>
            %add3A_210 = arith.addf %gather3A_207, %add3A_209 : vector<16xf32>
            %div3A_211 = arith.constant 1.000000e+00 : f32
            %div3A_212 = vector.broadcast %div3A_211 : f32 to vector<16xf32>
            %div3A_213 = arith.divf %div3A_212, %add3A_210 : vector<16xf32>
            %get3A_214 = arith.index_cast %scan3A_108 : i32 to index
            %get3A_215 = arith.constant 64 : index
            %get3A_216 = tpu.vector_load %arg22[%get3A_214, %get3A_215] {strides = array<i32>} : memref<80x128xf32, #tpu.memory_space<vmem>>, vector<16xf32>,
            %mul3A_217 = arith.mulf %get3A_216, %div3A_213 : vector<16xf32>
            %get3A_218 = arith.constant 64 : index
            %get3A_219 = tpu.vector_load %arg25[%get3A_218] {strides = array<i32>} : memref<128xf32, #tpu.memory_space<vmem>>, vector<16xf32>,
            %add3A_220 = arith.addf %mul3A_217, %get3A_219 : vector<16xf32>
            %max3A_221 = arith.constant 0.000000e+00 : f32
            %max3A_222 = vector.broadcast %max3A_221 : f32 to vector<16xf32>
            %max3A_223 = arith.maximumf %add3A_220, %max3A_222 : vector<16xf32>
            %swap3A_224 = arith.index_cast %scan3A_108 : i32 to index
            %swap3A_225 = arith.constant 64 : index
            %swap3A_226 = tpu.vector_load %arg21[%swap3A_224, %swap3A_225] {strides = array<i32>} : memref<160x128xf32, #tpu.memory_space<vmem>>, vector<16xf32>,
            tpu.vector_store %arg21[%swap3A_224, %swap3A_225], %max3A_223 {strides = array<i32>} : memref<160x128xf32, #tpu.memory_space<vmem>>, vector<16xf32>,
            %get3A_227 = arith.index_cast %scan3A_108 : i32 to index
            %get3A_228 = arith.constant 80 : index
            %get3A_229 = tpu.vector_load %arg22[%get3A_227, %get3A_228] {strides = array<i32>} : memref<80x128xf32, #tpu.memory_space<vmem>>, vector<16xf32>,
            %mul3A_230 = arith.mulf %get3A_229, %div3A_213 : vector<16xf32>
            %get3A_231 = arith.constant 80 : index
            %get3A_232 = tpu.vector_load %arg25[%get3A_231] {strides = array<i32>} : memref<128xf32, #tpu.memory_space<vmem>>, vector<16xf32>,
            %add3A_233 = arith.addf %mul3A_230, %get3A_232 : vector<16xf32>
            %max3A_234 = arith.constant 0.000000e+00 : f32
            %max3A_235 = vector.broadcast %max3A_234 : f32 to vector<16xf32>
            %max3A_236 = arith.maximumf %add3A_233, %max3A_235 : vector<16xf32>
            %swap3A_237 = arith.index_cast %scan3A_108 : i32 to index
            %swap3A_238 = arith.constant 80 : index
            %swap3A_239 = tpu.vector_load %arg21[%swap3A_237, %swap3A_238] {strides = array<i32>} : memref<160x128xf32, #tpu.memory_space<vmem>>, vector<16xf32>,
            tpu.vector_store %arg21[%swap3A_237, %swap3A_238], %max3A_236 {strides = array<i32>} : memref<160x128xf32, #tpu.memory_space<vmem>>, vector<16xf32>,
            %add3A_240 = arith.constant 3 : i32
            %add3A_241 = arith.addi %sub3A_115, %add3A_240 : i32
            %shift_right_arithmetic3A_242 = arith.constant 7 : i32
            %shift_right_arithmetic3A_243 = arith.shrsi %add3A_241, %shift_right_arithmetic3A_242 : i32
            %broadcast_in_dim3A_244 = vector.broadcast %shift_right_arithmetic3A_243 : i32 to vector<16xi32>
            %add3A_245 = arith.constant 3 : i32
            %add3A_246 = arith.addi %sub3A_115, %add3A_245 : i32
            %and3A_247 = arith.constant 127 : i32
            %and3A_248 = arith.andi %add3A_246, %and3A_247 : i32
            %broadcast_in_dim3A_249 = vector.broadcast %and3A_248 : i32 to vector<16xi32>
            %gather3A_250 = tpu.vector_load_idx %arg24[%broadcast_in_dim3A_244, %broadcast_in_dim3A_249] : memref<16x128xf32, #tpu.memory_space<vmem>>[vector<16xi32>, vector<16xi32>], vector<16xf32>,
            %add3A_251 = arith.constant 1.000000e-16 : f32
            %add3A_252 = vector.broadcast %add3A_251 : f32 to vector<16xf32>
            %add3A_253 = arith.addf %gather3A_250, %add3A_252 : vector<16xf32>
            %div3A_254 = arith.constant 1.000000e+00 : f32
            %div3A_255 = vector.broadcast %div3A_254 : f32 to vector<16xf32>
            %div3A_256 = arith.divf %div3A_255, %add3A_253 : vector<16xf32>
            %get3A_257 = arith.index_cast %scan3A_108 : i32 to index
            %get3A_258 = arith.constant 96 : index
            %get3A_259 = tpu.vector_load %arg22[%get3A_257, %get3A_258] {strides = array<i32>} : memref<80x128xf32, #tpu.memory_space<vmem>>, vector<16xf32>,
            %mul3A_260 = arith.mulf %get3A_259, %div3A_256 : vector<16xf32>
            %get3A_261 = arith.constant 96 : index
            %get3A_262 = tpu.vector_load %arg25[%get3A_261] {strides = array<i32>} : memref<128xf32, #tpu.memory_space<vmem>>, vector<16xf32>,
            %add3A_263 = arith.addf %mul3A_260, %get3A_262 : vector<16xf32>
            %max3A_264 = arith.constant 0.000000e+00 : f32
            %max3A_265 = vector.broadcast %max3A_264 : f32 to vector<16xf32>
            %max3A_266 = arith.maximumf %add3A_263, %max3A_265 : vector<16xf32>
            %swap3A_267 = arith.index_cast %scan3A_108 : i32 to index
            %swap3A_268 = arith.constant 96 : index
            %swap3A_269 = tpu.vector_load %arg21[%swap3A_267, %swap3A_268] {strides = array<i32>} : memref<160x128xf32, #tpu.memory_space<vmem>>, vector<16xf32>,
            tpu.vector_store %arg21[%swap3A_267, %swap3A_268], %max3A_266 {strides = array<i32>} : memref<160x128xf32, #tpu.memory_space<vmem>>, vector<16xf32>,
            %get3A_270 = arith.index_cast %scan3A_108 : i32 to index
            %get3A_271 = arith.constant 112 : index
            %get3A_272 = tpu.vector_load %arg22[%get3A_270, %get3A_271] {strides = array<i32>} : memref<80x128xf32, #tpu.memory_space<vmem>>, vector<16xf32>,
            %mul3A_273 = arith.mulf %get3A_272, %div3A_256 : vector<16xf32>
            %get3A_274 = arith.constant 112 : index
            %get3A_275 = tpu.vector_load %arg25[%get3A_274] {strides = array<i32>} : memref<128xf32, #tpu.memory_space<vmem>>, vector<16xf32>,
            %add3A_276 = arith.addf %mul3A_273, %get3A_275 : vector<16xf32>
            %max3A_277 = arith.constant 0.000000e+00 : f32
            %max3A_278 = vector.broadcast %max3A_277 : f32 to vector<16xf32>
            %max3A_279 = arith.maximumf %add3A_276, %max3A_278 : vector<16xf32>
            %swap3A_280 = arith.index_cast %scan3A_108 : i32 to index
            %swap3A_281 = arith.constant 112 : index
            %swap3A_282 = tpu.vector_load %arg21[%swap3A_280, %swap3A_281] {strides = array<i32>} : memref<160x128xf32, #tpu.memory_space<vmem>>, vector<16xf32>,
            tpu.vector_store %arg21[%swap3A_280, %swap3A_281], %max3A_279 {strides = array<i32>} : memref<160x128xf32, #tpu.memory_space<vmem>>, vector<16xf32>,
            %scan3A_283 = arith.constant 0 : i32
            scf.yield %scan3A_283 : i32
          }
          %scan3A_107 = arith.constant 80 : i32
          "tpu.region"() ({
            %run_scoped3A = tpu.sem_alloc : memref<!tpu.dma_semaphore, #tpu.memory_space<semaphore_mem>>
            %dma_start3A = arith.constant 0 : i32
            %dma_start3A_108 = arith.constant 0 : i32
            %dma_start3A_109 = tpu.memref_slice %arg21[%dma_start3A, %dma_start3A_108] : memref<160x128xf32, #tpu.memory_space<vmem>> -> memref<80x128xf32, #tpu.memory_space<vmem>>
            %dma_start3A_110 = arith.constant 0 : i32
            %dma_start3A_111 = tpu.memref_slice %arg12[%mul3A_58, %dma_start3A_110] : memref<10000x128xf32, #tpu.memory_space<hbm>> -> memref<80x128xf32, #tpu.memory_space<hbm>>
            %dma_start3A_112 = arith.constant 0 : i32
            %dma_start3A_113 = tpu.memref_slice %arg12[%mul3A_58, %dma_start3A_112] : memref<10000x128xf32, #tpu.memory_space<hbm>> -> memref<80x128xf32, #tpu.memory_space<hbm>>
            %dma_start3A_114 = arith.constant 0 : i32
            %dma_start3A_115 = arith.constant 0 : i32
            %dma_start3A_116 = tpu.memref_slice %arg21[%dma_start3A_114, %dma_start3A_115] : memref<160x128xf32, #tpu.memory_space<vmem>> -> memref<80x128xf32, #tpu.memory_space<vmem>>
            tpu.enqueue_dma source(%dma_start3A_116 : memref<80x128xf32, #tpu.memory_space<vmem>>) target(%dma_start3A_113 : memref<80x128xf32, #tpu.memory_space<hbm>>) target_semaphore(%run_scoped3A : memref<!tpu.dma_semaphore, #tpu.memory_space<semaphore_mem>>)
            %dma_wait3A_117 = arith.constant 0 : i32
            %dma_wait3A_118 = arith.constant 0 : i32
            %dma_wait3A_119 = tpu.memref_slice %arg21[%dma_wait3A_117, %dma_wait3A_118] : memref<160x128xf32, #tpu.memory_space<vmem>> -> memref<80x128xf32, #tpu.memory_space<vmem>>
            %dma_wait3A_120 = arith.constant 0 : i32
            %dma_wait3A_121 = tpu.memref_slice %arg12[%mul3A_58, %dma_wait3A_120] : memref<10000x128xf32, #tpu.memory_space<hbm>> -> memref<80x128xf32, #tpu.memory_space<hbm>>
            %dma_wait3A_122 = arith.constant 0 : i32
            %dma_wait3A_123 = tpu.memref_slice %arg12[%mul3A_58, %dma_wait3A_122] : memref<10000x128xf32, #tpu.memory_space<hbm>> -> memref<80x128xf32, #tpu.memory_space<hbm>>
            %dma_wait3A_124 = arith.constant 0 : i32
            %dma_wait3A_125 = arith.constant 0 : i32
            %dma_wait3A_126 = tpu.memref_slice %arg21[%dma_wait3A_124, %dma_wait3A_125] : memref<160x128xf32, #tpu.memory_space<vmem>> -> memref<80x128xf32, #tpu.memory_space<vmem>>
            tpu.wait_dma2 semaphore(%run_scoped3A : memref<!tpu.dma_semaphore, #tpu.memory_space<semaphore_mem>>) src(%dma_wait3A_126 : memref<80x128xf32, #tpu.memory_space<vmem>>) dst(%dma_wait3A_123 : memref<80x128xf32, #tpu.memory_space<hbm>>)
            tpu.yield
          }) : () -> ()
        } else {
        }
        %scan3A_56 = arith.constant 0 : i32
        scf.yield %scan3A_56 : i32
      }
      %scan3A_46 = arith.constant 8 : i32
    } else {
    }
    %eq3A_3 = arith.constant 1 : i32
    %eq3A_4 = arith.cmpi eq, %arg0, %eq3A_3 : i32
    %convert_element_type3A_5 = arith.extui %eq3A_4 : i1 to i32
    %cond3A_6 = arith.constant 0 : i32
    %cond3A_7 = arith.cmpi ne, %convert_element_type3A_5, %cond3A_6 : i32
    scf.if %cond3A_7 {
      "tpu.region"() ({
        %run_scoped3A = tpu.sem_alloc : memref<!tpu.dma_semaphore, #tpu.memory_space<semaphore_mem>>
        tpu.enqueue_dma source(%arg9 : memref<128xf32, #tpu.memory_space<hbm>>) target(%arg25 : memref<128xf32, #tpu.memory_space<vmem>>) target_semaphore(%run_scoped3A : memref<!tpu.dma_semaphore, #tpu.memory_space<semaphore_mem>>)
        tpu.wait_dma2 semaphore(%run_scoped3A : memref<!tpu.dma_semaphore, #tpu.memory_space<semaphore_mem>>) src(%arg9 : memref<128xf32, #tpu.memory_space<hbm>>) dst(%arg25 : memref<128xf32, #tpu.memory_space<vmem>>)
        tpu.yield
      }) : () -> ()
      %scan3A = arith.constant 0 : i32
      %scan3A_8 = arith.constant 0 : i32
      %scan3A_9 = arith.constant 80 : i32
      %scan3A_10 = arith.addi %scan3A_8, %scan3A_9 : i32
      %scan3A_11 = arith.constant 1 : i32
      %scan3A_12 = scf.for %scan3A_47 = %scan3A_8 to %scan3A_10 step %scan3A_11 iter_args(%scan3A_48 = %scan3A) -> (i32)  : i32 {
        %swap3A = arith.index_cast %scan3A_47 : i32 to index
        %swap3A_49 = arith.constant 0 : index
        %swap3A_50 = tpu.vector_load %arg22[%swap3A, %swap3A_49] {strides = array<i32>} : memref<80x128xf32, #tpu.memory_space<vmem>>, vector<16xf32>,
        tpu.vector_store %arg22[%swap3A, %swap3A_49], %broadcast_in_dim3A_0 {strides = array<i32>} : memref<80x128xf32, #tpu.memory_space<vmem>>, vector<16xf32>,
        %swap3A_51 = arith.index_cast %scan3A_47 : i32 to index
        %swap3A_52 = arith.constant 16 : index
        %swap3A_53 = tpu.vector_load %arg22[%swap3A_51, %swap3A_52] {strides = array<i32>} : memref<80x128xf32, #tpu.memory_space<vmem>>, vector<16xf32>,
        tpu.vector_store %arg22[%swap3A_51, %swap3A_52], %broadcast_in_dim3A_0 {strides = array<i32>} : memref<80x128xf32, #tpu.memory_space<vmem>>, vector<16xf32>,
        %swap3A_54 = arith.index_cast %scan3A_47 : i32 to index
        %swap3A_55 = arith.constant 32 : index
        %swap3A_56 = tpu.vector_load %arg22[%swap3A_54, %swap3A_55] {strides = array<i32>} : memref<80x128xf32, #tpu.memory_space<vmem>>, vector<16xf32>,
        tpu.vector_store %arg22[%swap3A_54, %swap3A_55], %broadcast_in_dim3A_0 {strides = array<i32>} : memref<80x128xf32, #tpu.memory_space<vmem>>, vector<16xf32>,
        %swap3A_57 = arith.index_cast %scan3A_47 : i32 to index
        %swap3A_58 = arith.constant 48 : index
        %swap3A_59 = tpu.vector_load %arg22[%swap3A_57, %swap3A_58] {strides = array<i32>} : memref<80x128xf32, #tpu.memory_space<vmem>>, vector<16xf32>,
        tpu.vector_store %arg22[%swap3A_57, %swap3A_58], %broadcast_in_dim3A_0 {strides = array<i32>} : memref<80x128xf32, #tpu.memory_space<vmem>>, vector<16xf32>,
        %swap3A_60 = arith.index_cast %scan3A_47 : i32 to index
        %swap3A_61 = arith.constant 64 : index
        %swap3A_62 = tpu.vector_load %arg22[%swap3A_60, %swap3A_61] {strides = array<i32>} : memref<80x128xf32, #tpu.memory_space<vmem>>, vector<16xf32>,
        tpu.vector_store %arg22[%swap3A_60, %swap3A_61], %broadcast_in_dim3A_0 {strides = array<i32>} : memref<80x128xf32, #tpu.memory_space<vmem>>, vector<16xf32>,
        %swap3A_63 = arith.index_cast %scan3A_47 : i32 to index
        %swap3A_64 = arith.constant 80 : index
        %swap3A_65 = tpu.vector_load %arg22[%swap3A_63, %swap3A_64] {strides = array<i32>} : memref<80x128xf32, #tpu.memory_space<vmem>>, vector<16xf32>,
        tpu.vector_store %arg22[%swap3A_63, %swap3A_64], %broadcast_in_dim3A_0 {strides = array<i32>} : memref<80x128xf32, #tpu.memory_space<vmem>>, vector<16xf32>,
        %swap3A_66 = arith.index_cast %scan3A_47 : i32 to index
        %swap3A_67 = arith.constant 96 : index
        %swap3A_68 = tpu.vector_load %arg22[%swap3A_66, %swap3A_67] {strides = array<i32>} : memref<80x128xf32, #tpu.memory_space<vmem>>, vector<16xf32>,
        tpu.vector_store %arg22[%swap3A_66, %swap3A_67], %broadcast_in_dim3A_0 {strides = array<i32>} : memref<80x128xf32, #tpu.memory_space<vmem>>, vector<16xf32>,
        %swap3A_69 = arith.index_cast %scan3A_47 : i32 to index
        %swap3A_70 = arith.constant 112 : index
        %swap3A_71 = tpu.vector_load %arg22[%swap3A_69, %swap3A_70] {strides = array<i32>} : memref<80x128xf32, #tpu.memory_space<vmem>>, vector<16xf32>,
        tpu.vector_store %arg22[%swap3A_69, %swap3A_70], %broadcast_in_dim3A_0 {strides = array<i32>} : memref<80x128xf32, #tpu.memory_space<vmem>>, vector<16xf32>,
        %swap3A_72 = arith.index_cast %scan3A_47 : i32 to index
        %swap3A_73 = arith.constant 0 : index
        %swap3A_74 = tpu.vector_load %arg23[%swap3A_72, %swap3A_73] {strides = array<i32>} : memref<80x128xf32, #tpu.memory_space<vmem>>, vector<16xf32>,
        tpu.vector_store %arg23[%swap3A_72, %swap3A_73], %broadcast_in_dim3A_0 {strides = array<i32>} : memref<80x128xf32, #tpu.memory_space<vmem>>, vector<16xf32>,
        %swap3A_75 = arith.index_cast %scan3A_47 : i32 to index
        %swap3A_76 = arith.constant 16 : index
        %swap3A_77 = tpu.vector_load %arg23[%swap3A_75, %swap3A_76] {strides = array<i32>} : memref<80x128xf32, #tpu.memory_space<vmem>>, vector<16xf32>,
        tpu.vector_store %arg23[%swap3A_75, %swap3A_76], %broadcast_in_dim3A_0 {strides = array<i32>} : memref<80x128xf32, #tpu.memory_space<vmem>>, vector<16xf32>,
        %swap3A_78 = arith.index_cast %scan3A_47 : i32 to index
        %swap3A_79 = arith.constant 32 : index
        %swap3A_80 = tpu.vector_load %arg23[%swap3A_78, %swap3A_79] {strides = array<i32>} : memref<80x128xf32, #tpu.memory_space<vmem>>, vector<16xf32>,
        tpu.vector_store %arg23[%swap3A_78, %swap3A_79], %broadcast_in_dim3A_0 {strides = array<i32>} : memref<80x128xf32, #tpu.memory_space<vmem>>, vector<16xf32>,
        %swap3A_81 = arith.index_cast %scan3A_47 : i32 to index
        %swap3A_82 = arith.constant 48 : index
        %swap3A_83 = tpu.vector_load %arg23[%swap3A_81, %swap3A_82] {strides = array<i32>} : memref<80x128xf32, #tpu.memory_space<vmem>>, vector<16xf32>,
        tpu.vector_store %arg23[%swap3A_81, %swap3A_82], %broadcast_in_dim3A_0 {strides = array<i32>} : memref<80x128xf32, #tpu.memory_space<vmem>>, vector<16xf32>,
        %swap3A_84 = arith.index_cast %scan3A_47 : i32 to index
        %swap3A_85 = arith.constant 64 : index
        %swap3A_86 = tpu.vector_load %arg23[%swap3A_84, %swap3A_85] {strides = array<i32>} : memref<80x128xf32, #tpu.memory_space<vmem>>, vector<16xf32>,
        tpu.vector_store %arg23[%swap3A_84, %swap3A_85], %broadcast_in_dim3A_0 {strides = array<i32>} : memref<80x128xf32, #tpu.memory_space<vmem>>, vector<16xf32>,
        %swap3A_87 = arith.index_cast %scan3A_47 : i32 to index
        %swap3A_88 = arith.constant 80 : index
        %swap3A_89 = tpu.vector_load %arg23[%swap3A_87, %swap3A_88] {strides = array<i32>} : memref<80x128xf32, #tpu.memory_space<vmem>>, vector<16xf32>,
        tpu.vector_store %arg23[%swap3A_87, %swap3A_88], %broadcast_in_dim3A_0 {strides = array<i32>} : memref<80x128xf32, #tpu.memory_space<vmem>>, vector<16xf32>,
        %swap3A_90 = arith.index_cast %scan3A_47 : i32 to index
        %swap3A_91 = arith.constant 96 : index
        %swap3A_92 = tpu.vector_load %arg23[%swap3A_90, %swap3A_91] {strides = array<i32>} : memref<80x128xf32, #tpu.memory_space<vmem>>, vector<16xf32>,
        tpu.vector_store %arg23[%swap3A_90, %swap3A_91], %broadcast_in_dim3A_0 {strides = array<i32>} : memref<80x128xf32, #tpu.memory_space<vmem>>, vector<16xf32>,
        %swap3A_93 = arith.index_cast %scan3A_47 : i32 to index
        %swap3A_94 = arith.constant 112 : index
        %swap3A_95 = tpu.vector_load %arg23[%swap3A_93, %swap3A_94] {strides = array<i32>} : memref<80x128xf32, #tpu.memory_space<vmem>>, vector<16xf32>,
        tpu.vector_store %arg23[%swap3A_93, %swap3A_94], %broadcast_in_dim3A_0 {strides = array<i32>} : memref<80x128xf32, #tpu.memory_space<vmem>>, vector<16xf32>,
        %scan3A_96 = arith.constant 0 : i32
        scf.yield %scan3A_96 : i32
      }
      %scan3A_13 = arith.constant 80 : i32
      %scan3A_14 = arith.constant 0 : i32
      %scan3A_15 = arith.constant 0 : i32
      %scan3A_16 = arith.constant 8 : i32
      %scan3A_17 = arith.addi %scan3A_15, %scan3A_16 : i32
      %scan3A_18 = arith.constant 1 : i32
      %scan3A_19 = scf.for %scan3A_47 = %scan3A_15 to %scan3A_17 step %scan3A_18 iter_args(%scan3A_48 = %scan3A_14) -> (i32)  : i32 {
        %mul3A_49 = arith.constant 16 : i32
        %mul3A_50 = arith.muli %scan3A_47, %mul3A_49 : i32
        %add3A = arith.addi %arg1, %mul3A_50 : i32
        %lt3A_51 = arith.constant 125 : i32
        %lt3A_52 = arith.cmpi slt, %add3A, %lt3A_51 : i32
        %convert_element_type3A_53 = arith.extui %lt3A_52 : i1 to i32
        %cond3A_54 = arith.constant 0 : i32
        %cond3A_55 = arith.cmpi ne, %convert_element_type3A_53, %cond3A_54 : i32
        scf.if %cond3A_55 {
          %mul3A_57 = arith.constant 80 : i32
          %mul3A_58 = arith.muli %add3A, %mul3A_57 : i32
          "tpu.region"() ({
            %run_scoped3A = tpu.sem_alloc : memref<!tpu.dma_semaphore, #tpu.memory_space<semaphore_mem>>
            %dma_start3A = arith.constant 0 : i32
            %dma_start3A_59 = tpu.memref_slice %arg14[%mul3A_58, %dma_start3A] : memref<10000x128xf32, #tpu.memory_space<vmem_shared>> -> memref<80x128xf32, #tpu.memory_space<vmem_shared>>
            %dma_start3A_60 = arith.constant 0 : i32
            %dma_start3A_61 = tpu.memref_slice %arg14[%mul3A_58, %dma_start3A_60] : memref<10000x128xf32, #tpu.memory_space<vmem_shared>> -> memref<80x128xf32, #tpu.memory_space<vmem_shared>>
            tpu.enqueue_dma source(%arg22 : memref<80x128xf32, #tpu.memory_space<vmem>>) target(%dma_start3A_61 : memref<80x128xf32, #tpu.memory_space<vmem_shared>>) target_semaphore(%run_scoped3A : memref<!tpu.dma_semaphore, #tpu.memory_space<semaphore_mem>>)
            %dma_wait3A_62 = arith.constant 0 : i32
            %dma_wait3A_63 = tpu.memref_slice %arg14[%mul3A_58, %dma_wait3A_62] : memref<10000x128xf32, #tpu.memory_space<vmem_shared>> -> memref<80x128xf32, #tpu.memory_space<vmem_shared>>
            %dma_wait3A_64 = arith.constant 0 : i32
            %dma_wait3A_65 = tpu.memref_slice %arg14[%mul3A_58, %dma_wait3A_64] : memref<10000x128xf32, #tpu.memory_space<vmem_shared>> -> memref<80x128xf32, #tpu.memory_space<vmem_shared>>
            tpu.wait_dma2 semaphore(%run_scoped3A : memref<!tpu.dma_semaphore, #tpu.memory_space<semaphore_mem>>) src(%arg22 : memref<80x128xf32, #tpu.memory_space<vmem>>) dst(%dma_wait3A_65 : memref<80x128xf32, #tpu.memory_space<vmem_shared>>)
            tpu.yield
          }) : () -> ()
        } else {
        }
        %scan3A_56 = arith.constant 0 : i32
        scf.yield %scan3A_56 : i32
      }
      %scan3A_20 = arith.constant 8 : i32
      %lt3A = arith.constant 4 : i32
      %lt3A_21 = arith.cmpi slt, %arg1, %lt3A : i32
      %convert_element_type3A_22 = arith.extui %lt3A_21 : i1 to i32
      %cond3A_23 = arith.constant 0 : i32
      %cond3A_24 = arith.cmpi ne, %convert_element_type3A_22, %cond3A_23 : i32
      scf.if %cond3A_24 {
        %mul3A_47 = arith.constant 80 : i32
        %mul3A_48 = arith.muli %arg1, %mul3A_47 : i32
        "tpu.region"() ({
          %run_scoped3A = tpu.sem_alloc : memref<!tpu.dma_semaphore, #tpu.memory_space<semaphore_mem>>
          %dma_start3A = arith.constant 0 : i32
          %dma_start3A_49 = tpu.memref_slice %arg15[%mul3A_48, %dma_start3A] : memref<320x128xf32, #tpu.memory_space<vmem_shared>> -> memref<80x128xf32, #tpu.memory_space<vmem_shared>>
          %dma_start3A_50 = arith.constant 0 : i32
          %dma_start3A_51 = tpu.memref_slice %arg15[%mul3A_48, %dma_start3A_50] : memref<320x128xf32, #tpu.memory_space<vmem_shared>> -> memref<80x128xf32, #tpu.memory_space<vmem_shared>>
          tpu.enqueue_dma source(%arg22 : memref<80x128xf32, #tpu.memory_space<vmem>>) target(%dma_start3A_51 : memref<80x128xf32, #tpu.memory_space<vmem_shared>>) target_semaphore(%run_scoped3A : memref<!tpu.dma_semaphore, #tpu.memory_space<semaphore_mem>>)
          %dma_wait3A_52 = arith.constant 0 : i32
          %dma_wait3A_53 = tpu.memref_slice %arg15[%mul3A_48, %dma_wait3A_52] : memref<320x128xf32, #tpu.memory_space<vmem_shared>> -> memref<80x128xf32, #tpu.memory_space<vmem_shared>>
          %dma_wait3A_54 = arith.constant 0 : i32
          %dma_wait3A_55 = tpu.memref_slice %arg15[%mul3A_48, %dma_wait3A_54] : memref<320x128xf32, #tpu.memory_space<vmem_shared>> -> memref<80x128xf32, #tpu.memory_space<vmem_shared>>
          tpu.wait_dma2 semaphore(%run_scoped3A : memref<!tpu.dma_semaphore, #tpu.memory_space<semaphore_mem>>) src(%arg22 : memref<80x128xf32, #tpu.memory_space<vmem>>) dst(%dma_wait3A_55 : memref<80x128xf32, #tpu.memory_space<vmem_shared>>)
          tpu.yield
        }) : () -> ()
      } else {
      }
      %barrier3A = arith.constant 0 : index
      tpu.barrier barrier_id(%barrier3A)
      %mul3A = arith.constant 10000 : i32
      %mul3A_25 = arith.muli %arg1, %mul3A : i32
      %scan3A_26 = arith.constant 0 : i32
      %scan3A_27 = arith.constant 0 : i32
      %scan3A_28 = arith.constant 5 : i32
      %scan3A_29 = arith.addi %scan3A_27, %scan3A_28 : i32
      %scan3A_30 = arith.constant 1 : i32
      %scan3A_31 = scf.for %scan3A_47 = %scan3A_27 to %scan3A_29 step %scan3A_30 iter_args(%scan3A_48 = %scan3A_26) -> (i32)  : i32 {
        %mul3A_49 = arith.constant 2000 : i32
        %mul3A_50 = arith.muli %scan3A_47, %mul3A_49 : i32
        %add3A = arith.addi %mul3A_25, %mul3A_50 : i32
        "tpu.region"() ({
          %run_scoped3A = tpu.sem_alloc : memref<!tpu.dma_semaphore, #tpu.memory_space<semaphore_mem>>
          %dma_start3A_76 = tpu.memref_slice %arg10[%add3A] : memref<160000xi32, #tpu.memory_space<hbm>> -> memref<2000xi32, #tpu.memory_space<hbm>>
          %dma_start3A_77 = tpu.memref_slice %arg10[%add3A] : memref<160000xi32, #tpu.memory_space<hbm>> -> memref<2000xi32, #tpu.memory_space<hbm>>
          tpu.enqueue_dma source(%dma_start3A_77 : memref<2000xi32, #tpu.memory_space<hbm>>) target(%arg16 : memref<2000xi32, #tpu.memory_space<vmem>>) target_semaphore(%run_scoped3A : memref<!tpu.dma_semaphore, #tpu.memory_space<semaphore_mem>>)
          %dma_wait3A_78 = tpu.memref_slice %arg10[%add3A] : memref<160000xi32, #tpu.memory_space<hbm>> -> memref<2000xi32, #tpu.memory_space<hbm>>
          %dma_wait3A_79 = tpu.memref_slice %arg10[%add3A] : memref<160000xi32, #tpu.memory_space<hbm>> -> memref<2000xi32, #tpu.memory_space<hbm>>
          tpu.wait_dma2 semaphore(%run_scoped3A : memref<!tpu.dma_semaphore, #tpu.memory_space<semaphore_mem>>) src(%dma_wait3A_79 : memref<2000xi32, #tpu.memory_space<hbm>>) dst(%arg16 : memref<2000xi32, #tpu.memory_space<vmem>>)
          tpu.yield
        }) : () -> ()
        "tpu.region"() ({
          %run_scoped3A = tpu.sem_alloc : memref<!tpu.dma_semaphore, #tpu.memory_space<semaphore_mem>>
          %dma_start3A_76 = tpu.memref_slice %arg11[%add3A] : memref<160000xi32, #tpu.memory_space<hbm>> -> memref<2000xi32, #tpu.memory_space<hbm>>
          %dma_start3A_77 = tpu.memref_slice %arg11[%add3A] : memref<160000xi32, #tpu.memory_space<hbm>> -> memref<2000xi32, #tpu.memory_space<hbm>>
          tpu.enqueue_dma source(%dma_start3A_77 : memref<2000xi32, #tpu.memory_space<hbm>>) target(%arg17 : memref<2000xi32, #tpu.memory_space<vmem>>) target_semaphore(%run_scoped3A : memref<!tpu.dma_semaphore, #tpu.memory_space<semaphore_mem>>)
          %dma_wait3A_78 = tpu.memref_slice %arg11[%add3A] : memref<160000xi32, #tpu.memory_space<hbm>> -> memref<2000xi32, #tpu.memory_space<hbm>>
          %dma_wait3A_79 = tpu.memref_slice %arg11[%add3A] : memref<160000xi32, #tpu.memory_space<hbm>> -> memref<2000xi32, #tpu.memory_space<hbm>>
          tpu.wait_dma2 semaphore(%run_scoped3A : memref<!tpu.dma_semaphore, #tpu.memory_space<semaphore_mem>>) src(%dma_wait3A_79 : memref<2000xi32, #tpu.memory_space<hbm>>) dst(%arg17 : memref<2000xi32, #tpu.memory_space<vmem>>)
          tpu.yield
        }) : () -> ()
        %mul3A_51 = arith.constant 4 : i32
        %mul3A_52 = arith.muli %add3A, %mul3A_51 : i32
        %dma_start3A = arith.constant 0 : i32
        %dma_start3A_53 = arith.constant 0 : i32
        %dma_start3A_54 = tpu.memref_slice %arg21[%dma_start3A, %dma_start3A_53] : memref<160x128xf32, #tpu.memory_space<vmem>> -> memref<80x128xf32, #tpu.memory_space<vmem>>
        %dma_start3A_55 = arith.constant 0 : i32
        %dma_start3A_56 = tpu.memref_slice %arg16[%dma_start3A_55] : memref<2000xi32, #tpu.memory_space<vmem>> -> memref<80xi32, #tpu.memory_space<vmem>>
        %dma_start3A_57 = arith.constant 0 : i32
        %dma_start3A_58 = arith.constant 0 : i32
        %dma_start3A_59 = tpu.memref_slice %arg7[%dma_start3A_57, %dma_start3A_58] : memref<10000x128xf32, #tpu.memory_space<hbm>> -> memref<10000x128xf32, #tpu.memory_space<hbm>>
        tpu.enqueue_indirect_dma source(%dma_start3A_59 : memref<10000x128xf32, #tpu.memory_space<hbm>>) target(%dma_start3A_54 : memref<80x128xf32, #tpu.memory_space<vmem>>) offsets(%dma_start3A_56 : memref<80xi32, #tpu.memory_space<vmem>>) semaphore(%arg26 : memref<!tpu.dma_semaphore, #tpu.memory_space<semaphore_mem>>)
        %add3A_60 = arith.constant 0 : i32
        %add3A_61 = arith.addi %mul3A_52, %add3A_60 : i32
        %dma_start3A_62 = arith.constant 0 : i32
        %dma_start3A_63 = tpu.memref_slice %arg18[%dma_start3A_62] : memref<640xf32, #tpu.memory_space<vmem>> -> memref<320xf32, #tpu.memory_space<vmem>>
        %dma_start3A_64 = tpu.memref_slice %arg8[%add3A_61] : memref<640000xf32, #tpu.memory_space<hbm>> -> memref<320xf32, #tpu.memory_space<hbm>>
        %dma_start3A_65 = arith.constant 0 : i32
        %dma_start3A_66 = tpu.memref_slice %arg18[%dma_start3A_65] : memref<640xf32, #tpu.memory_space<vmem>> -> memref<320xf32, #tpu.memory_space<vmem>>
        %dma_start3A_67 = tpu.memref_slice %arg8[%add3A_61] : memref<640000xf32, #tpu.memory_space<hbm>> -> memref<320xf32, #tpu.memory_space<hbm>>
        tpu.enqueue_dma source(%dma_start3A_67 : memref<320xf32, #tpu.memory_space<hbm>>) target(%dma_start3A_66 : memref<320xf32, #tpu.memory_space<vmem>>) target_semaphore(%arg26 : memref<!tpu.dma_semaphore, #tpu.memory_space<semaphore_mem>>)
        %scan3A_68 = arith.constant 0 : i32
        %scan3A_69 = arith.constant 0 : i32
        %scan3A_70 = arith.constant 25 : i32
        %scan3A_71 = arith.addi %scan3A_69, %scan3A_70 : i32
        %scan3A_72 = arith.constant 1 : i32
        %scan3A_73 = scf.for %scan3A_76 = %scan3A_69 to %scan3A_71 step %scan3A_72 iter_args(%scan3A_77 = %scan3A_68) -> (i32)  : i32 {
          %mul3A_78 = arith.constant 80 : i32
          %mul3A_79 = arith.muli %scan3A_76, %mul3A_78 : i32
          %and3A = arith.constant 1 : i32
          %and3A_80 = arith.andi %scan3A_76, %and3A : i32
          %mul3A_81 = arith.constant 80 : i32
          %mul3A_82 = arith.muli %and3A_80, %mul3A_81 : i32
          %mul3A_83 = arith.constant 80 : i32
          %mul3A_84 = arith.muli %and3A_80, %mul3A_83 : i32
          %mul3A_85 = arith.constant 4 : i32
          %mul3A_86 = arith.muli %mul3A_84, %mul3A_85 : i32
          %dma_wait3A_87 = arith.constant 0 : i32
          %dma_wait3A_88 = arith.constant 0 : i32
          %dma_wait3A_89 = tpu.memref_slice %arg21[%dma_wait3A_87, %dma_wait3A_88] : memref<160x128xf32, #tpu.memory_space<vmem>> -> memref<80x128xf32, #tpu.memory_space<vmem>>
          %dma_wait3A_90 = arith.constant 0 : i32
          %dma_wait3A_91 = tpu.memref_slice %arg16[%dma_wait3A_90] : memref<2000xi32, #tpu.memory_space<vmem>> -> memref<80xi32, #tpu.memory_space<vmem>>
          %dma_wait3A_92 = arith.constant 0 : i32
          %dma_wait3A_93 = arith.constant 0 : i32
          %dma_wait3A_94 = tpu.memref_slice %arg7[%dma_wait3A_92, %dma_wait3A_93] : memref<10000x128xf32, #tpu.memory_space<hbm>> -> memref<10000x128xf32, #tpu.memory_space<hbm>>
          tpu.wait_indirect_dma semaphore(%arg26 : memref<!tpu.dma_semaphore, #tpu.memory_space<semaphore_mem>>) src(%dma_wait3A_94 : memref<10000x128xf32, #tpu.memory_space<hbm>>) dst(%dma_wait3A_89 : memref<80x128xf32, #tpu.memory_space<vmem>>)
          %dma_wait3A_95 = arith.constant 0 : i32
          %dma_wait3A_96 = tpu.memref_slice %arg18[%dma_wait3A_95] : memref<640xf32, #tpu.memory_space<vmem>> -> memref<320xf32, #tpu.memory_space<vmem>>
          %dma_wait3A_97 = arith.constant 0 : i32
          %dma_wait3A_98 = tpu.memref_slice %arg8[%dma_wait3A_97] : memref<640000xf32, #tpu.memory_space<hbm>> -> memref<320xf32, #tpu.memory_space<hbm>>
          %dma_wait3A_99 = arith.constant 0 : i32
          %dma_wait3A_100 = tpu.memref_slice %arg18[%dma_wait3A_99] : memref<640xf32, #tpu.memory_space<vmem>> -> memref<320xf32, #tpu.memory_space<vmem>>
          %dma_wait3A_101 = arith.constant 0 : i32
          %dma_wait3A_102 = tpu.memref_slice %arg8[%dma_wait3A_101] : memref<640000xf32, #tpu.memory_space<hbm>> -> memref<320xf32, #tpu.memory_space<hbm>>
          tpu.wait_dma2 semaphore(%arg26 : memref<!tpu.dma_semaphore, #tpu.memory_space<semaphore_mem>>) src(%dma_wait3A_102 : memref<320xf32, #tpu.memory_space<hbm>>) dst(%dma_wait3A_100 : memref<320xf32, #tpu.memory_space<vmem>>)
          %add3A_103 = arith.constant 1 : i32
          %add3A_104 = arith.addi %scan3A_76, %add3A_103 : i32
          %lt3A_105 = arith.constant 25 : i32
          %lt3A_106 = arith.cmpi slt, %add3A_104, %lt3A_105 : i32
          %convert_element_type3A_107 = arith.extui %lt3A_106 : i1 to i32
          %cond3A_108 = arith.constant 0 : i32
          %cond3A_109 = arith.cmpi ne, %convert_element_type3A_107, %cond3A_108 : i32
          scf.if %cond3A_109 {
            %add3A_603 = arith.constant 1 : i32
            %add3A_604 = arith.addi %scan3A_76, %add3A_603 : i32
            %sub3A = arith.constant 1 : i32
            %sub3A_605 = arith.subi %sub3A, %and3A_80 : i32
            %mul3A_606 = arith.constant 80 : i32
            %mul3A_607 = arith.muli %add3A_604, %mul3A_606 : i32
            %mul3A_608 = arith.constant 80 : i32
            %mul3A_609 = arith.muli %sub3A_605, %mul3A_608 : i32
            %dma_start3A_610 = arith.constant 0 : i32
            %dma_start3A_611 = tpu.memref_slice %arg21[%mul3A_609, %dma_start3A_610] : memref<160x128xf32, #tpu.memory_space<vmem>> -> memref<80x128xf32, #tpu.memory_space<vmem>>
            %dma_start3A_612 = tpu.memref_slice %arg16[%mul3A_607] : memref<2000xi32, #tpu.memory_space<vmem>> -> memref<80xi32, #tpu.memory_space<vmem>>
            %dma_start3A_613 = arith.constant 0 : i32
            %dma_start3A_614 = arith.constant 0 : i32
            %dma_start3A_615 = tpu.memref_slice %arg7[%dma_start3A_613, %dma_start3A_614] : memref<10000x128xf32, #tpu.memory_space<hbm>> -> memref<10000x128xf32, #tpu.memory_space<hbm>>
            tpu.enqueue_indirect_dma source(%dma_start3A_615 : memref<10000x128xf32, #tpu.memory_space<hbm>>) target(%dma_start3A_611 : memref<80x128xf32, #tpu.memory_space<vmem>>) offsets(%dma_start3A_612 : memref<80xi32, #tpu.memory_space<vmem>>) semaphore(%arg26 : memref<!tpu.dma_semaphore, #tpu.memory_space<semaphore_mem>>)
            %mul3A_616 = arith.constant 4 : i32
            %mul3A_617 = arith.muli %mul3A_607, %mul3A_616 : i32
            %add3A_618 = arith.addi %mul3A_52, %mul3A_617 : i32
            %mul3A_619 = arith.constant 80 : i32
            %mul3A_620 = arith.muli %sub3A_605, %mul3A_619 : i32
            %mul3A_621 = arith.constant 4 : i32
            %mul3A_622 = arith.muli %mul3A_620, %mul3A_621 : i32
            %dma_start3A_623 = tpu.memref_slice %arg18[%mul3A_622] : memref<640xf32, #tpu.memory_space<vmem>> -> memref<320xf32, #tpu.memory_space<vmem>>
            %dma_start3A_624 = tpu.memref_slice %arg8[%add3A_618] : memref<640000xf32, #tpu.memory_space<hbm>> -> memref<320xf32, #tpu.memory_space<hbm>>
            %dma_start3A_625 = tpu.memref_slice %arg18[%mul3A_622] : memref<640xf32, #tpu.memory_space<vmem>> -> memref<320xf32, #tpu.memory_space<vmem>>
            %dma_start3A_626 = tpu.memref_slice %arg8[%add3A_618] : memref<640000xf32, #tpu.memory_space<hbm>> -> memref<320xf32, #tpu.memory_space<hbm>>
            tpu.enqueue_dma source(%dma_start3A_626 : memref<320xf32, #tpu.memory_space<hbm>>) target(%dma_start3A_625 : memref<320xf32, #tpu.memory_space<vmem>>) target_semaphore(%arg26 : memref<!tpu.dma_semaphore, #tpu.memory_space<semaphore_mem>>)
          } else {
          }
          %add3A_110 = arith.constant 0 : i32
          %add3A_111 = vector.broadcast %add3A_110 : i32 to vector<16xi32>
          %add3A_112 = arith.addi %iota3A, %add3A_111 : vector<16xi32>
          %add3A_113 = arith.constant 0 : i32
          %add3A_114 = arith.addi %mul3A_79, %add3A_113 : i32
          %get3A = arith.index_cast %add3A_114 : i32 to index
          %get3A_115 = tpu.vector_load %arg17[%get3A] {strides = array<i32>} : memref<2000xi32, #tpu.memory_space<vmem>>, vector<16xi32>,
          %swap3A = arith.index_cast %and3A_80 : i32 to index
          %swap3A_116 = arith.constant 0 : index
          %swap3A_117 = tpu.vector_load %arg19[%swap3A, %swap3A_116] {strides = array<i32>} : memref<2x80xi32, #tpu.memory_space<vmem>>, vector<16xi32>,
          tpu.vector_store %arg19[%swap3A, %swap3A_116], %get3A_115 {strides = array<i32>} : memref<2x80xi32, #tpu.memory_space<vmem>>, vector<16xi32>,
          %shift_right_arithmetic3A = arith.constant 5 : i32
          %shift_right_arithmetic3A_118 = vector.broadcast %shift_right_arithmetic3A : i32 to vector<16xi32>
          %shift_right_arithmetic3A_119 = arith.shrsi %get3A_115, %shift_right_arithmetic3A_118 : vector<16xi32>
          %swap3A_120 = arith.constant 0 : index
          %swap3A_121 = tpu.vector_load %arg20[%swap3A_120] {strides = array<i32>} : memref<80xi32, #tpu.memory_space<vmem>>, vector<16xi32>,
          tpu.vector_store %arg20[%swap3A_120], %shift_right_arithmetic3A_119 {strides = array<i32>} : memref<80xi32, #tpu.memory_space<vmem>>, vector<16xi32>,
          %and3A_122 = arith.constant 31 : i32
          %and3A_123 = vector.broadcast %and3A_122 : i32 to vector<16xi32>
          %and3A_124 = arith.andi %get3A_115, %and3A_123 : vector<16xi32>
          %mul3A_125 = arith.constant 4 : i32
          %mul3A_126 = vector.broadcast %mul3A_125 : i32 to vector<16xi32>
          %mul3A_127 = arith.muli %and3A_124, %mul3A_126 : vector<16xi32>
          %mul3A_128 = arith.constant 4 : i32
          %mul3A_129 = vector.broadcast %mul3A_128 : i32 to vector<16xi32>
          %mul3A_130 = arith.muli %add3A_112, %mul3A_129 : vector<16xi32>
          %add3A_131 = vector.broadcast %mul3A_86 : i32 to vector<16xi32>
          %add3A_132 = arith.addi %add3A_131, %mul3A_130 : vector<16xi32>
          %add3A_133 = arith.constant 0 : i32
          %add3A_134 = vector.broadcast %add3A_133 : i32 to vector<16xi32>
          %add3A_135 = arith.addi %add3A_132, %add3A_134 : vector<16xi32>
          %gather3A = tpu.vector_load_idx %arg18[%add3A_135] : memref<640xf32, #tpu.memory_space<vmem>>[vector<16xi32>], vector<16xf32>,
          %add3A_136 = arith.constant 0 : i32
          %add3A_137 = vector.broadcast %add3A_136 : i32 to vector<16xi32>
          %add3A_138 = arith.addi %mul3A_127, %add3A_137 : vector<16xi32>
          tpu.vector_store_idx %arg23[%add3A_112, %add3A_138], %gather3A : memref<80x128xf32, #tpu.memory_space<vmem>>[vector<16xi32>, vector<16xi32>], vector<16xf32>,
          %mul3A_139 = arith.constant 4 : i32
          %mul3A_140 = vector.broadcast %mul3A_139 : i32 to vector<16xi32>
          %mul3A_141 = arith.muli %add3A_112, %mul3A_140 : vector<16xi32>
          %add3A_142 = vector.broadcast %mul3A_86 : i32 to vector<16xi32>
          %add3A_143 = arith.addi %add3A_142, %mul3A_141 : vector<16xi32>
          %add3A_144 = arith.constant 1 : i32
          %add3A_145 = vector.broadcast %add3A_144 : i32 to vector<16xi32>
          %add3A_146 = arith.addi %add3A_143, %add3A_145 : vector<16xi32>
          %gather3A_147 = tpu.vector_load_idx %arg18[%add3A_146] : memref<640xf32, #tpu.memory_space<vmem>>[vector<16xi32>], vector<16xf32>,
          %add3A_148 = arith.constant 1 : i32
          %add3A_149 = vector.broadcast %add3A_148 : i32 to vector<16xi32>
          %add3A_150 = arith.addi %mul3A_127, %add3A_149 : vector<16xi32>
          tpu.vector_store_idx %arg23[%add3A_112, %add3A_150], %gather3A_147 : memref<80x128xf32, #tpu.memory_space<vmem>>[vector<16xi32>, vector<16xi32>], vector<16xf32>,
          %mul3A_151 = arith.constant 4 : i32
          %mul3A_152 = vector.broadcast %mul3A_151 : i32 to vector<16xi32>
          %mul3A_153 = arith.muli %add3A_112, %mul3A_152 : vector<16xi32>
          %add3A_154 = vector.broadcast %mul3A_86 : i32 to vector<16xi32>
          %add3A_155 = arith.addi %add3A_154, %mul3A_153 : vector<16xi32>
          %add3A_156 = arith.constant 2 : i32
          %add3A_157 = vector.broadcast %add3A_156 : i32 to vector<16xi32>
          %add3A_158 = arith.addi %add3A_155, %add3A_157 : vector<16xi32>
          %gather3A_159 = tpu.vector_load_idx %arg18[%add3A_158] : memref<640xf32, #tpu.memory_space<vmem>>[vector<16xi32>], vector<16xf32>,
          %add3A_160 = arith.constant 2 : i32
          %add3A_161 = vector.broadcast %add3A_160 : i32 to vector<16xi32>
          %add3A_162 = arith.addi %mul3A_127, %add3A_161 : vector<16xi32>
          tpu.vector_store_idx %arg23[%add3A_112, %add3A_162], %gather3A_159 : memref<80x128xf32, #tpu.memory_space<vmem>>[vector<16xi32>, vector<16xi32>], vector<16xf32>,
          %mul3A_163 = arith.constant 4 : i32
          %mul3A_164 = vector.broadcast %mul3A_163 : i32 to vector<16xi32>
          %mul3A_165 = arith.muli %add3A_112, %mul3A_164 : vector<16xi32>
          %add3A_166 = vector.broadcast %mul3A_86 : i32 to vector<16xi32>
          %add3A_167 = arith.addi %add3A_166, %mul3A_165 : vector<16xi32>
          %add3A_168 = arith.constant 3 : i32
          %add3A_169 = vector.broadcast %add3A_168 : i32 to vector<16xi32>
          %add3A_170 = arith.addi %add3A_167, %add3A_169 : vector<16xi32>
          %gather3A_171 = tpu.vector_load_idx %arg18[%add3A_170] : memref<640xf32, #tpu.memory_space<vmem>>[vector<16xi32>], vector<16xf32>,
          %add3A_172 = arith.constant 3 : i32
          %add3A_173 = vector.broadcast %add3A_172 : i32 to vector<16xi32>
          %add3A_174 = arith.addi %mul3A_127, %add3A_173 : vector<16xi32>
          tpu.vector_store_idx %arg23[%add3A_112, %add3A_174], %gather3A_171 : memref<80x128xf32, #tpu.memory_space<vmem>>[vector<16xi32>, vector<16xi32>], vector<16xf32>,
          %add3A_175 = arith.constant 16 : i32
          %add3A_176 = vector.broadcast %add3A_175 : i32 to vector<16xi32>
          %add3A_177 = arith.addi %iota3A, %add3A_176 : vector<16xi32>
          %add3A_178 = arith.constant 16 : i32
          %add3A_179 = arith.addi %mul3A_79, %add3A_178 : i32
          %get3A_180 = arith.index_cast %add3A_179 : i32 to index
          %get3A_181 = tpu.vector_load %arg17[%get3A_180] {strides = array<i32>} : memref<2000xi32, #tpu.memory_space<vmem>>, vector<16xi32>,
          %swap3A_182 = arith.index_cast %and3A_80 : i32 to index
          %swap3A_183 = arith.constant 16 : index
          %swap3A_184 = tpu.vector_load %arg19[%swap3A_182, %swap3A_183] {strides = array<i32>} : memref<2x80xi32, #tpu.memory_space<vmem>>, vector<16xi32>,
          tpu.vector_store %arg19[%swap3A_182, %swap3A_183], %get3A_181 {strides = array<i32>} : memref<2x80xi32, #tpu.memory_space<vmem>>, vector<16xi32>,
          %shift_right_arithmetic3A_185 = arith.constant 5 : i32
          %shift_right_arithmetic3A_186 = vector.broadcast %shift_right_arithmetic3A_185 : i32 to vector<16xi32>
          %shift_right_arithmetic3A_187 = arith.shrsi %get3A_181, %shift_right_arithmetic3A_186 : vector<16xi32>
          %swap3A_188 = arith.constant 16 : index
          %swap3A_189 = tpu.vector_load %arg20[%swap3A_188] {strides = array<i32>} : memref<80xi32, #tpu.memory_space<vmem>>, vector<16xi32>,
          tpu.vector_store %arg20[%swap3A_188], %shift_right_arithmetic3A_187 {strides = array<i32>} : memref<80xi32, #tpu.memory_space<vmem>>, vector<16xi32>,
          %and3A_190 = arith.constant 31 : i32
          %and3A_191 = vector.broadcast %and3A_190 : i32 to vector<16xi32>
          %and3A_192 = arith.andi %get3A_181, %and3A_191 : vector<16xi32>
          %mul3A_193 = arith.constant 4 : i32
          %mul3A_194 = vector.broadcast %mul3A_193 : i32 to vector<16xi32>
          %mul3A_195 = arith.muli %and3A_192, %mul3A_194 : vector<16xi32>
          %mul3A_196 = arith.constant 4 : i32
          %mul3A_197 = vector.broadcast %mul3A_196 : i32 to vector<16xi32>
          %mul3A_198 = arith.muli %add3A_177, %mul3A_197 : vector<16xi32>
          %add3A_199 = vector.broadcast %mul3A_86 : i32 to vector<16xi32>
          %add3A_200 = arith.addi %add3A_199, %mul3A_198 : vector<16xi32>
          %add3A_201 = arith.constant 0 : i32
          %add3A_202 = vector.broadcast %add3A_201 : i32 to vector<16xi32>
          %add3A_203 = arith.addi %add3A_200, %add3A_202 : vector<16xi32>
          %gather3A_204 = tpu.vector_load_idx %arg18[%add3A_203] : memref<640xf32, #tpu.memory_space<vmem>>[vector<16xi32>], vector<16xf32>,
          %add3A_205 = arith.constant 0 : i32
          %add3A_206 = vector.broadcast %add3A_205 : i32 to vector<16xi32>
          %add3A_207 = arith.addi %mul3A_195, %add3A_206 : vector<16xi32>
          tpu.vector_store_idx %arg23[%add3A_177, %add3A_207], %gather3A_204 : memref<80x128xf32, #tpu.memory_space<vmem>>[vector<16xi32>, vector<16xi32>], vector<16xf32>,
          %mul3A_208 = arith.constant 4 : i32
          %mul3A_209 = vector.broadcast %mul3A_208 : i32 to vector<16xi32>
          %mul3A_210 = arith.muli %add3A_177, %mul3A_209 : vector<16xi32>
          %add3A_211 = vector.broadcast %mul3A_86 : i32 to vector<16xi32>
          %add3A_212 = arith.addi %add3A_211, %mul3A_210 : vector<16xi32>
          %add3A_213 = arith.constant 1 : i32
          %add3A_214 = vector.broadcast %add3A_213 : i32 to vector<16xi32>
          %add3A_215 = arith.addi %add3A_212, %add3A_214 : vector<16xi32>
          %gather3A_216 = tpu.vector_load_idx %arg18[%add3A_215] : memref<640xf32, #tpu.memory_space<vmem>>[vector<16xi32>], vector<16xf32>,
          %add3A_217 = arith.constant 1 : i32
          %add3A_218 = vector.broadcast %add3A_217 : i32 to vector<16xi32>
          %add3A_219 = arith.addi %mul3A_195, %add3A_218 : vector<16xi32>
          tpu.vector_store_idx %arg23[%add3A_177, %add3A_219], %gather3A_216 : memref<80x128xf32, #tpu.memory_space<vmem>>[vector<16xi32>, vector<16xi32>], vector<16xf32>,
          %mul3A_220 = arith.constant 4 : i32
          %mul3A_221 = vector.broadcast %mul3A_220 : i32 to vector<16xi32>
          %mul3A_222 = arith.muli %add3A_177, %mul3A_221 : vector<16xi32>
          %add3A_223 = vector.broadcast %mul3A_86 : i32 to vector<16xi32>
          %add3A_224 = arith.addi %add3A_223, %mul3A_222 : vector<16xi32>
          %add3A_225 = arith.constant 2 : i32
          %add3A_226 = vector.broadcast %add3A_225 : i32 to vector<16xi32>
          %add3A_227 = arith.addi %add3A_224, %add3A_226 : vector<16xi32>
          %gather3A_228 = tpu.vector_load_idx %arg18[%add3A_227] : memref<640xf32, #tpu.memory_space<vmem>>[vector<16xi32>], vector<16xf32>,
          %add3A_229 = arith.constant 2 : i32
          %add3A_230 = vector.broadcast %add3A_229 : i32 to vector<16xi32>
          %add3A_231 = arith.addi %mul3A_195, %add3A_230 : vector<16xi32>
          tpu.vector_store_idx %arg23[%add3A_177, %add3A_231], %gather3A_228 : memref<80x128xf32, #tpu.memory_space<vmem>>[vector<16xi32>, vector<16xi32>], vector<16xf32>,
          %mul3A_232 = arith.constant 4 : i32
          %mul3A_233 = vector.broadcast %mul3A_232 : i32 to vector<16xi32>
          %mul3A_234 = arith.muli %add3A_177, %mul3A_233 : vector<16xi32>
          %add3A_235 = vector.broadcast %mul3A_86 : i32 to vector<16xi32>
          %add3A_236 = arith.addi %add3A_235, %mul3A_234 : vector<16xi32>
          %add3A_237 = arith.constant 3 : i32
          %add3A_238 = vector.broadcast %add3A_237 : i32 to vector<16xi32>
          %add3A_239 = arith.addi %add3A_236, %add3A_238 : vector<16xi32>
          %gather3A_240 = tpu.vector_load_idx %arg18[%add3A_239] : memref<640xf32, #tpu.memory_space<vmem>>[vector<16xi32>], vector<16xf32>,
          %add3A_241 = arith.constant 3 : i32
          %add3A_242 = vector.broadcast %add3A_241 : i32 to vector<16xi32>
          %add3A_243 = arith.addi %mul3A_195, %add3A_242 : vector<16xi32>
          tpu.vector_store_idx %arg23[%add3A_177, %add3A_243], %gather3A_240 : memref<80x128xf32, #tpu.memory_space<vmem>>[vector<16xi32>, vector<16xi32>], vector<16xf32>,
          %add3A_244 = arith.constant 32 : i32
          %add3A_245 = vector.broadcast %add3A_244 : i32 to vector<16xi32>
          %add3A_246 = arith.addi %iota3A, %add3A_245 : vector<16xi32>
          %add3A_247 = arith.constant 32 : i32
          %add3A_248 = arith.addi %mul3A_79, %add3A_247 : i32
          %get3A_249 = arith.index_cast %add3A_248 : i32 to index
          %get3A_250 = tpu.vector_load %arg17[%get3A_249] {strides = array<i32>} : memref<2000xi32, #tpu.memory_space<vmem>>, vector<16xi32>,
          %swap3A_251 = arith.index_cast %and3A_80 : i32 to index
          %swap3A_252 = arith.constant 32 : index
          %swap3A_253 = tpu.vector_load %arg19[%swap3A_251, %swap3A_252] {strides = array<i32>} : memref<2x80xi32, #tpu.memory_space<vmem>>, vector<16xi32>,
          tpu.vector_store %arg19[%swap3A_251, %swap3A_252], %get3A_250 {strides = array<i32>} : memref<2x80xi32, #tpu.memory_space<vmem>>, vector<16xi32>,
          %shift_right_arithmetic3A_254 = arith.constant 5 : i32
          %shift_right_arithmetic3A_255 = vector.broadcast %shift_right_arithmetic3A_254 : i32 to vector<16xi32>
          %shift_right_arithmetic3A_256 = arith.shrsi %get3A_250, %shift_right_arithmetic3A_255 : vector<16xi32>
          %swap3A_257 = arith.constant 32 : index
          %swap3A_258 = tpu.vector_load %arg20[%swap3A_257] {strides = array<i32>} : memref<80xi32, #tpu.memory_space<vmem>>, vector<16xi32>,
          tpu.vector_store %arg20[%swap3A_257], %shift_right_arithmetic3A_256 {strides = array<i32>} : memref<80xi32, #tpu.memory_space<vmem>>, vector<16xi32>,
          %and3A_259 = arith.constant 31 : i32
          %and3A_260 = vector.broadcast %and3A_259 : i32 to vector<16xi32>
          %and3A_261 = arith.andi %get3A_250, %and3A_260 : vector<16xi32>
          %mul3A_262 = arith.constant 4 : i32
          %mul3A_263 = vector.broadcast %mul3A_262 : i32 to vector<16xi32>
          %mul3A_264 = arith.muli %and3A_261, %mul3A_263 : vector<16xi32>
          %mul3A_265 = arith.constant 4 : i32
          %mul3A_266 = vector.broadcast %mul3A_265 : i32 to vector<16xi32>
          %mul3A_267 = arith.muli %add3A_246, %mul3A_266 : vector<16xi32>
          %add3A_268 = vector.broadcast %mul3A_86 : i32 to vector<16xi32>
          %add3A_269 = arith.addi %add3A_268, %mul3A_267 : vector<16xi32>
          %add3A_270 = arith.constant 0 : i32
          %add3A_271 = vector.broadcast %add3A_270 : i32 to vector<16xi32>
          %add3A_272 = arith.addi %add3A_269, %add3A_271 : vector<16xi32>
          %gather3A_273 = tpu.vector_load_idx %arg18[%add3A_272] : memref<640xf32, #tpu.memory_space<vmem>>[vector<16xi32>], vector<16xf32>,
          %add3A_274 = arith.constant 0 : i32
          %add3A_275 = vector.broadcast %add3A_274 : i32 to vector<16xi32>
          %add3A_276 = arith.addi %mul3A_264, %add3A_275 : vector<16xi32>
          tpu.vector_store_idx %arg23[%add3A_246, %add3A_276], %gather3A_273 : memref<80x128xf32, #tpu.memory_space<vmem>>[vector<16xi32>, vector<16xi32>], vector<16xf32>,
          %mul3A_277 = arith.constant 4 : i32
          %mul3A_278 = vector.broadcast %mul3A_277 : i32 to vector<16xi32>
          %mul3A_279 = arith.muli %add3A_246, %mul3A_278 : vector<16xi32>
          %add3A_280 = vector.broadcast %mul3A_86 : i32 to vector<16xi32>
          %add3A_281 = arith.addi %add3A_280, %mul3A_279 : vector<16xi32>
          %add3A_282 = arith.constant 1 : i32
          %add3A_283 = vector.broadcast %add3A_282 : i32 to vector<16xi32>
          %add3A_284 = arith.addi %add3A_281, %add3A_283 : vector<16xi32>
          %gather3A_285 = tpu.vector_load_idx %arg18[%add3A_284] : memref<640xf32, #tpu.memory_space<vmem>>[vector<16xi32>], vector<16xf32>,
          %add3A_286 = arith.constant 1 : i32
          %add3A_287 = vector.broadcast %add3A_286 : i32 to vector<16xi32>
          %add3A_288 = arith.addi %mul3A_264, %add3A_287 : vector<16xi32>
          tpu.vector_store_idx %arg23[%add3A_246, %add3A_288], %gather3A_285 : memref<80x128xf32, #tpu.memory_space<vmem>>[vector<16xi32>, vector<16xi32>], vector<16xf32>,
          %mul3A_289 = arith.constant 4 : i32
          %mul3A_290 = vector.broadcast %mul3A_289 : i32 to vector<16xi32>
          %mul3A_291 = arith.muli %add3A_246, %mul3A_290 : vector<16xi32>
          %add3A_292 = vector.broadcast %mul3A_86 : i32 to vector<16xi32>
          %add3A_293 = arith.addi %add3A_292, %mul3A_291 : vector<16xi32>
          %add3A_294 = arith.constant 2 : i32
          %add3A_295 = vector.broadcast %add3A_294 : i32 to vector<16xi32>
          %add3A_296 = arith.addi %add3A_293, %add3A_295 : vector<16xi32>
          %gather3A_297 = tpu.vector_load_idx %arg18[%add3A_296] : memref<640xf32, #tpu.memory_space<vmem>>[vector<16xi32>], vector<16xf32>,
          %add3A_298 = arith.constant 2 : i32
          %add3A_299 = vector.broadcast %add3A_298 : i32 to vector<16xi32>
          %add3A_300 = arith.addi %mul3A_264, %add3A_299 : vector<16xi32>
          tpu.vector_store_idx %arg23[%add3A_246, %add3A_300], %gather3A_297 : memref<80x128xf32, #tpu.memory_space<vmem>>[vector<16xi32>, vector<16xi32>], vector<16xf32>,
          %mul3A_301 = arith.constant 4 : i32
          %mul3A_302 = vector.broadcast %mul3A_301 : i32 to vector<16xi32>
          %mul3A_303 = arith.muli %add3A_246, %mul3A_302 : vector<16xi32>
          %add3A_304 = vector.broadcast %mul3A_86 : i32 to vector<16xi32>
          %add3A_305 = arith.addi %add3A_304, %mul3A_303 : vector<16xi32>
          %add3A_306 = arith.constant 3 : i32
          %add3A_307 = vector.broadcast %add3A_306 : i32 to vector<16xi32>
          %add3A_308 = arith.addi %add3A_305, %add3A_307 : vector<16xi32>
          %gather3A_309 = tpu.vector_load_idx %arg18[%add3A_308] : memref<640xf32, #tpu.memory_space<vmem>>[vector<16xi32>], vector<16xf32>,
          %add3A_310 = arith.constant 3 : i32
          %add3A_311 = vector.broadcast %add3A_310 : i32 to vector<16xi32>
          %add3A_312 = arith.addi %mul3A_264, %add3A_311 : vector<16xi32>
          tpu.vector_store_idx %arg23[%add3A_246, %add3A_312], %gather3A_309 : memref<80x128xf32, #tpu.memory_space<vmem>>[vector<16xi32>, vector<16xi32>], vector<16xf32>,
          %add3A_313 = arith.constant 48 : i32
          %add3A_314 = vector.broadcast %add3A_313 : i32 to vector<16xi32>
          %add3A_315 = arith.addi %iota3A, %add3A_314 : vector<16xi32>
          %add3A_316 = arith.constant 48 : i32
          %add3A_317 = arith.addi %mul3A_79, %add3A_316 : i32
          %get3A_318 = arith.index_cast %add3A_317 : i32 to index
          %get3A_319 = tpu.vector_load %arg17[%get3A_318] {strides = array<i32>} : memref<2000xi32, #tpu.memory_space<vmem>>, vector<16xi32>,
          %swap3A_320 = arith.index_cast %and3A_80 : i32 to index
          %swap3A_321 = arith.constant 48 : index
          %swap3A_322 = tpu.vector_load %arg19[%swap3A_320, %swap3A_321] {strides = array<i32>} : memref<2x80xi32, #tpu.memory_space<vmem>>, vector<16xi32>,
          tpu.vector_store %arg19[%swap3A_320, %swap3A_321], %get3A_319 {strides = array<i32>} : memref<2x80xi32, #tpu.memory_space<vmem>>, vector<16xi32>,
          %shift_right_arithmetic3A_323 = arith.constant 5 : i32
          %shift_right_arithmetic3A_324 = vector.broadcast %shift_right_arithmetic3A_323 : i32 to vector<16xi32>
          %shift_right_arithmetic3A_325 = arith.shrsi %get3A_319, %shift_right_arithmetic3A_324 : vector<16xi32>
          %swap3A_326 = arith.constant 48 : index
          %swap3A_327 = tpu.vector_load %arg20[%swap3A_326] {strides = array<i32>} : memref<80xi32, #tpu.memory_space<vmem>>, vector<16xi32>,
          tpu.vector_store %arg20[%swap3A_326], %shift_right_arithmetic3A_325 {strides = array<i32>} : memref<80xi32, #tpu.memory_space<vmem>>, vector<16xi32>,
          %and3A_328 = arith.constant 31 : i32
          %and3A_329 = vector.broadcast %and3A_328 : i32 to vector<16xi32>
          %and3A_330 = arith.andi %get3A_319, %and3A_329 : vector<16xi32>
          %mul3A_331 = arith.constant 4 : i32
          %mul3A_332 = vector.broadcast %mul3A_331 : i32 to vector<16xi32>
          %mul3A_333 = arith.muli %and3A_330, %mul3A_332 : vector<16xi32>
          %mul3A_334 = arith.constant 4 : i32
          %mul3A_335 = vector.broadcast %mul3A_334 : i32 to vector<16xi32>
          %mul3A_336 = arith.muli %add3A_315, %mul3A_335 : vector<16xi32>
          %add3A_337 = vector.broadcast %mul3A_86 : i32 to vector<16xi32>
          %add3A_338 = arith.addi %add3A_337, %mul3A_336 : vector<16xi32>
          %add3A_339 = arith.constant 0 : i32
          %add3A_340 = vector.broadcast %add3A_339 : i32 to vector<16xi32>
          %add3A_341 = arith.addi %add3A_338, %add3A_340 : vector<16xi32>
          %gather3A_342 = tpu.vector_load_idx %arg18[%add3A_341] : memref<640xf32, #tpu.memory_space<vmem>>[vector<16xi32>], vector<16xf32>,
          %add3A_343 = arith.constant 0 : i32
          %add3A_344 = vector.broadcast %add3A_343 : i32 to vector<16xi32>
          %add3A_345 = arith.addi %mul3A_333, %add3A_344 : vector<16xi32>
          tpu.vector_store_idx %arg23[%add3A_315, %add3A_345], %gather3A_342 : memref<80x128xf32, #tpu.memory_space<vmem>>[vector<16xi32>, vector<16xi32>], vector<16xf32>,
          %mul3A_346 = arith.constant 4 : i32
          %mul3A_347 = vector.broadcast %mul3A_346 : i32 to vector<16xi32>
          %mul3A_348 = arith.muli %add3A_315, %mul3A_347 : vector<16xi32>
          %add3A_349 = vector.broadcast %mul3A_86 : i32 to vector<16xi32>
          %add3A_350 = arith.addi %add3A_349, %mul3A_348 : vector<16xi32>
          %add3A_351 = arith.constant 1 : i32
          %add3A_352 = vector.broadcast %add3A_351 : i32 to vector<16xi32>
          %add3A_353 = arith.addi %add3A_350, %add3A_352 : vector<16xi32>
          %gather3A_354 = tpu.vector_load_idx %arg18[%add3A_353] : memref<640xf32, #tpu.memory_space<vmem>>[vector<16xi32>], vector<16xf32>,
          %add3A_355 = arith.constant 1 : i32
          %add3A_356 = vector.broadcast %add3A_355 : i32 to vector<16xi32>
          %add3A_357 = arith.addi %mul3A_333, %add3A_356 : vector<16xi32>
          tpu.vector_store_idx %arg23[%add3A_315, %add3A_357], %gather3A_354 : memref<80x128xf32, #tpu.memory_space<vmem>>[vector<16xi32>, vector<16xi32>], vector<16xf32>,
          %mul3A_358 = arith.constant 4 : i32
          %mul3A_359 = vector.broadcast %mul3A_358 : i32 to vector<16xi32>
          %mul3A_360 = arith.muli %add3A_315, %mul3A_359 : vector<16xi32>
          %add3A_361 = vector.broadcast %mul3A_86 : i32 to vector<16xi32>
          %add3A_362 = arith.addi %add3A_361, %mul3A_360 : vector<16xi32>
          %add3A_363 = arith.constant 2 : i32
          %add3A_364 = vector.broadcast %add3A_363 : i32 to vector<16xi32>
          %add3A_365 = arith.addi %add3A_362, %add3A_364 : vector<16xi32>
          %gather3A_366 = tpu.vector_load_idx %arg18[%add3A_365] : memref<640xf32, #tpu.memory_space<vmem>>[vector<16xi32>], vector<16xf32>,
          %add3A_367 = arith.constant 2 : i32
          %add3A_368 = vector.broadcast %add3A_367 : i32 to vector<16xi32>
          %add3A_369 = arith.addi %mul3A_333, %add3A_368 : vector<16xi32>
          tpu.vector_store_idx %arg23[%add3A_315, %add3A_369], %gather3A_366 : memref<80x128xf32, #tpu.memory_space<vmem>>[vector<16xi32>, vector<16xi32>], vector<16xf32>,
          %mul3A_370 = arith.constant 4 : i32
          %mul3A_371 = vector.broadcast %mul3A_370 : i32 to vector<16xi32>
          %mul3A_372 = arith.muli %add3A_315, %mul3A_371 : vector<16xi32>
          %add3A_373 = vector.broadcast %mul3A_86 : i32 to vector<16xi32>
          %add3A_374 = arith.addi %add3A_373, %mul3A_372 : vector<16xi32>
          %add3A_375 = arith.constant 3 : i32
          %add3A_376 = vector.broadcast %add3A_375 : i32 to vector<16xi32>
          %add3A_377 = arith.addi %add3A_374, %add3A_376 : vector<16xi32>
          %gather3A_378 = tpu.vector_load_idx %arg18[%add3A_377] : memref<640xf32, #tpu.memory_space<vmem>>[vector<16xi32>], vector<16xf32>,
          %add3A_379 = arith.constant 3 : i32
          %add3A_380 = vector.broadcast %add3A_379 : i32 to vector<16xi32>
          %add3A_381 = arith.addi %mul3A_333, %add3A_380 : vector<16xi32>
          tpu.vector_store_idx %arg23[%add3A_315, %add3A_381], %gather3A_378 : memref<80x128xf32, #tpu.memory_space<vmem>>[vector<16xi32>, vector<16xi32>], vector<16xf32>,
          %add3A_382 = arith.constant 64 : i32
          %add3A_383 = vector.broadcast %add3A_382 : i32 to vector<16xi32>
          %add3A_384 = arith.addi %iota3A, %add3A_383 : vector<16xi32>
          %add3A_385 = arith.constant 64 : i32
          %add3A_386 = arith.addi %mul3A_79, %add3A_385 : i32
          %get3A_387 = arith.index_cast %add3A_386 : i32 to index
          %get3A_388 = tpu.vector_load %arg17[%get3A_387] {strides = array<i32>} : memref<2000xi32, #tpu.memory_space<vmem>>, vector<16xi32>,
          %swap3A_389 = arith.index_cast %and3A_80 : i32 to index
          %swap3A_390 = arith.constant 64 : index
          %swap3A_391 = tpu.vector_load %arg19[%swap3A_389, %swap3A_390] {strides = array<i32>} : memref<2x80xi32, #tpu.memory_space<vmem>>, vector<16xi32>,
          tpu.vector_store %arg19[%swap3A_389, %swap3A_390], %get3A_388 {strides = array<i32>} : memref<2x80xi32, #tpu.memory_space<vmem>>, vector<16xi32>,
          %shift_right_arithmetic3A_392 = arith.constant 5 : i32
          %shift_right_arithmetic3A_393 = vector.broadcast %shift_right_arithmetic3A_392 : i32 to vector<16xi32>
          %shift_right_arithmetic3A_394 = arith.shrsi %get3A_388, %shift_right_arithmetic3A_393 : vector<16xi32>
          %swap3A_395 = arith.constant 64 : index
          %swap3A_396 = tpu.vector_load %arg20[%swap3A_395] {strides = array<i32>} : memref<80xi32, #tpu.memory_space<vmem>>, vector<16xi32>,
          tpu.vector_store %arg20[%swap3A_395], %shift_right_arithmetic3A_394 {strides = array<i32>} : memref<80xi32, #tpu.memory_space<vmem>>, vector<16xi32>,
          %and3A_397 = arith.constant 31 : i32
          %and3A_398 = vector.broadcast %and3A_397 : i32 to vector<16xi32>
          %and3A_399 = arith.andi %get3A_388, %and3A_398 : vector<16xi32>
          %mul3A_400 = arith.constant 4 : i32
          %mul3A_401 = vector.broadcast %mul3A_400 : i32 to vector<16xi32>
          %mul3A_402 = arith.muli %and3A_399, %mul3A_401 : vector<16xi32>
          %mul3A_403 = arith.constant 4 : i32
          %mul3A_404 = vector.broadcast %mul3A_403 : i32 to vector<16xi32>
          %mul3A_405 = arith.muli %add3A_384, %mul3A_404 : vector<16xi32>
          %add3A_406 = vector.broadcast %mul3A_86 : i32 to vector<16xi32>
          %add3A_407 = arith.addi %add3A_406, %mul3A_405 : vector<16xi32>
          %add3A_408 = arith.constant 0 : i32
          %add3A_409 = vector.broadcast %add3A_408 : i32 to vector<16xi32>
          %add3A_410 = arith.addi %add3A_407, %add3A_409 : vector<16xi32>
          %gather3A_411 = tpu.vector_load_idx %arg18[%add3A_410] : memref<640xf32, #tpu.memory_space<vmem>>[vector<16xi32>], vector<16xf32>,
          %add3A_412 = arith.constant 0 : i32
          %add3A_413 = vector.broadcast %add3A_412 : i32 to vector<16xi32>
          %add3A_414 = arith.addi %mul3A_402, %add3A_413 : vector<16xi32>
          tpu.vector_store_idx %arg23[%add3A_384, %add3A_414], %gather3A_411 : memref<80x128xf32, #tpu.memory_space<vmem>>[vector<16xi32>, vector<16xi32>], vector<16xf32>,
          %mul3A_415 = arith.constant 4 : i32
          %mul3A_416 = vector.broadcast %mul3A_415 : i32 to vector<16xi32>
          %mul3A_417 = arith.muli %add3A_384, %mul3A_416 : vector<16xi32>
          %add3A_418 = vector.broadcast %mul3A_86 : i32 to vector<16xi32>
          %add3A_419 = arith.addi %add3A_418, %mul3A_417 : vector<16xi32>
          %add3A_420 = arith.constant 1 : i32
          %add3A_421 = vector.broadcast %add3A_420 : i32 to vector<16xi32>
          %add3A_422 = arith.addi %add3A_419, %add3A_421 : vector<16xi32>
          %gather3A_423 = tpu.vector_load_idx %arg18[%add3A_422] : memref<640xf32, #tpu.memory_space<vmem>>[vector<16xi32>], vector<16xf32>,
          %add3A_424 = arith.constant 1 : i32
          %add3A_425 = vector.broadcast %add3A_424 : i32 to vector<16xi32>
          %add3A_426 = arith.addi %mul3A_402, %add3A_425 : vector<16xi32>
          tpu.vector_store_idx %arg23[%add3A_384, %add3A_426], %gather3A_423 : memref<80x128xf32, #tpu.memory_space<vmem>>[vector<16xi32>, vector<16xi32>], vector<16xf32>,
          %mul3A_427 = arith.constant 4 : i32
          %mul3A_428 = vector.broadcast %mul3A_427 : i32 to vector<16xi32>
          %mul3A_429 = arith.muli %add3A_384, %mul3A_428 : vector<16xi32>
          %add3A_430 = vector.broadcast %mul3A_86 : i32 to vector<16xi32>
          %add3A_431 = arith.addi %add3A_430, %mul3A_429 : vector<16xi32>
          %add3A_432 = arith.constant 2 : i32
          %add3A_433 = vector.broadcast %add3A_432 : i32 to vector<16xi32>
          %add3A_434 = arith.addi %add3A_431, %add3A_433 : vector<16xi32>
          %gather3A_435 = tpu.vector_load_idx %arg18[%add3A_434] : memref<640xf32, #tpu.memory_space<vmem>>[vector<16xi32>], vector<16xf32>,
          %add3A_436 = arith.constant 2 : i32
          %add3A_437 = vector.broadcast %add3A_436 : i32 to vector<16xi32>
          %add3A_438 = arith.addi %mul3A_402, %add3A_437 : vector<16xi32>
          tpu.vector_store_idx %arg23[%add3A_384, %add3A_438], %gather3A_435 : memref<80x128xf32, #tpu.memory_space<vmem>>[vector<16xi32>, vector<16xi32>], vector<16xf32>,
          %mul3A_439 = arith.constant 4 : i32
          %mul3A_440 = vector.broadcast %mul3A_439 : i32 to vector<16xi32>
          %mul3A_441 = arith.muli %add3A_384, %mul3A_440 : vector<16xi32>
          %add3A_442 = vector.broadcast %mul3A_86 : i32 to vector<16xi32>
          %add3A_443 = arith.addi %add3A_442, %mul3A_441 : vector<16xi32>
          %add3A_444 = arith.constant 3 : i32
          %add3A_445 = vector.broadcast %add3A_444 : i32 to vector<16xi32>
          %add3A_446 = arith.addi %add3A_443, %add3A_445 : vector<16xi32>
          %gather3A_447 = tpu.vector_load_idx %arg18[%add3A_446] : memref<640xf32, #tpu.memory_space<vmem>>[vector<16xi32>], vector<16xf32>,
          %add3A_448 = arith.constant 3 : i32
          %add3A_449 = vector.broadcast %add3A_448 : i32 to vector<16xi32>
          %add3A_450 = arith.addi %mul3A_402, %add3A_449 : vector<16xi32>
          tpu.vector_store_idx %arg23[%add3A_384, %add3A_450], %gather3A_447 : memref<80x128xf32, #tpu.memory_space<vmem>>[vector<16xi32>, vector<16xi32>], vector<16xf32>,
          %dma_start3A_451 = arith.constant 0 : i32
          %dma_start3A_452 = arith.constant 0 : i32
          %dma_start3A_453 = tpu.memref_slice %arg15[%dma_start3A_451, %dma_start3A_452] : memref<320x128xf32, #tpu.memory_space<vmem_shared>> -> memref<320x128xf32, #tpu.memory_space<vmem_shared>>
          tpu.enqueue_indirect_dma source(%arg23 : memref<80x128xf32, #tpu.memory_space<vmem>>) target(%dma_start3A_453 : memref<320x128xf32, #tpu.memory_space<vmem_shared>>) offsets(%arg20 : memref<80xi32, #tpu.memory_space<vmem>>) semaphore(%arg28 : memref<!tpu.dma_semaphore, #tpu.memory_space<semaphore_mem>>) {add = true}
          %mul3A_454 = arith.constant 25 : i32
          %mul3A_455 = arith.muli %scan3A_47, %mul3A_454 : i32
          %add3A_456 = arith.addi %mul3A_455, %scan3A_76 : i32
          %gt3A = arith.constant 0 : i32
          %gt3A_457 = arith.cmpi sgt, %add3A_456, %gt3A : i32
          %convert_element_type3A_458 = arith.extui %gt3A_457 : i1 to i32
          %cond3A_459 = arith.constant 0 : i32
          %cond3A_460 = arith.cmpi ne, %convert_element_type3A_458, %cond3A_459 : i32
          scf.if %cond3A_460 {
            %dma_wait3A_603 = arith.constant 0 : i32
            %dma_wait3A_604 = arith.constant 0 : i32
            %dma_wait3A_605 = tpu.memref_slice %arg19[%dma_wait3A_603, %dma_wait3A_604] : memref<2x80xi32, #tpu.memory_space<vmem>> -> memref<1x80xi32, #tpu.memory_space<vmem>>
            %dma_wait3A_606 = tpu.memref_squeeze %dma_wait3A_605 : memref<1x80xi32, #tpu.memory_space<vmem>> -> memref<80xi32, #tpu.memory_space<vmem>>
            %dma_wait3A_607 = arith.constant 0 : i32
            %dma_wait3A_608 = arith.constant 0 : i32
            %dma_wait3A_609 = tpu.memref_slice %arg14[%dma_wait3A_607, %dma_wait3A_608] : memref<10000x128xf32, #tpu.memory_space<vmem_shared>> -> memref<10000x128xf32, #tpu.memory_space<vmem_shared>>
            tpu.wait_indirect_dma semaphore(%arg27 : memref<!tpu.dma_semaphore, #tpu.memory_space<semaphore_mem>>) src(%arg22 : memref<80x128xf32, #tpu.memory_space<vmem>>) dst(%dma_wait3A_609 : memref<10000x128xf32, #tpu.memory_space<vmem_shared>>)
          } else {
          }
          %scan3A_461 = arith.constant 0 : i32
          %scan3A_462 = arith.constant 0 : i32
          %scan3A_463 = arith.constant 80 : i32
          %scan3A_464 = arith.addi %scan3A_462, %scan3A_463 : i32
          %scan3A_465 = arith.constant 1 : i32
          %scan3A_466 = scf.for %scan3A_603 = %scan3A_462 to %scan3A_464 step %scan3A_465 iter_args(%scan3A_604 = %scan3A_461) -> (i32)  : i32 {
            %mul3A_605 = arith.constant 4 : i32
            %mul3A_606 = arith.muli %scan3A_603, %mul3A_605 : i32
            %add3A_607 = arith.constant 0 : i32
            %add3A_608 = arith.addi %mul3A_606, %add3A_607 : i32
            %broadcast_in_dim3A_609 = vector.broadcast %add3A_608 : i32 to vector<16xi32>
            %add3A_610 = vector.broadcast %mul3A_86 : i32 to vector<16xi32>
            %add3A_611 = arith.addi %broadcast_in_dim3A_609, %add3A_610 : vector<16xi32>
            %gather3A_612 = tpu.vector_load_idx %arg18[%add3A_611] : memref<640xf32, #tpu.memory_space<vmem>>[vector<16xi32>], vector<16xf32>,
            %add3A_613 = arith.addi %mul3A_82, %scan3A_603 : i32
            %get3A_614 = arith.index_cast %add3A_613 : i32 to index
            %get3A_615 = arith.constant 0 : index
            %get3A_616 = tpu.vector_load %arg21[%get3A_614, %get3A_615] {strides = array<i32>} : memref<160x128xf32, #tpu.memory_space<vmem>>, vector<16xf32>,
            %mul3A_617 = arith.mulf %get3A_616, %gather3A_612 : vector<16xf32>
            %swap3A_618 = arith.index_cast %scan3A_603 : i32 to index
            %swap3A_619 = arith.constant 0 : index
            %swap3A_620 = tpu.vector_load %arg22[%swap3A_618, %swap3A_619] {strides = array<i32>} : memref<80x128xf32, #tpu.memory_space<vmem>>, vector<16xf32>,
            tpu.vector_store %arg22[%swap3A_618, %swap3A_619], %mul3A_617 {strides = array<i32>} : memref<80x128xf32, #tpu.memory_space<vmem>>, vector<16xf32>,
            %add3A_621 = arith.addi %mul3A_82, %scan3A_603 : i32
            %get3A_622 = arith.index_cast %add3A_621 : i32 to index
            %get3A_623 = arith.constant 16 : index
            %get3A_624 = tpu.vector_load %arg21[%get3A_622, %get3A_623] {strides = array<i32>} : memref<160x128xf32, #tpu.memory_space<vmem>>, vector<16xf32>,
            %mul3A_625 = arith.mulf %get3A_624, %gather3A_612 : vector<16xf32>
            %swap3A_626 = arith.index_cast %scan3A_603 : i32 to index
            %swap3A_627 = arith.constant 16 : index
            %swap3A_628 = tpu.vector_load %arg22[%swap3A_626, %swap3A_627] {strides = array<i32>} : memref<80x128xf32, #tpu.memory_space<vmem>>, vector<16xf32>,
            tpu.vector_store %arg22[%swap3A_626, %swap3A_627], %mul3A_625 {strides = array<i32>} : memref<80x128xf32, #tpu.memory_space<vmem>>, vector<16xf32>,
            %mul3A_629 = arith.constant 4 : i32
            %mul3A_630 = arith.muli %scan3A_603, %mul3A_629 : i32
            %add3A_631 = arith.constant 1 : i32
            %add3A_632 = arith.addi %mul3A_630, %add3A_631 : i32
            %broadcast_in_dim3A_633 = vector.broadcast %add3A_632 : i32 to vector<16xi32>
            %add3A_634 = vector.broadcast %mul3A_86 : i32 to vector<16xi32>
            %add3A_635 = arith.addi %broadcast_in_dim3A_633, %add3A_634 : vector<16xi32>
            %gather3A_636 = tpu.vector_load_idx %arg18[%add3A_635] : memref<640xf32, #tpu.memory_space<vmem>>[vector<16xi32>], vector<16xf32>,
            %add3A_637 = arith.addi %mul3A_82, %scan3A_603 : i32
            %get3A_638 = arith.index_cast %add3A_637 : i32 to index
            %get3A_639 = arith.constant 32 : index
            %get3A_640 = tpu.vector_load %arg21[%get3A_638, %get3A_639] {strides = array<i32>} : memref<160x128xf32, #tpu.memory_space<vmem>>, vector<16xf32>,
            %mul3A_641 = arith.mulf %get3A_640, %gather3A_636 : vector<16xf32>
            %swap3A_642 = arith.index_cast %scan3A_603 : i32 to index
            %swap3A_643 = arith.constant 32 : index
            %swap3A_644 = tpu.vector_load %arg22[%swap3A_642, %swap3A_643] {strides = array<i32>} : memref<80x128xf32, #tpu.memory_space<vmem>>, vector<16xf32>,
            tpu.vector_store %arg22[%swap3A_642, %swap3A_643], %mul3A_641 {strides = array<i32>} : memref<80x128xf32, #tpu.memory_space<vmem>>, vector<16xf32>,
            %add3A_645 = arith.addi %mul3A_82, %scan3A_603 : i32
            %get3A_646 = arith.index_cast %add3A_645 : i32 to index
            %get3A_647 = arith.constant 48 : index
            %get3A_648 = tpu.vector_load %arg21[%get3A_646, %get3A_647] {strides = array<i32>} : memref<160x128xf32, #tpu.memory_space<vmem>>, vector<16xf32>,
            %mul3A_649 = arith.mulf %get3A_648, %gather3A_636 : vector<16xf32>
            %swap3A_650 = arith.index_cast %scan3A_603 : i32 to index
            %swap3A_651 = arith.constant 48 : index
            %swap3A_652 = tpu.vector_load %arg22[%swap3A_650, %swap3A_651] {strides = array<i32>} : memref<80x128xf32, #tpu.memory_space<vmem>>, vector<16xf32>,
            tpu.vector_store %arg22[%swap3A_650, %swap3A_651], %mul3A_649 {strides = array<i32>} : memref<80x128xf32, #tpu.memory_space<vmem>>, vector<16xf32>,
            %mul3A_653 = arith.constant 4 : i32
            %mul3A_654 = arith.muli %scan3A_603, %mul3A_653 : i32
            %add3A_655 = arith.constant 2 : i32
            %add3A_656 = arith.addi %mul3A_654, %add3A_655 : i32
            %broadcast_in_dim3A_657 = vector.broadcast %add3A_656 : i32 to vector<16xi32>
            %add3A_658 = vector.broadcast %mul3A_86 : i32 to vector<16xi32>
            %add3A_659 = arith.addi %broadcast_in_dim3A_657, %add3A_658 : vector<16xi32>
            %gather3A_660 = tpu.vector_load_idx %arg18[%add3A_659] : memref<640xf32, #tpu.memory_space<vmem>>[vector<16xi32>], vector<16xf32>,
            %add3A_661 = arith.addi %mul3A_82, %scan3A_603 : i32
            %get3A_662 = arith.index_cast %add3A_661 : i32 to index
            %get3A_663 = arith.constant 64 : index
            %get3A_664 = tpu.vector_load %arg21[%get3A_662, %get3A_663] {strides = array<i32>} : memref<160x128xf32, #tpu.memory_space<vmem>>, vector<16xf32>,
            %mul3A_665 = arith.mulf %get3A_664, %gather3A_660 : vector<16xf32>
            %swap3A_666 = arith.index_cast %scan3A_603 : i32 to index
            %swap3A_667 = arith.constant 64 : index
            %swap3A_668 = tpu.vector_load %arg22[%swap3A_666, %swap3A_667] {strides = array<i32>} : memref<80x128xf32, #tpu.memory_space<vmem>>, vector<16xf32>,
            tpu.vector_store %arg22[%swap3A_666, %swap3A_667], %mul3A_665 {strides = array<i32>} : memref<80x128xf32, #tpu.memory_space<vmem>>, vector<16xf32>,
            %add3A_669 = arith.addi %mul3A_82, %scan3A_603 : i32
            %get3A_670 = arith.index_cast %add3A_669 : i32 to index
            %get3A_671 = arith.constant 80 : index
            %get3A_672 = tpu.vector_load %arg21[%get3A_670, %get3A_671] {strides = array<i32>} : memref<160x128xf32, #tpu.memory_space<vmem>>, vector<16xf32>,
            %mul3A_673 = arith.mulf %get3A_672, %gather3A_660 : vector<16xf32>
            %swap3A_674 = arith.index_cast %scan3A_603 : i32 to index
            %swap3A_675 = arith.constant 80 : index
            %swap3A_676 = tpu.vector_load %arg22[%swap3A_674, %swap3A_675] {strides = array<i32>} : memref<80x128xf32, #tpu.memory_space<vmem>>, vector<16xf32>,
            tpu.vector_store %arg22[%swap3A_674, %swap3A_675], %mul3A_673 {strides = array<i32>} : memref<80x128xf32, #tpu.memory_space<vmem>>, vector<16xf32>,
            %mul3A_677 = arith.constant 4 : i32
            %mul3A_678 = arith.muli %scan3A_603, %mul3A_677 : i32
            %add3A_679 = arith.constant 3 : i32
            %add3A_680 = arith.addi %mul3A_678, %add3A_679 : i32
            %broadcast_in_dim3A_681 = vector.broadcast %add3A_680 : i32 to vector<16xi32>
            %add3A_682 = vector.broadcast %mul3A_86 : i32 to vector<16xi32>
            %add3A_683 = arith.addi %broadcast_in_dim3A_681, %add3A_682 : vector<16xi32>
            %gather3A_684 = tpu.vector_load_idx %arg18[%add3A_683] : memref<640xf32, #tpu.memory_space<vmem>>[vector<16xi32>], vector<16xf32>,
            %add3A_685 = arith.addi %mul3A_82, %scan3A_603 : i32
            %get3A_686 = arith.index_cast %add3A_685 : i32 to index
            %get3A_687 = arith.constant 96 : index
            %get3A_688 = tpu.vector_load %arg21[%get3A_686, %get3A_687] {strides = array<i32>} : memref<160x128xf32, #tpu.memory_space<vmem>>, vector<16xf32>,
            %mul3A_689 = arith.mulf %get3A_688, %gather3A_684 : vector<16xf32>
            %swap3A_690 = arith.index_cast %scan3A_603 : i32 to index
            %swap3A_691 = arith.constant 96 : index
            %swap3A_692 = tpu.vector_load %arg22[%swap3A_690, %swap3A_691] {strides = array<i32>} : memref<80x128xf32, #tpu.memory_space<vmem>>, vector<16xf32>,
            tpu.vector_store %arg22[%swap3A_690, %swap3A_691], %mul3A_689 {strides = array<i32>} : memref<80x128xf32, #tpu.memory_space<vmem>>, vector<16xf32>,
            %add3A_693 = arith.addi %mul3A_82, %scan3A_603 : i32
            %get3A_694 = arith.index_cast %add3A_693 : i32 to index
            %get3A_695 = arith.constant 112 : index
            %get3A_696 = tpu.vector_load %arg21[%get3A_694, %get3A_695] {strides = array<i32>} : memref<160x128xf32, #tpu.memory_space<vmem>>, vector<16xf32>,
            %mul3A_697 = arith.mulf %get3A_696, %gather3A_684 : vector<16xf32>
            %swap3A_698 = arith.index_cast %scan3A_603 : i32 to index
            %swap3A_699 = arith.constant 112 : index
            %swap3A_700 = tpu.vector_load %arg22[%swap3A_698, %swap3A_699] {strides = array<i32>} : memref<80x128xf32, #tpu.memory_space<vmem>>, vector<16xf32>,
            tpu.vector_store %arg22[%swap3A_698, %swap3A_699], %mul3A_697 {strides = array<i32>} : memref<80x128xf32, #tpu.memory_space<vmem>>, vector<16xf32>,
            %scan3A_701 = arith.constant 0 : i32
            scf.yield %scan3A_701 : i32
          }
          %scan3A_467 = arith.constant 80 : i32
          %dma_start3A_468 = arith.constant 0 : i32
          %dma_start3A_469 = tpu.memref_slice %arg19[%and3A_80, %dma_start3A_468] : memref<2x80xi32, #tpu.memory_space<vmem>> -> memref<1x80xi32, #tpu.memory_space<vmem>>
          %dma_start3A_470 = tpu.memref_squeeze %dma_start3A_469 : memref<1x80xi32, #tpu.memory_space<vmem>> -> memref<80xi32, #tpu.memory_space<vmem>>
          %dma_start3A_471 = arith.constant 0 : i32
          %dma_start3A_472 = arith.constant 0 : i32
          %dma_start3A_473 = tpu.memref_slice %arg14[%dma_start3A_471, %dma_start3A_472] : memref<10000x128xf32, #tpu.memory_space<vmem_shared>> -> memref<10000x128xf32, #tpu.memory_space<vmem_shared>>
          tpu.enqueue_indirect_dma source(%arg22 : memref<80x128xf32, #tpu.memory_space<vmem>>) target(%dma_start3A_473 : memref<10000x128xf32, #tpu.memory_space<vmem_shared>>) offsets(%dma_start3A_470 : memref<80xi32, #tpu.memory_space<vmem>>) semaphore(%arg27 : memref<!tpu.dma_semaphore, #tpu.memory_space<semaphore_mem>>) {add = true}
          %dma_wait3A_474 = arith.constant 0 : i32
          %dma_wait3A_475 = arith.constant 0 : i32
          %dma_wait3A_476 = tpu.memref_slice %arg15[%dma_wait3A_474, %dma_wait3A_475] : memref<320x128xf32, #tpu.memory_space<vmem_shared>> -> memref<320x128xf32, #tpu.memory_space<vmem_shared>>
          tpu.wait_indirect_dma semaphore(%arg28 : memref<!tpu.dma_semaphore, #tpu.memory_space<semaphore_mem>>) src(%arg23 : memref<80x128xf32, #tpu.memory_space<vmem>>) dst(%dma_wait3A_476 : memref<320x128xf32, #tpu.memory_space<vmem_shared>>)
          %add3A_477 = arith.constant 0 : i32
          %add3A_478 = vector.broadcast %add3A_477 : i32 to vector<16xi32>
          %add3A_479 = arith.addi %iota3A, %add3A_478 : vector<16xi32>
          %add3A_480 = arith.constant 0 : i32
          %add3A_481 = arith.addi %mul3A_79, %add3A_480 : i32
          %get3A_482 = arith.index_cast %add3A_481 : i32 to index
          %get3A_483 = tpu.vector_load %arg17[%get3A_482] {strides = array<i32>} : memref<2000xi32, #tpu.memory_space<vmem>>, vector<16xi32>,
          %and3A_484 = arith.constant 31 : i32
          %and3A_485 = vector.broadcast %and3A_484 : i32 to vector<16xi32>
          %and3A_486 = arith.andi %get3A_483, %and3A_485 : vector<16xi32>
          %mul3A_487 = arith.constant 4 : i32
          %mul3A_488 = vector.broadcast %mul3A_487 : i32 to vector<16xi32>
          %mul3A_489 = arith.muli %and3A_486, %mul3A_488 : vector<16xi32>
          %add3A_490 = arith.constant 0 : i32
          %add3A_491 = vector.broadcast %add3A_490 : i32 to vector<16xi32>
          %add3A_492 = arith.addi %mul3A_489, %add3A_491 : vector<16xi32>
          tpu.vector_store_idx %arg23[%add3A_479, %add3A_492], %broadcast_in_dim3A_0 : memref<80x128xf32, #tpu.memory_space<vmem>>[vector<16xi32>, vector<16xi32>], vector<16xf32>,
          %add3A_493 = arith.constant 1 : i32
          %add3A_494 = vector.broadcast %add3A_493 : i32 to vector<16xi32>
          %add3A_495 = arith.addi %mul3A_489, %add3A_494 : vector<16xi32>
          tpu.vector_store_idx %arg23[%add3A_479, %add3A_495], %broadcast_in_dim3A_0 : memref<80x128xf32, #tpu.memory_space<vmem>>[vector<16xi32>, vector<16xi32>], vector<16xf32>,
          %add3A_496 = arith.constant 2 : i32
          %add3A_497 = vector.broadcast %add3A_496 : i32 to vector<16xi32>
          %add3A_498 = arith.addi %mul3A_489, %add3A_497 : vector<16xi32>
          tpu.vector_store_idx %arg23[%add3A_479, %add3A_498], %broadcast_in_dim3A_0 : memref<80x128xf32, #tpu.memory_space<vmem>>[vector<16xi32>, vector<16xi32>], vector<16xf32>,
          %add3A_499 = arith.constant 3 : i32
          %add3A_500 = vector.broadcast %add3A_499 : i32 to vector<16xi32>
          %add3A_501 = arith.addi %mul3A_489, %add3A_500 : vector<16xi32>
          tpu.vector_store_idx %arg23[%add3A_479, %add3A_501], %broadcast_in_dim3A_0 : memref<80x128xf32, #tpu.memory_space<vmem>>[vector<16xi32>, vector<16xi32>], vector<16xf32>,
          %add3A_502 = arith.constant 16 : i32
          %add3A_503 = vector.broadcast %add3A_502 : i32 to vector<16xi32>
          %add3A_504 = arith.addi %iota3A, %add3A_503 : vector<16xi32>
          %add3A_505 = arith.constant 16 : i32
          %add3A_506 = arith.addi %mul3A_79, %add3A_505 : i32
          %get3A_507 = arith.index_cast %add3A_506 : i32 to index
          %get3A_508 = tpu.vector_load %arg17[%get3A_507] {strides = array<i32>} : memref<2000xi32, #tpu.memory_space<vmem>>, vector<16xi32>,
          %and3A_509 = arith.constant 31 : i32
          %and3A_510 = vector.broadcast %and3A_509 : i32 to vector<16xi32>
          %and3A_511 = arith.andi %get3A_508, %and3A_510 : vector<16xi32>
          %mul3A_512 = arith.constant 4 : i32
          %mul3A_513 = vector.broadcast %mul3A_512 : i32 to vector<16xi32>
          %mul3A_514 = arith.muli %and3A_511, %mul3A_513 : vector<16xi32>
          %add3A_515 = arith.constant 0 : i32
          %add3A_516 = vector.broadcast %add3A_515 : i32 to vector<16xi32>
          %add3A_517 = arith.addi %mul3A_514, %add3A_516 : vector<16xi32>
          tpu.vector_store_idx %arg23[%add3A_504, %add3A_517], %broadcast_in_dim3A_0 : memref<80x128xf32, #tpu.memory_space<vmem>>[vector<16xi32>, vector<16xi32>], vector<16xf32>,
          %add3A_518 = arith.constant 1 : i32
          %add3A_519 = vector.broadcast %add3A_518 : i32 to vector<16xi32>
          %add3A_520 = arith.addi %mul3A_514, %add3A_519 : vector<16xi32>
          tpu.vector_store_idx %arg23[%add3A_504, %add3A_520], %broadcast_in_dim3A_0 : memref<80x128xf32, #tpu.memory_space<vmem>>[vector<16xi32>, vector<16xi32>], vector<16xf32>,
          %add3A_521 = arith.constant 2 : i32
          %add3A_522 = vector.broadcast %add3A_521 : i32 to vector<16xi32>
          %add3A_523 = arith.addi %mul3A_514, %add3A_522 : vector<16xi32>
          tpu.vector_store_idx %arg23[%add3A_504, %add3A_523], %broadcast_in_dim3A_0 : memref<80x128xf32, #tpu.memory_space<vmem>>[vector<16xi32>, vector<16xi32>], vector<16xf32>,
          %add3A_524 = arith.constant 3 : i32
          %add3A_525 = vector.broadcast %add3A_524 : i32 to vector<16xi32>
          %add3A_526 = arith.addi %mul3A_514, %add3A_525 : vector<16xi32>
          tpu.vector_store_idx %arg23[%add3A_504, %add3A_526], %broadcast_in_dim3A_0 : memref<80x128xf32, #tpu.memory_space<vmem>>[vector<16xi32>, vector<16xi32>], vector<16xf32>,
          %add3A_527 = arith.constant 32 : i32
          %add3A_528 = vector.broadcast %add3A_527 : i32 to vector<16xi32>
          %add3A_529 = arith.addi %iota3A, %add3A_528 : vector<16xi32>
          %add3A_530 = arith.constant 32 : i32
          %add3A_531 = arith.addi %mul3A_79, %add3A_530 : i32
          %get3A_532 = arith.index_cast %add3A_531 : i32 to index
          %get3A_533 = tpu.vector_load %arg17[%get3A_532] {strides = array<i32>} : memref<2000xi32, #tpu.memory_space<vmem>>, vector<16xi32>,
          %and3A_534 = arith.constant 31 : i32
          %and3A_535 = vector.broadcast %and3A_534 : i32 to vector<16xi32>
          %and3A_536 = arith.andi %get3A_533, %and3A_535 : vector<16xi32>
          %mul3A_537 = arith.constant 4 : i32
          %mul3A_538 = vector.broadcast %mul3A_537 : i32 to vector<16xi32>
          %mul3A_539 = arith.muli %and3A_536, %mul3A_538 : vector<16xi32>
          %add3A_540 = arith.constant 0 : i32
          %add3A_541 = vector.broadcast %add3A_540 : i32 to vector<16xi32>
          %add3A_542 = arith.addi %mul3A_539, %add3A_541 : vector<16xi32>
          tpu.vector_store_idx %arg23[%add3A_529, %add3A_542], %broadcast_in_dim3A_0 : memref<80x128xf32, #tpu.memory_space<vmem>>[vector<16xi32>, vector<16xi32>], vector<16xf32>,
          %add3A_543 = arith.constant 1 : i32
          %add3A_544 = vector.broadcast %add3A_543 : i32 to vector<16xi32>
          %add3A_545 = arith.addi %mul3A_539, %add3A_544 : vector<16xi32>
          tpu.vector_store_idx %arg23[%add3A_529, %add3A_545], %broadcast_in_dim3A_0 : memref<80x128xf32, #tpu.memory_space<vmem>>[vector<16xi32>, vector<16xi32>], vector<16xf32>,
          %add3A_546 = arith.constant 2 : i32
          %add3A_547 = vector.broadcast %add3A_546 : i32 to vector<16xi32>
          %add3A_548 = arith.addi %mul3A_539, %add3A_547 : vector<16xi32>
          tpu.vector_store_idx %arg23[%add3A_529, %add3A_548], %broadcast_in_dim3A_0 : memref<80x128xf32, #tpu.memory_space<vmem>>[vector<16xi32>, vector<16xi32>], vector<16xf32>,
          %add3A_549 = arith.constant 3 : i32
          %add3A_550 = vector.broadcast %add3A_549 : i32 to vector<16xi32>
          %add3A_551 = arith.addi %mul3A_539, %add3A_550 : vector<16xi32>
          tpu.vector_store_idx %arg23[%add3A_529, %add3A_551], %broadcast_in_dim3A_0 : memref<80x128xf32, #tpu.memory_space<vmem>>[vector<16xi32>, vector<16xi32>], vector<16xf32>,
          %add3A_552 = arith.constant 48 : i32
          %add3A_553 = vector.broadcast %add3A_552 : i32 to vector<16xi32>
          %add3A_554 = arith.addi %iota3A, %add3A_553 : vector<16xi32>
          %add3A_555 = arith.constant 48 : i32
          %add3A_556 = arith.addi %mul3A_79, %add3A_555 : i32
          %get3A_557 = arith.index_cast %add3A_556 : i32 to index
          %get3A_558 = tpu.vector_load %arg17[%get3A_557] {strides = array<i32>} : memref<2000xi32, #tpu.memory_space<vmem>>, vector<16xi32>,
          %and3A_559 = arith.constant 31 : i32
          %and3A_560 = vector.broadcast %and3A_559 : i32 to vector<16xi32>
          %and3A_561 = arith.andi %get3A_558, %and3A_560 : vector<16xi32>
          %mul3A_562 = arith.constant 4 : i32
          %mul3A_563 = vector.broadcast %mul3A_562 : i32 to vector<16xi32>
          %mul3A_564 = arith.muli %and3A_561, %mul3A_563 : vector<16xi32>
          %add3A_565 = arith.constant 0 : i32
          %add3A_566 = vector.broadcast %add3A_565 : i32 to vector<16xi32>
          %add3A_567 = arith.addi %mul3A_564, %add3A_566 : vector<16xi32>
          tpu.vector_store_idx %arg23[%add3A_554, %add3A_567], %broadcast_in_dim3A_0 : memref<80x128xf32, #tpu.memory_space<vmem>>[vector<16xi32>, vector<16xi32>], vector<16xf32>,
          %add3A_568 = arith.constant 1 : i32
          %add3A_569 = vector.broadcast %add3A_568 : i32 to vector<16xi32>
          %add3A_570 = arith.addi %mul3A_564, %add3A_569 : vector<16xi32>
          tpu.vector_store_idx %arg23[%add3A_554, %add3A_570], %broadcast_in_dim3A_0 : memref<80x128xf32, #tpu.memory_space<vmem>>[vector<16xi32>, vector<16xi32>], vector<16xf32>,
          %add3A_571 = arith.constant 2 : i32
          %add3A_572 = vector.broadcast %add3A_571 : i32 to vector<16xi32>
          %add3A_573 = arith.addi %mul3A_564, %add3A_572 : vector<16xi32>
          tpu.vector_store_idx %arg23[%add3A_554, %add3A_573], %broadcast_in_dim3A_0 : memref<80x128xf32, #tpu.memory_space<vmem>>[vector<16xi32>, vector<16xi32>], vector<16xf32>,
          %add3A_574 = arith.constant 3 : i32
          %add3A_575 = vector.broadcast %add3A_574 : i32 to vector<16xi32>
          %add3A_576 = arith.addi %mul3A_564, %add3A_575 : vector<16xi32>
          tpu.vector_store_idx %arg23[%add3A_554, %add3A_576], %broadcast_in_dim3A_0 : memref<80x128xf32, #tpu.memory_space<vmem>>[vector<16xi32>, vector<16xi32>], vector<16xf32>,
          %add3A_577 = arith.constant 64 : i32
          %add3A_578 = vector.broadcast %add3A_577 : i32 to vector<16xi32>
          %add3A_579 = arith.addi %iota3A, %add3A_578 : vector<16xi32>
          %add3A_580 = arith.constant 64 : i32
          %add3A_581 = arith.addi %mul3A_79, %add3A_580 : i32
          %get3A_582 = arith.index_cast %add3A_581 : i32 to index
          %get3A_583 = tpu.vector_load %arg17[%get3A_582] {strides = array<i32>} : memref<2000xi32, #tpu.memory_space<vmem>>, vector<16xi32>,
          %and3A_584 = arith.constant 31 : i32
          %and3A_585 = vector.broadcast %and3A_584 : i32 to vector<16xi32>
          %and3A_586 = arith.andi %get3A_583, %and3A_585 : vector<16xi32>
          %mul3A_587 = arith.constant 4 : i32
          %mul3A_588 = vector.broadcast %mul3A_587 : i32 to vector<16xi32>
          %mul3A_589 = arith.muli %and3A_586, %mul3A_588 : vector<16xi32>
          %add3A_590 = arith.constant 0 : i32
          %add3A_591 = vector.broadcast %add3A_590 : i32 to vector<16xi32>
          %add3A_592 = arith.addi %mul3A_589, %add3A_591 : vector<16xi32>
          tpu.vector_store_idx %arg23[%add3A_579, %add3A_592], %broadcast_in_dim3A_0 : memref<80x128xf32, #tpu.memory_space<vmem>>[vector<16xi32>, vector<16xi32>], vector<16xf32>,
          %add3A_593 = arith.constant 1 : i32
          %add3A_594 = vector.broadcast %add3A_593 : i32 to vector<16xi32>
          %add3A_595 = arith.addi %mul3A_589, %add3A_594 : vector<16xi32>
          tpu.vector_store_idx %arg23[%add3A_579, %add3A_595], %broadcast_in_dim3A_0 : memref<80x128xf32, #tpu.memory_space<vmem>>[vector<16xi32>, vector<16xi32>], vector<16xf32>,
          %add3A_596 = arith.constant 2 : i32
          %add3A_597 = vector.broadcast %add3A_596 : i32 to vector<16xi32>
          %add3A_598 = arith.addi %mul3A_589, %add3A_597 : vector<16xi32>
          tpu.vector_store_idx %arg23[%add3A_579, %add3A_598], %broadcast_in_dim3A_0 : memref<80x128xf32, #tpu.memory_space<vmem>>[vector<16xi32>, vector<16xi32>], vector<16xf32>,
          %add3A_599 = arith.constant 3 : i32
          %add3A_600 = vector.broadcast %add3A_599 : i32 to vector<16xi32>
          %add3A_601 = arith.addi %mul3A_589, %add3A_600 : vector<16xi32>
          tpu.vector_store_idx %arg23[%add3A_579, %add3A_601], %broadcast_in_dim3A_0 : memref<80x128xf32, #tpu.memory_space<vmem>>[vector<16xi32>, vector<16xi32>], vector<16xf32>,
          %scan3A_602 = arith.constant 0 : i32
          scf.yield %scan3A_602 : i32
        }
        %scan3A_74 = arith.constant 25 : i32
        %scan3A_75 = arith.constant 0 : i32
        scf.yield %scan3A_75 : i32
      }
      %scan3A_32 = arith.constant 5 : i32
      %dma_wait3A = arith.constant 0 : i32
      %dma_wait3A_33 = arith.constant 0 : i32
      %dma_wait3A_34 = tpu.memref_slice %arg19[%dma_wait3A, %dma_wait3A_33] : memref<2x80xi32, #tpu.memory_space<vmem>> -> memref<1x80xi32, #tpu.memory_space<vmem>>
      %dma_wait3A_35 = tpu.memref_squeeze %dma_wait3A_34 : memref<1x80xi32, #tpu.memory_space<vmem>> -> memref<80xi32, #tpu.memory_space<vmem>>
      %dma_wait3A_36 = arith.constant 0 : i32
      %dma_wait3A_37 = arith.constant 0 : i32
      %dma_wait3A_38 = tpu.memref_slice %arg14[%dma_wait3A_36, %dma_wait3A_37] : memref<10000x128xf32, #tpu.memory_space<vmem_shared>> -> memref<10000x128xf32, #tpu.memory_space<vmem_shared>>
      tpu.wait_indirect_dma semaphore(%arg27 : memref<!tpu.dma_semaphore, #tpu.memory_space<semaphore_mem>>) src(%arg22 : memref<80x128xf32, #tpu.memory_space<vmem>>) dst(%dma_wait3A_38 : memref<10000x128xf32, #tpu.memory_space<vmem_shared>>)
      %barrier3A_39 = arith.constant 0 : index
      tpu.barrier barrier_id(%barrier3A_39)
      %scan3A_40 = arith.constant 0 : i32
      %scan3A_41 = arith.constant 0 : i32
      %scan3A_42 = arith.constant 8 : i32
      %scan3A_43 = arith.addi %scan3A_41, %scan3A_42 : i32
      %scan3A_44 = arith.constant 1 : i32
      %scan3A_45 = scf.for %scan3A_47 = %scan3A_41 to %scan3A_43 step %scan3A_44 iter_args(%scan3A_48 = %scan3A_40) -> (i32)  : i32 {
        %mul3A_49 = arith.constant 16 : i32
        %mul3A_50 = arith.muli %scan3A_47, %mul3A_49 : i32
        %add3A = arith.addi %arg1, %mul3A_50 : i32
        %lt3A_51 = arith.constant 125 : i32
        %lt3A_52 = arith.cmpi slt, %add3A, %lt3A_51 : i32
        %convert_element_type3A_53 = arith.extui %lt3A_52 : i1 to i32
        %cond3A_54 = arith.constant 0 : i32
        %cond3A_55 = arith.cmpi ne, %convert_element_type3A_53, %cond3A_54 : i32
        scf.if %cond3A_55 {
          %mul3A_57 = arith.constant 80 : i32
          %mul3A_58 = arith.muli %add3A, %mul3A_57 : i32
          "tpu.region"() ({
            %run_scoped3A = tpu.sem_alloc : memref<!tpu.dma_semaphore, #tpu.memory_space<semaphore_mem>>
            %dma_start3A = arith.constant 0 : i32
            %dma_start3A_108 = tpu.memref_slice %arg14[%mul3A_58, %dma_start3A] : memref<10000x128xf32, #tpu.memory_space<vmem_shared>> -> memref<80x128xf32, #tpu.memory_space<vmem_shared>>
            %dma_start3A_109 = arith.constant 0 : i32
            %dma_start3A_110 = tpu.memref_slice %arg14[%mul3A_58, %dma_start3A_109] : memref<10000x128xf32, #tpu.memory_space<vmem_shared>> -> memref<80x128xf32, #tpu.memory_space<vmem_shared>>
            tpu.enqueue_dma source(%dma_start3A_110 : memref<80x128xf32, #tpu.memory_space<vmem_shared>>) target(%arg22 : memref<80x128xf32, #tpu.memory_space<vmem>>) target_semaphore(%run_scoped3A : memref<!tpu.dma_semaphore, #tpu.memory_space<semaphore_mem>>)
            %dma_wait3A_111 = arith.constant 0 : i32
            %dma_wait3A_112 = tpu.memref_slice %arg14[%mul3A_58, %dma_wait3A_111] : memref<10000x128xf32, #tpu.memory_space<vmem_shared>> -> memref<80x128xf32, #tpu.memory_space<vmem_shared>>
            %dma_wait3A_113 = arith.constant 0 : i32
            %dma_wait3A_114 = tpu.memref_slice %arg14[%mul3A_58, %dma_wait3A_113] : memref<10000x128xf32, #tpu.memory_space<vmem_shared>> -> memref<80x128xf32, #tpu.memory_space<vmem_shared>>
            tpu.wait_dma2 semaphore(%run_scoped3A : memref<!tpu.dma_semaphore, #tpu.memory_space<semaphore_mem>>) src(%dma_wait3A_114 : memref<80x128xf32, #tpu.memory_space<vmem_shared>>) dst(%arg22 : memref<80x128xf32, #tpu.memory_space<vmem>>)
            tpu.yield
          }) : () -> ()
          %jit3A = arith.constant 32 : i32
          %div3A = arith.divsi %mul3A_58, %jit3A : i32
          %sign3A = arith.constant 0 : i32
          %sign3A_59 = arith.cmpi sgt, %mul3A_58, %sign3A : i32
          %sign3A_60 = arith.extui %sign3A_59 : i1 to i32
          %sign3A_61 = arith.constant 0 : i32
          %sign3A_62 = arith.cmpi slt, %mul3A_58, %sign3A_61 : i32
          %sign3A_63 = arith.extui %sign3A_62 : i1 to i32
          %sign3A_64 = arith.subi %sign3A_60, %sign3A_63 : i32
          %sign3A_65 = arith.constant 0 : i32
          %sign3A_66 = arith.cmpi sgt, %jit3A, %sign3A_65 : i32
          %sign3A_67 = arith.extui %sign3A_66 : i1 to i32
          %sign3A_68 = arith.constant 0 : i32
          %sign3A_69 = arith.cmpi slt, %jit3A, %sign3A_68 : i32
          %sign3A_70 = arith.extui %sign3A_69 : i1 to i32
          %sign3A_71 = arith.subi %sign3A_67, %sign3A_70 : i32
          %ne3A = arith.cmpi ne, %sign3A_64, %sign3A_71 : i32
          %rem3A = arith.remsi %mul3A_58, %jit3A : i32
          %ne3A_72 = arith.constant 0 : i32
          %ne3A_73 = arith.cmpi ne, %rem3A, %ne3A_72 : i32
          %and3A = arith.andi %ne3A, %ne3A_73 : i1
          %sub3A = arith.constant 1 : i32
          %sub3A_74 = arith.subi %div3A, %sub3A : i32
          %select_n3A = arith.select %and3A, %sub3A_74, %div3A : i32
          %jit3A_75 = arith.constant 8 : i32
          %div3A_76 = arith.divsi %select_n3A, %jit3A_75 : i32
          %sign3A_77 = arith.constant 0 : i32
          %sign3A_78 = arith.cmpi sgt, %select_n3A, %sign3A_77 : i32
          %sign3A_79 = arith.extui %sign3A_78 : i1 to i32
          %sign3A_80 = arith.constant 0 : i32
          %sign3A_81 = arith.cmpi slt, %select_n3A, %sign3A_80 : i32
          %sign3A_82 = arith.extui %sign3A_81 : i1 to i32
          %sign3A_83 = arith.subi %sign3A_79, %sign3A_82 : i32
          %sign3A_84 = arith.constant 0 : i32
          %sign3A_85 = arith.cmpi sgt, %jit3A_75, %sign3A_84 : i32
          %sign3A_86 = arith.extui %sign3A_85 : i1 to i32
          %sign3A_87 = arith.constant 0 : i32
          %sign3A_88 = arith.cmpi slt, %jit3A_75, %sign3A_87 : i32
          %sign3A_89 = arith.extui %sign3A_88 : i1 to i32
          %sign3A_90 = arith.subi %sign3A_86, %sign3A_89 : i32
          %ne3A_91 = arith.cmpi ne, %sign3A_83, %sign3A_90 : i32
          %rem3A_92 = arith.remsi %select_n3A, %jit3A_75 : i32
          %ne3A_93 = arith.constant 0 : i32
          %ne3A_94 = arith.cmpi ne, %rem3A_92, %ne3A_93 : i32
          %and3A_95 = arith.andi %ne3A_91, %ne3A_94 : i1
          %sub3A_96 = arith.constant 1 : i32
          %sub3A_97 = arith.subi %div3A_76, %sub3A_96 : i32
          %select_n3A_98 = arith.select %and3A_95, %sub3A_97, %div3A_76 : i32
          %mul3A_99 = arith.constant 8 : i32
          %mul3A_100 = arith.muli %select_n3A_98, %mul3A_99 : i32
          "tpu.region"() ({
            %run_scoped3A = tpu.sem_alloc : memref<!tpu.dma_semaphore, #tpu.memory_space<semaphore_mem>>
            %dma_start3A = arith.constant 0 : i32
            %dma_start3A_108 = tpu.memref_slice %arg15[%mul3A_100, %dma_start3A] : memref<320x128xf32, #tpu.memory_space<vmem_shared>> -> memref<16x128xf32, #tpu.memory_space<vmem_shared>>
            %dma_start3A_109 = arith.constant 0 : i32
            %dma_start3A_110 = tpu.memref_slice %arg15[%mul3A_100, %dma_start3A_109] : memref<320x128xf32, #tpu.memory_space<vmem_shared>> -> memref<16x128xf32, #tpu.memory_space<vmem_shared>>
            tpu.enqueue_dma source(%dma_start3A_110 : memref<16x128xf32, #tpu.memory_space<vmem_shared>>) target(%arg24 : memref<16x128xf32, #tpu.memory_space<vmem>>) target_semaphore(%run_scoped3A : memref<!tpu.dma_semaphore, #tpu.memory_space<semaphore_mem>>)
            %dma_wait3A_111 = arith.constant 0 : i32
            %dma_wait3A_112 = tpu.memref_slice %arg15[%mul3A_100, %dma_wait3A_111] : memref<320x128xf32, #tpu.memory_space<vmem_shared>> -> memref<16x128xf32, #tpu.memory_space<vmem_shared>>
            %dma_wait3A_113 = arith.constant 0 : i32
            %dma_wait3A_114 = tpu.memref_slice %arg15[%mul3A_100, %dma_wait3A_113] : memref<320x128xf32, #tpu.memory_space<vmem_shared>> -> memref<16x128xf32, #tpu.memory_space<vmem_shared>>
            tpu.wait_dma2 semaphore(%run_scoped3A : memref<!tpu.dma_semaphore, #tpu.memory_space<semaphore_mem>>) src(%dma_wait3A_114 : memref<16x128xf32, #tpu.memory_space<vmem_shared>>) dst(%arg24 : memref<16x128xf32, #tpu.memory_space<vmem>>)
            tpu.yield
          }) : () -> ()
          %scan3A_101 = arith.constant 0 : i32
          %scan3A_102 = arith.constant 0 : i32
          %scan3A_103 = arith.constant 80 : i32
          %scan3A_104 = arith.addi %scan3A_102, %scan3A_103 : i32
          %scan3A_105 = arith.constant 1 : i32
          %scan3A_106 = scf.for %scan3A_108 = %scan3A_102 to %scan3A_104 step %scan3A_105 iter_args(%scan3A_109 = %scan3A_101) -> (i32)  : i32 {
            %add3A_110 = arith.addi %mul3A_58, %scan3A_108 : i32
            %mul3A_111 = arith.constant 4 : i32
            %mul3A_112 = arith.muli %add3A_110, %mul3A_111 : i32
            %mul3A_113 = arith.constant 128 : i32
            %mul3A_114 = arith.muli %mul3A_100, %mul3A_113 : i32
            %sub3A_115 = arith.subi %mul3A_112, %mul3A_114 : i32
            %add3A_116 = arith.constant 0 : i32
            %add3A_117 = arith.addi %sub3A_115, %add3A_116 : i32
            %shift_right_arithmetic3A = arith.constant 7 : i32
            %shift_right_arithmetic3A_118 = arith.shrsi %add3A_117, %shift_right_arithmetic3A : i32
            %broadcast_in_dim3A_119 = vector.broadcast %shift_right_arithmetic3A_118 : i32 to vector<16xi32>
            %add3A_120 = arith.constant 0 : i32
            %add3A_121 = arith.addi %sub3A_115, %add3A_120 : i32
            %and3A_122 = arith.constant 127 : i32
            %and3A_123 = arith.andi %add3A_121, %and3A_122 : i32
            %broadcast_in_dim3A_124 = vector.broadcast %and3A_123 : i32 to vector<16xi32>
            %gather3A = tpu.vector_load_idx %arg24[%broadcast_in_dim3A_119, %broadcast_in_dim3A_124] : memref<16x128xf32, #tpu.memory_space<vmem>>[vector<16xi32>, vector<16xi32>], vector<16xf32>,
            %add3A_125 = arith.constant 1.000000e-16 : f32
            %add3A_126 = vector.broadcast %add3A_125 : f32 to vector<16xf32>
            %add3A_127 = arith.addf %gather3A, %add3A_126 : vector<16xf32>
            %div3A_128 = arith.constant 1.000000e+00 : f32
            %div3A_129 = vector.broadcast %div3A_128 : f32 to vector<16xf32>
            %div3A_130 = arith.divf %div3A_129, %add3A_127 : vector<16xf32>
            %get3A = arith.index_cast %scan3A_108 : i32 to index
            %get3A_131 = arith.constant 0 : index
            %get3A_132 = tpu.vector_load %arg22[%get3A, %get3A_131] {strides = array<i32>} : memref<80x128xf32, #tpu.memory_space<vmem>>, vector<16xf32>,
            %mul3A_133 = arith.mulf %get3A_132, %div3A_130 : vector<16xf32>
            %get3A_134 = arith.constant 0 : index
            %get3A_135 = tpu.vector_load %arg25[%get3A_134] {strides = array<i32>} : memref<128xf32, #tpu.memory_space<vmem>>, vector<16xf32>,
            %add3A_136 = arith.addf %mul3A_133, %get3A_135 : vector<16xf32>
            %max3A = arith.constant 0.000000e+00 : f32
            %max3A_137 = vector.broadcast %max3A : f32 to vector<16xf32>
            %max3A_138 = arith.maximumf %add3A_136, %max3A_137 : vector<16xf32>
            %swap3A = arith.index_cast %scan3A_108 : i32 to index
            %swap3A_139 = arith.constant 0 : index
            %swap3A_140 = tpu.vector_load %arg21[%swap3A, %swap3A_139] {strides = array<i32>} : memref<160x128xf32, #tpu.memory_space<vmem>>, vector<16xf32>,
            tpu.vector_store %arg21[%swap3A, %swap3A_139], %max3A_138 {strides = array<i32>} : memref<160x128xf32, #tpu.memory_space<vmem>>, vector<16xf32>,
            %get3A_141 = arith.index_cast %scan3A_108 : i32 to index
            %get3A_142 = arith.constant 16 : index
            %get3A_143 = tpu.vector_load %arg22[%get3A_141, %get3A_142] {strides = array<i32>} : memref<80x128xf32, #tpu.memory_space<vmem>>, vector<16xf32>,
            %mul3A_144 = arith.mulf %get3A_143, %div3A_130 : vector<16xf32>
            %get3A_145 = arith.constant 16 : index
            %get3A_146 = tpu.vector_load %arg25[%get3A_145] {strides = array<i32>} : memref<128xf32, #tpu.memory_space<vmem>>, vector<16xf32>,
            %add3A_147 = arith.addf %mul3A_144, %get3A_146 : vector<16xf32>
            %max3A_148 = arith.constant 0.000000e+00 : f32
            %max3A_149 = vector.broadcast %max3A_148 : f32 to vector<16xf32>
            %max3A_150 = arith.maximumf %add3A_147, %max3A_149 : vector<16xf32>
            %swap3A_151 = arith.index_cast %scan3A_108 : i32 to index
            %swap3A_152 = arith.constant 16 : index
            %swap3A_153 = tpu.vector_load %arg21[%swap3A_151, %swap3A_152] {strides = array<i32>} : memref<160x128xf32, #tpu.memory_space<vmem>>, vector<16xf32>,
            tpu.vector_store %arg21[%swap3A_151, %swap3A_152], %max3A_150 {strides = array<i32>} : memref<160x128xf32, #tpu.memory_space<vmem>>, vector<16xf32>,
            %add3A_154 = arith.constant 1 : i32
            %add3A_155 = arith.addi %sub3A_115, %add3A_154 : i32
            %shift_right_arithmetic3A_156 = arith.constant 7 : i32
            %shift_right_arithmetic3A_157 = arith.shrsi %add3A_155, %shift_right_arithmetic3A_156 : i32
            %broadcast_in_dim3A_158 = vector.broadcast %shift_right_arithmetic3A_157 : i32 to vector<16xi32>
            %add3A_159 = arith.constant 1 : i32
            %add3A_160 = arith.addi %sub3A_115, %add3A_159 : i32
            %and3A_161 = arith.constant 127 : i32
            %and3A_162 = arith.andi %add3A_160, %and3A_161 : i32
            %broadcast_in_dim3A_163 = vector.broadcast %and3A_162 : i32 to vector<16xi32>
            %gather3A_164 = tpu.vector_load_idx %arg24[%broadcast_in_dim3A_158, %broadcast_in_dim3A_163] : memref<16x128xf32, #tpu.memory_space<vmem>>[vector<16xi32>, vector<16xi32>], vector<16xf32>,
            %add3A_165 = arith.constant 1.000000e-16 : f32
            %add3A_166 = vector.broadcast %add3A_165 : f32 to vector<16xf32>
            %add3A_167 = arith.addf %gather3A_164, %add3A_166 : vector<16xf32>
            %div3A_168 = arith.constant 1.000000e+00 : f32
            %div3A_169 = vector.broadcast %div3A_168 : f32 to vector<16xf32>
            %div3A_170 = arith.divf %div3A_169, %add3A_167 : vector<16xf32>
            %get3A_171 = arith.index_cast %scan3A_108 : i32 to index
            %get3A_172 = arith.constant 32 : index
            %get3A_173 = tpu.vector_load %arg22[%get3A_171, %get3A_172] {strides = array<i32>} : memref<80x128xf32, #tpu.memory_space<vmem>>, vector<16xf32>,
            %mul3A_174 = arith.mulf %get3A_173, %div3A_170 : vector<16xf32>
            %get3A_175 = arith.constant 32 : index
            %get3A_176 = tpu.vector_load %arg25[%get3A_175] {strides = array<i32>} : memref<128xf32, #tpu.memory_space<vmem>>, vector<16xf32>,
            %add3A_177 = arith.addf %mul3A_174, %get3A_176 : vector<16xf32>
            %max3A_178 = arith.constant 0.000000e+00 : f32
            %max3A_179 = vector.broadcast %max3A_178 : f32 to vector<16xf32>
            %max3A_180 = arith.maximumf %add3A_177, %max3A_179 : vector<16xf32>
            %swap3A_181 = arith.index_cast %scan3A_108 : i32 to index
            %swap3A_182 = arith.constant 32 : index
            %swap3A_183 = tpu.vector_load %arg21[%swap3A_181, %swap3A_182] {strides = array<i32>} : memref<160x128xf32, #tpu.memory_space<vmem>>, vector<16xf32>,
            tpu.vector_store %arg21[%swap3A_181, %swap3A_182], %max3A_180 {strides = array<i32>} : memref<160x128xf32, #tpu.memory_space<vmem>>, vector<16xf32>,
            %get3A_184 = arith.index_cast %scan3A_108 : i32 to index
            %get3A_185 = arith.constant 48 : index
            %get3A_186 = tpu.vector_load %arg22[%get3A_184, %get3A_185] {strides = array<i32>} : memref<80x128xf32, #tpu.memory_space<vmem>>, vector<16xf32>,
            %mul3A_187 = arith.mulf %get3A_186, %div3A_170 : vector<16xf32>
            %get3A_188 = arith.constant 48 : index
            %get3A_189 = tpu.vector_load %arg25[%get3A_188] {strides = array<i32>} : memref<128xf32, #tpu.memory_space<vmem>>, vector<16xf32>,
            %add3A_190 = arith.addf %mul3A_187, %get3A_189 : vector<16xf32>
            %max3A_191 = arith.constant 0.000000e+00 : f32
            %max3A_192 = vector.broadcast %max3A_191 : f32 to vector<16xf32>
            %max3A_193 = arith.maximumf %add3A_190, %max3A_192 : vector<16xf32>
            %swap3A_194 = arith.index_cast %scan3A_108 : i32 to index
            %swap3A_195 = arith.constant 48 : index
            %swap3A_196 = tpu.vector_load %arg21[%swap3A_194, %swap3A_195] {strides = array<i32>} : memref<160x128xf32, #tpu.memory_space<vmem>>, vector<16xf32>,
            tpu.vector_store %arg21[%swap3A_194, %swap3A_195], %max3A_193 {strides = array<i32>} : memref<160x128xf32, #tpu.memory_space<vmem>>, vector<16xf32>,
            %add3A_197 = arith.constant 2 : i32
            %add3A_198 = arith.addi %sub3A_115, %add3A_197 : i32
            %shift_right_arithmetic3A_199 = arith.constant 7 : i32
            %shift_right_arithmetic3A_200 = arith.shrsi %add3A_198, %shift_right_arithmetic3A_199 : i32
            %broadcast_in_dim3A_201 = vector.broadcast %shift_right_arithmetic3A_200 : i32 to vector<16xi32>
            %add3A_202 = arith.constant 2 : i32
            %add3A_203 = arith.addi %sub3A_115, %add3A_202 : i32
            %and3A_204 = arith.constant 127 : i32
            %and3A_205 = arith.andi %add3A_203, %and3A_204 : i32
            %broadcast_in_dim3A_206 = vector.broadcast %and3A_205 : i32 to vector<16xi32>
            %gather3A_207 = tpu.vector_load_idx %arg24[%broadcast_in_dim3A_201, %broadcast_in_dim3A_206] : memref<16x128xf32, #tpu.memory_space<vmem>>[vector<16xi32>, vector<16xi32>], vector<16xf32>,
            %add3A_208 = arith.constant 1.000000e-16 : f32
            %add3A_209 = vector.broadcast %add3A_208 : f32 to vector<16xf32>
            %add3A_210 = arith.addf %gather3A_207, %add3A_209 : vector<16xf32>
            %div3A_211 = arith.constant 1.000000e+00 : f32
            %div3A_212 = vector.broadcast %div3A_211 : f32 to vector<16xf32>
            %div3A_213 = arith.divf %div3A_212, %add3A_210 : vector<16xf32>
            %get3A_214 = arith.index_cast %scan3A_108 : i32 to index
            %get3A_215 = arith.constant 64 : index
            %get3A_216 = tpu.vector_load %arg22[%get3A_214, %get3A_215] {strides = array<i32>} : memref<80x128xf32, #tpu.memory_space<vmem>>, vector<16xf32>,
            %mul3A_217 = arith.mulf %get3A_216, %div3A_213 : vector<16xf32>
            %get3A_218 = arith.constant 64 : index
            %get3A_219 = tpu.vector_load %arg25[%get3A_218] {strides = array<i32>} : memref<128xf32, #tpu.memory_space<vmem>>, vector<16xf32>,
            %add3A_220 = arith.addf %mul3A_217, %get3A_219 : vector<16xf32>
            %max3A_221 = arith.constant 0.000000e+00 : f32
            %max3A_222 = vector.broadcast %max3A_221 : f32 to vector<16xf32>
            %max3A_223 = arith.maximumf %add3A_220, %max3A_222 : vector<16xf32>
            %swap3A_224 = arith.index_cast %scan3A_108 : i32 to index
            %swap3A_225 = arith.constant 64 : index
            %swap3A_226 = tpu.vector_load %arg21[%swap3A_224, %swap3A_225] {strides = array<i32>} : memref<160x128xf32, #tpu.memory_space<vmem>>, vector<16xf32>,
            tpu.vector_store %arg21[%swap3A_224, %swap3A_225], %max3A_223 {strides = array<i32>} : memref<160x128xf32, #tpu.memory_space<vmem>>, vector<16xf32>,
            %get3A_227 = arith.index_cast %scan3A_108 : i32 to index
            %get3A_228 = arith.constant 80 : index
            %get3A_229 = tpu.vector_load %arg22[%get3A_227, %get3A_228] {strides = array<i32>} : memref<80x128xf32, #tpu.memory_space<vmem>>, vector<16xf32>,
            %mul3A_230 = arith.mulf %get3A_229, %div3A_213 : vector<16xf32>
            %get3A_231 = arith.constant 80 : index
            %get3A_232 = tpu.vector_load %arg25[%get3A_231] {strides = array<i32>} : memref<128xf32, #tpu.memory_space<vmem>>, vector<16xf32>,
            %add3A_233 = arith.addf %mul3A_230, %get3A_232 : vector<16xf32>
            %max3A_234 = arith.constant 0.000000e+00 : f32
            %max3A_235 = vector.broadcast %max3A_234 : f32 to vector<16xf32>
            %max3A_236 = arith.maximumf %add3A_233, %max3A_235 : vector<16xf32>
            %swap3A_237 = arith.index_cast %scan3A_108 : i32 to index
            %swap3A_238 = arith.constant 80 : index
            %swap3A_239 = tpu.vector_load %arg21[%swap3A_237, %swap3A_238] {strides = array<i32>} : memref<160x128xf32, #tpu.memory_space<vmem>>, vector<16xf32>,
            tpu.vector_store %arg21[%swap3A_237, %swap3A_238], %max3A_236 {strides = array<i32>} : memref<160x128xf32, #tpu.memory_space<vmem>>, vector<16xf32>,
            %add3A_240 = arith.constant 3 : i32
            %add3A_241 = arith.addi %sub3A_115, %add3A_240 : i32
            %shift_right_arithmetic3A_242 = arith.constant 7 : i32
            %shift_right_arithmetic3A_243 = arith.shrsi %add3A_241, %shift_right_arithmetic3A_242 : i32
            %broadcast_in_dim3A_244 = vector.broadcast %shift_right_arithmetic3A_243 : i32 to vector<16xi32>
            %add3A_245 = arith.constant 3 : i32
            %add3A_246 = arith.addi %sub3A_115, %add3A_245 : i32
            %and3A_247 = arith.constant 127 : i32
            %and3A_248 = arith.andi %add3A_246, %and3A_247 : i32
            %broadcast_in_dim3A_249 = vector.broadcast %and3A_248 : i32 to vector<16xi32>
            %gather3A_250 = tpu.vector_load_idx %arg24[%broadcast_in_dim3A_244, %broadcast_in_dim3A_249] : memref<16x128xf32, #tpu.memory_space<vmem>>[vector<16xi32>, vector<16xi32>], vector<16xf32>,
            %add3A_251 = arith.constant 1.000000e-16 : f32
            %add3A_252 = vector.broadcast %add3A_251 : f32 to vector<16xf32>
            %add3A_253 = arith.addf %gather3A_250, %add3A_252 : vector<16xf32>
            %div3A_254 = arith.constant 1.000000e+00 : f32
            %div3A_255 = vector.broadcast %div3A_254 : f32 to vector<16xf32>
            %div3A_256 = arith.divf %div3A_255, %add3A_253 : vector<16xf32>
            %get3A_257 = arith.index_cast %scan3A_108 : i32 to index
            %get3A_258 = arith.constant 96 : index
            %get3A_259 = tpu.vector_load %arg22[%get3A_257, %get3A_258] {strides = array<i32>} : memref<80x128xf32, #tpu.memory_space<vmem>>, vector<16xf32>,
            %mul3A_260 = arith.mulf %get3A_259, %div3A_256 : vector<16xf32>
            %get3A_261 = arith.constant 96 : index
            %get3A_262 = tpu.vector_load %arg25[%get3A_261] {strides = array<i32>} : memref<128xf32, #tpu.memory_space<vmem>>, vector<16xf32>,
            %add3A_263 = arith.addf %mul3A_260, %get3A_262 : vector<16xf32>
            %max3A_264 = arith.constant 0.000000e+00 : f32
            %max3A_265 = vector.broadcast %max3A_264 : f32 to vector<16xf32>
            %max3A_266 = arith.maximumf %add3A_263, %max3A_265 : vector<16xf32>
            %swap3A_267 = arith.index_cast %scan3A_108 : i32 to index
            %swap3A_268 = arith.constant 96 : index
            %swap3A_269 = tpu.vector_load %arg21[%swap3A_267, %swap3A_268] {strides = array<i32>} : memref<160x128xf32, #tpu.memory_space<vmem>>, vector<16xf32>,
            tpu.vector_store %arg21[%swap3A_267, %swap3A_268], %max3A_266 {strides = array<i32>} : memref<160x128xf32, #tpu.memory_space<vmem>>, vector<16xf32>,
            %get3A_270 = arith.index_cast %scan3A_108 : i32 to index
            %get3A_271 = arith.constant 112 : index
            %get3A_272 = tpu.vector_load %arg22[%get3A_270, %get3A_271] {strides = array<i32>} : memref<80x128xf32, #tpu.memory_space<vmem>>, vector<16xf32>,
            %mul3A_273 = arith.mulf %get3A_272, %div3A_256 : vector<16xf32>
            %get3A_274 = arith.constant 112 : index
            %get3A_275 = tpu.vector_load %arg25[%get3A_274] {strides = array<i32>} : memref<128xf32, #tpu.memory_space<vmem>>, vector<16xf32>,
            %add3A_276 = arith.addf %mul3A_273, %get3A_275 : vector<16xf32>
            %max3A_277 = arith.constant 0.000000e+00 : f32
            %max3A_278 = vector.broadcast %max3A_277 : f32 to vector<16xf32>
            %max3A_279 = arith.maximumf %add3A_276, %max3A_278 : vector<16xf32>
            %swap3A_280 = arith.index_cast %scan3A_108 : i32 to index
            %swap3A_281 = arith.constant 112 : index
            %swap3A_282 = tpu.vector_load %arg21[%swap3A_280, %swap3A_281] {strides = array<i32>} : memref<160x128xf32, #tpu.memory_space<vmem>>, vector<16xf32>,
            tpu.vector_store %arg21[%swap3A_280, %swap3A_281], %max3A_279 {strides = array<i32>} : memref<160x128xf32, #tpu.memory_space<vmem>>, vector<16xf32>,
            %scan3A_283 = arith.constant 0 : i32
            scf.yield %scan3A_283 : i32
          }
          %scan3A_107 = arith.constant 80 : i32
          "tpu.region"() ({
            %run_scoped3A = tpu.sem_alloc : memref<!tpu.dma_semaphore, #tpu.memory_space<semaphore_mem>>
            %dma_start3A = arith.constant 0 : i32
            %dma_start3A_108 = arith.constant 0 : i32
            %dma_start3A_109 = tpu.memref_slice %arg21[%dma_start3A, %dma_start3A_108] : memref<160x128xf32, #tpu.memory_space<vmem>> -> memref<80x128xf32, #tpu.memory_space<vmem>>
            %dma_start3A_110 = arith.constant 0 : i32
            %dma_start3A_111 = tpu.memref_slice %arg13[%mul3A_58, %dma_start3A_110] : memref<10000x128xf32, #tpu.memory_space<hbm>> -> memref<80x128xf32, #tpu.memory_space<hbm>>
            %dma_start3A_112 = arith.constant 0 : i32
            %dma_start3A_113 = tpu.memref_slice %arg13[%mul3A_58, %dma_start3A_112] : memref<10000x128xf32, #tpu.memory_space<hbm>> -> memref<80x128xf32, #tpu.memory_space<hbm>>
            %dma_start3A_114 = arith.constant 0 : i32
            %dma_start3A_115 = arith.constant 0 : i32
            %dma_start3A_116 = tpu.memref_slice %arg21[%dma_start3A_114, %dma_start3A_115] : memref<160x128xf32, #tpu.memory_space<vmem>> -> memref<80x128xf32, #tpu.memory_space<vmem>>
            tpu.enqueue_dma source(%dma_start3A_116 : memref<80x128xf32, #tpu.memory_space<vmem>>) target(%dma_start3A_113 : memref<80x128xf32, #tpu.memory_space<hbm>>) target_semaphore(%run_scoped3A : memref<!tpu.dma_semaphore, #tpu.memory_space<semaphore_mem>>)
            %dma_wait3A_117 = arith.constant 0 : i32
            %dma_wait3A_118 = arith.constant 0 : i32
            %dma_wait3A_119 = tpu.memref_slice %arg21[%dma_wait3A_117, %dma_wait3A_118] : memref<160x128xf32, #tpu.memory_space<vmem>> -> memref<80x128xf32, #tpu.memory_space<vmem>>
            %dma_wait3A_120 = arith.constant 0 : i32
            %dma_wait3A_121 = tpu.memref_slice %arg13[%mul3A_58, %dma_wait3A_120] : memref<10000x128xf32, #tpu.memory_space<hbm>> -> memref<80x128xf32, #tpu.memory_space<hbm>>
            %dma_wait3A_122 = arith.constant 0 : i32
            %dma_wait3A_123 = tpu.memref_slice %arg13[%mul3A_58, %dma_wait3A_122] : memref<10000x128xf32, #tpu.memory_space<hbm>> -> memref<80x128xf32, #tpu.memory_space<hbm>>
            %dma_wait3A_124 = arith.constant 0 : i32
            %dma_wait3A_125 = arith.constant 0 : i32
            %dma_wait3A_126 = tpu.memref_slice %arg21[%dma_wait3A_124, %dma_wait3A_125] : memref<160x128xf32, #tpu.memory_space<vmem>> -> memref<80x128xf32, #tpu.memory_space<vmem>>
            tpu.wait_dma2 semaphore(%run_scoped3A : memref<!tpu.dma_semaphore, #tpu.memory_space<semaphore_mem>>) src(%dma_wait3A_126 : memref<80x128xf32, #tpu.memory_space<vmem>>) dst(%dma_wait3A_123 : memref<80x128xf32, #tpu.memory_space<hbm>>)
            tpu.yield
          }) : () -> ()
        } else {
        }
        %scan3A_56 = arith.constant 0 : i32
        scf.yield %scan3A_56 : i32
      }
      %scan3A_46 = arith.constant 8 : i32
    } else {
    }
    return
  }
}

module attributes {stable_mosaic.version = 14 : i64} {
  func.func @body(%arg0: i32, %arg1: i32, %arg2: memref<1x2000x128xf32, #tpu.memory_space<vmem>>, %arg3: memref<1x128x128xf32, #tpu.memory_space<vmem>>, %arg4: memref<1x128x8xf32, #tpu.memory_space<vmem>>, %arg5: memref<1x2000x128xf32, #tpu.memory_space<vmem>>, %arg6: memref<1x2000x8xf32, #tpu.memory_space<vmem>>) attributes {dimension_semantics = [#tpu.dimension_semantics<arbitrary>, #tpu.dimension_semantics<arbitrary>], iteration_bounds = array<i64: 2, 5>, scalar_prefetch = 0 : i64, scratch_operands = 0 : i64, tpu.core_type = #tpu.core_type<tc>, window_params = [{transform_indices = @transform_0, window_bounds = array<i64: 1, 2000, 128>}, {transform_indices = @transform_1, window_bounds = array<i64: 1, 128, 128>}, {transform_indices = @transform_2, window_bounds = array<i64: 1, 128, 8>}, {transform_indices = @transform_3, window_bounds = array<i64: 1, 2000, 128>}, {transform_indices = @transform_4, window_bounds = array<i64: 1, 2000, 8>}]} {
    %get3A = arith.constant 0 : index
    %get3A_0 = arith.constant 0 : index
    %get3A_1 = arith.constant 0 : index
    %get3A_2 = vector.load %arg2[%get3A, %get3A_0, %get3A_1] : memref<1x2000x128xf32, #tpu.memory_space<vmem>>, vector<1x2000x128xf32>
    %get3A_3 = vector.shape_cast %get3A_2 : vector<1x2000x128xf32> to vector<2000x128xf32>
    %get3A_4 = arith.constant 0 : index
    %get3A_5 = arith.constant 0 : index
    %get3A_6 = arith.constant 0 : index
    %get3A_7 = vector.load %arg3[%get3A_4, %get3A_5, %get3A_6] : memref<1x128x128xf32, #tpu.memory_space<vmem>>, vector<1x128x128xf32>
    %get3A_8 = vector.shape_cast %get3A_7 : vector<1x128x128xf32> to vector<128x128xf32>
    %dot_general3A = arith.constant dense<0.000000e+00> : vector<2000x128xf32>
    %dot_general3A_9 = tpu.matmul %get3A_3, %get3A_8, %dot_general3A {dimension_numbers = #tpu.dot_dimension_numbers<[1], [0], [0], [1], [0, 0, 1, 1], [], []>, transpose_lhs_hint = false} : vector<2000x128xf32>, vector<128x128xf32>, vector<2000x128xf32> -> vector<2000x128xf32>
    %swap3A = arith.constant 0 : index
    %swap3A_10 = arith.constant 0 : index
    %swap3A_11 = arith.constant 0 : index
    %swap3A_12 = vector.load %arg5[%swap3A, %swap3A_10, %swap3A_11] : memref<1x2000x128xf32, #tpu.memory_space<vmem>>, vector<1x2000x128xf32>
    %swap3A_13 = vector.shape_cast %swap3A_12 : vector<1x2000x128xf32> to vector<2000x128xf32>
    %swap3A_14 = vector.shape_cast %dot_general3A_9 : vector<2000x128xf32> to vector<1x2000x128xf32>
    tpu.vector_store %arg5[%swap3A, %swap3A_10, %swap3A_11], %swap3A_14 {strides = array<i32>} : memref<1x2000x128xf32, #tpu.memory_space<vmem>>, vector<1x2000x128xf32>,
    %get3A_15 = arith.constant 0 : index
    %get3A_16 = arith.constant 0 : index
    %get3A_17 = arith.constant 0 : index
    %get3A_18 = vector.load %arg4[%get3A_15, %get3A_16, %get3A_17] : memref<1x128x8xf32, #tpu.memory_space<vmem>>, vector<1x128x8xf32>
    %get3A_19 = vector.shape_cast %get3A_18 : vector<1x128x8xf32> to vector<128x8xf32>
    %dot_general3A_20 = arith.constant dense<0.000000e+00> : vector<2000x8xf32>
    %dot_general3A_21 = tpu.matmul %dot_general3A_9, %get3A_19, %dot_general3A_20 {dimension_numbers = #tpu.dot_dimension_numbers<[1], [0], [0], [1], [0, 0, 1, 1], [], []>, transpose_lhs_hint = false} : vector<2000x128xf32>, vector<128x8xf32>, vector<2000x8xf32> -> vector<2000x8xf32>
    %swap3A_22 = arith.constant 0 : index
    %swap3A_23 = arith.constant 0 : index
    %swap3A_24 = arith.constant 0 : index
    %swap3A_25 = vector.load %arg6[%swap3A_22, %swap3A_23, %swap3A_24] : memref<1x2000x8xf32, #tpu.memory_space<vmem>>, vector<1x2000x8xf32>
    %swap3A_26 = vector.shape_cast %swap3A_25 : vector<1x2000x8xf32> to vector<2000x8xf32>
    %swap3A_27 = vector.shape_cast %dot_general3A_21 : vector<2000x8xf32> to vector<1x2000x8xf32>
    tpu.vector_store %arg6[%swap3A_22, %swap3A_23, %swap3A_24], %swap3A_27 {strides = array<i32>} : memref<1x2000x8xf32, #tpu.memory_space<vmem>>, vector<1x2000x8xf32>,
    return
  }
  func.func @transform_0(%arg0: i32, %arg1: i32) -> (i32, i32, i32) {
    %c0_i32 = arith.constant 0 : i32
    %c0_i32_0 = arith.constant 0 : i32
    return %arg0, %arg1, %c0_i32 : i32, i32, i32
  }
  func.func @transform_1(%arg0: i32, %arg1: i32) -> (i32, i32, i32) {
    %c0_i32 = arith.constant 0 : i32
    %c0_i32_0 = arith.constant 0 : i32
    %c0_i32_1 = arith.constant 0 : i32
    return %arg0, %c0_i32, %c0_i32_0 : i32, i32, i32
  }
  func.func @transform_2(%arg0: i32, %arg1: i32) -> (i32, i32, i32) {
    %c0_i32 = arith.constant 0 : i32
    %c0_i32_0 = arith.constant 0 : i32
    %c0_i32_1 = arith.constant 0 : i32
    return %arg0, %c0_i32, %c0_i32_0 : i32, i32, i32
  }
  func.func @transform_3(%arg0: i32, %arg1: i32) -> (i32, i32, i32) {
    %c0_i32 = arith.constant 0 : i32
    %c0_i32_0 = arith.constant 0 : i32
    return %arg0, %arg1, %c0_i32 : i32, i32, i32
  }
  func.func @transform_4(%arg0: i32, %arg1: i32) -> (i32, i32, i32) {
    %c0_i32 = arith.constant 0 : i32
    %c0_i32_0 = arith.constant 0 : i32
    return %arg0, %arg1, %c0_i32 : i32, i32, i32
  }
}

</mosaic_0001>

<sc_bundles>
// kernel: kernel.12.cloned.1.call-start
scs
__scs_entry_jumppad:
0x0: {  	(pc) =	sbr.rel $0x88, $3  }
0x1: {  	(tag) =	ssettag $0x0;
	lr =	simm.s32 $0x1  }
0x2: {  	[smem:$0x3F8E] =	sst lr;
	_ =	strace $0xD0000000  }
0x3: {  	_ = 	snop  }
0x4: {  	_ = 	snop  }
0x5: {  	_ = 	snop  }
0x6: {  	_ = 	snop  }
0x7: {  	_ = 	snop  }
__scs_overlays_trampoline_lowered:
0x8: {  	[smem:$0x3F9D] =	sst s0  }
0x9: {  	[smem:$0x3F9E] =	sst s1  }
0xa: {  	[smem:$0x3F9F] =	sst s2  }
0xb: {  	[smem:$0x3FA0] =	sst s3  }
0xc: {  	[smem:$0x3FA1] =	sst s4  }
0xd: {  	[smem:$0x3FA2] =	sst s5  }
0xe: {  	[smem:$0x3FA3] =	sst s6  }
0xf: {  	[smem:$0x3FA4] =	sst s7  }
0x10: {  	[smem:$0x3FA5] =	sst s8  }
0x11: {  	[smem:$0x3FA6] =	sst s9;
	s0 =	simm.s32 @!p0 $0x0  }
0x12: {  	s1 =	sld [smem:$0x3F8C];
	s0 =	simm.s32 @p0 $0x1  }
0x13: {  	[smem:$0x3FA7] =	sst s0;
	s0 =	simm.s32 @!p1 $0x0  }
0x14: {  	s2 =	sld [smem:$0x3F8B];
	s0 =	simm.s32 @p1 $0x1  }
0x15: {  	[smem:$0x3FA8] =	sst s0;
	s0 =	simm.s32 @!p2 $0x0  }
0x16: {  	s3 =	sld [smem:$0x3FDB];
	s0 =	simm.s32 @p2 $0x1  }
0x17: {  	s4 =	simm.s32 $0x1BF5;
	[smem:$0x3FAA] =	sst s0  }
0x18: {  	s0 =	sld [smem:$0x3F8D];
	_ =	swait.ge [sflag:s4], $0x0  }
0x19: {  	s7 =	sld [smem:$0x3F8E]  }
0x1a: {  	s8 =	sadd.s32 $0xFFFFE003, lr  }
0x1b: {  	s9 =	sadd.s32 $0xFFFFFEF7, lr;
	s5 =	simm.s32 $0xFFFFFFFF;
	p2 =	slt.u32 s8, $0xFFFFF086  }
0x1c: {  	p1 =	slt.u32 s9, $0xF7A;
	s5 =	simm.s32 @!p2 $0x0  }
0x1d: {  	s5 =	simm.s32 @p1 $0x1;
	p0 =	seq.s32 s7, s2  }
0x1e: {  	s7 =	smul.u32 @!p0 $0xF7A, s2;
	p2 =	seq.s32 @!p0 s5, $0x0  }
0x1f: {  	s9 =	smul.u32 $0xF7A, s1;
	s8 =	simm.s32 @!p0 $0x1BF5;
	p2 =	por !p2, p0  }
0x20: {  	[sflag:s8] =	ssyncset.s32 @!p0 $0xFFFFF086;
	s6 =	sadd.s32 @!p0 s3, s7;
	s7 =	simm.s32 @!p0 $0x108  }
0x21: {  	s3 =	sadd.s32 s3, s9;
	s6 =	sadd.s32 @!p0 $0x88, s6;
	s7 =	simm.s32 @p2 $0x1082  }
0x22: {  	[simem:s7], [sflag:s8] =	dma.local @!p0 [hbm:s6], $0xF7A  }
0x23: {  	s9 =	sor.u32 $0xD0000000, s2;
	s6 =	simm.s32 $0x108;
	_ =	swait.ge @!p0 [sflag:s8], $0x0  }
0x24: {  	s3 =	sadd.s32 $0x88, s3;
	s6 =	simm.s32 @!p1 $0x1082;
	[sflag:s4] =	ssyncset.s32 $0xFFFFF086  }
0x25: {  	[simem:s6], [sflag:s4] =	dma.local [hbm:s3], $0xF7A  }
0x26: {  	[smem:$0x3F8E] =	sst s1;
	(tag) =	ssettag s2;
	_ =	strace s9  }
0x27: {  	s1 =	sld [smem:$0x3F9E]  }
0x28: {  	s2 =	sld [smem:$0x3F9F]  }
0x29: {  	s4 =	sld [smem:$0x3FA1]  }
0x2a: {  	p0 =	seq.s32 s5, $0x0;
	s5 =	sld [smem:$0x3FA2]  }
0x2b: {  	s6 =	sld [smem:$0x3FA3]  }
0x2c: {  	s7 =	sld [smem:$0x3FA4]  }
0x2d: {  	s3 =	simm.s32 $0x108;
	s8 =	sld [smem:$0x3FA5]  }
0x2e: {  	s3 =	simm.s32 @!p0 $0x1082;
	s9 =	sld [smem:$0x3FA6]  }
0x2f: {  	lr =	sadd.s32 s0, s3;
	s0 =	sld [smem:$0x3F9D]  }
0x30: {  	s3 =	sld [smem:$0x3FA0]  }
0x31: {  	[smem:$0x3FA9] =	sst s10  }
0x32: {  	s10 =	sld [smem:$0x3FA7];
	_ =	sdelay $0x3  }
0x33: {  	p0 =	seq.s32 s10, $0x1;
	s10 =	sld [smem:$0x3FA9];
	_ =	sdelay $0x3  }
0x34: {  	[smem:$0x3FA9] =	sst s10  }
0x35: {  	s10 =	sld [smem:$0x3FA8];
	_ =	sdelay $0x3  }
0x36: {  	p1 =	seq.s32 s10, $0x1;
	s10 =	sld [smem:$0x3FA9];
	_ =	sdelay $0x3  }
0x37: {  	[smem:$0x3FA9] =	sst s10  }
0x38: {  	s10 =	sld [smem:$0x3FAA]  }
0x39: {  	_ = 	snop;
	(pc) =	sbr.ind lr, $3  }
0x3a: {  	_ = 	snop  }
0x3b: {  	_ = 	snop  }
0x3c: {  	p2 =	seq.s32 s10, $0x1;
	s10 =	sld [smem:$0x3FA9]  }
0x3d: {  	_ =	shalt  }
0x3e: {  	_ =	shalt  }
0x3f: {  	_ =	shalt  }
0x40: {  	_ =	shalt  }
0x41: {  	_ =	shalt  }
0x42: {  	_ =	shalt  }
0x43: {  	_ =	shalt  }
0x44: {  	_ =	shalt  }
0x45: {  	_ =	shalt  }
0x46: {  	_ =	shalt  }
0x47: {  	_ =	shalt  }
0x48: {  	_ =	shalt  }
0x49: {  	_ =	shalt  }
0x4a: {  	_ =	shalt  }
0x4b: {  	_ =	shalt  }
0x4c: {  	_ =	shalt  }
0x4d: {  	_ =	shalt  }
0x4e: {  	_ =	shalt  }
0x4f: {  	_ =	shalt  }
0x50: {  	_ =	shalt  }
0x51: {  	_ =	shalt  }
0x52: {  	_ =	shalt  }
0x53: {  	_ =	shalt  }
0x54: {  	_ =	shalt  }
0x55: {  	_ =	shalt  }
0x56: {  	_ =	shalt  }
0x57: {  	_ =	shalt  }
0x58: {  	_ =	shalt  }
0x59: {  	_ =	shalt  }
0x5a: {  	_ =	shalt  }
0x5b: {  	_ =	shalt  }
0x5c: {  	_ =	shalt  }
0x5d: {  	_ =	shalt  }
0x5e: {  	_ =	shalt  }
0x5f: {  	_ =	shalt  }
0x60: {  	_ =	shalt  }
0x61: {  	_ =	shalt  }
0x62: {  	_ =	shalt  }
0x63: {  	_ =	shalt  }
0x64: {  	_ =	shalt  }
0x65: {  	_ =	shalt  }
0x66: {  	_ =	shalt  }
0x67: {  	_ =	shalt  }
0x68: {  	_ =	shalt  }
0x69: {  	_ =	shalt  }
0x6a: {  	_ =	shalt  }
0x6b: {  	_ =	shalt  }
0x6c: {  	_ =	shalt  }
0x6d: {  	_ =	shalt  }
0x6e: {  	_ =	shalt  }
0x6f: {  	_ =	shalt  }
0x70: {  	_ =	shalt  }
0x71: {  	_ =	shalt  }
0x72: {  	_ =	shalt  }
0x73: {  	_ =	shalt  }
0x74: {  	_ =	shalt  }
0x75: {  	_ =	shalt  }
0x76: {  	_ =	shalt  }
0x77: {  	_ =	shalt  }
0x78: {  	_ =	shalt  }
0x79: {  	_ =	shalt  }
0x7a: {  	_ =	shalt  }
0x7b: {  	_ =	shalt  }
0x7c: {  	_ =	shalt  }
0x7d: {  	_ =	shalt  }
0x7e: {  	_ =	shalt  }
0x7f: {  	_ =	shalt  }
0x80: {  	_ =	shalt  }
0x81: {  	_ =	shalt  }
0x82: {  	_ =	shalt  }
0x83: {  	_ =	shalt  }
0x84: {  	_ =	shalt  }
0x85: {  	_ =	shalt  }
0x86: {  	_ =	shalt  }
0x87: {  	_ =	shalt  }
.Lfunc_end0:
.L_simem_size_0:
called_computation.2_lowered:
.L_overlay_start_0:
0x88: {  	s2 =	sld [smem:$0x3FD9]  }
0x89: {  	s3 =	sld [smem:$0x3FFE];
	_ =	sdelay $0x1  }
0x8a: {  	s1 =	srdreg.scid  }
0x8b: {  	s0 =	sand.u32 $0x1, s1  }
0x8c: {  	s14 =	sshll.u32 s0, $0xA;
	s2 =	sadd.s32 s3, s2  }
0x8d: {  	s2 =	sadd.s32 s2, s14  }
0x8e: {  	[smem:$0x3FB5] =	sst s2  }
0x8f: {  	_ = 	snop  }
0x90: {  	s2 =	sld [smem:$0x3FD0]  }
0x91: {  	s15 =	sld [smem:$0x3FC7]  }
0x92: {  	s4 =	sld [smem:$0x3FC6]  }
0x93: {  	s6 =	simm.s32 $0xA;
	s7 =	simm.s32 $0x10;
	s5 =	sld [smem:$0x3FC5]  }
0x94: {  	[smem:s7], [sflag:s6] =	dma.local [hbm:s2], $0x1  }
0x95: {  	_ =	swait.eq [sflag:s6], $0x1  }
0x96: {  	[sflag:s6] =	ssyncset.done $0x0  }
0x97: {  	[sflag:s6] =	ssyncadd.s32 $0xFFFFFFFF  }
0x98: {  	s16 =	sld [smem:$0x11];
	(tm) =	ssettm $0x1  }
0x99: {  	s17 =	sld [smem:$0x3FFB];
	_ =	sdelay $0x3  }
0x9a: {  	_ =	strace s17  }
0x9b: {  	s6 =	sld [smem:$0x3FFC];
	_ =	sdelay $0x3  }
0x9c: {  	_ =	strace s6  }
0x9d: {  	s6 =	sld [smem:$0x3FFD];
	_ =	sdelay $0x3  }
0x9e: {  	_ =	strace s6  }
0x9f: {  	_ =	strace $0x8FFFFFFF  }
0xa0: {  	s18 =	sld [smem:$0x3FDB];
	_ =	sdelay $0x1  }
0xa1: {  	s19 =	simm.s32 $_scs_section_size  }
0xa2: {  	s8 =	simm.s32 $_size__tile_overlayer_lowered;
	s9 =	simm.s32 $_tile_overlayer_lowered  }
0xa3: {  	s22 =	simm.s32 $0x1BFF;
	s21 =	sshll.u32 s9, $0x1;
	s6 =	sadd.s32 s19, s18  }
0xa4: {  	s10 =	simm.s32 $0x0;
	s20 =	sshll.u32 s8, $0x1;
	s8 =	sadd.s32 s21, s6  }
0xa5: {  	[timem:s10], [sflag:s22] =	dma.local [hbm:s8], s20  }
0xa6: {  	_ =	swait.ge [sflag:s22], s20  }
0xa7: {  	s7 =	ssub.s32 $0x0, s20;
	[sflag:s22] =	ssyncset.done $0x0  }
0xa8: {  	[sflag:s22] =	ssyncadd.s32 s7;
	_ =	sdelay $0x1  }
0xa9: {  	s23 =	simm.s32 $0x1B8B  }
0xaa: {  	_ =	swait.ge [sflag:s23], $0x1  }
0xab: {  	[sflag:s23] =	ssyncset.done $0x0  }
0xac: {  	s25 =	simm.s32 $0x1B8E;
	s24 =	sld [smem:$0x3FFE];
	[sflag:s23] =	ssyncadd.s32 $0xFFFFFFFF  }
0xad: {  	s26 =	simm.s32 $execute0_lowered;
	[smem:$0x3FD2] =	sst s25  }
0xae: {  	s8 =	sshll.u32 s26, $0x1;
	_ =	strace $0x8000004C;
	[dreg:$0x1] =	wrdreg $0xFFFFFFFF  }
0xaf: {  	s28 =	simm.s32 $_size_execute0_lowered;
	s6 =	sadd.s32 s6, s8;
	[dreg:$0x0] =	wrdreg $0x0  }
0xb0: {  	s8 =	sshll.u32 s28, $0x1;
	[dreg:$0x2] =	wrdreg s6  }
0xb1: {  	[dreg:$0x3] =	wrdreg s8  }
0xb2: {  	[dreg:$0x4] =	wrdreg $0xC0  }
0xb3: {  	_ =	task [dreg:s10], $0x5FFFF  }
0xb4: {  	[dreg:$0x1] =	wrdreg $0xFFFFFFFF  }
0xb5: {  	[dreg:$0x0] =	wrdreg $0x60  }
0xb6: {  	[dreg:$0x2] =	wrdreg s24  }
0xb7: {  	[dreg:$0x3] =	wrdreg s4  }
0xb8: {  	[dreg:$0x4] =	wrdreg s15  }
0xb9: {  	[dreg:$0x5] =	wrdreg s5  }
0xba: {  	[dreg:$0x6] =	wrdreg s16  }
0xbb: {  	[dreg:$0x7] =	wrdreg $0x9  }
0xbc: {  	_ =	task.clear_ibuf [dreg:s10], $0x8FFFF;
	_ =	strace $0x9000004C  }
0xbd: {  	s29 =	simm.s32 $0x9;
	_ =	strace $0x8000004E  }
0xbe: {  	_ =	swait.ge [sflag:s29], $0x1  }
0xbf: {  	[sflag:s29] =	ssyncadd.s32 $0xFFFFFFFF  }
0xc0: {  	_ =	strace $0x9000004E  }
0xc1: {  	_ =	sfence  }
0xc2: {  	s30 =	sld [smem:$0x0];
	_ =	sdelay $0x2  }
0xc3: {  	s31 =	sshll.u32 s1, $0xD;
	s1 =	sshrl.u32 s1, $0x2  }
0xc4: {  	s3 =	sand.u32 $0x4000, s31;
	s1 =	sadd.s32 s1, s30  }
0xc5: {  	s0 =	sor.u32 s3, s0;
	s1 =	sshll.u32 s1, $0x11  }
0xc6: {  	s0 =	sor.u32 s1, s0  }
0xc7: {  	s0 =	sadd.s32 $0x8F2B, s0  }
0xc8: {  	[sflag:s0] =	ssyncadd.remote.s32 $0x1  }
0xc9: {  	_ =	sfence.sel $0xFFFF  }
0xca: {  	[dreg:$0x0] =	wrdreg $0xFFFFFFFF;
	(pc) =	sbr.abs _section_cstart, $3  }
0xcb: {  	[dreg:$0x1] =	wrdreg $0xFFFFFFFF  }
0xcc: {  	_ =	task.clear_ibuf [dreg:s10], $0x2FFFF;
	_ =	strace $0x9FFFFFFF  }
0xcd: {  	(tm) =	ssettm $0x7FFFFFFF  }
tec
execute0_lowered:
.L_overlay_start_1:
0x0: {  	(tag) =	ssettag $0x1  }
0x1: {  	s0 =	rddreg [dreg:$0x0]  }
0x2: {  	s1 =	rddreg [dreg:$0x4]  }
0x3: {  	s2 =	srdreg.scid;
	s3 =	stileid.u32;
	s5 =	simm.s32 $0x0  }
0x4: {  	s2 =	sand.u32 $0x1, s2;
	s3 =	sshll.u32 s3, $0x1;
	[smem:$0x7FF] =	sst s5  }
0x5: {  	s4 =	sadd.s32 $0x3A00, s0;
	s7 =	sadd.s32 $0x4000, s0;
	s8 =	sadd.s32 $0x5800, s0  }
0x6: {  	s28 =	sadd.s32 $0x5200, s0;
	s29 =	sadd.s32 $0x83200, s0;
	s3 =	sor.u32 s2, s3  }
0x7: {  	s30 =	sadd.s32 $0xAB200, s0;
	s2 =	ssub.s32 $0x2, s2;
	s6 =	smul.u32 $0x140, s3  }
0x8: {  	s31 =	sadd.s32 $0xD3200, s0;
	s9 =	sshrl.u32 s2, $0x1;
	s3 =	smul.u32 $0x1400, s3  }
0x9: {  	_ =	strace $0x8000004D;
	s2 =	ssub.s32 s2, s9;
	s9 =	simm.s32 $0x0  }
0xa: {  	s10 =	sadd.s32 $0x50, s6;
	s19 =	sshrl.u32 s6, $0x3;
	s20 =	sadd.s32 s1, s3  }
0xb: {  	s22 =	sadd.s32 $0xA0, s6;
	s13 =	sadd.s32 $0xF0, s6;
	s11 =	sshrl.u32 s10, $0x3  }
0xc: {  	s12 =	sadd.s32 s4, s19;
	[dreg:$0x7] =	wrdreg s20;
	s10 =	sshll.u32 s10, $0x4  }
0xd: {  	s23 =	sshrl.u32 s22, $0x3;
	s16 =	sshrl.u32 s13, $0x3;
	s24 =	sadd.s32 s7, s19  }
0xe: {  	s26 =	sshll.u32 s13, $0x4;
	s19 =	sadd.s32 s8, s3;
	s3 =	simm.s32 $0x2  }
0xf: {  	[dreg:$0x6] =	wrdreg s12;
	s21 =	sadd.s32 s4, s11;
	s14 =	sadd.s32 s1, s10  }
0x10: {  	s15 =	sadd.s32 s4, s23;
	s12 =	sshll.u32 s22, $0x4;
	[dreg:$0xc] =	wrdreg s24  }
0x11: {  	s4 =	sadd.s32 s4, s16;
	s25 =	sadd.s32 s7, s11;
	[dreg:$0x8] =	wrdreg s21  }
0x12: {  	s16 =	sadd.s32 s7, s16;
	s18 =	sadd.s32 s1, s26;
	[dreg:$0x9] =	wrdreg s14  }
0x13: {  	s20 =	sadd.s32 s8, s10;
	s22 =	sadd.s32 s8, s26;
	[dreg:$0xa] =	wrdreg s15  }
0x14: {  	s24 =	sadd.s32 $0x5C000, s0;
	s26 =	sadd.s32 $0x4C00, s0;
	[dreg:$0xb] =	wrdreg s4  }
0x15: {  	[dreg:$0xd] =	wrdreg s25;
	s15 =	sadd.s32 s7, s23;
	s17 =	sadd.s32 s1, s12  }
0x16: {  	s21 =	sadd.s32 s8, s12;
	s23 =	sadd.s32 $0x34E00, s0;
	s25 =	sadd.s32 $0x4600, s0  }
0x17: {  	s0 =	smax.u32 s2, $0x1;
	s1 =	simm.s32 $0x50;
	s2 =	simm.s32 $0x80  }
0x18: {  	v0 =	vlaneseq.u32;
	s4 =	simm.s32 $0x1;
	s7 =	simm.s32 $0x5080;
	s8 =	simm.s32 $0x2880  }
.LBB2_1:
0x19: {  	s10 =	rddreg [dreg:$0x6]  }
0x1a: {  	[tilespmem:s5], [sflag:$0x2] =	stream.linear.gather [hbm4b:s10+s5], $0x50, $0x38;
	[tilespmem:$0x5880] =	vst v63  }
0x1b: {  	_ =	swait.ge [sflag:s3], $0x50  }
0x1c: {  	[sflag:s3] =	ssyncset.done $0x0  }
0x1d: {  	[sflag:s3] =	ssyncadd.s32 $0xFFFFFFB0  }
0x1e: {  	[tilespmem:s2], [sflag:$0x1] =	stream.indirect.gather [hbm4b:s23+s1], $0x80, s5, s1, $0xb8;
	[tilespmem:$0x5880] =	vst v63  }
0x1f: {  	_ =	swait.ge [sflag:s4], $0x2800  }
0x20: {  	[sflag:s4] =	ssyncset.done $0x0  }
0x21: {  	s11 =	rddreg [dreg:$0x7];
	[sflag:s4] =	ssyncadd.s32 $0xFFFFD800  }
0x22: {  	[hbm4b:s11+s5] =	stream.linear.scatter [tilespmem:s2], [sflag:$0x2], $0x2800, $0x38;
	[tilespmem:$0x5880] =	vst v63  }
0x23: {  	_ =	swait.ge [sflag:s3], $0x2800  }
0x24: {  	[sflag:s3] =	ssyncset.done $0x0  }
0x25: {  	s12 =	rddreg [dreg:$0x8];
	[sflag:s3] =	ssyncadd.s32 $0xFFFFD800  }
0x26: {  	[tilespmem:s5], [sflag:$0x2] =	stream.linear.gather [hbm4b:s12+s5], $0x50, $0x38;
	[tilespmem:$0x5880] =	vst v63  }
0x27: {  	_ =	swait.ge [sflag:s3], $0x50  }
0x28: {  	[sflag:s3] =	ssyncset.done $0x0  }
0x29: {  	[sflag:s3] =	ssyncadd.s32 $0xFFFFFFB0  }
0x2a: {  	[tilespmem:s2], [sflag:$0x1] =	stream.indirect.gather [hbm4b:s23+s1], $0x80, s5, s1, $0xb8;
	[tilespmem:$0x5880] =	vst v63  }
0x2b: {  	_ =	swait.ge [sflag:s4], $0x2800  }
0x2c: {  	[sflag:s4] =	ssyncset.done $0x0  }
0x2d: {  	s13 =	rddreg [dreg:$0x9];
	[sflag:s4] =	ssyncadd.s32 $0xFFFFD800  }
0x2e: {  	[hbm4b:s13+s5] =	stream.linear.scatter [tilespmem:s2], [sflag:$0x2], $0x2800, $0x38;
	[tilespmem:$0x5880] =	vst v63  }
0x2f: {  	_ =	swait.ge [sflag:s3], $0x2800  }
0x30: {  	[sflag:s3] =	ssyncset.done $0x0  }
0x31: {  	s14 =	rddreg [dreg:$0xa];
	[sflag:s3] =	ssyncadd.s32 $0xFFFFD800  }
0x32: {  	[tilespmem:s5], [sflag:$0x2] =	stream.linear.gather [hbm4b:s14+s5], $0x50, $0x38;
	[tilespmem:$0x5880] =	vst v63  }
0x33: {  	_ =	swait.ge [sflag:s3], $0x50  }
0x34: {  	[sflag:s3] =	ssyncset.done $0x0  }
0x35: {  	[sflag:s3] =	ssyncadd.s32 $0xFFFFFFB0  }
0x36: {  	[tilespmem:s2], [sflag:$0x1] =	stream.indirect.gather [hbm4b:s23+s1], $0x80, s5, s1, $0xb8;
	[tilespmem:$0x5880] =	vst v63  }
0x37: {  	_ =	swait.ge [sflag:s4], $0x2800  }
0x38: {  	[sflag:s4] =	ssyncset.done $0x0  }
0x39: {  	[sflag:s4] =	ssyncadd.s32 $0xFFFFD800  }
0x3a: {  	[hbm4b:s17+s5] =	stream.linear.scatter [tilespmem:s2], [sflag:$0x2], $0x2800, $0x38;
	[tilespmem:$0x5880] =	vst v63  }
0x3b: {  	_ =	swait.ge [sflag:s3], $0x2800  }
0x3c: {  	[sflag:s3] =	ssyncset.done $0x0  }
0x3d: {  	s11 =	rddreg [dreg:$0xb];
	[sflag:s3] =	ssyncadd.s32 $0xFFFFD800  }
0x3e: {  	[tilespmem:s5], [sflag:$0x2] =	stream.linear.gather [hbm4b:s11+s5], $0x50, $0x38;
	[tilespmem:$0x5880] =	vst v63  }
0x3f: {  	_ =	swait.ge [sflag:s3], $0x50  }
0x40: {  	[sflag:s3] =	ssyncset.done $0x0  }
0x41: {  	[sflag:s3] =	ssyncadd.s32 $0xFFFFFFB0  }
0x42: {  	[tilespmem:s2], [sflag:$0x1] =	stream.indirect.gather [hbm4b:s23+s1], $0x80, s5, s1, $0xb8;
	[tilespmem:$0x5880] =	vst v63  }
0x43: {  	_ =	swait.ge [sflag:s4], $0x2800  }
0x44: {  	[sflag:s4] =	ssyncset.done $0x0  }
0x45: {  	[sflag:s4] =	ssyncadd.s32 $0xFFFFD800  }
0x46: {  	[hbm4b:s18+s5] =	stream.linear.scatter [tilespmem:s2], [sflag:$0x2], $0x2800, $0x38;
	[tilespmem:$0x5880] =	vst v63  }
0x47: {  	_ =	swait.ge [sflag:s3], $0x2800  }
0x48: {  	[sflag:s3] =	ssyncset.done $0x0  }
0x49: {  	s12 =	rddreg [dreg:$0xc];
	[sflag:s3] =	ssyncadd.s32 $0xFFFFD800  }
0x4a: {  	[tilespmem:s5], [sflag:$0x2] =	stream.linear.gather [hbm4b:s12+s5], $0x50, $0x38;
	[tilespmem:$0x5880] =	vst v63  }
0x4b: {  	_ =	swait.ge [sflag:s3], $0x50  }
0x4c: {  	[sflag:s3] =	ssyncset.done $0x0  }
0x4d: {  	[sflag:s3] =	ssyncadd.s32 $0xFFFFFFB0  }
0x4e: {  	[tilespmem:s2], [sflag:$0x1] =	stream.indirect.gather [hbm4b:s24+s1], $0x80, s5, s1, $0xb8;
	[tilespmem:$0x5880] =	vst v63  }
0x4f: {  	_ =	swait.ge [sflag:s4], $0x2800  }
0x50: {  	[sflag:s4] =	ssyncset.done $0x0  }
0x51: {  	[sflag:s4] =	ssyncadd.s32 $0xFFFFD800  }
0x52: {  	[hbm4b:s19+s5] =	stream.linear.scatter [tilespmem:s2], [sflag:$0x2], $0x2800, $0x38;
	[tilespmem:$0x5880] =	vst v63  }
0x53: {  	_ =	swait.ge [sflag:s3], $0x2800  }
0x54: {  	[sflag:s3] =	ssyncset.done $0x0  }
0x55: {  	s13 =	rddreg [dreg:$0xd];
	[sflag:s3] =	ssyncadd.s32 $0xFFFFD800  }
0x56: {  	[tilespmem:s5], [sflag:$0x2] =	stream.linear.gather [hbm4b:s13+s5], $0x50, $0x38;
	[tilespmem:$0x5880] =	vst v63  }
0x57: {  	_ =	swait.ge [sflag:s3], $0x50  }
0x58: {  	[sflag:s3] =	ssyncset.done $0x0  }
0x59: {  	[sflag:s3] =	ssyncadd.s32 $0xFFFFFFB0  }
0x5a: {  	[tilespmem:s2], [sflag:$0x1] =	stream.indirect.gather [hbm4b:s24+s1], $0x80, s5, s1, $0xb8;
	[tilespmem:$0x5880] =	vst v63  }
0x5b: {  	_ =	swait.ge [sflag:s4], $0x2800  }
0x5c: {  	[sflag:s4] =	ssyncset.done $0x0  }
0x5d: {  	[sflag:s4] =	ssyncadd.s32 $0xFFFFD800  }
0x5e: {  	[hbm4b:s20+s5] =	stream.linear.scatter [tilespmem:s2], [sflag:$0x2], $0x2800, $0x38;
	[tilespmem:$0x5880] =	vst v63  }
0x5f: {  	_ =	swait.ge [sflag:s3], $0x2800  }
0x60: {  	[sflag:s3] =	ssyncset.done $0x0  }
0x61: {  	[sflag:s3] =	ssyncadd.s32 $0xFFFFD800  }
0x62: {  	[tilespmem:s5], [sflag:$0x2] =	stream.linear.gather [hbm4b:s15+s5], $0x50, $0x38;
	[tilespmem:$0x5880] =	vst v63  }
0x63: {  	_ =	swait.ge [sflag:s3], $0x50  }
0x64: {  	[sflag:s3] =	ssyncset.done $0x0  }
0x65: {  	[sflag:s3] =	ssyncadd.s32 $0xFFFFFFB0  }
0x66: {  	[tilespmem:s2], [sflag:$0x1] =	stream.indirect.gather [hbm4b:s24+s1], $0x80, s5, s1, $0xb8;
	[tilespmem:$0x5880] =	vst v63  }
0x67: {  	_ =	swait.ge [sflag:s4], $0x2800  }
0x68: {  	[sflag:s4] =	ssyncset.done $0x0  }
0x69: {  	[sflag:s4] =	ssyncadd.s32 $0xFFFFD800  }
0x6a: {  	[hbm4b:s21+s5] =	stream.linear.scatter [tilespmem:s2], [sflag:$0x2], $0x2800, $0x38;
	[tilespmem:$0x5880] =	vst v63  }
0x6b: {  	_ =	swait.ge [sflag:s3], $0x2800  }
0x6c: {  	[sflag:s3] =	ssyncset.done $0x0  }
0x6d: {  	[sflag:s3] =	ssyncadd.s32 $0xFFFFD800  }
0x6e: {  	[tilespmem:s5], [sflag:$0x2] =	stream.linear.gather [hbm4b:s16+s5], $0x50, $0x38;
	[tilespmem:$0x5880] =	vst v63  }
0x6f: {  	_ =	swait.ge [sflag:s3], $0x50  }
0x70: {  	[sflag:s3] =	ssyncset.done $0x0  }
0x71: {  	[sflag:s3] =	ssyncadd.s32 $0xFFFFFFB0  }
0x72: {  	[tilespmem:s2], [sflag:$0x1] =	stream.indirect.gather [hbm4b:s24+s1], $0x80, s5, s1, $0xb8;
	[tilespmem:$0x5880] =	vst v63  }
0x73: {  	_ =	swait.ge [sflag:s4], $0x2800  }
0x74: {  	[sflag:s4] =	ssyncset.done $0x0  }
0x75: {  	[sflag:s4] =	ssyncadd.s32 $0xFFFFD800  }
0x76: {  	[hbm4b:s22+s5] =	stream.linear.scatter [tilespmem:s2], [sflag:$0x2], $0x2800, $0x38;
	[tilespmem:$0x5880] =	vst v63  }
0x77: {  	_ =	swait.ge [sflag:s3], $0x2800  }
0x78: {  	[sflag:s3] =	ssyncset.done $0x0  }
0x79: {  	[sflag:s3] =	ssyncadd.s32 $0xFFFFD800  }
0x7a: {  	s14 =	rddreg [dreg:$0x1]  }
0x7b: {  	[tilespmem:s7], [sflag:$0x2] =	stream.linear.gather [hbm4b:s14+s5], $0x500, $0x38;
	[tilespmem:$0x5880] =	vst v63  }
0x7c: {  	_ =	swait.ge [sflag:s3], $0x500  }
0x7d: {  	[sflag:s3] =	ssyncset.done $0x0  }
0x7e: {  	s10 =	simm.s32 $0x0;
	[sflag:s3] =	ssyncadd.s32 $0xFFFFFB00  }
.LBB2_2:
0x7f: {  	s11 =	smul.u32 $0x50, s10;
	_ =	sdelay $0x1  }
0x80: {  	s11 =	sadd.s32 s6, s11  }
0x81: {  	s13 =	simm.s32 $0x0;
	s12 =	sshrl.u32 s11, $0x3  }
0x82: {  	v1 =	vmov s13;
	s12 =	sadd.s32 s25, s12  }
0x83: {  	[tilespmem:s13], [sflag:$0x2] =	stream.linear.gather [hbm4b:s12+s13], $0x50, $0x38;
	[tilespmem:$0x5880] =	vst v63  }
0x84: {  	_ =	swait.ge [sflag:s3], $0x50  }
0x85: {  	[sflag:s3] =	ssyncset.done $0x0  }
0x86: {  	[sflag:s3] =	ssyncadd.s32 $0xFFFFFFB0  }
0x87: {  	v1 =	vld.idx.msk [tilespmem:v1+s5+$0x0], $0xffff;
	_ =	sdelay $0x4  }
0x88: {  	v1 =	vshll.u32 v1, $0x7  }
0x89: {  	v1 =	vor.u32 v0, v1;
	_ =	sdelay $0x4  }
0x8a: {  	s13 =	simm.s32 $0x1;
	v1 =	vld.idx.msk [tilespmem:v1+s7+$0x0], $0xffff  }
0x8b: {  	v2 =	vmov s13;
	_ =	sdelay $0x2  }
0x8c: {  	s12 =	simm.s32 $0x2880  }
0x8d: {  	[tilespmem:s12+$0x0] =	vst v1  }
0x8e: {  	v1 =	vld.idx.msk [tilespmem:v2+s5+$0x0], $0xffff;
	_ =	sdelay $0x4  }
0x8f: {  	v1 =	vshll.u32 v1, $0x7  }
0x90: {  	v1 =	vor.u32 v0, v1;
	_ =	sdelay $0x4  }
0x91: {  	s14 =	simm.s32 $0x2;
	v1 =	vld.idx.msk [tilespmem:v1+s7+$0x0], $0xffff  }
0x92: {  	s13 =	simm.s32 $0x3;
	v2 =	vmov s14  }
.LBB2_3:
0x93: {  	p0 =	sne.s32 s13, $0x4F;
	_ =	sdelay $0x1  }
0x94: {  	s12 =	sadd.s32 $0x80, s12  }
0x95: {  	[tilespmem:s12+$0x0] =	vst v1  }
0x96: {  	v1 =	vld.idx.msk [tilespmem:v2+s5+$0x0], $0xffff;
	_ =	sdelay $0x5  }
0x97: {  	v1 =	vshll.u32 v1, $0x7  }
0x98: {  	v1 =	vor.u32 v0, v1;
	_ =	sdelay $0x2  }
.Ltmp0:
0x99: {  	(pc) =	sbr.rel @p0 .LBB2_3-.Ltmp0, $3  }
0x9a: {  	_ = 	snop  }
0x9b: {  	v1 =	vld.idx.msk [tilespmem:v1+s7+$0x0], $0xffff;
	_ =	sdelay $0x1  }
0x9c: {  	v2 =	vmov s13;
	s13 =	sadd.s32 $0x1, s13  }
0x9d: {  	_ =	sdelay $0x1  }
0x9e: {  	s12 =	sadd.s32 $0x80, s12  }
0x9f: {  	[tilespmem:s12+$0x0] =	vst v1  }
0xa0: {  	v1 =	vld.idx.msk [tilespmem:v2+s5+$0x0], $0xffff;
	_ =	sdelay $0x4  }
0xa1: {  	v1 =	vshll.u32 v1, $0x7  }
0xa2: {  	v1 =	vor.u32 v0, v1;
	_ =	sdelay $0x4  }
0xa3: {  	v1 =	vld.idx.msk [tilespmem:v1+s7+$0x0], $0xffff;
	_ =	sdelay $0x2  }
0xa4: {  	s10 =	sadd.s32 $0x1, s10  }
0xa5: {  	s11 =	sshll.u32 s11, $0x4;
	p0 =	sne.s32 s10, $0x4;
	s12 =	sadd.s32 $0x80, s12  }
.Ltmp1:
0xa6: {  	s11 =	sadd.s32 s29, s11;
	[tilespmem:s12+$0x0] =	vst v1;
	(pc) =	sbr.rel @p0 .LBB2_2-.Ltmp1, $4  }
0xa7: {  	[hbm4b:s11+s5] =	stream.linear.scatter [tilespmem:s8], [sflag:$0x2], $0x2800, $0x38;
	[tilespmem:$0x5880] =	vst v63  }
0xa8: {  	_ =	swait.ge [sflag:s3], $0x2800  }
0xa9: {  	[sflag:s3] =	ssyncset.done $0x0  }
0xaa: {  	[sflag:s3] =	ssyncadd.s32 $0xFFFFD800  }
0xab: {  	s10 =	simm.s32 $0x0;
	s11 =	rddreg [dreg:$0x2]  }
0xac: {  	[tilespmem:s7], [sflag:$0x2] =	stream.linear.gather [hbm4b:s11+s10], $0x100, $0x38;
	[tilespmem:$0x5880] =	vst v63  }
0xad: {  	_ =	swait.ge [sflag:s3], $0x100  }
0xae: {  	[sflag:s3] =	ssyncset.done $0x0  }
0xaf: {  	s11 =	simm.s32 $0x0;
	[sflag:s3] =	ssyncadd.s32 $0xFFFFFF00  }
.LBB2_6:
0xb0: {  	s12 =	smul.u32 $0x50, s11;
	_ =	sdelay $0x1  }
0xb1: {  	s12 =	sadd.s32 s6, s12  }
0xb2: {  	s13 =	sshrl.u32 s12, $0x3  }
0xb3: {  	v1 =	vmov s10;
	s13 =	sadd.s32 s26, s13  }
0xb4: {  	[tilespmem:s10], [sflag:$0x2] =	stream.linear.gather [hbm4b:s13+s10], $0x50, $0x38;
	[tilespmem:$0x5880] =	vst v63  }
0xb5: {  	_ =	swait.ge [sflag:s3], $0x50  }
0xb6: {  	[sflag:s3] =	ssyncset.done $0x0  }
0xb7: {  	[sflag:s3] =	ssyncadd.s32 $0xFFFFFFB0  }
0xb8: {  	v1 =	vld.idx.msk [tilespmem:v1+s5+$0x0], $0xffff;
	_ =	sdelay $0x4  }
0xb9: {  	v1 =	vshll.u32 v1, $0x7  }
0xba: {  	v1 =	vor.u32 v0, v1;
	_ =	sdelay $0x4  }
0xbb: {  	s14 =	simm.s32 $0x1;
	v1 =	vld.idx.msk [tilespmem:v1+s7+$0x0], $0xffff  }
0xbc: {  	v2 =	vmov s14;
	_ =	sdelay $0x2  }
0xbd: {  	s13 =	simm.s32 $0x2880  }
0xbe: {  	[tilespmem:s13+$0x0] =	vst v1  }
0xbf: {  	v1 =	vld.idx.msk [tilespmem:v2+s5+$0x0], $0xffff;
	_ =	sdelay $0x4  }
0xc0: {  	v1 =	vshll.u32 v1, $0x7  }
0xc1: {  	v1 =	vor.u32 v0, v1;
	_ =	sdelay $0x4  }
0xc2: {  	s14 =	simm.s32 $0x2;
	v1 =	vld.idx.msk [tilespmem:v1+s7+$0x0], $0xffff  }
0xc3: {  	v2 =	vmov s14;
	s14 =	simm.s32 $0x3  }
.LBB2_7:
0xc4: {  	p0 =	sne.s32 s14, $0x4F;
	_ =	sdelay $0x1  }
0xc5: {  	s13 =	sadd.s32 $0x80, s13  }
0xc6: {  	[tilespmem:s13+$0x0] =	vst v1  }
0xc7: {  	v1 =	vld.idx.msk [tilespmem:v2+s5+$0x0], $0xffff;
	_ =	sdelay $0x5  }
0xc8: {  	v1 =	vshll.u32 v1, $0x7  }
0xc9: {  	v1 =	vor.u32 v0, v1;
	_ =	sdelay $0x2  }
.Ltmp2:
0xca: {  	(pc) =	sbr.rel @p0 .LBB2_7-.Ltmp2, $3  }
0xcb: {  	_ = 	snop  }
0xcc: {  	v1 =	vld.idx.msk [tilespmem:v1+s7+$0x0], $0xffff;
	_ =	sdelay $0x1  }
0xcd: {  	v2 =	vmov s14;
	s14 =	sadd.s32 $0x1, s14  }
0xce: {  	_ =	sdelay $0x1  }
0xcf: {  	s13 =	sadd.s32 $0x80, s13  }
0xd0: {  	[tilespmem:s13+$0x0] =	vst v1  }
0xd1: {  	v1 =	vld.idx.msk [tilespmem:v2+s5+$0x0], $0xffff;
	_ =	sdelay $0x4  }
0xd2: {  	v1 =	vshll.u32 v1, $0x7  }
0xd3: {  	v1 =	vor.u32 v0, v1;
	_ =	sdelay $0x4  }
0xd4: {  	v1 =	vld.idx.msk [tilespmem:v1+s7+$0x0], $0xffff;
	_ =	sdelay $0x2  }
0xd5: {  	s11 =	sadd.s32 $0x1, s11  }
0xd6: {  	s12 =	sshll.u32 s12, $0x4;
	p0 =	sne.s32 s11, $0x4;
	s13 =	sadd.s32 $0x80, s13  }
.Ltmp3:
0xd7: {  	s12 =	sadd.s32 s30, s12;
	[tilespmem:s13+$0x0] =	vst v1;
	(pc) =	sbr.rel @p0 .LBB2_6-.Ltmp3, $4  }
0xd8: {  	[hbm4b:s12+s5] =	stream.linear.scatter [tilespmem:s8], [sflag:$0x2], $0x2800, $0x38;
	[tilespmem:$0x5880] =	vst v63  }
0xd9: {  	_ =	swait.ge [sflag:s3], $0x2800  }
0xda: {  	[sflag:s3] =	ssyncset.done $0x0  }
0xdb: {  	[sflag:s3] =	ssyncadd.s32 $0xFFFFD800  }
0xdc: {  	s10 =	simm.s32 $0x0;
	s11 =	rddreg [dreg:$0x3]  }
0xdd: {  	[tilespmem:s7], [sflag:$0x2] =	stream.linear.gather [hbm4b:s11+s10], $0x500, $0x38;
	[tilespmem:$0x5880] =	vst v63  }
0xde: {  	_ =	swait.ge [sflag:s3], $0x500  }
0xdf: {  	[sflag:s3] =	ssyncset.done $0x0  }
0xe0: {  	s11 =	simm.s32 $0x0;
	[sflag:s3] =	ssyncadd.s32 $0xFFFFFB00  }
.LBB2_10:
0xe1: {  	s12 =	smul.u32 $0x50, s11;
	_ =	sdelay $0x1  }
0xe2: {  	s12 =	sadd.s32 s6, s12  }
0xe3: {  	s13 =	sshrl.u32 s12, $0x3  }
0xe4: {  	v1 =	vmov s10;
	s13 =	sadd.s32 s28, s13  }
0xe5: {  	[tilespmem:s10], [sflag:$0x2] =	stream.linear.gather [hbm4b:s13+s10], $0x50, $0x38;
	[tilespmem:$0x5880] =	vst v63  }
0xe6: {  	_ =	swait.ge [sflag:s3], $0x50  }
0xe7: {  	[sflag:s3] =	ssyncset.done $0x0  }
0xe8: {  	[sflag:s3] =	ssyncadd.s32 $0xFFFFFFB0  }
0xe9: {  	v1 =	vld.idx.msk [tilespmem:v1+s5+$0x0], $0xffff;
	_ =	sdelay $0x4  }
0xea: {  	v1 =	vshll.u32 v1, $0x7  }
0xeb: {  	v1 =	vor.u32 v0, v1;
	_ =	sdelay $0x4  }
0xec: {  	s14 =	simm.s32 $0x1;
	v1 =	vld.idx.msk [tilespmem:v1+s7+$0x0], $0xffff  }
0xed: {  	v2 =	vmov s14;
	_ =	sdelay $0x2  }
0xee: {  	s13 =	simm.s32 $0x2880  }
0xef: {  	[tilespmem:s13+$0x0] =	vst v1  }
0xf0: {  	v1 =	vld.idx.msk [tilespmem:v2+s5+$0x0], $0xffff;
	_ =	sdelay $0x4  }
0xf1: {  	v1 =	vshll.u32 v1, $0x7  }
0xf2: {  	v1 =	vor.u32 v0, v1;
	_ =	sdelay $0x4  }
0xf3: {  	s14 =	simm.s32 $0x2;
	v1 =	vld.idx.msk [tilespmem:v1+s7+$0x0], $0xffff  }
0xf4: {  	v2 =	vmov s14;
	s14 =	simm.s32 $0x3  }
.LBB2_11:
0xf5: {  	p0 =	sne.s32 s14, $0x4F;
	_ =	sdelay $0x1  }
0xf6: {  	s13 =	sadd.s32 $0x80, s13  }
0xf7: {  	[tilespmem:s13+$0x0] =	vst v1  }
0xf8: {  	v1 =	vld.idx.msk [tilespmem:v2+s5+$0x0], $0xffff;
	_ =	sdelay $0x5  }
0xf9: {  	v1 =	vshll.u32 v1, $0x7  }
0xfa: {  	v1 =	vor.u32 v0, v1;
	_ =	sdelay $0x2  }
.Ltmp4:
0xfb: {  	(pc) =	sbr.rel @p0 .LBB2_11-.Ltmp4, $3  }
0xfc: {  	_ = 	snop  }
0xfd: {  	v1 =	vld.idx.msk [tilespmem:v1+s7+$0x0], $0xffff;
	_ =	sdelay $0x1  }
0xfe: {  	v2 =	vmov s14;
	s14 =	sadd.s32 $0x1, s14  }
0xff: {  	_ =	sdelay $0x1  }
0x100: {  	s13 =	sadd.s32 $0x80, s13  }
0x101: {  	[tilespmem:s13+$0x0] =	vst v1  }
0x102: {  	v1 =	vld.idx.msk [tilespmem:v2+s5+$0x0], $0xffff;
	_ =	sdelay $0x4  }
0x103: {  	v1 =	vshll.u32 v1, $0x7  }
0x104: {  	v1 =	vor.u32 v0, v1;
	_ =	sdelay $0x4  }
0x105: {  	v1 =	vld.idx.msk [tilespmem:v1+s7+$0x0], $0xffff;
	_ =	sdelay $0x2  }
0x106: {  	s11 =	sadd.s32 $0x1, s11  }
0x107: {  	s12 =	sshll.u32 s12, $0x4;
	p0 =	sne.s32 s11, $0x4;
	s13 =	sadd.s32 $0x80, s13  }
.Ltmp5:
0x108: {  	s12 =	sadd.s32 s31, s12;
	[tilespmem:s13+$0x0] =	vst v1;
	(pc) =	sbr.rel @p0 .LBB2_10-.Ltmp5, $4  }
0x109: {  	[hbm4b:s12+s5] =	stream.linear.scatter [tilespmem:s8], [sflag:$0x2], $0x2800, $0x38;
	[tilespmem:$0x5880] =	vst v63  }
0x10a: {  	_ =	swait.ge [sflag:s3], $0x2800  }
0x10b: {  	[sflag:s3] =	ssyncset.done $0x0  }
0x10c: {  	[sflag:s3] =	ssyncadd.s32 $0xFFFFD800  }
0x10d: {  	s9 =	sadd.s32 $0x1, s9  }
0x10e: {  	p0 =	sne.s32 s9, s0  }
.Ltmp6:
0x10f: {  	_ = 	snop;
	(pc) =	sbr.rel @p0 .LBB2_1-.Ltmp6, $1  }
0x110: {  	_ =	sdelay $0x3  }
0x111: {  	_ =	sfence.sel $0x180000  }
0x112: {  	[bflag:$0x0] =	sbarrier.arrive $0xFFFF  }
0x113: {  	_ =	strace $0x9000004D  }
0x114: {  	s0 =	stileid.u32;
	[bflag:$0x2] =	sbarrier.arrive $0xFFFF  }
0x115: {  	p0 =	sne.s32 s0, $0x0;
	s0 =	rddreg [dreg:$0x5]  }
0x116: {  	s0 =	sadd.s32 @!p0 $0x100000, s0  }
0x117: {  	[sflag:s0] =	ssyncadd.tile.s32 @!p0 $0x1;
	_ =	shalt  }
.Lfunc_end2:
_tile_overlayer_lowered:
.L_overlay_start_2:
0x118: {  	(tag) =	ssettag $0x2  }
0x119: {  	s0 =	rddreg [dreg:$0x0];
	s2 =	stileid.u32  }
0x11a: {  	s1 =	rddreg [dreg:$0x1];
	p0 =	sne.s32 s2, $0x0  }
0x11b: {  	s3 =	rddreg [dreg:$0x2];
	[bflag:$0x3] =	sbarrier.arrive $0xFFFF;
	s2 =	simm.s32 @!p0 $0x1C02  }
0x11c: {  	[timem:s3], [sflag:s2] =	dma.local @!p0 [hbm:s0], s1  }
0x11d: {  	s0 =	simm.s32 @!p0 $0x2  }
0x11e: {  	_ =	swait.ge @!p0 [sflag:s0], s1  }
0x11f: {  	s1 =	ssub.s32 @!p0 $0x0, s1;
	[sflag:s0] =	ssyncset.done @!p0 $0x0  }
0x120: {  	[sflag:s0] =	ssyncadd.s32 @!p0 s1  }
0x121: {  	[bflag:$0x3] =	sbarrier.arrive $0xFFFF  }
0x122: {  	_ =	shalt  }

// kernel: kernel.6.cloned.1.call-start
scs
__scs_entry_jumppad:
0x0: {  	(pc) =	sbr.rel $0x88, $3  }
0x1: {  	(tag) =	ssettag $0x0;
	lr =	simm.s32 $0x1  }
0x2: {  	[smem:$0x3F8E] =	sst lr;
	_ =	strace $0xD0000000  }
0x3: {  	_ = 	snop  }
0x4: {  	_ = 	snop  }
0x5: {  	_ = 	snop  }
0x6: {  	_ = 	snop  }
0x7: {  	_ = 	snop  }
__scs_overlays_trampoline_lowered:
0x8: {  	[smem:$0x3F9D] =	sst s0  }
0x9: {  	[smem:$0x3F9E] =	sst s1  }
0xa: {  	[smem:$0x3F9F] =	sst s2  }
0xb: {  	[smem:$0x3FA0] =	sst s3  }
0xc: {  	[smem:$0x3FA1] =	sst s4  }
0xd: {  	[smem:$0x3FA2] =	sst s5  }
0xe: {  	[smem:$0x3FA3] =	sst s6  }
0xf: {  	[smem:$0x3FA4] =	sst s7  }
0x10: {  	[smem:$0x3FA5] =	sst s8  }
0x11: {  	[smem:$0x3FA6] =	sst s9;
	s0 =	simm.s32 @!p0 $0x0  }
0x12: {  	s1 =	sld [smem:$0x3F8C];
	s0 =	simm.s32 @p0 $0x1  }
0x13: {  	[smem:$0x3FA7] =	sst s0;
	s0 =	simm.s32 @!p1 $0x0  }
0x14: {  	s2 =	sld [smem:$0x3F8B];
	s0 =	simm.s32 @p1 $0x1  }
0x15: {  	[smem:$0x3FA8] =	sst s0;
	s0 =	simm.s32 @!p2 $0x0  }
0x16: {  	s3 =	sld [smem:$0x3FDB];
	s0 =	simm.s32 @p2 $0x1  }
0x17: {  	s4 =	simm.s32 $0x1BF5;
	[smem:$0x3FAA] =	sst s0  }
0x18: {  	s0 =	sld [smem:$0x3F8D];
	_ =	swait.ge [sflag:s4], $0x0  }
0x19: {  	s7 =	sld [smem:$0x3F8E]  }
0x1a: {  	s8 =	sadd.s32 $0xFFFFE003, lr  }
0x1b: {  	s9 =	sadd.s32 $0xFFFFFEF7, lr;
	s5 =	simm.s32 $0xFFFFFFFF;
	p2 =	slt.u32 s8, $0xFFFFF086  }
0x1c: {  	p1 =	slt.u32 s9, $0xF7A;
	s5 =	simm.s32 @!p2 $0x0  }
0x1d: {  	s5 =	simm.s32 @p1 $0x1;
	p0 =	seq.s32 s7, s2  }
0x1e: {  	s7 =	smul.u32 @!p0 $0xF7A, s2;
	p2 =	seq.s32 @!p0 s5, $0x0  }
0x1f: {  	s9 =	smul.u32 $0xF7A, s1;
	s8 =	simm.s32 @!p0 $0x1BF5;
	p2 =	por !p2, p0  }
0x20: {  	[sflag:s8] =	ssyncset.s32 @!p0 $0xFFFFF086;
	s6 =	sadd.s32 @!p0 s3, s7;
	s7 =	simm.s32 @!p0 $0x108  }
0x21: {  	s3 =	sadd.s32 s3, s9;
	s6 =	sadd.s32 @!p0 $0x88, s6;
	s7 =	simm.s32 @p2 $0x1082  }
0x22: {  	[simem:s7], [sflag:s8] =	dma.local @!p0 [hbm:s6], $0xF7A  }
0x23: {  	s9 =	sor.u32 $0xD0000000, s2;
	s6 =	simm.s32 $0x108;
	_ =	swait.ge @!p0 [sflag:s8], $0x0  }
0x24: {  	s3 =	sadd.s32 $0x88, s3;
	s6 =	simm.s32 @!p1 $0x1082;
	[sflag:s4] =	ssyncset.s32 $0xFFFFF086  }
0x25: {  	[simem:s6], [sflag:s4] =	dma.local [hbm:s3], $0xF7A  }
0x26: {  	[smem:$0x3F8E] =	sst s1;
	(tag) =	ssettag s2;
	_ =	strace s9  }
0x27: {  	s1 =	sld [smem:$0x3F9E]  }
0x28: {  	s2 =	sld [smem:$0x3F9F]  }
0x29: {  	s4 =	sld [smem:$0x3FA1]  }
0x2a: {  	p0 =	seq.s32 s5, $0x0;
	s5 =	sld [smem:$0x3FA2]  }
0x2b: {  	s6 =	sld [smem:$0x3FA3]  }
0x2c: {  	s7 =	sld [smem:$0x3FA4]  }
0x2d: {  	s3 =	simm.s32 $0x108;
	s8 =	sld [smem:$0x3FA5]  }
0x2e: {  	s3 =	simm.s32 @!p0 $0x1082;
	s9 =	sld [smem:$0x3FA6]  }
0x2f: {  	lr =	sadd.s32 s0, s3;
	s0 =	sld [smem:$0x3F9D]  }
0x30: {  	s3 =	sld [smem:$0x3FA0]  }
0x31: {  	[smem:$0x3FA9] =	sst s10  }
0x32: {  	s10 =	sld [smem:$0x3FA7];
	_ =	sdelay $0x3  }
0x33: {  	p0 =	seq.s32 s10, $0x1;
	s10 =	sld [smem:$0x3FA9];
	_ =	sdelay $0x3  }
0x34: {  	[smem:$0x3FA9] =	sst s10  }
0x35: {  	s10 =	sld [smem:$0x3FA8];
	_ =	sdelay $0x3  }
0x36: {  	p1 =	seq.s32 s10, $0x1;
	s10 =	sld [smem:$0x3FA9];
	_ =	sdelay $0x3  }
0x37: {  	[smem:$0x3FA9] =	sst s10  }
0x38: {  	s10 =	sld [smem:$0x3FAA]  }
0x39: {  	_ = 	snop;
	(pc) =	sbr.ind lr, $3  }
0x3a: {  	_ = 	snop  }
0x3b: {  	_ = 	snop  }
0x3c: {  	p2 =	seq.s32 s10, $0x1;
	s10 =	sld [smem:$0x3FA9]  }
0x3d: {  	_ =	shalt  }
0x3e: {  	_ =	shalt  }
0x3f: {  	_ =	shalt  }
0x40: {  	_ =	shalt  }
0x41: {  	_ =	shalt  }
0x42: {  	_ =	shalt  }
0x43: {  	_ =	shalt  }
0x44: {  	_ =	shalt  }
0x45: {  	_ =	shalt  }
0x46: {  	_ =	shalt  }
0x47: {  	_ =	shalt  }
0x48: {  	_ =	shalt  }
0x49: {  	_ =	shalt  }
0x4a: {  	_ =	shalt  }
0x4b: {  	_ =	shalt  }
0x4c: {  	_ =	shalt  }
0x4d: {  	_ =	shalt  }
0x4e: {  	_ =	shalt  }
0x4f: {  	_ =	shalt  }
0x50: {  	_ =	shalt  }
0x51: {  	_ =	shalt  }
0x52: {  	_ =	shalt  }
0x53: {  	_ =	shalt  }
0x54: {  	_ =	shalt  }
0x55: {  	_ =	shalt  }
0x56: {  	_ =	shalt  }
0x57: {  	_ =	shalt  }
0x58: {  	_ =	shalt  }
0x59: {  	_ =	shalt  }
0x5a: {  	_ =	shalt  }
0x5b: {  	_ =	shalt  }
0x5c: {  	_ =	shalt  }
0x5d: {  	_ =	shalt  }
0x5e: {  	_ =	shalt  }
0x5f: {  	_ =	shalt  }
0x60: {  	_ =	shalt  }
0x61: {  	_ =	shalt  }
0x62: {  	_ =	shalt  }
0x63: {  	_ =	shalt  }
0x64: {  	_ =	shalt  }
0x65: {  	_ =	shalt  }
0x66: {  	_ =	shalt  }
0x67: {  	_ =	shalt  }
0x68: {  	_ =	shalt  }
0x69: {  	_ =	shalt  }
0x6a: {  	_ =	shalt  }
0x6b: {  	_ =	shalt  }
0x6c: {  	_ =	shalt  }
0x6d: {  	_ =	shalt  }
0x6e: {  	_ =	shalt  }
0x6f: {  	_ =	shalt  }
0x70: {  	_ =	shalt  }
0x71: {  	_ =	shalt  }
0x72: {  	_ =	shalt  }
0x73: {  	_ =	shalt  }
0x74: {  	_ =	shalt  }
0x75: {  	_ =	shalt  }
0x76: {  	_ =	shalt  }
0x77: {  	_ =	shalt  }
0x78: {  	_ =	shalt  }
0x79: {  	_ =	shalt  }
0x7a: {  	_ =	shalt  }
0x7b: {  	_ =	shalt  }
0x7c: {  	_ =	shalt  }
0x7d: {  	_ =	shalt  }
0x7e: {  	_ =	shalt  }
0x7f: {  	_ =	shalt  }
0x80: {  	_ =	shalt  }
0x81: {  	_ =	shalt  }
0x82: {  	_ =	shalt  }
0x83: {  	_ =	shalt  }
0x84: {  	_ =	shalt  }
0x85: {  	_ =	shalt  }
0x86: {  	_ =	shalt  }
0x87: {  	_ =	shalt  }
.Lfunc_end0:
.L_simem_size_0:
called_computation_lowered:
.L_overlay_start_0:
0x88: {  	s2 =	sld [smem:$0x3FD9]  }
0x89: {  	s3 =	sld [smem:$0x3FFE];
	_ =	sdelay $0x1  }
0x8a: {  	s1 =	srdreg.scid  }
0x8b: {  	s0 =	sand.u32 $0x1, s1  }
0x8c: {  	s14 =	sshll.u32 s0, $0xA;
	s2 =	sadd.s32 s3, s2  }
0x8d: {  	s2 =	sadd.s32 s2, s14  }
0x8e: {  	[smem:$0x3FB5] =	sst s2  }
0x8f: {  	_ = 	snop  }
0x90: {  	s2 =	sld [smem:$0x3FD0];
	_ =	sdelay $0x2  }
0x91: {  	s15 =	simm.s32 $0xA;
	s4 =	simm.s32 $0x10  }
0x92: {  	[smem:s4], [sflag:s15] =	dma.local [hbm:s2], $0x1  }
0x93: {  	_ =	swait.eq [sflag:s15], $0x1  }
0x94: {  	s16 =	sld [smem:$0x12];
	[sflag:s15] =	ssyncset.done $0x0  }
0x95: {  	s17 =	sld [smem:$0x13];
	[sflag:s15] =	ssyncadd.s32 $0xFFFFFFFF  }
0x96: {  	s18 =	sld [smem:$0x14];
	(tm) =	ssettm $0x1  }
0x97: {  	s5 =	sld [smem:$0x3FFB];
	_ =	sdelay $0x3  }
0x98: {  	_ =	strace s5  }
0x99: {  	s5 =	sld [smem:$0x3FFC];
	_ =	sdelay $0x3  }
0x9a: {  	_ =	strace s5  }
0x9b: {  	s5 =	sld [smem:$0x3FFD];
	_ =	sdelay $0x3  }
0x9c: {  	_ =	strace s5  }
0x9d: {  	_ =	strace $0x8FFFFFFF  }
0x9e: {  	s19 =	sld [smem:$0x3FDB];
	_ =	sdelay $0x1  }
0x9f: {  	s6 =	simm.s32 $_scs_section_size  }
0xa0: {  	s7 =	simm.s32 $_size__tile_overlayer_lowered;
	s8 =	simm.s32 $_tile_overlayer_lowered  }
0xa1: {  	s22 =	simm.s32 $0x1BFF;
	s21 =	sshll.u32 s8, $0x1;
	s5 =	sadd.s32 s6, s19  }
0xa2: {  	s9 =	simm.s32 $0x0;
	s20 =	sshll.u32 s7, $0x1;
	s7 =	sadd.s32 s21, s5  }
0xa3: {  	[timem:s9], [sflag:s22] =	dma.local [hbm:s7], s20  }
0xa4: {  	_ =	swait.ge [sflag:s22], s20  }
0xa5: {  	s6 =	ssub.s32 $0x0, s20;
	[sflag:s22] =	ssyncset.done $0x0  }
0xa6: {  	[sflag:s22] =	ssyncadd.s32 s6;
	_ =	sdelay $0x1  }
0xa7: {  	s23 =	simm.s32 $0x1B8B  }
0xa8: {  	_ =	swait.ge [sflag:s23], $0x1  }
0xa9: {  	[sflag:s23] =	ssyncset.done $0x0  }
0xaa: {  	s25 =	simm.s32 $0x1B8E;
	s24 =	sld [smem:$0x3FFE];
	[sflag:s23] =	ssyncadd.s32 $0xFFFFFFFF  }
0xab: {  	s26 =	simm.s32 $execute0_lowered;
	[smem:$0x3FD2] =	sst s25  }
0xac: {  	s7 =	sshll.u32 s26, $0x1;
	_ =	strace $0x80000046;
	[dreg:$0x1] =	wrdreg $0xFFFFFFFF  }
0xad: {  	s28 =	simm.s32 $_size_execute0_lowered;
	s5 =	sadd.s32 s5, s7;
	[dreg:$0x0] =	wrdreg $0x0  }
0xae: {  	s7 =	sshll.u32 s28, $0x1;
	[dreg:$0x2] =	wrdreg s5  }
0xaf: {  	[dreg:$0x3] =	wrdreg s7  }
0xb0: {  	[dreg:$0x4] =	wrdreg $0xC0  }
0xb1: {  	_ =	task [dreg:s9], $0x5FFFF  }
0xb2: {  	[dreg:$0x1] =	wrdreg $0xFFFFFFFF  }
0xb3: {  	[dreg:$0x0] =	wrdreg $0x60  }
0xb4: {  	[dreg:$0x2] =	wrdreg s24  }
0xb5: {  	[dreg:$0x3] =	wrdreg s16  }
0xb6: {  	[dreg:$0x4] =	wrdreg s17  }
0xb7: {  	[dreg:$0x5] =	wrdreg s18  }
0xb8: {  	[dreg:$0x6] =	wrdreg $0x9  }
0xb9: {  	_ =	task.clear_ibuf [dreg:s9], $0x7FFFF;
	_ =	strace $0x90000046  }
0xba: {  	s29 =	simm.s32 $0x9;
	_ =	strace $0x80000048  }
0xbb: {  	_ =	swait.ge [sflag:s29], $0x1  }
0xbc: {  	[sflag:s29] =	ssyncadd.s32 $0xFFFFFFFF  }
0xbd: {  	_ =	strace $0x90000048  }
0xbe: {  	_ =	sfence  }
0xbf: {  	s30 =	sld [smem:$0x0];
	_ =	sdelay $0x2  }
0xc0: {  	s31 =	sshll.u32 s1, $0xD;
	s1 =	sshrl.u32 s1, $0x2  }
0xc1: {  	s3 =	sand.u32 $0x4000, s31;
	s1 =	sadd.s32 s1, s30  }
0xc2: {  	s0 =	sor.u32 s3, s0;
	s1 =	sshll.u32 s1, $0x11  }
0xc3: {  	s0 =	sor.u32 s1, s0  }
0xc4: {  	s0 =	sadd.s32 $0x8F2B, s0  }
0xc5: {  	[sflag:s0] =	ssyncadd.remote.s32 $0x1  }
0xc6: {  	_ =	sfence.sel $0xFFFF  }
0xc7: {  	[dreg:$0x0] =	wrdreg $0xFFFFFFFF;
	(pc) =	sbr.abs _section_cstart, $3  }
0xc8: {  	[dreg:$0x1] =	wrdreg $0xFFFFFFFF  }
0xc9: {  	_ =	task.clear_ibuf [dreg:s9], $0x2FFFF;
	_ =	strace $0x9FFFFFFF  }
0xca: {  	(tm) =	ssettm $0x7FFFFFFF  }
0xcb: {  	_ =	shalt  }
tec
execute0_lowered:
.L_overlay_start_1:
0x0: {  	(tag) =	ssettag $0x1  }
0x1: {  	s7 =	rddreg [dreg:$0x0]  }
0x2: {  	s1 =	rddreg [dreg:$0x1]  }
0x3: {  	s2 =	rddreg [dreg:$0x2]  }
0x4: {  	s3 =	rddreg [dreg:$0x3]  }
0x5: {  	s0 =	rddreg [dreg:$0x4]  }
0x6: {  	s4 =	simm.s32 $0x0;
	s5 =	srdreg.scid;
	s14 =	simm.s32 $0x14880  }
0x7: {  	s15 =	simm.s32 $0x0;
	[smem:$0x7FF] =	sst s4;
	s11 =	sand.u32 $0x1, s5  }
.Ltmp0:
0x8: {  	s5 =	sadd.s32 $0x6200, s7;
	s6 =	sadd.s32 $0x8A00, s7;
	(pc) =	sbr.rel .LBB2_1-.Ltmp0, $4  }
0x9: {  	s8 =	sadd.s32 $0x3A00, s7;
	s9 =	sadd.s32 $0xDA00, s7;
	s12 =	ssub.s32 $0x2, s11  }
0xa: {  	s10 =	sadd.s32 $0x21400, s7;
	s7 =	stileid.u32;
	s13 =	sshrl.u32 s12, $0x1  }
0xb: {  	v0 =	vlaneseq.u32;
	_ =	strace $0x80000047;
	p0 =	seq.s32 s11, $0x1;
	s12 =	ssub.s32 s12, s13  }
0xc: {  	v0 =	vmul.u32 $0x4, v0;
	s11 =	smul.u32 $0x2710, s7;
	s13 =	simm.s32 $0x1;
	s12 =	smax.u32 s12, $0x1  }
.LBB2_10:
0xd: {  	s15 =	sadd.s32 $0x1, s15  }
0xe: {  	p1 =	sne.s32 s15, s12  }
.Ltmp1:
0xf: {  	_ = 	snop;
	(pc) =	sbr.rel @!p1 .LBB2_11-.Ltmp1, $1  }
0x10: {  	_ =	sdelay $0x3  }
.LBB2_1:
.Ltmp2:
0x11: {  	(pc) =	sbr.rel @!p0 .LBB2_2-.Ltmp2, $2  }
0x12: {  	_ =	sdelay $0x2  }
0x13: {  	s16 =	simm.s32 $0x0  }
0x14: {  	[tilespmem:s16], [sflag:$0x1] =	stream.linear.gather [hbm4b:s8+s16], $0x13880, $0x38;
	[tilespmem:$0x16800] =	vst v63  }
0x15: {  	_ =	swait.ge [sflag:s13], $0x13880  }
0x16: {  	[sflag:s13] =	ssyncset.done $0x0  }
0x17: {  	s17 =	simm.s32 $0x0;
	[sflag:s13] =	ssyncadd.s32 $0xFFFEC780  }
.LBB2_7:
0x18: {  	s18 =	smul.u32 $0x7D0, s17;
	_ =	sdelay $0x1  }
0x19: {  	s18 =	sadd.s32 s11, s18  }
0x1a: {  	s20 =	sshrl.u32 s18, $0x3  }
0x1b: {  	s19 =	simm.s32 $0x13880;
	s21 =	sadd.s32 s2, s20  }
0x1c: {  	[tilespmem:s19], [sflag:$0x1] =	stream.linear.gather [hbm4b:s21+s16], $0x7D0, $0x38;
	[tilespmem:$0x16800] =	vst v63  }
0x1d: {  	_ =	swait.ge [sflag:s13], $0x7D0  }
0x1e: {  	[sflag:s13] =	ssyncset.done $0x0  }
0x1f: {  	s31 =	sadd.s32 s3, s20;
	s20 =	simm.s32 $0x14080;
	[sflag:s13] =	ssyncadd.s32 $0xFFFFF830  }
0x20: {  	[tilespmem:s20], [sflag:$0x1] =	stream.linear.gather [hbm4b:s31+s16], $0x7D0, $0x38;
	[tilespmem:$0x16800] =	vst v63  }
0x21: {  	_ =	swait.ge [sflag:s13], $0x7D0  }
0x22: {  	[sflag:s13] =	ssyncset.done $0x0  }
0x23: {  	[sflag:s13] =	ssyncadd.s32 $0xFFFFF830  }
0x24: {  	v1 =	vld [tilespmem:s20+$0x0]  }
0x25: {  	v2 =	vld [tilespmem:s19+$0x0];
	_ =	sdelay $0x4  }
0x26: {  	v1 =	vshll.u32 v1, $0x3;
	v2 =	vshll.u32 v2, $0x3  }
0x27: {  	v3 =	vor.u32 $0x4, v1;
	_ =	sdelay $0x3  }
0x28: {  	v4 =	vld.idx.msk [tilespmem:v2+s4+$0x0], $0xffff  }
0x29: {  	v3 =	vld.idx.msk [tilespmem:v3+s4+$0x0], $0xffff;
	_ =	sdelay $0x4  }
0x2a: {  	v3 =	vadd.f32 v3, v4;
	_ =	sdelay $0x1  }
0x2b: {  	v4 =	vmul.f32 $2.000000030e-01, v3  }
0x2c: {  	vm0 =	vgt.f32 v3, $0.0e+00  }
0x2d: {  	v3 =	vsel vm0, v3, v4  }
0x2e: {  	v3 =	vmul.f32 $1.442695020e+00, v3;
	_ =	sdelay $0x1  }
0x2f: {  	(erf) = vpow2.f32 v3;
	_ =	sdelay $0x2  }
0x30: {  	v3 =	vmov s16  }
0x31: {  	v3 =	vshll.u32 v3, $0x2  }
0x32: {  	v3 =	vor.u32 v0, v3  }
0x33: {  	v57 =	vor.u32 $0x1, v2  }
0x34: {  	v5 =	vor.u32 $0x5, v1;
	_ =	sdelay $0x1  }
0x35: {  	v6 =	vpop (erf)  }
0x36: {  	[tilespmem:v3+s14+$0x0] =	vst.idx.msk $0xffff, v6  }
0x37: {  	v4 =	vld.idx.msk [tilespmem:v57+s4+$0x0], $0xffff  }
0x38: {  	v5 =	vld.idx.msk [tilespmem:v5+s4+$0x0], $0xffff;
	_ =	sdelay $0x4  }
0x39: {  	v4 =	vadd.f32 v5, v4;
	_ =	sdelay $0x1  }
0x3a: {  	v5 =	vmul.f32 $2.000000030e-01, v4  }
0x3b: {  	vm13 =	vgt.f32 v4, $0.0e+00  }
0x3c: {  	v4 =	vsel vm13, v4, v5  }
0x3d: {  	v4 =	vmul.f32 $1.442695020e+00, v4;
	_ =	sdelay $0x1  }
0x3e: {  	(erf) = vpow2.f32 v4;
	_ =	sdelay $0x4  }
0x3f: {  	v58 =	vor.u32 $0x1, v3  }
0x40: {  	v59 =	vor.u32 $0x2, v2  }
0x41: {  	v60 =	vor.u32 $0x6, v1;
	_ =	sdelay $0x1  }
0x42: {  	v7 =	vpop (erf)  }
0x43: {  	[tilespmem:v58+s14+$0x0] =	vst.idx.msk $0xffff, v7  }
0x44: {  	v4 =	vld.idx.msk [tilespmem:v59+s4+$0x0], $0xffff  }
0x45: {  	v61 =	vld.idx.msk [tilespmem:v60+s4+$0x0], $0xffff;
	_ =	sdelay $0x4  }
0x46: {  	v4 =	vadd.f32 v61, v4;
	_ =	sdelay $0x1  }
0x47: {  	v5 =	vmul.f32 $2.000000030e-01, v4  }
0x48: {  	vm14 =	vgt.f32 v4, $0.0e+00  }
0x49: {  	v4 =	vsel vm14, v4, v5  }
0x4a: {  	v4 =	vmul.f32 $1.442695020e+00, v4;
	_ =	sdelay $0x1  }
0x4b: {  	(erf) = vpow2.f32 v4;
	_ =	sdelay $0x4  }
0x4c: {  	v62 =	vor.u32 $0x2, v3  }
0x4d: {  	v2 =	vor.u32 $0x3, v2  }
0x4e: {  	v1 =	vor.u32 $0x7, v1;
	_ =	sdelay $0x1  }
0x4f: {  	v63 =	vpop (erf)  }
0x50: {  	[tilespmem:v62+s14+$0x0] =	vst.idx.msk $0xffff, v63  }
0x51: {  	v2 =	vld.idx.msk [tilespmem:v2+s4+$0x0], $0xffff  }
0x52: {  	v1 =	vld.idx.msk [tilespmem:v1+s4+$0x0], $0xffff;
	_ =	sdelay $0x4  }
0x53: {  	v1 =	vadd.f32 v1, v2;
	_ =	sdelay $0x1  }
0x54: {  	v2 =	vmul.f32 $2.000000030e-01, v1  }
0x55: {  	vm15 =	vgt.f32 v1, $0.0e+00  }
0x56: {  	v1 =	vsel vm15, v1, v2  }
0x57: {  	v1 =	vmul.f32 $1.442695020e+00, v1;
	_ =	sdelay $0x1  }
0x58: {  	(erf) = vpow2.f32 v1;
	_ =	sdelay $0x3  }
0x59: {  	s21 =	simm.s32 $0x10;
	v1 =	vor.u32 $0x3, v3  }
.LBB2_8:
0x5a: {  	_ = 	snop  }
0x5b: {  	p1 =	sne.s32 s21, $0x7C0;
	s19 =	sadd.s32 $0x10, s19;
	s20 =	sadd.s32 $0x10, s20  }
0x5c: {  	s22 =	smov.u32 s21;
	s21 =	sadd.s32 $0x10, s21;
	_ =	sdelay $0x1  }
0x5d: {  	v2 =	vpop (erf)  }
0x5e: {  	[tilespmem:v1+s14+$0x0] =	vst.idx.msk $0xffff, v2  }
0x5f: {  	v1 =	vld [tilespmem:s20+$0x0]  }
0x60: {  	v2 =	vld [tilespmem:s19+$0x0];
	_ =	sdelay $0x3  }
0x61: {  	v1 =	vshll.u32 v1, $0x3  }
0x62: {  	v2 =	vshll.u32 v2, $0x3;
	v3 =	vor.u32 $0x4, v1;
	_ =	sdelay $0x4  }
0x63: {  	v3 =	vld.idx.msk [tilespmem:v3+s4+$0x0], $0xffff  }
0x64: {  	v4 =	vld.idx.msk [tilespmem:v2+s4+$0x0], $0xffff;
	_ =	sdelay $0x5  }
0x65: {  	v3 =	vadd.f32 v3, v4;
	_ =	sdelay $0x1  }
0x66: {  	v4 =	vmul.f32 $2.000000030e-01, v3  }
0x67: {  	vm0 =	vgt.f32 v3, $0.0e+00  }
0x68: {  	v3 =	vsel vm0, v3, v4  }
0x69: {  	v3 =	vmul.f32 $1.442695020e+00, v3;
	_ =	sdelay $0x1  }
0x6a: {  	(erf) = vpow2.f32 v3;
	_ =	sdelay $0x2  }
0x6b: {  	v3 =	vmov s22  }
0x6c: {  	v3 =	vshll.u32 v3, $0x2  }
0x6d: {  	v3 =	vor.u32 v0, v3  }
0x6e: {  	v4 =	vor.u32 $0x1, v2  }
0x6f: {  	v5 =	vor.u32 $0x5, v1;
	_ =	sdelay $0x1  }
0x70: {  	v6 =	vpop (erf)  }
0x71: {  	[tilespmem:v3+s14+$0x0] =	vst.idx.msk $0xffff, v6  }
0x72: {  	v4 =	vld.idx.msk [tilespmem:v4+s4+$0x0], $0xffff  }
0x73: {  	v5 =	vld.idx.msk [tilespmem:v5+s4+$0x0], $0xffff;
	_ =	sdelay $0x5  }
0x74: {  	v4 =	vadd.f32 v5, v4;
	_ =	sdelay $0x1  }
0x75: {  	v5 =	vmul.f32 $2.000000030e-01, v4  }
0x76: {  	vm0 =	vgt.f32 v4, $0.0e+00  }
0x77: {  	v4 =	vsel vm0, v4, v5  }
0x78: {  	v4 =	vmul.f32 $1.442695020e+00, v4;
	_ =	sdelay $0x1  }
0x79: {  	(erf) = vpow2.f32 v4;
	_ =	sdelay $0x4  }
0x7a: {  	v4 =	vor.u32 $0x1, v3  }
0x7b: {  	v5 =	vor.u32 $0x2, v2  }
0x7c: {  	v6 =	vor.u32 $0x6, v1;
	_ =	sdelay $0x1  }
0x7d: {  	v7 =	vpop (erf)  }
0x7e: {  	[tilespmem:v4+s14+$0x0] =	vst.idx.msk $0xffff, v7  }
0x7f: {  	v4 =	vld.idx.msk [tilespmem:v5+s4+$0x0], $0xffff  }
0x80: {  	v5 =	vld.idx.msk [tilespmem:v6+s4+$0x0], $0xffff;
	_ =	sdelay $0x5  }
0x81: {  	v4 =	vadd.f32 v5, v4;
	_ =	sdelay $0x1  }
0x82: {  	v5 =	vmul.f32 $2.000000030e-01, v4  }
0x83: {  	vm0 =	vgt.f32 v4, $0.0e+00  }
0x84: {  	v4 =	vsel vm0, v4, v5  }
0x85: {  	v4 =	vmul.f32 $1.442695020e+00, v4;
	_ =	sdelay $0x1  }
0x86: {  	(erf) = vpow2.f32 v4;
	_ =	sdelay $0x4  }
0x87: {  	v4 =	vor.u32 $0x2, v3  }
0x88: {  	v1 =	vor.u32 $0x7, v1;
	v2 =	vor.u32 $0x3, v2;
	_ =	sdelay $0x2  }
0x89: {  	v5 =	vpop (erf)  }
0x8a: {  	[tilespmem:v4+s14+$0x0] =	vst.idx.msk $0xffff, v5  }
0x8b: {  	v2 =	vld.idx.msk [tilespmem:v2+s4+$0x0], $0xffff  }
0x8c: {  	v1 =	vld.idx.msk [tilespmem:v1+s4+$0x0], $0xffff;
	_ =	sdelay $0x5  }
0x8d: {  	v1 =	vadd.f32 v1, v2;
	_ =	sdelay $0x1  }
0x8e: {  	vm0 =	vgt.f32 v1, $0.0e+00;
	v2 =	vmul.f32 $2.000000030e-01, v1;
	_ =	sdelay $0x1  }
0x8f: {  	v1 =	vsel vm0, v1, v2  }
0x90: {  	v1 =	vmul.f32 $1.442695020e+00, v1;
	_ =	sdelay $0x1  }
.Ltmp3:
0x91: {  	(erf) = vpow2.f32 v1;
	(pc) =	sbr.rel @p1 .LBB2_8-.Ltmp3, $2  }
0x92: {  	_ =	sdelay $0x2  }
0x93: {  	v1 =	vor.u32 $0x3, v3  }
0x94: {  	_ =	sdelay $0x3  }
0x95: {  	s18 =	sshrl.u32 s18, $0x1;
	s17 =	sadd.s32 $0x1, s17;
	v2 =	vpop (erf)  }
0x96: {  	s18 =	sadd.s32 s10, s18;
	p1 =	sne.s32 s17, $0x5;
	[tilespmem:v1+s14+$0x0] =	vst.idx.msk $0xffff, v2  }
0x97: {  	[hbm4b:s18+s4] =	stream.linear.scatter [tilespmem:s14], [sflag:$0x1], $0x1F40, $0x38;
	[tilespmem:$0x16800] =	vst v63  }
.Ltmp4:
0x98: {  	_ = 	snop;
	(pc) =	sbr.rel @p1 .LBB2_7-.Ltmp4, $4  }
.Ltmp5:
0x99: {  	_ = 	snop;
	(pc) =	sbr.rel @!p1 .LBB2_10-.Ltmp5, $4  }
0x9a: {  	_ =	swait.ge [sflag:s13], $0x1F40  }
0x9b: {  	[sflag:s13] =	ssyncset.done $0x0  }
0x9c: {  	[sflag:s13] =	ssyncadd.s32 $0xFFFFE0C0  }
0x9d: {  	_ = 	snop  }
.LBB2_2:
0x9e: {  	[tilespmem:s16], [sflag:$0x1] =	stream.linear.gather [hbm4b:s5+s16], $0x13880, $0x38;
	[tilespmem:$0x16800] =	vst v63  }
0x9f: {  	_ =	swait.ge [sflag:s13], $0x13880  }
0xa0: {  	[sflag:s13] =	ssyncset.done $0x0  }
0xa1: {  	s17 =	simm.s32 $0x0;
	[sflag:s13] =	ssyncadd.s32 $0xFFFEC780  }
.LBB2_3:
0xa2: {  	s18 =	smul.u32 $0x7D0, s17;
	_ =	sdelay $0x1  }
0xa3: {  	s18 =	sadd.s32 s11, s18  }
0xa4: {  	s20 =	sshrl.u32 s18, $0x3  }
0xa5: {  	s19 =	simm.s32 $0x13880;
	s21 =	sadd.s32 s1, s20  }
0xa6: {  	[tilespmem:s19], [sflag:$0x1] =	stream.linear.gather [hbm4b:s21+s16], $0x7D0, $0x38;
	[tilespmem:$0x16800] =	vst v63  }
0xa7: {  	_ =	swait.ge [sflag:s13], $0x7D0  }
0xa8: {  	[sflag:s13] =	ssyncset.done $0x0  }
0xa9: {  	s31 =	sadd.s32 s6, s20;
	s20 =	simm.s32 $0x14080;
	[sflag:s13] =	ssyncadd.s32 $0xFFFFF830  }
0xaa: {  	[tilespmem:s20], [sflag:$0x1] =	stream.linear.gather [hbm4b:s31+s16], $0x7D0, $0x38;
	[tilespmem:$0x16800] =	vst v63  }
0xab: {  	_ =	swait.ge [sflag:s13], $0x7D0  }
0xac: {  	[sflag:s13] =	ssyncset.done $0x0  }
0xad: {  	[sflag:s13] =	ssyncadd.s32 $0xFFFFF830  }
0xae: {  	v1 =	vld [tilespmem:s20+$0x0]  }
0xaf: {  	v2 =	vld [tilespmem:s19+$0x0];
	_ =	sdelay $0x4  }
0xb0: {  	v1 =	vshll.u32 v1, $0x3;
	v2 =	vshll.u32 v2, $0x3  }
0xb1: {  	v3 =	vor.u32 $0x4, v1;
	_ =	sdelay $0x3  }
0xb2: {  	v4 =	vld.idx.msk [tilespmem:v2+s4+$0x0], $0xffff  }
0xb3: {  	v3 =	vld.idx.msk [tilespmem:v3+s4+$0x0], $0xffff;
	_ =	sdelay $0x4  }
0xb4: {  	v3 =	vadd.f32 v3, v4;
	_ =	sdelay $0x1  }
0xb5: {  	v4 =	vmul.f32 $2.000000030e-01, v3  }
0xb6: {  	vm0 =	vgt.f32 v3, $0.0e+00  }
0xb7: {  	v3 =	vsel vm0, v3, v4  }
0xb8: {  	v3 =	vmul.f32 $1.442695020e+00, v3;
	_ =	sdelay $0x1  }
0xb9: {  	(erf) = vpow2.f32 v3;
	_ =	sdelay $0x2  }
0xba: {  	v3 =	vmov s16  }
0xbb: {  	v3 =	vshll.u32 v3, $0x2  }
0xbc: {  	v3 =	vor.u32 v0, v3  }
0xbd: {  	v57 =	vor.u32 $0x1, v2  }
0xbe: {  	v5 =	vor.u32 $0x5, v1;
	_ =	sdelay $0x1  }
0xbf: {  	v6 =	vpop (erf)  }
0xc0: {  	[tilespmem:v3+s14+$0x0] =	vst.idx.msk $0xffff, v6  }
0xc1: {  	v4 =	vld.idx.msk [tilespmem:v57+s4+$0x0], $0xffff  }
0xc2: {  	v5 =	vld.idx.msk [tilespmem:v5+s4+$0x0], $0xffff;
	_ =	sdelay $0x4  }
0xc3: {  	v4 =	vadd.f32 v5, v4;
	_ =	sdelay $0x1  }
0xc4: {  	v5 =	vmul.f32 $2.000000030e-01, v4  }
0xc5: {  	vm13 =	vgt.f32 v4, $0.0e+00  }
0xc6: {  	v4 =	vsel vm13, v4, v5  }
0xc7: {  	v4 =	vmul.f32 $1.442695020e+00, v4;
	_ =	sdelay $0x1  }
0xc8: {  	(erf) = vpow2.f32 v4;
	_ =	sdelay $0x4  }
0xc9: {  	v58 =	vor.u32 $0x1, v3  }
0xca: {  	v59 =	vor.u32 $0x2, v2  }
0xcb: {  	v60 =	vor.u32 $0x6, v1;
	_ =	sdelay $0x1  }
0xcc: {  	v7 =	vpop (erf)  }
0xcd: {  	[tilespmem:v58+s14+$0x0] =	vst.idx.msk $0xffff, v7  }
0xce: {  	v4 =	vld.idx.msk [tilespmem:v59+s4+$0x0], $0xffff  }
0xcf: {  	v61 =	vld.idx.msk [tilespmem:v60+s4+$0x0], $0xffff;
	_ =	sdelay $0x4  }
0xd0: {  	v4 =	vadd.f32 v61, v4;
	_ =	sdelay $0x1  }
0xd1: {  	v5 =	vmul.f32 $2.000000030e-01, v4  }
0xd2: {  	vm14 =	vgt.f32 v4, $0.0e+00  }
0xd3: {  	v4 =	vsel vm14, v4, v5  }
0xd4: {  	v4 =	vmul.f32 $1.442695020e+00, v4;
	_ =	sdelay $0x1  }
0xd5: {  	(erf) = vpow2.f32 v4;
	_ =	sdelay $0x4  }
0xd6: {  	v62 =	vor.u32 $0x2, v3  }
0xd7: {  	v2 =	vor.u32 $0x3, v2  }
0xd8: {  	v1 =	vor.u32 $0x7, v1;
	_ =	sdelay $0x1  }
0xd9: {  	v63 =	vpop (erf)  }
0xda: {  	[tilespmem:v62+s14+$0x0] =	vst.idx.msk $0xffff, v63  }
0xdb: {  	v2 =	vld.idx.msk [tilespmem:v2+s4+$0x0], $0xffff  }
0xdc: {  	v1 =	vld.idx.msk [tilespmem:v1+s4+$0x0], $0xffff;
	_ =	sdelay $0x4  }
0xdd: {  	v1 =	vadd.f32 v1, v2;
	_ =	sdelay $0x1  }
0xde: {  	v2 =	vmul.f32 $2.000000030e-01, v1  }
0xdf: {  	vm15 =	vgt.f32 v1, $0.0e+00  }
0xe0: {  	v1 =	vsel vm15, v1, v2  }
0xe1: {  	v1 =	vmul.f32 $1.442695020e+00, v1;
	_ =	sdelay $0x1  }
0xe2: {  	(erf) = vpow2.f32 v1;
	_ =	sdelay $0x3  }
0xe3: {  	s21 =	simm.s32 $0x10;
	v1 =	vor.u32 $0x3, v3  }
.LBB2_4:
0xe4: {  	_ = 	snop  }
0xe5: {  	p1 =	sne.s32 s21, $0x7C0;
	s19 =	sadd.s32 $0x10, s19;
	s20 =	sadd.s32 $0x10, s20  }
0xe6: {  	s22 =	smov.u32 s21;
	s21 =	sadd.s32 $0x10, s21;
	_ =	sdelay $0x1  }
0xe7: {  	v2 =	vpop (erf)  }
0xe8: {  	[tilespmem:v1+s14+$0x0] =	vst.idx.msk $0xffff, v2  }
0xe9: {  	v1 =	vld [tilespmem:s20+$0x0]  }
0xea: {  	v2 =	vld [tilespmem:s19+$0x0];
	_ =	sdelay $0x3  }
0xeb: {  	v1 =	vshll.u32 v1, $0x3  }
0xec: {  	v2 =	vshll.u32 v2, $0x3;
	v3 =	vor.u32 $0x4, v1;
	_ =	sdelay $0x4  }
0xed: {  	v3 =	vld.idx.msk [tilespmem:v3+s4+$0x0], $0xffff  }
0xee: {  	v4 =	vld.idx.msk [tilespmem:v2+s4+$0x0], $0xffff;
	_ =	sdelay $0x5  }
0xef: {  	v3 =	vadd.f32 v3, v4;
	_ =	sdelay $0x1  }
0xf0: {  	v4 =	vmul.f32 $2.000000030e-01, v3  }
0xf1: {  	vm0 =	vgt.f32 v3, $0.0e+00  }
0xf2: {  	v3 =	vsel vm0, v3, v4  }
0xf3: {  	v3 =	vmul.f32 $1.442695020e+00, v3;
	_ =	sdelay $0x1  }
0xf4: {  	(erf) = vpow2.f32 v3;
	_ =	sdelay $0x2  }
0xf5: {  	v3 =	vmov s22  }
0xf6: {  	v3 =	vshll.u32 v3, $0x2  }
0xf7: {  	v3 =	vor.u32 v0, v3  }
0xf8: {  	v4 =	vor.u32 $0x1, v2  }
0xf9: {  	v5 =	vor.u32 $0x5, v1;
	_ =	sdelay $0x1  }
0xfa: {  	v6 =	vpop (erf)  }
0xfb: {  	[tilespmem:v3+s14+$0x0] =	vst.idx.msk $0xffff, v6  }
0xfc: {  	v4 =	vld.idx.msk [tilespmem:v4+s4+$0x0], $0xffff  }
0xfd: {  	v5 =	vld.idx.msk [tilespmem:v5+s4+$0x0], $0xffff;
	_ =	sdelay $0x5  }
0xfe: {  	v4 =	vadd.f32 v5, v4;
	_ =	sdelay $0x1  }
0xff: {  	v5 =	vmul.f32 $2.000000030e-01, v4  }
0x100: {  	vm0 =	vgt.f32 v4, $0.0e+00  }
0x101: {  	v4 =	vsel vm0, v4, v5  }
0x102: {  	v4 =	vmul.f32 $1.442695020e+00, v4;
	_ =	sdelay $0x1  }
0x103: {  	(erf) = vpow2.f32 v4;
	_ =	sdelay $0x4  }
0x104: {  	v4 =	vor.u32 $0x1, v3  }
0x105: {  	v5 =	vor.u32 $0x2, v2  }
0x106: {  	v6 =	vor.u32 $0x6, v1;
	_ =	sdelay $0x1  }
0x107: {  	v7 =	vpop (erf)  }
0x108: {  	[tilespmem:v4+s14+$0x0] =	vst.idx.msk $0xffff, v7  }
0x109: {  	v4 =	vld.idx.msk [tilespmem:v5+s4+$0x0], $0xffff  }
0x10a: {  	v5 =	vld.idx.msk [tilespmem:v6+s4+$0x0], $0xffff;
	_ =	sdelay $0x5  }
0x10b: {  	v4 =	vadd.f32 v5, v4;
	_ =	sdelay $0x1  }
0x10c: {  	v5 =	vmul.f32 $2.000000030e-01, v4  }
0x10d: {  	vm0 =	vgt.f32 v4, $0.0e+00  }
0x10e: {  	v4 =	vsel vm0, v4, v5  }
0x10f: {  	v4 =	vmul.f32 $1.442695020e+00, v4;
	_ =	sdelay $0x1  }
0x110: {  	(erf) = vpow2.f32 v4;
	_ =	sdelay $0x4  }
0x111: {  	v4 =	vor.u32 $0x2, v3  }
0x112: {  	v1 =	vor.u32 $0x7, v1;
	v2 =	vor.u32 $0x3, v2;
	_ =	sdelay $0x2  }
0x113: {  	v5 =	vpop (erf)  }
0x114: {  	[tilespmem:v4+s14+$0x0] =	vst.idx.msk $0xffff, v5  }
0x115: {  	v2 =	vld.idx.msk [tilespmem:v2+s4+$0x0], $0xffff  }
0x116: {  	v1 =	vld.idx.msk [tilespmem:v1+s4+$0x0], $0xffff;
	_ =	sdelay $0x5  }
0x117: {  	v1 =	vadd.f32 v1, v2;
	_ =	sdelay $0x1  }
0x118: {  	vm0 =	vgt.f32 v1, $0.0e+00;
	v2 =	vmul.f32 $2.000000030e-01, v1;
	_ =	sdelay $0x1  }
0x119: {  	v1 =	vsel vm0, v1, v2  }
0x11a: {  	v1 =	vmul.f32 $1.442695020e+00, v1;
	_ =	sdelay $0x1  }
.Ltmp6:
0x11b: {  	(erf) = vpow2.f32 v1;
	(pc) =	sbr.rel @p1 .LBB2_4-.Ltmp6, $2  }
0x11c: {  	_ =	sdelay $0x2  }
0x11d: {  	v1 =	vor.u32 $0x3, v3  }
0x11e: {  	_ =	sdelay $0x3  }
0x11f: {  	s18 =	sshrl.u32 s18, $0x1;
	s17 =	sadd.s32 $0x1, s17;
	v2 =	vpop (erf)  }
0x120: {  	s18 =	sadd.s32 s9, s18;
	p1 =	seq.s32 s17, $0x5;
	[tilespmem:v1+s14+$0x0] =	vst.idx.msk $0xffff, v2  }
0x121: {  	[hbm4b:s18+s4] =	stream.linear.scatter [tilespmem:s14], [sflag:$0x1], $0x1F40, $0x38;
	[tilespmem:$0x16800] =	vst v63  }
.Ltmp7:
0x122: {  	_ = 	snop;
	(pc) =	sbr.rel @!p1 .LBB2_3-.Ltmp7, $4  }
.Ltmp8:
0x123: {  	_ = 	snop;
	(pc) =	sbr.rel @p1 .LBB2_10-.Ltmp8, $4  }
0x124: {  	_ =	swait.ge [sflag:s13], $0x1F40  }
0x125: {  	[sflag:s13] =	ssyncset.done $0x0  }
0x126: {  	[sflag:s13] =	ssyncadd.s32 $0xFFFFE0C0  }
0x127: {  	_ = 	snop  }
.LBB2_11:
0x128: {  	_ =	sfence.sel $0x180000  }
0x129: {  	[bflag:$0x0] =	sbarrier.arrive $0xFFFF  }
0x12a: {  	p0 =	sne.s32 s7, $0x0;
	_ =	strace $0x90000047  }
0x12b: {  	s0 =	sadd.s32 @!p0 $0x100000, s0;
	[bflag:$0x2] =	sbarrier.arrive $0xFFFF  }
0x12c: {  	[sflag:s0] =	ssyncadd.tile.s32 @!p0 $0x1;
	_ =	shalt  }
.Lfunc_end2:
_tile_overlayer_lowered:
.L_overlay_start_2:
0x12d: {  	(tag) =	ssettag $0x2  }
0x12e: {  	s0 =	rddreg [dreg:$0x0];
	s2 =	stileid.u32  }
0x12f: {  	s1 =	rddreg [dreg:$0x1];
	p0 =	sne.s32 s2, $0x0  }
0x130: {  	s3 =	rddreg [dreg:$0x2];
	[bflag:$0x3] =	sbarrier.arrive $0xFFFF;
	s2 =	simm.s32 @!p0 $0x1C01  }
0x131: {  	[timem:s3], [sflag:s2] =	dma.local @!p0 [hbm:s0], s1  }
0x132: {  	s0 =	simm.s32 @!p0 $0x1  }
0x133: {  	_ =	swait.ge @!p0 [sflag:s0], s1  }
0x134: {  	s1 =	ssub.s32 @!p0 $0x0, s1;
	[sflag:s0] =	ssyncset.done @!p0 $0x0  }
0x135: {  	[sflag:s0] =	ssyncadd.s32 @!p0 s1  }
0x136: {  	[bflag:$0x3] =	sbarrier.arrive $0xFFFF  }
0x137: {  	_ =	shalt  }

// kernel: kernel.9.cloned.1.call-start
scs
__scs_entry_jumppad:
0x0: {  	(pc) =	sbr.rel $0x88, $3  }
0x1: {  	(tag) =	ssettag $0x0;
	lr =	simm.s32 $0x1  }
0x2: {  	[smem:$0x3F8E] =	sst lr;
	_ =	strace $0xD0000000  }
0x3: {  	_ = 	snop  }
0x4: {  	_ = 	snop  }
0x5: {  	_ = 	snop  }
0x6: {  	_ = 	snop  }
0x7: {  	_ = 	snop  }
__scs_overlays_trampoline_lowered:
0x8: {  	[smem:$0x3F9D] =	sst s0  }
0x9: {  	[smem:$0x3F9E] =	sst s1  }
0xa: {  	[smem:$0x3F9F] =	sst s2  }
0xb: {  	[smem:$0x3FA0] =	sst s3  }
0xc: {  	[smem:$0x3FA1] =	sst s4  }
0xd: {  	[smem:$0x3FA2] =	sst s5  }
0xe: {  	[smem:$0x3FA3] =	sst s6  }
0xf: {  	[smem:$0x3FA4] =	sst s7  }
0x10: {  	[smem:$0x3FA5] =	sst s8  }
0x11: {  	[smem:$0x3FA6] =	sst s9;
	s0 =	simm.s32 @!p0 $0x0  }
0x12: {  	s1 =	sld [smem:$0x3F8C];
	s0 =	simm.s32 @p0 $0x1  }
0x13: {  	[smem:$0x3FA7] =	sst s0;
	s0 =	simm.s32 @!p1 $0x0  }
0x14: {  	s2 =	sld [smem:$0x3F8B];
	s0 =	simm.s32 @p1 $0x1  }
0x15: {  	[smem:$0x3FA8] =	sst s0;
	s0 =	simm.s32 @!p2 $0x0  }
0x16: {  	s3 =	sld [smem:$0x3FDB];
	s0 =	simm.s32 @p2 $0x1  }
0x17: {  	s4 =	simm.s32 $0x1BF5;
	[smem:$0x3FAA] =	sst s0  }
0x18: {  	s0 =	sld [smem:$0x3F8D];
	_ =	swait.ge [sflag:s4], $0x0  }
0x19: {  	s7 =	sld [smem:$0x3F8E]  }
0x1a: {  	s8 =	sadd.s32 $0xFFFFE003, lr  }
0x1b: {  	s9 =	sadd.s32 $0xFFFFFEF7, lr;
	s5 =	simm.s32 $0xFFFFFFFF;
	p2 =	slt.u32 s8, $0xFFFFF086  }
0x1c: {  	p1 =	slt.u32 s9, $0xF7A;
	s5 =	simm.s32 @!p2 $0x0  }
0x1d: {  	s5 =	simm.s32 @p1 $0x1;
	p0 =	seq.s32 s7, s2  }
0x1e: {  	s7 =	smul.u32 @!p0 $0xF7A, s2;
	p2 =	seq.s32 @!p0 s5, $0x0  }
0x1f: {  	s9 =	smul.u32 $0xF7A, s1;
	s8 =	simm.s32 @!p0 $0x1BF5;
	p2 =	por !p2, p0  }
0x20: {  	[sflag:s8] =	ssyncset.s32 @!p0 $0xFFFFF086;
	s6 =	sadd.s32 @!p0 s3, s7;
	s7 =	simm.s32 @!p0 $0x108  }
0x21: {  	s3 =	sadd.s32 s3, s9;
	s6 =	sadd.s32 @!p0 $0x88, s6;
	s7 =	simm.s32 @p2 $0x1082  }
0x22: {  	[simem:s7], [sflag:s8] =	dma.local @!p0 [hbm:s6], $0xF7A  }
0x23: {  	s9 =	sor.u32 $0xD0000000, s2;
	s6 =	simm.s32 $0x108;
	_ =	swait.ge @!p0 [sflag:s8], $0x0  }
0x24: {  	s3 =	sadd.s32 $0x88, s3;
	s6 =	simm.s32 @!p1 $0x1082;
	[sflag:s4] =	ssyncset.s32 $0xFFFFF086  }
0x25: {  	[simem:s6], [sflag:s4] =	dma.local [hbm:s3], $0xF7A  }
0x26: {  	[smem:$0x3F8E] =	sst s1;
	(tag) =	ssettag s2;
	_ =	strace s9  }
0x27: {  	s1 =	sld [smem:$0x3F9E]  }
0x28: {  	s2 =	sld [smem:$0x3F9F]  }
0x29: {  	s4 =	sld [smem:$0x3FA1]  }
0x2a: {  	p0 =	seq.s32 s5, $0x0;
	s5 =	sld [smem:$0x3FA2]  }
0x2b: {  	s6 =	sld [smem:$0x3FA3]  }
0x2c: {  	s7 =	sld [smem:$0x3FA4]  }
0x2d: {  	s3 =	simm.s32 $0x108;
	s8 =	sld [smem:$0x3FA5]  }
0x2e: {  	s3 =	simm.s32 @!p0 $0x1082;
	s9 =	sld [smem:$0x3FA6]  }
0x2f: {  	lr =	sadd.s32 s0, s3;
	s0 =	sld [smem:$0x3F9D]  }
0x30: {  	s3 =	sld [smem:$0x3FA0]  }
0x31: {  	[smem:$0x3FA9] =	sst s10  }
0x32: {  	s10 =	sld [smem:$0x3FA7];
	_ =	sdelay $0x3  }
0x33: {  	p0 =	seq.s32 s10, $0x1;
	s10 =	sld [smem:$0x3FA9];
	_ =	sdelay $0x3  }
0x34: {  	[smem:$0x3FA9] =	sst s10  }
0x35: {  	s10 =	sld [smem:$0x3FA8];
	_ =	sdelay $0x3  }
0x36: {  	p1 =	seq.s32 s10, $0x1;
	s10 =	sld [smem:$0x3FA9];
	_ =	sdelay $0x3  }
0x37: {  	[smem:$0x3FA9] =	sst s10  }
0x38: {  	s10 =	sld [smem:$0x3FAA]  }
0x39: {  	_ = 	snop;
	(pc) =	sbr.ind lr, $3  }
0x3a: {  	_ = 	snop  }
0x3b: {  	_ = 	snop  }
0x3c: {  	p2 =	seq.s32 s10, $0x1;
	s10 =	sld [smem:$0x3FA9]  }
0x3d: {  	_ =	shalt  }
0x3e: {  	_ =	shalt  }
0x3f: {  	_ =	shalt  }
0x40: {  	_ =	shalt  }
0x41: {  	_ =	shalt  }
0x42: {  	_ =	shalt  }
0x43: {  	_ =	shalt  }
0x44: {  	_ =	shalt  }
0x45: {  	_ =	shalt  }
0x46: {  	_ =	shalt  }
0x47: {  	_ =	shalt  }
0x48: {  	_ =	shalt  }
0x49: {  	_ =	shalt  }
0x4a: {  	_ =	shalt  }
0x4b: {  	_ =	shalt  }
0x4c: {  	_ =	shalt  }
0x4d: {  	_ =	shalt  }
0x4e: {  	_ =	shalt  }
0x4f: {  	_ =	shalt  }
0x50: {  	_ =	shalt  }
0x51: {  	_ =	shalt  }
0x52: {  	_ =	shalt  }
0x53: {  	_ =	shalt  }
0x54: {  	_ =	shalt  }
0x55: {  	_ =	shalt  }
0x56: {  	_ =	shalt  }
0x57: {  	_ =	shalt  }
0x58: {  	_ =	shalt  }
0x59: {  	_ =	shalt  }
0x5a: {  	_ =	shalt  }
0x5b: {  	_ =	shalt  }
0x5c: {  	_ =	shalt  }
0x5d: {  	_ =	shalt  }
0x5e: {  	_ =	shalt  }
0x5f: {  	_ =	shalt  }
0x60: {  	_ =	shalt  }
0x61: {  	_ =	shalt  }
0x62: {  	_ =	shalt  }
0x63: {  	_ =	shalt  }
0x64: {  	_ =	shalt  }
0x65: {  	_ =	shalt  }
0x66: {  	_ =	shalt  }
0x67: {  	_ =	shalt  }
0x68: {  	_ =	shalt  }
0x69: {  	_ =	shalt  }
0x6a: {  	_ =	shalt  }
0x6b: {  	_ =	shalt  }
0x6c: {  	_ =	shalt  }
0x6d: {  	_ =	shalt  }
0x6e: {  	_ =	shalt  }
0x6f: {  	_ =	shalt  }
0x70: {  	_ =	shalt  }
0x71: {  	_ =	shalt  }
0x72: {  	_ =	shalt  }
0x73: {  	_ =	shalt  }
0x74: {  	_ =	shalt  }
0x75: {  	_ =	shalt  }
0x76: {  	_ =	shalt  }
0x77: {  	_ =	shalt  }
0x78: {  	_ =	shalt  }
0x79: {  	_ =	shalt  }
0x7a: {  	_ =	shalt  }
0x7b: {  	_ =	shalt  }
0x7c: {  	_ =	shalt  }
0x7d: {  	_ =	shalt  }
0x7e: {  	_ =	shalt  }
0x7f: {  	_ =	shalt  }
0x80: {  	_ =	shalt  }
0x81: {  	_ =	shalt  }
0x82: {  	_ =	shalt  }
0x83: {  	_ =	shalt  }
0x84: {  	_ =	shalt  }
0x85: {  	_ =	shalt  }
0x86: {  	_ =	shalt  }
0x87: {  	_ =	shalt  }
.Lfunc_end0:
.L_simem_size_0:
called_computation.1_lowered:
.L_overlay_start_0:
0x88: {  	s2 =	sld [smem:$0x3FD9]  }
0x89: {  	s3 =	sld [smem:$0x3FFE];
	_ =	sdelay $0x1  }
0x8a: {  	s1 =	srdreg.scid  }
0x8b: {  	s0 =	sand.u32 $0x1, s1  }
0x8c: {  	s14 =	sshll.u32 s0, $0xA;
	s2 =	sadd.s32 s3, s2  }
0x8d: {  	s2 =	sadd.s32 s2, s14  }
0x8e: {  	[smem:$0x3FB5] =	sst s2  }
0x8f: {  	_ = 	snop  }
0x90: {  	s2 =	sld [smem:$0x3FD0];
	_ =	sdelay $0x1  }
0x91: {  	s15 =	sld [smem:$0x3FC1]  }
0x92: {  	s5 =	simm.s32 $0xA;
	s6 =	simm.s32 $0x10;
	s4 =	sld [smem:$0x3FBD]  }
0x93: {  	[smem:s6], [sflag:s5] =	dma.local [hbm:s2], $0x1  }
0x94: {  	_ =	swait.eq [sflag:s5], $0x1  }
0x95: {  	s16 =	sld [smem:$0x10]  }
0x96: {  	s17 =	sld [smem:$0x11]  }
0x97: {  	s7 =	sld [smem:$0x12];
	[sflag:s5] =	ssyncset.done $0x0  }
0x98: {  	s8 =	sld [smem:$0x13];
	[sflag:s5] =	ssyncadd.s32 $0xFFFFFFFF  }
0x99: {  	s18 =	sld [smem:$0x14];
	(tm) =	ssettm $0x1  }
0x9a: {  	s9 =	sld [smem:$0x3FFB];
	_ =	sdelay $0x3  }
0x9b: {  	_ =	strace s9  }
0x9c: {  	s9 =	sld [smem:$0x3FFC];
	_ =	sdelay $0x3  }
0x9d: {  	_ =	strace s9  }
0x9e: {  	s9 =	sld [smem:$0x3FFD];
	_ =	sdelay $0x3  }
0x9f: {  	_ =	strace s9  }
0xa0: {  	_ =	strace $0x8FFFFFFF  }
0xa1: {  	s19 =	sld [smem:$0x3FDB];
	_ =	sdelay $0x1  }
0xa2: {  	s10 =	simm.s32 $_scs_section_size  }
0xa3: {  	s11 =	simm.s32 $_size__tile_overlayer_lowered;
	s12 =	simm.s32 $_tile_overlayer_lowered  }
0xa4: {  	s22 =	simm.s32 $0x1BFF;
	s21 =	sshll.u32 s12, $0x1;
	s9 =	sadd.s32 s10, s19  }
0xa5: {  	s13 =	simm.s32 $0x0;
	s20 =	sshll.u32 s11, $0x1;
	s11 =	sadd.s32 s21, s9  }
0xa6: {  	[timem:s13], [sflag:s22] =	dma.local [hbm:s11], s20  }
0xa7: {  	_ =	swait.ge [sflag:s22], s20  }
0xa8: {  	s10 =	ssub.s32 $0x0, s20;
	[sflag:s22] =	ssyncset.done $0x0  }
0xa9: {  	[sflag:s22] =	ssyncadd.s32 s10;
	_ =	sdelay $0x1  }
0xaa: {  	s23 =	simm.s32 $0x1B8B  }
0xab: {  	_ =	swait.ge [sflag:s23], $0x1  }
0xac: {  	[sflag:s23] =	ssyncset.done $0x0  }
0xad: {  	s25 =	simm.s32 $0x1B8E;
	s24 =	sld [smem:$0x3FFE];
	[sflag:s23] =	ssyncadd.s32 $0xFFFFFFFF  }
0xae: {  	s26 =	simm.s32 $execute0_lowered;
	[smem:$0x3FD2] =	sst s25  }
0xaf: {  	s11 =	sshll.u32 s26, $0x1;
	_ =	strace $0x80000049;
	[dreg:$0x1] =	wrdreg $0xFFFFFFFF  }
0xb0: {  	s28 =	simm.s32 $_size_execute0_lowered;
	s9 =	sadd.s32 s9, s11;
	[dreg:$0x0] =	wrdreg $0x0  }
0xb1: {  	s11 =	sshll.u32 s28, $0x1;
	[dreg:$0x2] =	wrdreg s9  }
0xb2: {  	[dreg:$0x3] =	wrdreg s11  }
0xb3: {  	[dreg:$0x4] =	wrdreg $0xC0  }
0xb4: {  	_ =	task [dreg:s13], $0x5FFFF  }
0xb5: {  	[dreg:$0x1] =	wrdreg $0xFFFFFFFF  }
0xb6: {  	[dreg:$0x0] =	wrdreg $0x60  }
0xb7: {  	[dreg:$0x2] =	wrdreg s16  }
0xb8: {  	[dreg:$0x3] =	wrdreg s24  }
0xb9: {  	[dreg:$0x4] =	wrdreg s15  }
0xba: {  	[dreg:$0x5] =	wrdreg s7  }
0xbb: {  	[dreg:$0x6] =	wrdreg s17  }
0xbc: {  	[dreg:$0x7] =	wrdreg s4  }
0xbd: {  	[dreg:$0x8] =	wrdreg s8  }
0xbe: {  	[dreg:$0x9] =	wrdreg s18  }
0xbf: {  	[dreg:$0xa] =	wrdreg $0x0  }
0xc0: {  	[dreg:$0xb] =	wrdreg $0x138800  }
0xc1: {  	[dreg:$0xc] =	wrdreg $0x9  }
0xc2: {  	_ =	task.clear_ibuf [dreg:s13], $0xDFFFF;
	_ =	strace $0x90000049  }
0xc3: {  	s29 =	simm.s32 $0x9;
	_ =	strace $0x8000004B  }
0xc4: {  	_ =	swait.ge [sflag:s29], $0x1  }
0xc5: {  	[sflag:s29] =	ssyncadd.s32 $0xFFFFFFFF  }
0xc6: {  	_ =	strace $0x9000004B  }
0xc7: {  	_ =	sfence  }
0xc8: {  	s30 =	sld [smem:$0x0];
	_ =	sdelay $0x2  }
0xc9: {  	s31 =	sshll.u32 s1, $0xD;
	s1 =	sshrl.u32 s1, $0x2  }
0xca: {  	s3 =	sand.u32 $0x4000, s31;
	s1 =	sadd.s32 s1, s30  }
0xcb: {  	s0 =	sor.u32 s3, s0;
	s1 =	sshll.u32 s1, $0x11  }
0xcc: {  	s0 =	sor.u32 s1, s0  }
0xcd: {  	s0 =	sadd.s32 $0x8F2B, s0  }
0xce: {  	[sflag:s0] =	ssyncadd.remote.s32 $0x1  }
0xcf: {  	_ =	sfence.sel $0xFFFF  }
0xd0: {  	[dreg:$0x0] =	wrdreg $0xFFFFFFFF;
	(pc) =	sbr.abs _section_cstart, $3  }
0xd1: {  	[dreg:$0x1] =	wrdreg $0xFFFFFFFF  }
0xd2: {  	_ =	task.clear_ibuf [dreg:s13], $0x2FFFF;
	_ =	strace $0x9FFFFFFF  }
0xd3: {  	(tm) =	ssettm $0x7FFFFFFF  }
tec
execute0_lowered:
.L_overlay_start_1:
0x0: {  	(tag) =	ssettag $0x1  }
0x1: {  	s0 =	rddreg [dreg:$0x0]  }
0x2: {  	s1 =	rddreg [dreg:$0x1]  }
0x3: {  	s4 =	rddreg [dreg:$0x4]  }
0x4: {  	s8 =	rddreg [dreg:$0x8]  }
0x5: {  	s9 =	rddreg [dreg:$0x9];
	s2 =	simm.s32 $0x0  }
0x6: {  	s7 =	srdreg.scid;
	s29 =	simm.s32 $0x5;
	[smem:$0x7FF] =	sst s2  }
0x7: {  	s11 =	sadd.s32 $0xDA00, s1;
	s3 =	sadd.s32 $0x8A00, s1;
	s2 =	sand.u32 $0x1, s7  }
0x8: {  	s14 =	sadd.s32 $0x21400, s1;
	s7 =	stileid.u32;
	s5 =	sadd.s32 $0x34E00, s1  }
0x9: {  	s1 =	sadd.s32 $0x5C000, s1;
	_ =	strace $0x8000004A;
	[dreg:$0xb] =	wrdreg s3  }
0xa: {  	s10 =	ssub.s32 $0x2, s2;
	[dreg:$0xc] =	wrdreg s5;
	s6 =	smul.u32 $0xA000, s7  }
0xb: {  	v1 =	vlaneseq.u32;
	[dreg:$0xd] =	wrdreg s1;
	p0 =	seq.s32 s2, $0x1;
	s16 =	smul.u32 $0x2710, s7  }
0xc: {  	v0 =	vmul.u32 $0x4, v1;
	v1 =	vmul.u32 $0x80, v1;
	s17 =	sor.u32 $0x70, s7;
	s25 =	smul.u32 $0x140, s7;
	s3 =	simm.s32 $0x4  }
0xd: {  	s5 =	simm.s32 $0x14280;
	s12 =	sshrl.u32 s10, $0x1;
	s20 =	smul.u32 $0xA000, s17  }
0xe: {  	v2 =	vimm.f32 $0.0e+00;
	v3 =	vor.u32 $0x1, v0;
	v4 =	vor.u32 $0x1, v1;
	p1 =	sgt.u32 s17, $0x7C;
	s15 =	sshrl.u32 s6, $0x2;
	[dreg:$0xe] =	wrdreg s16  }
0xf: {  	v5 =	vor.u32 $0x2, v0;
	v6 =	vor.u32 $0x2, v1;
	v7 =	vor.u32 $0x3, v0;
	s13 =	ssub.s32 s10, s12;
	[dreg:$0x16] =	wrdreg s25;
	s18 =	sadd.s32 s15, s9  }
0x10: {  	v8 =	vor.u32 $0x3, v1;
	v9 =	vor.u32 $0x40, v0;
	v10 =	vor.u32 $0x800, v1;
	p2 =	sgt.u32 @!p1 s7, $0x3;
	s1 =	smax.u32 s13, $0x1;
	[dreg:$0xf] =	wrdreg s18  }
0x11: {  	v11 =	vor.u32 $0x41, v0;
	v12 =	vor.u32 $0x801, v1;
	v13 =	vor.u32 $0x42, v0;
	s30 =	sand.u32 $0x3C0, s25;
	s19 =	sadd.s32 s15, s8;
	[dreg:$0x11] =	wrdreg s1  }
0x12: {  	v14 =	vor.u32 $0x802, v1;
	v15 =	vor.u32 $0x43, v0;
	v16 =	vor.u32 $0x803, v1;
	s25 =	simm.s32 $0x1F680;
	s21 =	sadd.s32 $0x28000, s19;
	[dreg:$0x10] =	wrdreg s19  }
0x13: {  	v17 =	vor.u32 $0x80, v0;
	v18 =	vor.u32 $0x1000, v1;
	v19 =	vor.u32 $0x81, v0;
	s6 =	simm.s32 $0x0;
	s22 =	sadd.s32 $0x50000, s19;
	[dreg:$0x12] =	wrdreg s21  }
0x14: {  	v20 =	vor.u32 $0x1001, v1;
	v21 =	vor.u32 $0x82, v0;
	v22 =	vor.u32 $0x1002, v1;
	s24 =	sshrl.u32 s20, $0x2;
	s23 =	sadd.s32 $0x78000, s19;
	[dreg:$0x13] =	wrdreg s22  }
0x15: {  	v23 =	vor.u32 $0x83, v0;
	v24 =	vor.u32 $0x1003, v1;
	v25 =	vor.u32 $0xC0, v0;
	p2 =	por p2, p1;
	s1 =	sadd.s32 s24, s8;
	[dreg:$0x14] =	wrdreg s23  }
.Ltmp0:
0x16: {  	v26 =	vor.u32 $0x1800, v1;
	v27 =	vor.u32 $0xC1, v0;
	v28 =	vor.u32 $0x1801, v1;
	s26 =	sadd.s32 $0xA0000, s19;
	[dreg:$0x15] =	wrdreg s1;
	(pc) =	sbr.rel .LBB2_1-.Ltmp0, $4  }
0x17: {  	v29 =	vor.u32 $0xC2, v0;
	v30 =	vor.u32 $0x1802, v1;
	v31 =	vor.u32 $0xC3, v0;
	s28 =	sadd.s32 $0xC8000, s19;
	s31 =	sadd.s32 $0xF0000, s19;
	[dreg:$0x17] =	wrdreg s26  }
0x18: {  	v32 =	vor.u32 $0x1803, v1;
	v33 =	vor.u32 $0x100, v0;
	v34 =	vor.u32 $0x2000, v1;
	s18 =	simm.s32 $0x50;
	s24 =	simm.s32 $0x15600;
	[dreg:$0x18] =	wrdreg s28  }
0x19: {  	v35 =	vor.u32 $0x101, v0;
	v36 =	vor.u32 $0x2001, v1;
	v37 =	vor.u32 $0x102, v0;
	[dreg:$0x19] =	wrdreg s31;
	s1 =	simm.s32 $0x1A680;
	s21 =	simm.s32 $0x15280  }
0x1a: {  	v38 =	vor.u32 $0x2002, v1;
	v39 =	vor.u32 $0x103, v0;
	v40 =	vor.u32 $0x2003, v1;
	s22 =	simm.s32 $0x1;
	s23 =	simm.s32 $0x1CE80;
	s26 =	simm.s32 $0x3  }
.LBB2_30:
0x1b: {  	s6 =	rddreg [dreg:$0x1a]  }
0x1c: {  	s2 =	rddreg [dreg:$0x11];
	s6 =	sadd.s32 $0x1, s6  }
0x1d: {  	p3 =	sne.s32 s6, s2  }
.Ltmp1:
0x1e: {  	_ = 	snop;
	(pc) =	sbr.rel @!p3 .LBB2_31-.Ltmp1, $1  }
0x1f: {  	_ =	sdelay $0x3  }
.LBB2_1:
.Ltmp2:
0x20: {  	(pc) =	sbr.rel @!p0 .LBB2_2-.Ltmp2, $2  }
0x21: {  	_ =	sdelay $0x2  }
0x22: {  	[dreg:$0x1a] =	wrdreg s6;
	s2 =	simm.s32 $0x0  }
0x23: {  	s6 =	rddreg [dreg:$0x5];
	s7 =	simm.s32 $0x1FE80  }
0x24: {  	[tilespmem:s7], [sflag:$0x4] =	stream.linear.gather [hbm4b:s6+s2], $0x80, $0x38;
	[tilespmem:$0x1FF00] =	vst v63  }
0x25: {  	_ =	swait.ge [sflag:s3], $0x80  }
0x26: {  	[sflag:s3] =	ssyncset.done $0x0  }
0x27: {  	s2 =	simm.s32 $0x0;
	s6 =	simm.s32 $0x200;
	[sflag:s3] =	ssyncadd.s32 $0xFFFFFF80  }
.LBB2_17:
0x28: {  	p3 =	sne.s32 s6, $0x9E00;
	[tilespmem:s2+$0x1CEF0] =	vst v2  }
0x29: {  	[tilespmem:s2+$0x1A680] =	vst v2  }
0x2a: {  	[tilespmem:s2+$0x1A690] =	vst v2  }
0x2b: {  	[tilespmem:s2+$0x1A6A0] =	vst v2  }
0x2c: {  	[tilespmem:s2+$0x1A6B0] =	vst v2  }
0x2d: {  	[tilespmem:s2+$0x1A6C0] =	vst v2  }
0x2e: {  	[tilespmem:s2+$0x1A6D0] =	vst v2  }
0x2f: {  	[tilespmem:s2+$0x1A6E0] =	vst v2  }
0x30: {  	[tilespmem:s2+$0x1A6F0] =	vst v2  }
0x31: {  	[tilespmem:s2+$0x1CE80] =	vst v2  }
0x32: {  	[tilespmem:s2+$0x1CE90] =	vst v2  }
.Ltmp3:
0x33: {  	[tilespmem:s2+$0x1CEA0] =	vst v2;
	(pc) =	sbr.rel @p3 .LBB2_17-.Ltmp3, $4  }
0x34: {  	[tilespmem:s2+$0x1CEB0] =	vst v2  }
0x35: {  	[tilespmem:s2+$0x1CEC0] =	vst v2  }
0x36: {  	[tilespmem:s2+$0x1CED0] =	vst v2  }
0x37: {  	[tilespmem:s2+$0x1CEE0] =	vst v2;
	s2 =	sshra.s32 s6, $0x2;
	s6 =	sadd.s32 $0x200, s6  }
0x38: {  	[tilespmem:s2+$0x1CEF0] =	vst v2  }
0x39: {  	[tilespmem:s2+$0x1A680] =	vst v2  }
0x3a: {  	[tilespmem:s2+$0x1A690] =	vst v2  }
0x3b: {  	[tilespmem:s2+$0x1A6A0] =	vst v2  }
0x3c: {  	[tilespmem:s2+$0x1A6B0] =	vst v2  }
0x3d: {  	[tilespmem:s2+$0x1A6C0] =	vst v2  }
0x3e: {  	[tilespmem:s2+$0x1A6D0] =	vst v2  }
0x3f: {  	[tilespmem:s2+$0x1A6E0] =	vst v2  }
0x40: {  	[tilespmem:s2+$0x1A6F0] =	vst v2  }
0x41: {  	[tilespmem:s2+$0x1CE80] =	vst v2  }
0x42: {  	[tilespmem:s2+$0x1CE90] =	vst v2  }
0x43: {  	[tilespmem:s2+$0x1CEA0] =	vst v2  }
0x44: {  	[tilespmem:s2+$0x1CEB0] =	vst v2  }
0x45: {  	[tilespmem:s2+$0x1CEC0] =	vst v2  }
0x46: {  	[tilespmem:s2+$0x1CED0] =	vst v2  }
0x47: {  	[tilespmem:s2+$0x1CEE0] =	vst v2;
	s13 =	rddreg [dreg:$0x10]  }
0x48: {  	[spmem:s13] =	stream.linear.scatter [tilespmem:s1], [sflag:$0x4], $0x2800, $0x38;
	[tilespmem:$0x1FF00] =	vst v63  }
0x49: {  	_ =	swait.ge [sflag:s3], $0x2800  }
0x4a: {  	[sflag:s3] =	ssyncset.done $0x0  }
0x4b: {  	s15 =	rddreg [dreg:$0x12];
	[sflag:s3] =	ssyncadd.s32 $0xFFFFD800  }
0x4c: {  	[spmem:s15] =	stream.linear.scatter [tilespmem:s1], [sflag:$0x4], $0x2800, $0x38;
	[tilespmem:$0x1FF00] =	vst v63  }
0x4d: {  	_ =	swait.ge [sflag:s3], $0x2800  }
0x4e: {  	[sflag:s3] =	ssyncset.done $0x0  }
0x4f: {  	s16 =	rddreg [dreg:$0x13];
	[sflag:s3] =	ssyncadd.s32 $0xFFFFD800  }
0x50: {  	[spmem:s16] =	stream.linear.scatter [tilespmem:s1], [sflag:$0x4], $0x2800, $0x38;
	[tilespmem:$0x1FF00] =	vst v63  }
0x51: {  	_ =	swait.ge [sflag:s3], $0x2800  }
0x52: {  	[sflag:s3] =	ssyncset.done $0x0  }
0x53: {  	s17 =	rddreg [dreg:$0x14];
	[sflag:s3] =	ssyncadd.s32 $0xFFFFD800  }
0x54: {  	[spmem:s17] =	stream.linear.scatter [tilespmem:s1], [sflag:$0x4], $0x2800, $0x38;
	[tilespmem:$0x1FF00] =	vst v63  }
0x55: {  	_ =	swait.ge [sflag:s3], $0x2800  }
0x56: {  	[sflag:s3] =	ssyncset.done $0x0  }
0x57: {  	s19 =	rddreg [dreg:$0x17];
	[sflag:s3] =	ssyncadd.s32 $0xFFFFD800  }
0x58: {  	[spmem:s19] =	stream.linear.scatter [tilespmem:s1], [sflag:$0x4], $0x2800, $0x38;
	[tilespmem:$0x1FF00] =	vst v63  }
0x59: {  	_ =	swait.ge [sflag:s3], $0x2800  }
0x5a: {  	[sflag:s3] =	ssyncset.done $0x0  }
0x5b: {  	s20 =	rddreg [dreg:$0x18];
	[sflag:s3] =	ssyncadd.s32 $0xFFFFD800  }
0x5c: {  	[spmem:s20] =	stream.linear.scatter [tilespmem:s1], [sflag:$0x4], $0x2800, $0x38;
	[tilespmem:$0x1FF00] =	vst v63  }
0x5d: {  	_ =	swait.ge [sflag:s3], $0x2800  }
0x5e: {  	[sflag:s3] =	ssyncset.done $0x0  }
0x5f: {  	s31 =	rddreg [dreg:$0x19];
	[sflag:s3] =	ssyncadd.s32 $0xFFFFD800  }
0x60: {  	[spmem:s31] =	stream.linear.scatter [tilespmem:s1], [sflag:$0x4], $0x2800, $0x38;
	[tilespmem:$0x1FF00] =	vst v63  }
0x61: {  	_ =	swait.ge [sflag:s3], $0x2800  }
0x62: {  	[sflag:s3] =	ssyncset.done $0x0  }
0x63: {  	s2 =	simm.s32 @!p1 $0x1A680;
	s6 =	rddreg [dreg:$0x15];
	[sflag:s3] =	ssyncadd.s32 $0xFFFFD800  }
0x64: {  	[spmem:s6] =	stream.linear.scatter @!p1 [tilespmem:s2], [sflag:$0x4], $0x2800, $0x38;
	[tilespmem:$0x1FF00] =	vst v63  }
0x65: {  	s2 =	simm.s32 @!p1 $0x4  }
0x66: {  	_ =	swait.ge @!p1 [sflag:s2], $0x2800  }
0x67: {  	[sflag:s2] =	ssyncset.done @!p1 $0x0  }
0x68: {  	s6 =	rddreg [dreg:$0xf];
	[sflag:s2] =	ssyncadd.s32 @!p1 $0xFFFFD800;
	s2 =	simm.s32 @!p2 $0x1A680  }
0x69: {  	[spmem:s6] =	stream.linear.scatter @!p2 [tilespmem:s2], [sflag:$0x4], $0x2800, $0x38;
	[tilespmem:$0x1FF00] =	vst v63  }
0x6a: {  	s2 =	simm.s32 @!p2 $0x4  }
0x6b: {  	_ =	swait.ge @!p2 [sflag:s2], $0x2800  }
0x6c: {  	[sflag:s2] =	ssyncset.done @!p2 $0x0  }
0x6d: {  	[sflag:s2] =	ssyncadd.s32 @!p2 $0xFFFFD800  }
0x6e: {  	s28 =	simm.s32 $0x0;
	s19 =	simm.s32 $0x0;
	[bflag:$0x0] =	sbarrier.arrive $0xFFFF  }
.LBB2_19:
0x6f: {  	s2 =	smul.u32 $0x7D0, s19  }
0x70: {  	s6 =	rddreg [dreg:$0xe]  }
0x71: {  	s2 =	sadd.s32 s6, s2  }
0x72: {  	s7 =	rddreg [dreg:$0x6];
	s6 =	sshrl.u32 s2, $0x3  }
0x73: {  	s7 =	sadd.s32 s7, s6  }
0x74: {  	[tilespmem:s5], [sflag:$0x4] =	stream.linear.gather [hbm4b:s7+s28], $0x7D0, $0x38;
	[tilespmem:$0x1FF00] =	vst v63  }
0x75: {  	_ =	swait.ge [sflag:s3], $0x7D0  }
0x76: {  	[sflag:s3] =	ssyncset.done $0x0  }
0x77: {  	[sflag:s3] =	ssyncadd.s32 $0xFFFFF830  }
0x78: {  	s16 =	rddreg [dreg:$0x7]  }
0x79: {  	s17 =	simm.s32 $0x14A80;
	s6 =	sadd.s32 s16, s6  }
0x7a: {  	[tilespmem:s17], [sflag:$0x4] =	stream.linear.gather [hbm4b:s6+s28], $0x7D0, $0x38;
	[tilespmem:$0x1FF00] =	vst v63  }
0x7b: {  	_ =	swait.ge [sflag:s3], $0x7D0  }
0x7c: {  	[sflag:s3] =	ssyncset.done $0x0  }
0x7d: {  	s20 =	simm.s32 $0x15680;
	s31 =	sshrl.u32 s2, $0x1;
	[sflag:s3] =	ssyncadd.s32 $0xFFFFF830  }
0x7e: {  	[tilespmem:s20], [sflag:$0x1] =	stream.indirect.gather [hbm4b:s4+s18], $0x80, s5, s18, $0xb8;
	[tilespmem:$0x1FF00] =	vst v63  }
0x7f: {  	p3 =	por $0x0, $0x0;
	s6 =	sadd.s32 s14, s31  }
0x80: {  	[tilespmem:s21], [sflag:$0x1] =	stream.linear.gather [hbm4b:s6+s28], $0x140, $0x38;
	[tilespmem:$0x1FF00] =	vst v63  }
0x81: {  	s2 =	sshll.u32 s2, $0x2;
	s7 =	simm.s32 $0x0;
	s6 =	smul.u32 $0x19, s19  }
.LBB2_20:
0x82: {  	s12 =	smov.u32 s7;
	s13 =	sand.u32 $0x1, s7  }
0x83: {  	_ =	swait.ge [sflag:s22], $0x2800;
	p4 =	seq.s32 s7, $0x18;
	s7 =	sadd.s32 $0x1, s7  }
0x84: {  	[sflag:s22] =	ssyncset.done $0x0;
	s10 =	sxor.u32 @!p4 $0x1, s13;
	s16 =	smul.u32 @!p4 $0x140, s7  }
0x85: {  	[sflag:s22] =	ssyncadd.s32 $0xFFFFD800;
	s15 =	smul.u32 @!p4 $0xA000, s10  }
0x86: {  	s20 =	simm.s32 @!p4 $0x50;
	s10 =	smul.u32 @!p4 $0x500, s10;
	_ =	swait.ge [sflag:s22], $0x140  }
0x87: {  	s17 =	sshra.s32 @!p4 s16, $0x2;
	[sflag:s22] =	ssyncset.done $0x0;
	s15 =	sshrl.u32 @!p4 s15, $0x2  }
0x88: {  	s17 =	sadd.s32 @!p4 $0x14280, s17;
	[sflag:s22] =	ssyncadd.s32 $0xFFFFFEC0;
	s15 =	sadd.s32 @!p4 $0x15680, s15  }
0x89: {  	[tilespmem:s15], [sflag:$0x1] =	stream.indirect.gather @!p4 [hbm4b:s4+s20], $0x80, s17, s20, $0xb8;
	[tilespmem:$0x1FF00] =	vst v63  }
0x8a: {  	s10 =	sshrl.u32 @!p4 s10, $0x2;
	s15 =	sadd.s32 @!p4 s2, s16  }
0x8b: {  	s10 =	sadd.s32 @!p4 $0x15280, s10;
	s15 =	sshrl.u32 @!p4 s15, $0x3  }
0x8c: {  	s16 =	simm.s32 @!p4 $0x0;
	s20 =	smul.u32 $0x140, s12;
	s15 =	sadd.s32 @!p4 s14, s15  }
0x8d: {  	[tilespmem:s10], [sflag:$0x1] =	stream.linear.gather @!p4 [hbm4b:s15+s16], $0x140, $0x38;
	[tilespmem:$0x1FF00] =	vst v63  }
0x8e: {  	s10 =	sshra.s32 s20, $0x2  }
0x8f: {  	s15 =	smul.u32 $0x140, s13;
	v41 =	vld [tilespmem:s10+$0x14A80];
	_ =	sdelay $0x1  }
0x90: {  	v42 =	vor.u32 s15, v0;
	_ =	sdelay $0x1  }
0x91: {  	s16 =	sshll.u32 s13, $0x7  }
0x92: {  	[tilespmem:s16+$0x15500] =	vst v41;
	v43 =	vshra.s32 v41, $0x5;
	v41 =	vshll.u32 v41, $0x2  }
0x93: {  	[tilespmem:$0x15600] =	vst v43;
	v41 =	vand.u32 $0x7C, v41  }
0x94: {  	v42 =	vld.idx.msk [tilespmem:v42+s21+$0x0], $0xffff;
	v51 =	vor.u32 v1, v41  }
0x95: {  	v44 =	vor.u32 s15, v3;
	_ =	sdelay $0x3  }
0x96: {  	[tilespmem:v51+s23+$0x0] =	vst.idx.msk $0xffff, v42  }
0x97: {  	v52 =	vor.u32 v4, v41;
	v42 =	vld.idx.msk [tilespmem:v44+s21+$0x0], $0xffff  }
0x98: {  	v53 =	vor.u32 s15, v5;
	_ =	sdelay $0x3  }
0x99: {  	[tilespmem:v52+s23+$0x0] =	vst.idx.msk $0xffff, v42  }
0x9a: {  	v54 =	vor.u32 v6, v41;
	v42 =	vld.idx.msk [tilespmem:v53+s21+$0x0], $0xffff  }
0x9b: {  	v55 =	vor.u32 s15, v7;
	_ =	sdelay $0x3  }
0x9c: {  	[tilespmem:v54+s23+$0x0] =	vst.idx.msk $0xffff, v42  }
0x9d: {  	v41 =	vor.u32 v8, v41;
	v42 =	vld.idx.msk [tilespmem:v55+s21+$0x0], $0xffff;
	_ =	sdelay $0x4  }
0x9e: {  	[tilespmem:v41+s23+$0x0] =	vst.idx.msk $0xffff, v42  }
0x9f: {  	v41 =	vld [tilespmem:s10+$0x14A90];
	_ =	sdelay $0x1  }
0xa0: {  	v56 =	vadd.s32 s15, v9;
	_ =	sdelay $0x2  }
0xa1: {  	[tilespmem:s16+$0x15510] =	vst v41;
	v57 =	vshra.s32 v41, $0x5;
	v41 =	vshll.u32 v41, $0x2  }
0xa2: {  	[tilespmem:$0x15610] =	vst v57;
	v41 =	vand.u32 $0x7C, v41  }
0xa3: {  	v42 =	vld.idx.msk [tilespmem:v56+s21+$0x0], $0xffff;
	v58 =	vor.u32 v10, v41  }
0xa4: {  	v59 =	vadd.s32 s15, v11;
	_ =	sdelay $0x3  }
0xa5: {  	[tilespmem:v58+s23+$0x0] =	vst.idx.msk $0xffff, v42  }
0xa6: {  	v60 =	vor.u32 v12, v41;
	v42 =	vld.idx.msk [tilespmem:v59+s21+$0x0], $0xffff  }
0xa7: {  	v61 =	vadd.s32 s15, v13;
	_ =	sdelay $0x3  }
0xa8: {  	[tilespmem:v60+s23+$0x0] =	vst.idx.msk $0xffff, v42  }
0xa9: {  	v62 =	vor.u32 v14, v41;
	v42 =	vld.idx.msk [tilespmem:v61+s21+$0x0], $0xffff  }
0xaa: {  	v63 =	vadd.s32 s15, v15;
	_ =	sdelay $0x3  }
0xab: {  	[tilespmem:v62+s23+$0x0] =	vst.idx.msk $0xffff, v42  }
0xac: {  	v41 =	vor.u32 v16, v41;
	v42 =	vld.idx.msk [tilespmem:v63+s21+$0x0], $0xffff;
	_ =	sdelay $0x4  }
0xad: {  	[tilespmem:v41+s23+$0x0] =	vst.idx.msk $0xffff, v42  }
0xae: {  	v41 =	vld [tilespmem:s10+$0x14AA0];
	_ =	sdelay $0x1  }
0xaf: {  	v48 =	vadd.s32 s15, v17;
	_ =	sdelay $0x2  }
0xb0: {  	[tilespmem:s16+$0x15520] =	vst v41;
	v49 =	vshra.s32 v41, $0x5;
	v41 =	vshll.u32 v41, $0x2  }
0xb1: {  	[tilespmem:$0x15620] =	vst v49;
	v41 =	vand.u32 $0x7C, v41  }
0xb2: {  	v42 =	vld.idx.msk [tilespmem:v48+s21+$0x0], $0xffff;
	v50 =	vor.u32 v18, v41  }
0xb3: {  	v51 =	vadd.s32 s15, v19;
	_ =	sdelay $0x3  }
0xb4: {  	[tilespmem:v50+s23+$0x0] =	vst.idx.msk $0xffff, v42  }
0xb5: {  	v52 =	vor.u32 v20, v41;
	v42 =	vld.idx.msk [tilespmem:v51+s21+$0x0], $0xffff  }
0xb6: {  	v53 =	vadd.s32 s15, v21;
	_ =	sdelay $0x3  }
0xb7: {  	[tilespmem:v52+s23+$0x0] =	vst.idx.msk $0xffff, v42  }
0xb8: {  	v54 =	vor.u32 v22, v41;
	v42 =	vld.idx.msk [tilespmem:v53+s21+$0x0], $0xffff  }
0xb9: {  	v55 =	vadd.s32 s15, v23;
	_ =	sdelay $0x3  }
0xba: {  	[tilespmem:v54+s23+$0x0] =	vst.idx.msk $0xffff, v42  }
0xbb: {  	v41 =	vor.u32 v24, v41;
	v42 =	vld.idx.msk [tilespmem:v55+s21+$0x0], $0xffff;
	_ =	sdelay $0x4  }
0xbc: {  	[tilespmem:v41+s23+$0x0] =	vst.idx.msk $0xffff, v42  }
0xbd: {  	v41 =	vld [tilespmem:s10+$0x14AB0];
	_ =	sdelay $0x1  }
0xbe: {  	v56 =	vadd.s32 s15, v25;
	_ =	sdelay $0x2  }
0xbf: {  	[tilespmem:s16+$0x15530] =	vst v41;
	v57 =	vshra.s32 v41, $0x5;
	v41 =	vshll.u32 v41, $0x2  }
0xc0: {  	[tilespmem:$0x15630] =	vst v57;
	v41 =	vand.u32 $0x7C, v41  }
0xc1: {  	v42 =	vld.idx.msk [tilespmem:v56+s21+$0x0], $0xffff;
	v58 =	vor.u32 v26, v41  }
0xc2: {  	v59 =	vadd.s32 s15, v27;
	_ =	sdelay $0x3  }
0xc3: {  	[tilespmem:v58+s23+$0x0] =	vst.idx.msk $0xffff, v42  }
0xc4: {  	v60 =	vor.u32 v28, v41;
	v42 =	vld.idx.msk [tilespmem:v59+s21+$0x0], $0xffff  }
0xc5: {  	v61 =	vadd.s32 s15, v29;
	_ =	sdelay $0x3  }
0xc6: {  	[tilespmem:v60+s23+$0x0] =	vst.idx.msk $0xffff, v42  }
0xc7: {  	v62 =	vor.u32 v30, v41;
	v42 =	vld.idx.msk [tilespmem:v61+s21+$0x0], $0xffff  }
0xc8: {  	v63 =	vadd.s32 s15, v31;
	_ =	sdelay $0x3  }
0xc9: {  	[tilespmem:v62+s23+$0x0] =	vst.idx.msk $0xffff, v42  }
0xca: {  	v41 =	vor.u32 v32, v41;
	v42 =	vld.idx.msk [tilespmem:v63+s21+$0x0], $0xffff;
	_ =	sdelay $0x4  }
0xcb: {  	[tilespmem:v41+s23+$0x0] =	vst.idx.msk $0xffff, v42  }
0xcc: {  	v41 =	vld [tilespmem:s10+$0x14AC0];
	_ =	sdelay $0x1  }
0xcd: {  	v48 =	vadd.s32 s15, v33;
	_ =	sdelay $0x2  }
0xce: {  	[tilespmem:s16+$0x15540] =	vst v41;
	v49 =	vshra.s32 v41, $0x5;
	v41 =	vshll.u32 v41, $0x2  }
0xcf: {  	[tilespmem:$0x15640] =	vst v49;
	v41 =	vand.u32 $0x7C, v41  }
0xd0: {  	v42 =	vld.idx.msk [tilespmem:v48+s21+$0x0], $0xffff;
	v50 =	vor.u32 v34, v41  }
0xd1: {  	v51 =	vadd.s32 s15, v35;
	_ =	sdelay $0x3  }
0xd2: {  	[tilespmem:v50+s23+$0x0] =	vst.idx.msk $0xffff, v42  }
0xd3: {  	v52 =	vor.u32 v36, v41;
	v42 =	vld.idx.msk [tilespmem:v51+s21+$0x0], $0xffff  }
0xd4: {  	v53 =	vadd.s32 s15, v37;
	_ =	sdelay $0x3  }
0xd5: {  	[tilespmem:v52+s23+$0x0] =	vst.idx.msk $0xffff, v42  }
0xd6: {  	v54 =	vor.u32 v38, v41;
	v42 =	vld.idx.msk [tilespmem:v53+s21+$0x0], $0xffff  }
0xd7: {  	v55 =	vadd.s32 s15, v39;
	_ =	sdelay $0x3  }
0xd8: {  	[tilespmem:v54+s23+$0x0] =	vst.idx.msk $0xffff, v42  }
0xd9: {  	v41 =	vor.u32 v40, v41;
	v42 =	vld.idx.msk [tilespmem:v55+s21+$0x0], $0xffff;
	_ =	sdelay $0x1  }
0xda: {  	s17 =	sadd.s32 $0x3, s15  }
0xdb: {  	s20 =	sadd.s32 $0xFFFFFFFD, s17  }
0xdc: {  	s12 =	sor.u32 s6, s12;
	s13 =	simm.s32 $0x1;
	v56 =	vmov s20  }
0xdd: {  	p4 =	seq.s32 s12, $0x0;
	s13 =	simm.s32 @!p3 $0x0;
	[tilespmem:v41+s23+$0x0] =	vst.idx.msk $0xffff, v42;
	v41 =	vand.u32 $0xFFFFFFFC, v56  }
0xde: {  	s12 =	simm.s32 @!p4 $0x2;
	s13 =	smul.u32 $0xA000, s13;
	v41 =	vbroadcast v41, $0x0  }
0xdf: {  	[spmem:s9] =	stream.indirect.scatter.add.f32 [tilespmem:s23], [sflag:$0x3], $0x80, s24, s18, $0xb8;
	[tilespmem:$0x1FF00] =	vst v63  }
0xe0: {  	_ =	swait.ge @!p4 [sflag:s12], $0x2800  }
0xe1: {  	s13 =	sshrl.u32 s13, $0x2;
	[sflag:s12] =	ssyncset.done @!p4 $0x0  }
0xe2: {  	s13 =	sadd.s32 $0x156C0, s13;
	[sflag:s12] =	ssyncadd.s32 @!p4 $0xFFFFD800  }
0xe3: {  	v57 =	vld [tilespmem:s13+$0xFFFFFFC0]  }
0xe4: {  	v41 =	vld.idx.msk [tilespmem:v41+s21+$0x0], $0xffff;
	_ =	sdelay $0x4  }
0xe5: {  	v42 =	vmul.f32 v57, v41  }
0xe6: {  	s12 =	simm.s32 $0x1A6C0  }
0xe7: {  	s20 =	sadd.s32 $0xFFFFFFFE, s17;
	[tilespmem:s12+$0xFFFFFFC0] =	vst v42  }
0xe8: {  	v58 =	vmov s20;
	v42 =	vld [tilespmem:s13+$0xFFFFFFD0]  }
0xe9: {  	v43 =	vand.u32 $0xFFFFFFFD, v58  }
0xea: {  	v43 =	vbroadcast v43, $0x0;
	_ =	sdelay $0x2  }
0xeb: {  	v41 =	vmul.f32 v42, v41;
	_ =	sdelay $0x1  }
0xec: {  	[tilespmem:s12+$0xFFFFFFD0] =	vst v41  }
0xed: {  	v41 =	vld.idx.msk [tilespmem:v43+s21+$0x0], $0xffff  }
0xee: {  	v59 =	vld [tilespmem:s13+$0xFFFFFFE0];
	_ =	sdelay $0x4  }
0xef: {  	v42 =	vmul.f32 v59, v41;
	_ =	sdelay $0x1  }
0xf0: {  	s20 =	sadd.s32 $0xFFFFFFFF, s17;
	[tilespmem:s12+$0xFFFFFFE0] =	vst v42  }
0xf1: {  	v60 =	vmov s20;
	v42 =	vld [tilespmem:s13+$0xFFFFFFF0]  }
0xf2: {  	v43 =	vand.u32 $0xFFFFFFFE, v60  }
0xf3: {  	v43 =	vbroadcast v43, $0x0;
	_ =	sdelay $0x2  }
0xf4: {  	v41 =	vmul.f32 v42, v41;
	_ =	sdelay $0x1  }
0xf5: {  	[tilespmem:s12+$0xFFFFFFF0] =	vst v41  }
0xf6: {  	v41 =	vld.idx.msk [tilespmem:v43+s21+$0x0], $0xffff  }
0xf7: {  	v61 =	vld [tilespmem:s13+$0x0];
	_ =	sdelay $0x4  }
0xf8: {  	v42 =	vmul.f32 v61, v41;
	_ =	sdelay $0x1  }
0xf9: {  	[tilespmem:s12+$0x0] =	vst v42  }
0xfa: {  	v42 =	vld [tilespmem:s13+$0x10];
	_ =	sdelay $0x2  }
0xfb: {  	v62 =	vmov s17;
	_ =	sdelay $0x1  }
0xfc: {  	v41 =	vmul.f32 v42, v41;
	_ =	sdelay $0x1  }
0xfd: {  	[tilespmem:s12+$0x10] =	vst v41  }
0xfe: {  	v41 =	vld.idx.msk [tilespmem:v62+s21+$0x0], $0xffff  }
0xff: {  	v63 =	vld [tilespmem:s13+$0x20];
	_ =	sdelay $0x4  }
0x100: {  	v42 =	vmul.f32 v63, v41  }
0x101: {  	s31 =	sadd.s32 $0x7, s15;
	s20 =	simm.s32 $0xB;
	s16 =	sor.u32 $0x15500, s16  }
.LBB2_21:
0x102: {  	p4 =	sne.s32 s20, $0x13F;
	s17 =	sadd.s32 $0xFFFFFFFD, s31;
	[tilespmem:s12+$0x20] =	vst v42  }
0x103: {  	v42 =	vmov s17;
	v43 =	vld [tilespmem:s13+$0x30]  }
0x104: {  	v42 =	vand.u32 $0xFFFFFFFC, v42  }
0x105: {  	v42 =	vbroadcast v42, $0x0;
	_ =	sdelay $0x2  }
0x106: {  	v41 =	vmul.f32 v43, v41;
	_ =	sdelay $0x1  }
0x107: {  	[tilespmem:s12+$0x30] =	vst v41  }
0x108: {  	s13 =	sadd.s32 $0x80, s13;
	v41 =	vld.idx.msk [tilespmem:v42+s21+$0x0], $0xffff  }
0x109: {  	v42 =	vld [tilespmem:s13+$0xFFFFFFC0];
	_ =	sdelay $0x4  }
0x10a: {  	v42 =	vmul.f32 v42, v41  }
0x10b: {  	s12 =	sadd.s32 $0x80, s12  }
0x10c: {  	s17 =	sadd.s32 $0xFFFFFFFE, s31;
	[tilespmem:s12+$0xFFFFFFC0] =	vst v42  }
0x10d: {  	v43 =	vmov s17;
	v42 =	vld [tilespmem:s13+$0xFFFFFFD0]  }
0x10e: {  	v43 =	vand.u32 $0xFFFFFFFD, v43  }
0x10f: {  	v43 =	vbroadcast v43, $0x0;
	_ =	sdelay $0x2  }
0x110: {  	v41 =	vmul.f32 v42, v41;
	_ =	sdelay $0x1  }
0x111: {  	[tilespmem:s12+$0xFFFFFFD0] =	vst v41  }
0x112: {  	v41 =	vld.idx.msk [tilespmem:v43+s21+$0x0], $0xffff  }
0x113: {  	v42 =	vld [tilespmem:s13+$0xFFFFFFE0];
	_ =	sdelay $0x4  }
0x114: {  	v42 =	vmul.f32 v42, v41;
	_ =	sdelay $0x1  }
0x115: {  	s17 =	sadd.s32 $0xFFFFFFFF, s31;
	[tilespmem:s12+$0xFFFFFFE0] =	vst v42  }
0x116: {  	v43 =	vmov s17;
	v42 =	vld [tilespmem:s13+$0xFFFFFFF0]  }
0x117: {  	v43 =	vand.u32 $0xFFFFFFFE, v43  }
0x118: {  	v43 =	vbroadcast v43, $0x0;
	_ =	sdelay $0x2  }
0x119: {  	v41 =	vmul.f32 v42, v41;
	_ =	sdelay $0x1  }
0x11a: {  	[tilespmem:s12+$0xFFFFFFF0] =	vst v41  }
0x11b: {  	v41 =	vld.idx.msk [tilespmem:v43+s21+$0x0], $0xffff  }
0x11c: {  	v42 =	vld [tilespmem:s13+$0x0];
	_ =	sdelay $0x4  }
0x11d: {  	v42 =	vmul.f32 v42, v41;
	_ =	sdelay $0x1  }
0x11e: {  	[tilespmem:s12+$0x0] =	vst v42  }
0x11f: {  	v42 =	vld [tilespmem:s13+$0x10];
	_ =	sdelay $0x2  }
0x120: {  	v43 =	vmov s31;
	_ =	sdelay $0x1  }
0x121: {  	v41 =	vmul.f32 v42, v41;
	_ =	sdelay $0x1  }
0x122: {  	[tilespmem:s12+$0x10] =	vst v41  }
0x123: {  	v41 =	vld.idx.msk [tilespmem:v43+s21+$0x0], $0xffff  }
0x124: {  	v42 =	vld [tilespmem:s13+$0x20];
	_ =	sdelay $0x1  }
.Ltmp4:
0x125: {  	(pc) =	sbr.rel @p4 .LBB2_21-.Ltmp4, $3  }
0x126: {  	_ =	sdelay $0x1  }
0x127: {  	v42 =	vmul.f32 v42, v41  }
0x128: {  	s31 =	sadd.s32 s15, s20;
	s20 =	sadd.s32 $0x4, s20  }
0x129: {  	s15 =	sadd.s32 $0xFFFFFFFD, s31;
	[tilespmem:s12+$0x20] =	vst v42  }
0x12a: {  	v60 =	vmov s15;
	v43 =	vld [tilespmem:s13+$0x30]  }
0x12b: {  	v42 =	vand.u32 $0xFFFFFFFC, v60  }
0x12c: {  	v42 =	vbroadcast v42, $0x0;
	_ =	sdelay $0x2  }
0x12d: {  	v41 =	vmul.f32 v43, v41;
	_ =	sdelay $0x1  }
0x12e: {  	[tilespmem:s12+$0x30] =	vst v41  }
0x12f: {  	s13 =	sadd.s32 $0x80, s13;
	v41 =	vld.idx.msk [tilespmem:v42+s21+$0x0], $0xffff  }
0x130: {  	v61 =	vld [tilespmem:s13+$0xFFFFFFC0];
	_ =	sdelay $0x4  }
0x131: {  	v42 =	vmul.f32 v61, v41  }
0x132: {  	s12 =	sadd.s32 $0x80, s12  }
0x133: {  	s17 =	sadd.s32 $0xFFFFFFFE, s31;
	[tilespmem:s12+$0xFFFFFFC0] =	vst v42  }
0x134: {  	v62 =	vmov s17;
	v42 =	vld [tilespmem:s13+$0xFFFFFFD0]  }
0x135: {  	v43 =	vand.u32 $0xFFFFFFFD, v62  }
0x136: {  	v43 =	vbroadcast v43, $0x0;
	_ =	sdelay $0x2  }
0x137: {  	v41 =	vmul.f32 v42, v41;
	_ =	sdelay $0x1  }
0x138: {  	[tilespmem:s12+$0xFFFFFFD0] =	vst v41  }
0x139: {  	v41 =	vld.idx.msk [tilespmem:v43+s21+$0x0], $0xffff  }
0x13a: {  	v63 =	vld [tilespmem:s13+$0xFFFFFFE0];
	_ =	sdelay $0x4  }
0x13b: {  	v42 =	vmul.f32 v63, v41;
	_ =	sdelay $0x1  }
0x13c: {  	s20 =	sadd.s32 $0xFFFFFFFF, s31;
	[tilespmem:s12+$0xFFFFFFE0] =	vst v42  }
0x13d: {  	v45 =	vmov s20;
	v42 =	vld [tilespmem:s13+$0xFFFFFFF0]  }
0x13e: {  	v43 =	vand.u32 $0xFFFFFFFE, v45  }
0x13f: {  	v43 =	vbroadcast v43, $0x0;
	_ =	sdelay $0x2  }
0x140: {  	v41 =	vmul.f32 v42, v41;
	_ =	sdelay $0x1  }
0x141: {  	[tilespmem:s12+$0xFFFFFFF0] =	vst v41  }
0x142: {  	v41 =	vld.idx.msk [tilespmem:v43+s21+$0x0], $0xffff  }
0x143: {  	v46 =	vld [tilespmem:s13+$0x0];
	_ =	sdelay $0x4  }
0x144: {  	v42 =	vmul.f32 v46, v41;
	_ =	sdelay $0x1  }
0x145: {  	[tilespmem:s12+$0x0] =	vst v42  }
0x146: {  	v42 =	vld [tilespmem:s13+$0x10];
	_ =	sdelay $0x2  }
0x147: {  	v47 =	vmov s31;
	_ =	sdelay $0x1  }
0x148: {  	v41 =	vmul.f32 v42, v41;
	_ =	sdelay $0x1  }
0x149: {  	[tilespmem:s12+$0x10] =	vst v41  }
0x14a: {  	v41 =	vld.idx.msk [tilespmem:v47+s21+$0x0], $0xffff  }
0x14b: {  	v48 =	vld [tilespmem:s13+$0x20];
	_ =	sdelay $0x4  }
0x14c: {  	v42 =	vmul.f32 v48, v41;
	_ =	sdelay $0x1  }
0x14d: {  	[tilespmem:s12+$0x20] =	vst v42  }
0x14e: {  	v42 =	vld [tilespmem:s13+$0x30];
	_ =	sdelay $0x4  }
0x14f: {  	v41 =	vmul.f32 v42, v41;
	_ =	sdelay $0x1  }
0x150: {  	[tilespmem:s12+$0x30] =	vst v41  }
0x151: {  	[spmem:s8] =	stream.indirect.scatter.add.f32 [tilespmem:s1], [sflag:$0x2], $0x80, s16, s18, $0xb8;
	[tilespmem:$0x1FF00] =	vst v63  }
0x152: {  	_ =	swait.ge [sflag:s26], $0x2800  }
0x153: {  	[sflag:s26] =	ssyncset.done $0x0  }
0x154: {  	[sflag:s26] =	ssyncadd.s32 $0xFFFFD800  }
0x155: {  	v49 =	vld [tilespmem:s10+$0x14A80];
	_ =	sdelay $0x4  }
0x156: {  	v41 =	vshll.u32 v49, $0x2  }
0x157: {  	v41 =	vand.u32 $0x7C, v41  }
0x158: {  	v50 =	vor.u32 v1, v41  }
0x159: {  	v51 =	vor.u32 v4, v41  }
0x15a: {  	v44 =	vor.u32 v6, v41  }
0x15b: {  	v41 =	vor.u32 v8, v41;
	_ =	sdelay $0x1  }
0x15c: {  	[tilespmem:v50+s23+$0x0] =	vst.idx.msk $0xffff, v2  }
0x15d: {  	[tilespmem:v51+s23+$0x0] =	vst.idx.msk $0xffff, v2  }
0x15e: {  	[tilespmem:v44+s23+$0x0] =	vst.idx.msk $0xffff, v2  }
0x15f: {  	[tilespmem:v41+s23+$0x0] =	vst.idx.msk $0xffff, v2  }
0x160: {  	v41 =	vld [tilespmem:s10+$0x14A90];
	_ =	sdelay $0x4  }
0x161: {  	v41 =	vshll.u32 v41, $0x2  }
0x162: {  	v41 =	vand.u32 $0x7C, v41  }
0x163: {  	v52 =	vor.u32 v10, v41  }
0x164: {  	v53 =	vor.u32 v12, v41  }
0x165: {  	v54 =	vor.u32 v14, v41  }
0x166: {  	v41 =	vor.u32 v16, v41;
	_ =	sdelay $0x1  }
0x167: {  	[tilespmem:v52+s23+$0x0] =	vst.idx.msk $0xffff, v2  }
0x168: {  	[tilespmem:v53+s23+$0x0] =	vst.idx.msk $0xffff, v2  }
0x169: {  	[tilespmem:v54+s23+$0x0] =	vst.idx.msk $0xffff, v2  }
0x16a: {  	[tilespmem:v41+s23+$0x0] =	vst.idx.msk $0xffff, v2  }
0x16b: {  	v41 =	vld [tilespmem:s10+$0x14AA0];
	_ =	sdelay $0x4  }
0x16c: {  	v41 =	vshll.u32 v41, $0x2  }
0x16d: {  	v41 =	vand.u32 $0x7C, v41  }
0x16e: {  	v55 =	vor.u32 v18, v41  }
0x16f: {  	v56 =	vor.u32 v20, v41  }
0x170: {  	v57 =	vor.u32 v22, v41  }
0x171: {  	v41 =	vor.u32 v24, v41;
	_ =	sdelay $0x1  }
0x172: {  	[tilespmem:v55+s23+$0x0] =	vst.idx.msk $0xffff, v2  }
0x173: {  	[tilespmem:v56+s23+$0x0] =	vst.idx.msk $0xffff, v2  }
0x174: {  	[tilespmem:v57+s23+$0x0] =	vst.idx.msk $0xffff, v2  }
0x175: {  	[tilespmem:v41+s23+$0x0] =	vst.idx.msk $0xffff, v2  }
0x176: {  	v41 =	vld [tilespmem:s10+$0x14AB0];
	_ =	sdelay $0x4  }
0x177: {  	v41 =	vshll.u32 v41, $0x2  }
0x178: {  	v41 =	vand.u32 $0x7C, v41  }
0x179: {  	v58 =	vor.u32 v26, v41  }
0x17a: {  	v59 =	vor.u32 v28, v41  }
0x17b: {  	v60 =	vor.u32 v30, v41  }
0x17c: {  	v41 =	vor.u32 v32, v41;
	_ =	sdelay $0x1  }
0x17d: {  	[tilespmem:v58+s23+$0x0] =	vst.idx.msk $0xffff, v2  }
0x17e: {  	[tilespmem:v59+s23+$0x0] =	vst.idx.msk $0xffff, v2  }
0x17f: {  	[tilespmem:v60+s23+$0x0] =	vst.idx.msk $0xffff, v2  }
0x180: {  	[tilespmem:v41+s23+$0x0] =	vst.idx.msk $0xffff, v2  }
0x181: {  	v41 =	vld [tilespmem:s10+$0x14AC0];
	_ =	sdelay $0x4  }
0x182: {  	v41 =	vshll.u32 v41, $0x2  }
0x183: {  	v41 =	vand.u32 $0x7C, v41  }
0x184: {  	v61 =	vor.u32 v34, v41  }
0x185: {  	v62 =	vor.u32 v36, v41  }
0x186: {  	v63 =	vor.u32 v38, v41  }
0x187: {  	p4 =	sne.s32 s7, $0x19;
	v41 =	vor.u32 v40, v41  }
.Ltmp5:
0x188: {  	_ = 	snop;
	(pc) =	sbr.rel @p4 .LBB2_20-.Ltmp5, $4  }
0x189: {  	[tilespmem:v61+s23+$0x0] =	vst.idx.msk $0xffff, v2  }
0x18a: {  	[tilespmem:v62+s23+$0x0] =	vst.idx.msk $0xffff, v2  }
0x18b: {  	[tilespmem:v63+s23+$0x0] =	vst.idx.msk $0xffff, v2  }
0x18c: {  	p3 =	por !p3, !p3;
	[tilespmem:v41+s23+$0x0] =	vst.idx.msk $0xffff, v2  }
0x18d: {  	s19 =	sadd.s32 $0x1, s19  }
0x18e: {  	p3 =	sne.s32 s19, $0x5  }
.Ltmp6:
0x18f: {  	_ = 	snop;
	(pc) =	sbr.rel @p3 .LBB2_19-.Ltmp6, $1  }
0x190: {  	_ =	sdelay $0x3  }
0x191: {  	s2 =	simm.s32 $0x2  }
.Ltmp7:
0x192: {  	_ =	swait.ge [sflag:s2], $0x2800;
	(pc) =	sbr.rel .LBB2_25-.Ltmp7, $4  }
0x193: {  	[sflag:s2] =	ssyncset.done $0x0  }
0x194: {  	[sflag:s2] =	ssyncadd.s32 $0xFFFFD800  }
0x195: {  	s17 =	simm.s32 $0x0;
	[bflag:$0x0] =	sbarrier.arrive $0xFFFF  }
0x196: {  	s31 =	stileid.u32;
	s2 =	simm.s32 $0x0;
	s6 =	rddreg [dreg:$0x16]  }
.LBB2_29:
0x197: {  	s2 =	sadd.s32 $0x1, s2  }
0x198: {  	p3 =	sne.s32 s2, $0x8  }
.Ltmp8:
0x199: {  	_ = 	snop;
	(pc) =	sbr.rel @!p3 .LBB2_30-.Ltmp8, $2  }
0x19a: {  	_ =	sdelay $0x2  }
0x19b: {  	s6 =	sadd.s32 $0x1400, s6  }
.LBB2_25:
0x19c: {  	s7 =	sshll.u32 s2, $0x4  }
0x19d: {  	s7 =	sor.u32 s31, s7  }
0x19e: {  	p3 =	sgt.u32 s7, $0x7C  }
.Ltmp9:
0x19f: {  	_ = 	snop;
	(pc) =	sbr.rel @p3 .LBB2_29-.Ltmp9, $1  }
0x1a0: {  	_ =	sdelay $0x3  }
0x1a1: {  	s10 =	smul.u32 $0xA000, s7;
	_ =	sdelay $0x1  }
0x1a2: {  	s15 =	smul.u32 $0x140, s7;
	s10 =	sshra.s32 s10, $0x2  }
0x1a3: {  	s12 =	sadd.s32 $0x0, s6;
	s13 =	sadd.s32 $0x0, s30;
	s10 =	sadd.s32 s10, s8  }
0x1a4: {  	[tilespmem:s1], [sflag:$0x5] =	stream.linear.gather [spmem:s10], $0x2800, $0x38;
	[tilespmem:$0x1FF00] =	vst v63  }
0x1a5: {  	s12 =	sand.u32 $0x7C, s12;
	s13 =	sand.u32 $0xFFFFFF80, s13;
	_ =	swait.ge [sflag:s29], $0x2800  }
0x1a6: {  	s12 =	sor.u32 s12, s13;
	s10 =	sand.u32 $0x3FFFFC00, s15;
	[sflag:s29] =	ssyncset.done $0x0  }
0x1a7: {  	v41 =	vmov s12;
	s10 =	sadd.s32 s10, s9;
	[sflag:s29] =	ssyncadd.s32 $0xFFFFD800  }
0x1a8: {  	[tilespmem:s25], [sflag:$0x5] =	stream.linear.gather [spmem:s10], $0x800, $0x38;
	[tilespmem:$0x1FF00] =	vst v63  }
0x1a9: {  	_ =	swait.ge [sflag:s29], $0x800  }
0x1aa: {  	[sflag:s29] =	ssyncset.done $0x0  }
0x1ab: {  	[sflag:s29] =	ssyncadd.s32 $0xFFFFF800  }
0x1ac: {  	v41 =	vld.idx.msk [tilespmem:v41+s25+$0x0], $0xffff;
	_ =	sdelay $0x4  }
0x1ad: {  	v41 =	vadd.f32 $1.000000020e-16, v41;
	_ =	sdelay $0x1  }
0x1ae: {  	(erf) = vrcp.f32 v41;
	_ =	sdelay $0x3  }
0x1af: {  	s19 =	simm.s32 $0x1A6C0  }
0x1b0: {  	v47 =	vld [tilespmem:s19+$0xFFFFFFC0];
	_ =	sdelay $0x1  }
0x1b1: {  	v42 =	vld [tilespmem:$0x1FE80];
	_ =	sdelay $0x1  }
0x1b2: {  	v43 =	vpop (erf)  }
0x1b3: {  	v41 =	vmul.f32 v43, v47;
	_ =	sdelay $0x1  }
0x1b4: {  	v41 =	vadd.f32 v41, v42;
	_ =	sdelay $0x1  }
0x1b5: {  	s10 =	simm.s32 $0x156C0;
	v41 =	vmax.f32 v41, $0.0e+00  }
0x1b6: {  	[tilespmem:s10+$0xFFFFFFC0] =	vst v41  }
0x1b7: {  	v41 =	vld [tilespmem:s19+$0xFFFFFFD0];
	_ =	sdelay $0x1  }
0x1b8: {  	v48 =	vld [tilespmem:$0x1FE90];
	_ =	sdelay $0x2  }
0x1b9: {  	s13 =	sor.u32 $0x1, s12;
	v41 =	vmul.f32 v41, v43  }
0x1ba: {  	v49 =	vmov s13  }
0x1bb: {  	v41 =	vadd.f32 v48, v41;
	_ =	sdelay $0x1  }
0x1bc: {  	v41 =	vmax.f32 v41, $0.0e+00  }
0x1bd: {  	[tilespmem:s10+$0xFFFFFFD0] =	vst v41  }
0x1be: {  	v41 =	vld.idx.msk [tilespmem:v49+s25+$0x0], $0xffff;
	_ =	sdelay $0x4  }
0x1bf: {  	v41 =	vadd.f32 $1.000000020e-16, v41;
	_ =	sdelay $0x1  }
0x1c0: {  	(erf) = vrcp.f32 v41;
	_ =	sdelay $0x4  }
0x1c1: {  	v50 =	vld [tilespmem:s19+$0xFFFFFFE0];
	_ =	sdelay $0x1  }
0x1c2: {  	v51 =	vld [tilespmem:$0x1FEA0];
	_ =	sdelay $0x1  }
0x1c3: {  	v52 =	vpop (erf)  }
0x1c4: {  	v41 =	vmul.f32 v52, v50;
	_ =	sdelay $0x1  }
0x1c5: {  	v41 =	vadd.f32 v41, v51;
	_ =	sdelay $0x1  }
0x1c6: {  	v41 =	vmax.f32 v41, $0.0e+00  }
0x1c7: {  	[tilespmem:s10+$0xFFFFFFE0] =	vst v41  }
0x1c8: {  	v41 =	vld [tilespmem:s19+$0xFFFFFFF0];
	_ =	sdelay $0x1  }
0x1c9: {  	v53 =	vld [tilespmem:$0x1FEB0];
	_ =	sdelay $0x2  }
0x1ca: {  	s16 =	sor.u32 $0x2, s12;
	v41 =	vmul.f32 v41, v52  }
0x1cb: {  	v54 =	vmov s16  }
0x1cc: {  	v41 =	vadd.f32 v53, v41;
	_ =	sdelay $0x1  }
0x1cd: {  	v41 =	vmax.f32 v41, $0.0e+00  }
0x1ce: {  	[tilespmem:s10+$0xFFFFFFF0] =	vst v41  }
0x1cf: {  	v41 =	vld.idx.msk [tilespmem:v54+s25+$0x0], $0xffff;
	_ =	sdelay $0x4  }
0x1d0: {  	v41 =	vadd.f32 $1.000000020e-16, v41;
	_ =	sdelay $0x1  }
0x1d1: {  	(erf) = vrcp.f32 v41;
	_ =	sdelay $0x4  }
0x1d2: {  	v55 =	vld [tilespmem:s19+$0x0];
	_ =	sdelay $0x1  }
0x1d3: {  	v56 =	vld [tilespmem:$0x1FEC0];
	_ =	sdelay $0x1  }
0x1d4: {  	v57 =	vpop (erf)  }
0x1d5: {  	v41 =	vmul.f32 v57, v55;
	_ =	sdelay $0x1  }
0x1d6: {  	v41 =	vadd.f32 v41, v56;
	_ =	sdelay $0x1  }
0x1d7: {  	v41 =	vmax.f32 v41, $0.0e+00  }
0x1d8: {  	[tilespmem:s10+$0x0] =	vst v41  }
0x1d9: {  	v41 =	vld [tilespmem:s19+$0x10];
	_ =	sdelay $0x1  }
0x1da: {  	v58 =	vld [tilespmem:$0x1FED0];
	_ =	sdelay $0x2  }
0x1db: {  	s12 =	sor.u32 $0x3, s12;
	v41 =	vmul.f32 v41, v57  }
0x1dc: {  	v59 =	vmov s12  }
0x1dd: {  	v41 =	vadd.f32 v58, v41;
	_ =	sdelay $0x1  }
0x1de: {  	v41 =	vmax.f32 v41, $0.0e+00  }
0x1df: {  	[tilespmem:s10+$0x10] =	vst v41  }
0x1e0: {  	v41 =	vld.idx.msk [tilespmem:v59+s25+$0x0], $0xffff;
	_ =	sdelay $0x4  }
0x1e1: {  	v41 =	vadd.f32 $1.000000020e-16, v41;
	_ =	sdelay $0x1  }
0x1e2: {  	(erf) = vrcp.f32 v41;
	_ =	sdelay $0x4  }
0x1e3: {  	v60 =	vld [tilespmem:s19+$0x20];
	_ =	sdelay $0x1  }
0x1e4: {  	v61 =	vld [tilespmem:$0x1FEE0];
	_ =	sdelay $0x1  }
0x1e5: {  	v62 =	vpop (erf)  }
0x1e6: {  	v41 =	vmul.f32 v62, v60;
	_ =	sdelay $0x1  }
0x1e7: {  	v41 =	vadd.f32 v41, v61;
	_ =	sdelay $0x1  }
0x1e8: {  	v41 =	vmax.f32 v41, $0.0e+00  }
0x1e9: {  	[tilespmem:s10+$0x20] =	vst v41  }
0x1ea: {  	v41 =	vld [tilespmem:s19+$0x30];
	_ =	sdelay $0x1  }
0x1eb: {  	v63 =	vld [tilespmem:$0x1FEF0];
	_ =	sdelay $0x1  }
0x1ec: {  	s20 =	sadd.s32 $0x4, s6;
	s28 =	sadd.s32 $0x4, s30  }
0x1ed: {  	s12 =	sand.u32 $0x7C, s20;
	s13 =	sand.u32 $0xFFFFFF80, s28;
	v41 =	vmul.f32 v41, v62  }
0x1ee: {  	s15 =	sor.u32 s12, s13  }
0x1ef: {  	v42 =	vadd.f32 v63, v41;
	v41 =	vmov s15  }
0x1f0: {  	s20 =	simm.s32 $0x8  }
0x1f1: {  	s13 =	sor.u32 $0x1, s15;
	s12 =	sor.u32 $0x2, s15;
	s15 =	sor.u32 $0x3, s15;
	v42 =	vmax.f32 v42, $0.0e+00  }
.LBB2_27:
0x1f2: {  	[tilespmem:s10+$0x30] =	vst v42;
	s10 =	sadd.s32 $0x80, s10  }
0x1f3: {  	s19 =	sadd.s32 $0x80, s19;
	s16 =	smov.u32 s20;
	s28 =	sadd.s32 $0x4, s20  }
0x1f4: {  	p3 =	sne.s32 s20, $0x13C;
	v41 =	vld.idx.msk [tilespmem:v41+s25+$0x0], $0xffff;
	_ =	sdelay $0x5  }
0x1f5: {  	v41 =	vadd.f32 $1.000000020e-16, v41;
	_ =	sdelay $0x1  }
0x1f6: {  	(erf) = vrcp.f32 v41;
	_ =	sdelay $0x4  }
0x1f7: {  	v41 =	vld [tilespmem:s19+$0xFFFFFFC0];
	_ =	sdelay $0x1  }
0x1f8: {  	v42 =	vld [tilespmem:$0x1FE80];
	_ =	sdelay $0x1  }
0x1f9: {  	v43 =	vpop (erf)  }
0x1fa: {  	v41 =	vmul.f32 v43, v41;
	_ =	sdelay $0x1  }
0x1fb: {  	v41 =	vadd.f32 v41, v42;
	_ =	sdelay $0x1  }
0x1fc: {  	v41 =	vmax.f32 v41, $0.0e+00  }
0x1fd: {  	[tilespmem:s10+$0xFFFFFFC0] =	vst v41  }
0x1fe: {  	v41 =	vld [tilespmem:s19+$0xFFFFFFD0];
	_ =	sdelay $0x1  }
0x1ff: {  	v42 =	vld [tilespmem:$0x1FE90];
	_ =	sdelay $0x2  }
0x200: {  	v41 =	vmul.f32 v41, v43  }
0x201: {  	v43 =	vmov s13  }
0x202: {  	v41 =	vadd.f32 v42, v41;
	_ =	sdelay $0x1  }
0x203: {  	v41 =	vmax.f32 v41, $0.0e+00  }
0x204: {  	[tilespmem:s10+$0xFFFFFFD0] =	vst v41  }
0x205: {  	v41 =	vld.idx.msk [tilespmem:v43+s25+$0x0], $0xffff;
	_ =	sdelay $0x5  }
0x206: {  	v41 =	vadd.f32 $1.000000020e-16, v41;
	_ =	sdelay $0x1  }
0x207: {  	(erf) = vrcp.f32 v41;
	_ =	sdelay $0x4  }
0x208: {  	v41 =	vld [tilespmem:s19+$0xFFFFFFE0];
	_ =	sdelay $0x1  }
0x209: {  	v42 =	vld [tilespmem:$0x1FEA0];
	_ =	sdelay $0x1  }
0x20a: {  	v43 =	vpop (erf)  }
0x20b: {  	v41 =	vmul.f32 v43, v41;
	_ =	sdelay $0x1  }
0x20c: {  	v41 =	vadd.f32 v41, v42;
	_ =	sdelay $0x1  }
0x20d: {  	v41 =	vmax.f32 v41, $0.0e+00  }
0x20e: {  	[tilespmem:s10+$0xFFFFFFE0] =	vst v41  }
0x20f: {  	v41 =	vld [tilespmem:s19+$0xFFFFFFF0];
	_ =	sdelay $0x1  }
0x210: {  	v42 =	vld [tilespmem:$0x1FEB0];
	_ =	sdelay $0x2  }
0x211: {  	v41 =	vmul.f32 v41, v43  }
0x212: {  	v43 =	vmov s12  }
0x213: {  	v41 =	vadd.f32 v42, v41;
	_ =	sdelay $0x1  }
0x214: {  	v41 =	vmax.f32 v41, $0.0e+00  }
0x215: {  	[tilespmem:s10+$0xFFFFFFF0] =	vst v41  }
0x216: {  	v41 =	vld.idx.msk [tilespmem:v43+s25+$0x0], $0xffff;
	_ =	sdelay $0x5  }
0x217: {  	v41 =	vadd.f32 $1.000000020e-16, v41;
	_ =	sdelay $0x1  }
0x218: {  	(erf) = vrcp.f32 v41;
	_ =	sdelay $0x4  }
0x219: {  	v41 =	vld [tilespmem:s19+$0x0];
	_ =	sdelay $0x1  }
0x21a: {  	v42 =	vld [tilespmem:$0x1FEC0];
	_ =	sdelay $0x1  }
0x21b: {  	v43 =	vpop (erf)  }
0x21c: {  	v41 =	vmul.f32 v43, v41;
	_ =	sdelay $0x1  }
0x21d: {  	v41 =	vadd.f32 v41, v42;
	_ =	sdelay $0x1  }
0x21e: {  	v41 =	vmax.f32 v41, $0.0e+00  }
0x21f: {  	[tilespmem:s10+$0x0] =	vst v41  }
0x220: {  	v41 =	vld [tilespmem:s19+$0x10]  }
0x221: {  	v42 =	vld [tilespmem:$0x1FED0];
	_ =	sdelay $0x3  }
0x222: {  	v41 =	vmul.f32 v41, v43  }
0x223: {  	v43 =	vmov s15  }
0x224: {  	v41 =	vadd.f32 v42, v41;
	_ =	sdelay $0x1  }
0x225: {  	v41 =	vmax.f32 v41, $0.0e+00  }
0x226: {  	[tilespmem:s10+$0x10] =	vst v41  }
0x227: {  	v41 =	vld.idx.msk [tilespmem:v43+s25+$0x0], $0xffff  }
0x228: {  	v42 =	vld [tilespmem:s19+$0x20]  }
0x229: {  	v43 =	vld [tilespmem:$0x1FEE0];
	_ =	sdelay $0x3  }
0x22a: {  	v41 =	vadd.f32 $1.000000020e-16, v41;
	_ =	sdelay $0x1  }
0x22b: {  	(erf) = vrcp.f32 v41;
	_ =	sdelay $0x8  }
0x22c: {  	v41 =	vpop (erf)  }
0x22d: {  	v42 =	vmul.f32 v41, v42;
	_ =	sdelay $0x1  }
0x22e: {  	v42 =	vadd.f32 v42, v43;
	_ =	sdelay $0x1  }
0x22f: {  	v42 =	vmax.f32 v42, $0.0e+00  }
0x230: {  	[tilespmem:s10+$0x20] =	vst v42  }
0x231: {  	v42 =	vld [tilespmem:s19+$0x30]  }
0x232: {  	v43 =	vld [tilespmem:$0x1FEF0];
	_ =	sdelay $0x1  }
0x233: {  	s13 =	sadd.s32 s16, s30;
	s12 =	sadd.s32 s16, s6  }
0x234: {  	s13 =	sand.u32 $0xFFFFFF80, s13;
	s12 =	sand.u32 $0x7C, s12  }
.Ltmp10:
0x235: {  	s15 =	sor.u32 s12, s13;
	v42 =	vmul.f32 v42, v41;
	(pc) =	sbr.rel @p3 .LBB2_27-.Ltmp10, $3  }
0x236: {  	s13 =	sor.u32 $0x1, s15;
	s12 =	sor.u32 $0x2, s15;
	v41 =	vmov s15;
	s15 =	sor.u32 $0x3, s15  }
0x237: {  	v42 =	vadd.f32 v43, v42;
	_ =	sdelay $0x1  }
0x238: {  	s20 =	smov.u32 s28;
	v42 =	vmax.f32 v42, $0.0e+00  }
0x239: {  	_ =	sdelay $0x2  }
0x23a: {  	[tilespmem:s10+$0x30] =	vst v42  }
0x23b: {  	v41 =	vld.idx.msk [tilespmem:v41+s25+$0x0], $0xffff;
	_ =	sdelay $0x4  }
0x23c: {  	v41 =	vadd.f32 $1.000000020e-16, v41;
	_ =	sdelay $0x1  }
0x23d: {  	(erf) = vrcp.f32 v41;
	_ =	sdelay $0x3  }
0x23e: {  	s16 =	sadd.s32 $0x80, s19  }
0x23f: {  	v47 =	vld [tilespmem:s16+$0xFFFFFFC0];
	_ =	sdelay $0x1  }
0x240: {  	v42 =	vld [tilespmem:$0x1FE80];
	_ =	sdelay $0x1  }
0x241: {  	v43 =	vpop (erf)  }
0x242: {  	v41 =	vmul.f32 v43, v47;
	_ =	sdelay $0x1  }
0x243: {  	v41 =	vadd.f32 v41, v42;
	_ =	sdelay $0x1  }
0x244: {  	s19 =	sadd.s32 $0x80, s10;
	v41 =	vmax.f32 v41, $0.0e+00  }
0x245: {  	[tilespmem:s19+$0xFFFFFFC0] =	vst v41  }
0x246: {  	v41 =	vld [tilespmem:s16+$0xFFFFFFD0];
	_ =	sdelay $0x1  }
0x247: {  	v48 =	vld [tilespmem:$0x1FE90];
	_ =	sdelay $0x2  }
0x248: {  	v41 =	vmul.f32 v41, v43  }
0x249: {  	v49 =	vmov s13  }
0x24a: {  	v41 =	vadd.f32 v48, v41;
	_ =	sdelay $0x1  }
0x24b: {  	v41 =	vmax.f32 v41, $0.0e+00  }
0x24c: {  	[tilespmem:s19+$0xFFFFFFD0] =	vst v41  }
0x24d: {  	v41 =	vld.idx.msk [tilespmem:v49+s25+$0x0], $0xffff;
	_ =	sdelay $0x4  }
0x24e: {  	v41 =	vadd.f32 $1.000000020e-16, v41;
	_ =	sdelay $0x1  }
0x24f: {  	(erf) = vrcp.f32 v41;
	_ =	sdelay $0x4  }
0x250: {  	v50 =	vld [tilespmem:s16+$0xFFFFFFE0];
	_ =	sdelay $0x1  }
0x251: {  	v51 =	vld [tilespmem:$0x1FEA0];
	_ =	sdelay $0x1  }
0x252: {  	v52 =	vpop (erf)  }
0x253: {  	v41 =	vmul.f32 v52, v50;
	_ =	sdelay $0x1  }
0x254: {  	v41 =	vadd.f32 v41, v51;
	_ =	sdelay $0x1  }
0x255: {  	v41 =	vmax.f32 v41, $0.0e+00  }
0x256: {  	[tilespmem:s19+$0xFFFFFFE0] =	vst v41  }
0x257: {  	v41 =	vld [tilespmem:s16+$0xFFFFFFF0];
	_ =	sdelay $0x1  }
0x258: {  	v53 =	vld [tilespmem:$0x1FEB0];
	_ =	sdelay $0x2  }
0x259: {  	v41 =	vmul.f32 v41, v52  }
0x25a: {  	v54 =	vmov s12  }
0x25b: {  	v41 =	vadd.f32 v53, v41;
	_ =	sdelay $0x1  }
0x25c: {  	v41 =	vmax.f32 v41, $0.0e+00  }
0x25d: {  	[tilespmem:s19+$0xFFFFFFF0] =	vst v41  }
0x25e: {  	v41 =	vld.idx.msk [tilespmem:v54+s25+$0x0], $0xffff;
	_ =	sdelay $0x4  }
0x25f: {  	v41 =	vadd.f32 $1.000000020e-16, v41;
	_ =	sdelay $0x1  }
0x260: {  	(erf) = vrcp.f32 v41;
	_ =	sdelay $0x4  }
0x261: {  	v55 =	vld [tilespmem:s16+$0x0];
	_ =	sdelay $0x1  }
0x262: {  	v56 =	vld [tilespmem:$0x1FEC0];
	_ =	sdelay $0x1  }
0x263: {  	v57 =	vpop (erf)  }
0x264: {  	v41 =	vmul.f32 v57, v55;
	_ =	sdelay $0x1  }
0x265: {  	v41 =	vadd.f32 v41, v56;
	_ =	sdelay $0x1  }
0x266: {  	v41 =	vmax.f32 v41, $0.0e+00  }
0x267: {  	[tilespmem:s19+$0x0] =	vst v41  }
0x268: {  	v41 =	vld [tilespmem:s16+$0x10];
	_ =	sdelay $0x1  }
0x269: {  	v58 =	vld [tilespmem:$0x1FED0];
	_ =	sdelay $0x2  }
0x26a: {  	v41 =	vmul.f32 v41, v57  }
0x26b: {  	v59 =	vmov s15  }
0x26c: {  	v41 =	vadd.f32 v58, v41;
	_ =	sdelay $0x1  }
0x26d: {  	v41 =	vmax.f32 v41, $0.0e+00  }
0x26e: {  	[tilespmem:s19+$0x10] =	vst v41  }
0x26f: {  	v41 =	vld.idx.msk [tilespmem:v59+s25+$0x0], $0xffff;
	_ =	sdelay $0x4  }
0x270: {  	v41 =	vadd.f32 $1.000000020e-16, v41;
	_ =	sdelay $0x1  }
0x271: {  	(erf) = vrcp.f32 v41;
	_ =	sdelay $0x4  }
0x272: {  	v60 =	vld [tilespmem:s16+$0x20];
	_ =	sdelay $0x1  }
0x273: {  	v61 =	vld [tilespmem:$0x1FEE0];
	_ =	sdelay $0x1  }
0x274: {  	v62 =	vpop (erf)  }
0x275: {  	v41 =	vmul.f32 v62, v60;
	_ =	sdelay $0x1  }
0x276: {  	v41 =	vadd.f32 v41, v61;
	_ =	sdelay $0x1  }
0x277: {  	v41 =	vmax.f32 v41, $0.0e+00  }
0x278: {  	[tilespmem:s19+$0x20] =	vst v41  }
0x279: {  	v41 =	vld [tilespmem:s16+$0x30];
	_ =	sdelay $0x1  }
0x27a: {  	v63 =	vld [tilespmem:$0x1FEF0];
	_ =	sdelay $0x2  }
0x27b: {  	v41 =	vmul.f32 v41, v62;
	_ =	sdelay $0x1  }
0x27c: {  	v41 =	vadd.f32 v63, v41  }
0x27d: {  	s7 =	smul.u32 $0x500, s7  }
0x27e: {  	s20 =	rddreg [dreg:$0xd];
	v41 =	vmax.f32 v41, $0.0e+00  }
.Ltmp11:
0x27f: {  	s28 =	simm.s32 $0x15680;
	s7 =	sadd.s32 s20, s7;
	[tilespmem:s19+$0x30] =	vst v41;
	(pc) =	sbr.rel .LBB2_29-.Ltmp11, $4  }
0x280: {  	[hbm4b:s7+s17] =	stream.linear.scatter [tilespmem:s28], [sflag:$0x4], $0x2800, $0x38;
	[tilespmem:$0x1FF00] =	vst v63  }
0x281: {  	_ =	swait.ge [sflag:s3], $0x2800  }
0x282: {  	[sflag:s3] =	ssyncset.done $0x0  }
0x283: {  	[sflag:s3] =	ssyncadd.s32 $0xFFFFD800  }
.LBB2_2:
0x284: {  	s6 =	rddreg [dreg:$0x2];
	s7 =	simm.s32 $0x1FE80  }
0x285: {  	[tilespmem:s7], [sflag:$0x4] =	stream.linear.gather [hbm4b:s6+s2], $0x80, $0x38;
	[tilespmem:$0x1FF00] =	vst v63  }
0x286: {  	_ =	swait.ge [sflag:s3], $0x80  }
0x287: {  	[sflag:s3] =	ssyncset.done $0x0  }
0x288: {  	s2 =	simm.s32 $0x0;
	s6 =	simm.s32 $0x200;
	[sflag:s3] =	ssyncadd.s32 $0xFFFFFF80  }
.LBB2_3:
0x289: {  	p3 =	sne.s32 s6, $0x9E00;
	[tilespmem:s2+$0x1CEF0] =	vst v2  }
0x28a: {  	[tilespmem:s2+$0x1A680] =	vst v2  }
0x28b: {  	[tilespmem:s2+$0x1A690] =	vst v2  }
0x28c: {  	[tilespmem:s2+$0x1A6A0] =	vst v2  }
0x28d: {  	[tilespmem:s2+$0x1A6B0] =	vst v2  }
0x28e: {  	[tilespmem:s2+$0x1A6C0] =	vst v2  }
0x28f: {  	[tilespmem:s2+$0x1A6D0] =	vst v2  }
0x290: {  	[tilespmem:s2+$0x1A6E0] =	vst v2  }
0x291: {  	[tilespmem:s2+$0x1A6F0] =	vst v2  }
0x292: {  	[tilespmem:s2+$0x1CE80] =	vst v2  }
0x293: {  	[tilespmem:s2+$0x1CE90] =	vst v2  }
.Ltmp12:
0x294: {  	[tilespmem:s2+$0x1CEA0] =	vst v2;
	(pc) =	sbr.rel @p3 .LBB2_3-.Ltmp12, $4  }
0x295: {  	[tilespmem:s2+$0x1CEB0] =	vst v2  }
0x296: {  	[tilespmem:s2+$0x1CEC0] =	vst v2  }
0x297: {  	[tilespmem:s2+$0x1CED0] =	vst v2  }
0x298: {  	[tilespmem:s2+$0x1CEE0] =	vst v2;
	s2 =	sshra.s32 s6, $0x2;
	s6 =	sadd.s32 $0x200, s6  }
0x299: {  	[tilespmem:s2+$0x1CEF0] =	vst v2  }
0x29a: {  	[tilespmem:s2+$0x1A680] =	vst v2  }
0x29b: {  	[tilespmem:s2+$0x1A690] =	vst v2  }
0x29c: {  	[tilespmem:s2+$0x1A6A0] =	vst v2  }
0x29d: {  	[tilespmem:s2+$0x1A6B0] =	vst v2  }
0x29e: {  	[tilespmem:s2+$0x1A6C0] =	vst v2  }
0x29f: {  	[tilespmem:s2+$0x1A6D0] =	vst v2  }
0x2a0: {  	[tilespmem:s2+$0x1A6E0] =	vst v2  }
0x2a1: {  	[tilespmem:s2+$0x1A6F0] =	vst v2  }
0x2a2: {  	[tilespmem:s2+$0x1CE80] =	vst v2  }
0x2a3: {  	[tilespmem:s2+$0x1CE90] =	vst v2  }
0x2a4: {  	[tilespmem:s2+$0x1CEA0] =	vst v2  }
0x2a5: {  	[tilespmem:s2+$0x1CEB0] =	vst v2  }
0x2a6: {  	[tilespmem:s2+$0x1CEC0] =	vst v2  }
0x2a7: {  	[tilespmem:s2+$0x1CED0] =	vst v2  }
0x2a8: {  	[tilespmem:s2+$0x1CEE0] =	vst v2;
	s13 =	rddreg [dreg:$0x10]  }
0x2a9: {  	[spmem:s13] =	stream.linear.scatter [tilespmem:s1], [sflag:$0x4], $0x2800, $0x38;
	[tilespmem:$0x1FF00] =	vst v63  }
0x2aa: {  	_ =	swait.ge [sflag:s3], $0x2800  }
0x2ab: {  	[sflag:s3] =	ssyncset.done $0x0  }
0x2ac: {  	s15 =	rddreg [dreg:$0x12];
	[sflag:s3] =	ssyncadd.s32 $0xFFFFD800  }
0x2ad: {  	[spmem:s15] =	stream.linear.scatter [tilespmem:s1], [sflag:$0x4], $0x2800, $0x38;
	[tilespmem:$0x1FF00] =	vst v63  }
0x2ae: {  	_ =	swait.ge [sflag:s3], $0x2800  }
0x2af: {  	[sflag:s3] =	ssyncset.done $0x0  }
0x2b0: {  	s16 =	rddreg [dreg:$0x13];
	[sflag:s3] =	ssyncadd.s32 $0xFFFFD800  }
0x2b1: {  	[spmem:s16] =	stream.linear.scatter [tilespmem:s1], [sflag:$0x4], $0x2800, $0x38;
	[tilespmem:$0x1FF00] =	vst v63  }
0x2b2: {  	_ =	swait.ge [sflag:s3], $0x2800  }
0x2b3: {  	[sflag:s3] =	ssyncset.done $0x0  }
0x2b4: {  	s17 =	rddreg [dreg:$0x14];
	[sflag:s3] =	ssyncadd.s32 $0xFFFFD800  }
0x2b5: {  	[spmem:s17] =	stream.linear.scatter [tilespmem:s1], [sflag:$0x4], $0x2800, $0x38;
	[tilespmem:$0x1FF00] =	vst v63  }
0x2b6: {  	_ =	swait.ge [sflag:s3], $0x2800  }
0x2b7: {  	[sflag:s3] =	ssyncset.done $0x0  }
0x2b8: {  	s19 =	rddreg [dreg:$0x17];
	[sflag:s3] =	ssyncadd.s32 $0xFFFFD800  }
0x2b9: {  	[spmem:s19] =	stream.linear.scatter [tilespmem:s1], [sflag:$0x4], $0x2800, $0x38;
	[tilespmem:$0x1FF00] =	vst v63  }
0x2ba: {  	_ =	swait.ge [sflag:s3], $0x2800  }
0x2bb: {  	[sflag:s3] =	ssyncset.done $0x0  }
0x2bc: {  	s20 =	rddreg [dreg:$0x18];
	[sflag:s3] =	ssyncadd.s32 $0xFFFFD800  }
0x2bd: {  	[spmem:s20] =	stream.linear.scatter [tilespmem:s1], [sflag:$0x4], $0x2800, $0x38;
	[tilespmem:$0x1FF00] =	vst v63  }
0x2be: {  	_ =	swait.ge [sflag:s3], $0x2800  }
0x2bf: {  	[sflag:s3] =	ssyncset.done $0x0  }
0x2c0: {  	s31 =	rddreg [dreg:$0x19];
	[sflag:s3] =	ssyncadd.s32 $0xFFFFD800  }
0x2c1: {  	[spmem:s31] =	stream.linear.scatter [tilespmem:s1], [sflag:$0x4], $0x2800, $0x38;
	[tilespmem:$0x1FF00] =	vst v63  }
0x2c2: {  	_ =	swait.ge [sflag:s3], $0x2800  }
0x2c3: {  	[sflag:s3] =	ssyncset.done $0x0  }
0x2c4: {  	s2 =	simm.s32 @!p1 $0x1A680;
	s6 =	rddreg [dreg:$0x15];
	[sflag:s3] =	ssyncadd.s32 $0xFFFFD800  }
0x2c5: {  	[spmem:s6] =	stream.linear.scatter @!p1 [tilespmem:s2], [sflag:$0x4], $0x2800, $0x38;
	[tilespmem:$0x1FF00] =	vst v63  }
0x2c6: {  	s2 =	simm.s32 @!p1 $0x4  }
0x2c7: {  	_ =	swait.ge @!p1 [sflag:s2], $0x2800  }
0x2c8: {  	[sflag:s2] =	ssyncset.done @!p1 $0x0  }
0x2c9: {  	s6 =	rddreg [dreg:$0xf];
	[sflag:s2] =	ssyncadd.s32 @!p1 $0xFFFFD800;
	s2 =	simm.s32 @!p2 $0x1A680  }
0x2ca: {  	[spmem:s6] =	stream.linear.scatter @!p2 [tilespmem:s2], [sflag:$0x4], $0x2800, $0x38;
	[tilespmem:$0x1FF00] =	vst v63  }
0x2cb: {  	s2 =	simm.s32 @!p2 $0x4  }
0x2cc: {  	_ =	swait.ge @!p2 [sflag:s2], $0x2800  }
0x2cd: {  	[sflag:s2] =	ssyncset.done @!p2 $0x0  }
0x2ce: {  	[sflag:s2] =	ssyncadd.s32 @!p2 $0xFFFFD800  }
0x2cf: {  	s28 =	simm.s32 $0x0;
	s19 =	simm.s32 $0x0;
	[bflag:$0x0] =	sbarrier.arrive $0xFFFF  }
.LBB2_5:
0x2d0: {  	s2 =	smul.u32 $0x7D0, s19  }
0x2d1: {  	s6 =	rddreg [dreg:$0xe]  }
0x2d2: {  	s2 =	sadd.s32 s6, s2  }
0x2d3: {  	s7 =	rddreg [dreg:$0x3];
	s6 =	sshrl.u32 s2, $0x3  }
0x2d4: {  	s7 =	sadd.s32 s7, s6  }
0x2d5: {  	[tilespmem:s5], [sflag:$0x4] =	stream.linear.gather [hbm4b:s7+s28], $0x7D0, $0x38;
	[tilespmem:$0x1FF00] =	vst v63  }
0x2d6: {  	_ =	swait.ge [sflag:s3], $0x7D0  }
0x2d7: {  	[sflag:s3] =	ssyncset.done $0x0;
	s16 =	rddreg [dreg:$0xb]  }
0x2d8: {  	s17 =	simm.s32 $0x14A80;
	[sflag:s3] =	ssyncadd.s32 $0xFFFFF830;
	s6 =	sadd.s32 s16, s6  }
0x2d9: {  	[tilespmem:s17], [sflag:$0x4] =	stream.linear.gather [hbm4b:s6+s28], $0x7D0, $0x38;
	[tilespmem:$0x1FF00] =	vst v63  }
0x2da: {  	_ =	swait.ge [sflag:s3], $0x7D0  }
0x2db: {  	[sflag:s3] =	ssyncset.done $0x0  }
0x2dc: {  	s20 =	simm.s32 $0x15680;
	s31 =	sshrl.u32 s2, $0x1;
	[sflag:s3] =	ssyncadd.s32 $0xFFFFF830  }
0x2dd: {  	[tilespmem:s20], [sflag:$0x1] =	stream.indirect.gather [hbm4b:s0+s18], $0x80, s5, s18, $0xb8;
	[tilespmem:$0x1FF00] =	vst v63  }
0x2de: {  	p3 =	por $0x0, $0x0;
	s6 =	sadd.s32 s11, s31  }
0x2df: {  	[tilespmem:s21], [sflag:$0x1] =	stream.linear.gather [hbm4b:s6+s28], $0x140, $0x38;
	[tilespmem:$0x1FF00] =	vst v63  }
0x2e0: {  	s2 =	sshll.u32 s2, $0x2;
	s7 =	simm.s32 $0x0;
	s6 =	smul.u32 $0x19, s19  }
.LBB2_6:
0x2e1: {  	s12 =	smov.u32 s7;
	s13 =	sand.u32 $0x1, s7  }
0x2e2: {  	_ =	swait.ge [sflag:s22], $0x2800;
	p4 =	seq.s32 s7, $0x18;
	s7 =	sadd.s32 $0x1, s7  }
0x2e3: {  	[sflag:s22] =	ssyncset.done $0x0;
	s10 =	sxor.u32 @!p4 $0x1, s13;
	s16 =	smul.u32 @!p4 $0x140, s7  }
0x2e4: {  	[sflag:s22] =	ssyncadd.s32 $0xFFFFD800;
	s15 =	smul.u32 @!p4 $0xA000, s10  }
0x2e5: {  	s31 =	simm.s32 @!p4 $0x50;
	s10 =	smul.u32 @!p4 $0x500, s10;
	_ =	swait.ge [sflag:s22], $0x140  }
0x2e6: {  	s20 =	sshra.s32 @!p4 s16, $0x2;
	[sflag:s22] =	ssyncset.done $0x0;
	s15 =	sshrl.u32 @!p4 s15, $0x2  }
0x2e7: {  	s20 =	sadd.s32 @!p4 $0x14280, s20;
	[sflag:s22] =	ssyncadd.s32 $0xFFFFFEC0;
	s15 =	sadd.s32 @!p4 $0x15680, s15  }
0x2e8: {  	[tilespmem:s15], [sflag:$0x1] =	stream.indirect.gather @!p4 [hbm4b:s0+s31], $0x80, s20, s31, $0xb8;
	[tilespmem:$0x1FF00] =	vst v63  }
0x2e9: {  	s15 =	sadd.s32 @!p4 s2, s16  }
0x2ea: {  	s17 =	smul.u32 $0x140, s12;
	s10 =	sshrl.u32 @!p4 s10, $0x2;
	s15 =	sshrl.u32 @!p4 s15, $0x3  }
0x2eb: {  	s10 =	sadd.s32 @!p4 $0x15280, s10;
	s16 =	simm.s32 @!p4 $0x0;
	s15 =	sadd.s32 @!p4 s11, s15  }
0x2ec: {  	[tilespmem:s10], [sflag:$0x1] =	stream.linear.gather @!p4 [hbm4b:s15+s16], $0x140, $0x38;
	[tilespmem:$0x1FF00] =	vst v63  }
0x2ed: {  	s10 =	sshra.s32 s17, $0x2  }
0x2ee: {  	s15 =	smul.u32 $0x140, s13;
	v41 =	vld [tilespmem:s10+$0x14A80];
	_ =	sdelay $0x1  }
0x2ef: {  	v42 =	vor.u32 s15, v0;
	_ =	sdelay $0x1  }
0x2f0: {  	s16 =	sshll.u32 s13, $0x7  }
0x2f1: {  	[tilespmem:s16+$0x15500] =	vst v41;
	v43 =	vshra.s32 v41, $0x5;
	v41 =	vshll.u32 v41, $0x2  }
0x2f2: {  	[tilespmem:$0x15600] =	vst v43;
	v41 =	vand.u32 $0x7C, v41  }
0x2f3: {  	v42 =	vld.idx.msk [tilespmem:v42+s21+$0x0], $0xffff;
	v51 =	vor.u32 v1, v41  }
0x2f4: {  	v44 =	vor.u32 s15, v3;
	_ =	sdelay $0x3  }
0x2f5: {  	[tilespmem:v51+s23+$0x0] =	vst.idx.msk $0xffff, v42  }
0x2f6: {  	v52 =	vor.u32 v4, v41;
	v42 =	vld.idx.msk [tilespmem:v44+s21+$0x0], $0xffff  }
0x2f7: {  	v53 =	vor.u32 s15, v5;
	_ =	sdelay $0x3  }
0x2f8: {  	[tilespmem:v52+s23+$0x0] =	vst.idx.msk $0xffff, v42  }
0x2f9: {  	v54 =	vor.u32 v6, v41;
	v42 =	vld.idx.msk [tilespmem:v53+s21+$0x0], $0xffff  }
0x2fa: {  	v55 =	vor.u32 s15, v7;
	_ =	sdelay $0x3  }
0x2fb: {  	[tilespmem:v54+s23+$0x0] =	vst.idx.msk $0xffff, v42  }
0x2fc: {  	v41 =	vor.u32 v8, v41;
	v42 =	vld.idx.msk [tilespmem:v55+s21+$0x0], $0xffff;
	_ =	sdelay $0x4  }
0x2fd: {  	[tilespmem:v41+s23+$0x0] =	vst.idx.msk $0xffff, v42  }
0x2fe: {  	v41 =	vld [tilespmem:s10+$0x14A90];
	_ =	sdelay $0x1  }
0x2ff: {  	v56 =	vadd.s32 s15, v9;
	_ =	sdelay $0x2  }
0x300: {  	[tilespmem:s16+$0x15510] =	vst v41;
	v57 =	vshra.s32 v41, $0x5;
	v41 =	vshll.u32 v41, $0x2  }
0x301: {  	[tilespmem:$0x15610] =	vst v57;
	v41 =	vand.u32 $0x7C, v41  }
0x302: {  	v42 =	vld.idx.msk [tilespmem:v56+s21+$0x0], $0xffff;
	v58 =	vor.u32 v10, v41  }
0x303: {  	v59 =	vadd.s32 s15, v11;
	_ =	sdelay $0x3  }
0x304: {  	[tilespmem:v58+s23+$0x0] =	vst.idx.msk $0xffff, v42  }
0x305: {  	v60 =	vor.u32 v12, v41;
	v42 =	vld.idx.msk [tilespmem:v59+s21+$0x0], $0xffff  }
0x306: {  	v61 =	vadd.s32 s15, v13;
	_ =	sdelay $0x3  }
0x307: {  	[tilespmem:v60+s23+$0x0] =	vst.idx.msk $0xffff, v42  }
0x308: {  	v62 =	vor.u32 v14, v41;
	v42 =	vld.idx.msk [tilespmem:v61+s21+$0x0], $0xffff  }
0x309: {  	v63 =	vadd.s32 s15, v15;
	_ =	sdelay $0x3  }
0x30a: {  	[tilespmem:v62+s23+$0x0] =	vst.idx.msk $0xffff, v42  }
0x30b: {  	v41 =	vor.u32 v16, v41;
	v42 =	vld.idx.msk [tilespmem:v63+s21+$0x0], $0xffff;
	_ =	sdelay $0x4  }
0x30c: {  	[tilespmem:v41+s23+$0x0] =	vst.idx.msk $0xffff, v42  }
0x30d: {  	v41 =	vld [tilespmem:s10+$0x14AA0];
	_ =	sdelay $0x1  }
0x30e: {  	v48 =	vadd.s32 s15, v17;
	_ =	sdelay $0x2  }
0x30f: {  	[tilespmem:s16+$0x15520] =	vst v41;
	v49 =	vshra.s32 v41, $0x5;
	v41 =	vshll.u32 v41, $0x2  }
0x310: {  	[tilespmem:$0x15620] =	vst v49;
	v41 =	vand.u32 $0x7C, v41  }
0x311: {  	v42 =	vld.idx.msk [tilespmem:v48+s21+$0x0], $0xffff;
	v50 =	vor.u32 v18, v41  }
0x312: {  	v51 =	vadd.s32 s15, v19;
	_ =	sdelay $0x3  }
0x313: {  	[tilespmem:v50+s23+$0x0] =	vst.idx.msk $0xffff, v42  }
0x314: {  	v52 =	vor.u32 v20, v41;
	v42 =	vld.idx.msk [tilespmem:v51+s21+$0x0], $0xffff  }
0x315: {  	v53 =	vadd.s32 s15, v21;
	_ =	sdelay $0x3  }
0x316: {  	[tilespmem:v52+s23+$0x0] =	vst.idx.msk $0xffff, v42  }
0x317: {  	v54 =	vor.u32 v22, v41;
	v42 =	vld.idx.msk [tilespmem:v53+s21+$0x0], $0xffff  }
0x318: {  	v55 =	vadd.s32 s15, v23;
	_ =	sdelay $0x3  }
0x319: {  	[tilespmem:v54+s23+$0x0] =	vst.idx.msk $0xffff, v42  }
0x31a: {  	v41 =	vor.u32 v24, v41;
	v42 =	vld.idx.msk [tilespmem:v55+s21+$0x0], $0xffff;
	_ =	sdelay $0x4  }
0x31b: {  	[tilespmem:v41+s23+$0x0] =	vst.idx.msk $0xffff, v42  }
0x31c: {  	v41 =	vld [tilespmem:s10+$0x14AB0];
	_ =	sdelay $0x1  }
0x31d: {  	v56 =	vadd.s32 s15, v25;
	_ =	sdelay $0x2  }
0x31e: {  	[tilespmem:s16+$0x15530] =	vst v41;
	v57 =	vshra.s32 v41, $0x5;
	v41 =	vshll.u32 v41, $0x2  }
0x31f: {  	[tilespmem:$0x15630] =	vst v57;
	v41 =	vand.u32 $0x7C, v41  }
0x320: {  	v42 =	vld.idx.msk [tilespmem:v56+s21+$0x0], $0xffff;
	v58 =	vor.u32 v26, v41  }
0x321: {  	v59 =	vadd.s32 s15, v27;
	_ =	sdelay $0x3  }
0x322: {  	[tilespmem:v58+s23+$0x0] =	vst.idx.msk $0xffff, v42  }
0x323: {  	v60 =	vor.u32 v28, v41;
	v42 =	vld.idx.msk [tilespmem:v59+s21+$0x0], $0xffff  }
0x324: {  	v61 =	vadd.s32 s15, v29;
	_ =	sdelay $0x3  }
0x325: {  	[tilespmem:v60+s23+$0x0] =	vst.idx.msk $0xffff, v42  }
0x326: {  	v62 =	vor.u32 v30, v41;
	v42 =	vld.idx.msk [tilespmem:v61+s21+$0x0], $0xffff  }
0x327: {  	v63 =	vadd.s32 s15, v31;
	_ =	sdelay $0x3  }
0x328: {  	[tilespmem:v62+s23+$0x0] =	vst.idx.msk $0xffff, v42  }
0x329: {  	v41 =	vor.u32 v32, v41;
	v42 =	vld.idx.msk [tilespmem:v63+s21+$0x0], $0xffff;
	_ =	sdelay $0x4  }
0x32a: {  	[tilespmem:v41+s23+$0x0] =	vst.idx.msk $0xffff, v42  }
0x32b: {  	v41 =	vld [tilespmem:s10+$0x14AC0];
	_ =	sdelay $0x1  }
0x32c: {  	v48 =	vadd.s32 s15, v33;
	_ =	sdelay $0x2  }
0x32d: {  	[tilespmem:s16+$0x15540] =	vst v41;
	v49 =	vshra.s32 v41, $0x5;
	v41 =	vshll.u32 v41, $0x2  }
0x32e: {  	[tilespmem:$0x15640] =	vst v49;
	v41 =	vand.u32 $0x7C, v41  }
0x32f: {  	v42 =	vld.idx.msk [tilespmem:v48+s21+$0x0], $0xffff;
	v50 =	vor.u32 v34, v41  }
0x330: {  	v51 =	vadd.s32 s15, v35;
	_ =	sdelay $0x3  }
0x331: {  	[tilespmem:v50+s23+$0x0] =	vst.idx.msk $0xffff, v42  }
0x332: {  	v52 =	vor.u32 v36, v41;
	v42 =	vld.idx.msk [tilespmem:v51+s21+$0x0], $0xffff  }
0x333: {  	v53 =	vadd.s32 s15, v37;
	_ =	sdelay $0x3  }
0x334: {  	[tilespmem:v52+s23+$0x0] =	vst.idx.msk $0xffff, v42  }
0x335: {  	v54 =	vor.u32 v38, v41;
	v42 =	vld.idx.msk [tilespmem:v53+s21+$0x0], $0xffff  }
0x336: {  	v55 =	vadd.s32 s15, v39;
	_ =	sdelay $0x3  }
0x337: {  	[tilespmem:v54+s23+$0x0] =	vst.idx.msk $0xffff, v42  }
0x338: {  	v41 =	vor.u32 v40, v41;
	v42 =	vld.idx.msk [tilespmem:v55+s21+$0x0], $0xffff;
	_ =	sdelay $0x1  }
0x339: {  	s20 =	sadd.s32 $0x3, s15  }
0x33a: {  	s17 =	sadd.s32 $0xFFFFFFFD, s20  }
0x33b: {  	s12 =	sor.u32 s6, s12;
	s13 =	simm.s32 $0x1;
	v56 =	vmov s17  }
0x33c: {  	p4 =	seq.s32 s12, $0x0;
	s13 =	simm.s32 @!p3 $0x0;
	[tilespmem:v41+s23+$0x0] =	vst.idx.msk $0xffff, v42;
	v41 =	vand.u32 $0xFFFFFFFC, v56  }
0x33d: {  	s12 =	simm.s32 @!p4 $0x2;
	s13 =	smul.u32 $0xA000, s13;
	v41 =	vbroadcast v41, $0x0  }
0x33e: {  	[spmem:s9] =	stream.indirect.scatter.add.f32 [tilespmem:s23], [sflag:$0x3], $0x80, s24, s18, $0xb8;
	[tilespmem:$0x1FF00] =	vst v63  }
0x33f: {  	_ =	swait.ge @!p4 [sflag:s12], $0x2800  }
0x340: {  	s13 =	sshrl.u32 s13, $0x2;
	[sflag:s12] =	ssyncset.done @!p4 $0x0  }
0x341: {  	s13 =	sadd.s32 $0x156C0, s13;
	[sflag:s12] =	ssyncadd.s32 @!p4 $0xFFFFD800  }
0x342: {  	v57 =	vld [tilespmem:s13+$0xFFFFFFC0]  }
0x343: {  	v41 =	vld.idx.msk [tilespmem:v41+s21+$0x0], $0xffff;
	_ =	sdelay $0x4  }
0x344: {  	v42 =	vmul.f32 v57, v41  }
0x345: {  	s12 =	simm.s32 $0x1A6C0  }
0x346: {  	s31 =	sadd.s32 $0xFFFFFFFE, s20;
	[tilespmem:s12+$0xFFFFFFC0] =	vst v42  }
0x347: {  	v58 =	vmov s31;
	v42 =	vld [tilespmem:s13+$0xFFFFFFD0]  }
0x348: {  	v43 =	vand.u32 $0xFFFFFFFD, v58  }
0x349: {  	v43 =	vbroadcast v43, $0x0;
	_ =	sdelay $0x2  }
0x34a: {  	v41 =	vmul.f32 v42, v41;
	_ =	sdelay $0x1  }
0x34b: {  	[tilespmem:s12+$0xFFFFFFD0] =	vst v41  }
0x34c: {  	v41 =	vld.idx.msk [tilespmem:v43+s21+$0x0], $0xffff  }
0x34d: {  	v59 =	vld [tilespmem:s13+$0xFFFFFFE0];
	_ =	sdelay $0x4  }
0x34e: {  	v42 =	vmul.f32 v59, v41;
	_ =	sdelay $0x1  }
0x34f: {  	s31 =	sadd.s32 $0xFFFFFFFF, s20;
	[tilespmem:s12+$0xFFFFFFE0] =	vst v42  }
0x350: {  	v60 =	vmov s31;
	v42 =	vld [tilespmem:s13+$0xFFFFFFF0]  }
0x351: {  	v43 =	vand.u32 $0xFFFFFFFE, v60  }
0x352: {  	v43 =	vbroadcast v43, $0x0;
	_ =	sdelay $0x2  }
0x353: {  	v41 =	vmul.f32 v42, v41;
	_ =	sdelay $0x1  }
0x354: {  	[tilespmem:s12+$0xFFFFFFF0] =	vst v41  }
0x355: {  	v41 =	vld.idx.msk [tilespmem:v43+s21+$0x0], $0xffff  }
0x356: {  	v61 =	vld [tilespmem:s13+$0x0];
	_ =	sdelay $0x4  }
0x357: {  	v42 =	vmul.f32 v61, v41;
	_ =	sdelay $0x1  }
0x358: {  	[tilespmem:s12+$0x0] =	vst v42  }
0x359: {  	v42 =	vld [tilespmem:s13+$0x10];
	_ =	sdelay $0x2  }
0x35a: {  	v62 =	vmov s20;
	_ =	sdelay $0x1  }
0x35b: {  	v41 =	vmul.f32 v42, v41;
	_ =	sdelay $0x1  }
0x35c: {  	[tilespmem:s12+$0x10] =	vst v41  }
0x35d: {  	v41 =	vld.idx.msk [tilespmem:v62+s21+$0x0], $0xffff  }
0x35e: {  	v63 =	vld [tilespmem:s13+$0x20];
	_ =	sdelay $0x4  }
0x35f: {  	v42 =	vmul.f32 v63, v41  }
0x360: {  	s31 =	sadd.s32 $0x7, s15;
	s20 =	simm.s32 $0xB;
	s16 =	sor.u32 $0x15500, s16  }
.LBB2_7:
0x361: {  	p4 =	sne.s32 s20, $0x13F;
	s17 =	sadd.s32 $0xFFFFFFFD, s31;
	[tilespmem:s12+$0x20] =	vst v42  }
0x362: {  	v42 =	vmov s17;
	v43 =	vld [tilespmem:s13+$0x30]  }
0x363: {  	v42 =	vand.u32 $0xFFFFFFFC, v42  }
0x364: {  	v42 =	vbroadcast v42, $0x0;
	_ =	sdelay $0x2  }
0x365: {  	v41 =	vmul.f32 v43, v41;
	_ =	sdelay $0x1  }
0x366: {  	[tilespmem:s12+$0x30] =	vst v41  }
0x367: {  	s13 =	sadd.s32 $0x80, s13;
	v41 =	vld.idx.msk [tilespmem:v42+s21+$0x0], $0xffff  }
0x368: {  	v42 =	vld [tilespmem:s13+$0xFFFFFFC0];
	_ =	sdelay $0x4  }
0x369: {  	v42 =	vmul.f32 v42, v41  }
0x36a: {  	s12 =	sadd.s32 $0x80, s12  }
0x36b: {  	s17 =	sadd.s32 $0xFFFFFFFE, s31;
	[tilespmem:s12+$0xFFFFFFC0] =	vst v42  }
0x36c: {  	v43 =	vmov s17;
	v42 =	vld [tilespmem:s13+$0xFFFFFFD0]  }
0x36d: {  	v43 =	vand.u32 $0xFFFFFFFD, v43  }
0x36e: {  	v43 =	vbroadcast v43, $0x0;
	_ =	sdelay $0x2  }
0x36f: {  	v41 =	vmul.f32 v42, v41;
	_ =	sdelay $0x1  }
0x370: {  	[tilespmem:s12+$0xFFFFFFD0] =	vst v41  }
0x371: {  	v41 =	vld.idx.msk [tilespmem:v43+s21+$0x0], $0xffff  }
0x372: {  	v42 =	vld [tilespmem:s13+$0xFFFFFFE0];
	_ =	sdelay $0x4  }
0x373: {  	v42 =	vmul.f32 v42, v41;
	_ =	sdelay $0x1  }
0x374: {  	s17 =	sadd.s32 $0xFFFFFFFF, s31;
	[tilespmem:s12+$0xFFFFFFE0] =	vst v42  }
0x375: {  	v43 =	vmov s17;
	v42 =	vld [tilespmem:s13+$0xFFFFFFF0]  }
0x376: {  	v43 =	vand.u32 $0xFFFFFFFE, v43  }
0x377: {  	v43 =	vbroadcast v43, $0x0;
	_ =	sdelay $0x2  }
0x378: {  	v41 =	vmul.f32 v42, v41;
	_ =	sdelay $0x1  }
0x379: {  	[tilespmem:s12+$0xFFFFFFF0] =	vst v41  }
0x37a: {  	v41 =	vld.idx.msk [tilespmem:v43+s21+$0x0], $0xffff  }
0x37b: {  	v42 =	vld [tilespmem:s13+$0x0];
	_ =	sdelay $0x4  }
0x37c: {  	v42 =	vmul.f32 v42, v41;
	_ =	sdelay $0x1  }
0x37d: {  	[tilespmem:s12+$0x0] =	vst v42  }
0x37e: {  	v42 =	vld [tilespmem:s13+$0x10];
	_ =	sdelay $0x2  }
0x37f: {  	v43 =	vmov s31;
	_ =	sdelay $0x1  }
0x380: {  	v41 =	vmul.f32 v42, v41;
	_ =	sdelay $0x1  }
0x381: {  	[tilespmem:s12+$0x10] =	vst v41  }
0x382: {  	v41 =	vld.idx.msk [tilespmem:v43+s21+$0x0], $0xffff  }
0x383: {  	v42 =	vld [tilespmem:s13+$0x20];
	_ =	sdelay $0x1  }
.Ltmp13:
0x384: {  	(pc) =	sbr.rel @p4 .LBB2_7-.Ltmp13, $3  }
0x385: {  	_ =	sdelay $0x1  }
0x386: {  	v42 =	vmul.f32 v42, v41  }
0x387: {  	s31 =	sadd.s32 s15, s20;
	s20 =	sadd.s32 $0x4, s20  }
0x388: {  	s15 =	sadd.s32 $0xFFFFFFFD, s31;
	[tilespmem:s12+$0x20] =	vst v42  }
0x389: {  	v60 =	vmov s15;
	v43 =	vld [tilespmem:s13+$0x30]  }
0x38a: {  	v42 =	vand.u32 $0xFFFFFFFC, v60  }
0x38b: {  	v42 =	vbroadcast v42, $0x0;
	_ =	sdelay $0x2  }
0x38c: {  	v41 =	vmul.f32 v43, v41;
	_ =	sdelay $0x1  }
0x38d: {  	[tilespmem:s12+$0x30] =	vst v41  }
0x38e: {  	s13 =	sadd.s32 $0x80, s13;
	v41 =	vld.idx.msk [tilespmem:v42+s21+$0x0], $0xffff  }
0x38f: {  	v61 =	vld [tilespmem:s13+$0xFFFFFFC0];
	_ =	sdelay $0x4  }
0x390: {  	v42 =	vmul.f32 v61, v41  }
0x391: {  	s12 =	sadd.s32 $0x80, s12  }
0x392: {  	s17 =	sadd.s32 $0xFFFFFFFE, s31;
	[tilespmem:s12+$0xFFFFFFC0] =	vst v42  }
0x393: {  	v62 =	vmov s17;
	v42 =	vld [tilespmem:s13+$0xFFFFFFD0]  }
0x394: {  	v43 =	vand.u32 $0xFFFFFFFD, v62  }
0x395: {  	v43 =	vbroadcast v43, $0x0;
	_ =	sdelay $0x2  }
0x396: {  	v41 =	vmul.f32 v42, v41;
	_ =	sdelay $0x1  }
0x397: {  	[tilespmem:s12+$0xFFFFFFD0] =	vst v41  }
0x398: {  	v41 =	vld.idx.msk [tilespmem:v43+s21+$0x0], $0xffff  }
0x399: {  	v63 =	vld [tilespmem:s13+$0xFFFFFFE0];
	_ =	sdelay $0x4  }
0x39a: {  	v42 =	vmul.f32 v63, v41;
	_ =	sdelay $0x1  }
0x39b: {  	s20 =	sadd.s32 $0xFFFFFFFF, s31;
	[tilespmem:s12+$0xFFFFFFE0] =	vst v42  }
0x39c: {  	v45 =	vmov s20;
	v42 =	vld [tilespmem:s13+$0xFFFFFFF0]  }
0x39d: {  	v43 =	vand.u32 $0xFFFFFFFE, v45  }
0x39e: {  	v43 =	vbroadcast v43, $0x0;
	_ =	sdelay $0x2  }
0x39f: {  	v41 =	vmul.f32 v42, v41;
	_ =	sdelay $0x1  }
0x3a0: {  	[tilespmem:s12+$0xFFFFFFF0] =	vst v41  }
0x3a1: {  	v41 =	vld.idx.msk [tilespmem:v43+s21+$0x0], $0xffff  }
0x3a2: {  	v46 =	vld [tilespmem:s13+$0x0];
	_ =	sdelay $0x4  }
0x3a3: {  	v42 =	vmul.f32 v46, v41;
	_ =	sdelay $0x1  }
0x3a4: {  	[tilespmem:s12+$0x0] =	vst v42  }
0x3a5: {  	v42 =	vld [tilespmem:s13+$0x10];
	_ =	sdelay $0x2  }
0x3a6: {  	v47 =	vmov s31;
	_ =	sdelay $0x1  }
0x3a7: {  	v41 =	vmul.f32 v42, v41;
	_ =	sdelay $0x1  }
0x3a8: {  	[tilespmem:s12+$0x10] =	vst v41  }
0x3a9: {  	v41 =	vld.idx.msk [tilespmem:v47+s21+$0x0], $0xffff  }
0x3aa: {  	v48 =	vld [tilespmem:s13+$0x20];
	_ =	sdelay $0x4  }
0x3ab: {  	v42 =	vmul.f32 v48, v41;
	_ =	sdelay $0x1  }
0x3ac: {  	[tilespmem:s12+$0x20] =	vst v42  }
0x3ad: {  	v42 =	vld [tilespmem:s13+$0x30];
	_ =	sdelay $0x4  }
0x3ae: {  	v41 =	vmul.f32 v42, v41;
	_ =	sdelay $0x1  }
0x3af: {  	[tilespmem:s12+$0x30] =	vst v41  }
0x3b0: {  	[spmem:s8] =	stream.indirect.scatter.add.f32 [tilespmem:s1], [sflag:$0x2], $0x80, s16, s18, $0xb8;
	[tilespmem:$0x1FF00] =	vst v63  }
0x3b1: {  	_ =	swait.ge [sflag:s26], $0x2800  }
0x3b2: {  	[sflag:s26] =	ssyncset.done $0x0  }
0x3b3: {  	[sflag:s26] =	ssyncadd.s32 $0xFFFFD800  }
0x3b4: {  	v49 =	vld [tilespmem:s10+$0x14A80];
	_ =	sdelay $0x4  }
0x3b5: {  	v41 =	vshll.u32 v49, $0x2  }
0x3b6: {  	v41 =	vand.u32 $0x7C, v41  }
0x3b7: {  	v50 =	vor.u32 v1, v41  }
0x3b8: {  	v51 =	vor.u32 v4, v41  }
0x3b9: {  	v44 =	vor.u32 v6, v41  }
0x3ba: {  	v41 =	vor.u32 v8, v41;
	_ =	sdelay $0x1  }
0x3bb: {  	[tilespmem:v50+s23+$0x0] =	vst.idx.msk $0xffff, v2  }
0x3bc: {  	[tilespmem:v51+s23+$0x0] =	vst.idx.msk $0xffff, v2  }
0x3bd: {  	[tilespmem:v44+s23+$0x0] =	vst.idx.msk $0xffff, v2  }
0x3be: {  	[tilespmem:v41+s23+$0x0] =	vst.idx.msk $0xffff, v2  }
0x3bf: {  	v41 =	vld [tilespmem:s10+$0x14A90];
	_ =	sdelay $0x4  }
0x3c0: {  	v41 =	vshll.u32 v41, $0x2  }
0x3c1: {  	v41 =	vand.u32 $0x7C, v41  }
0x3c2: {  	v52 =	vor.u32 v10, v41  }
0x3c3: {  	v53 =	vor.u32 v12, v41  }
0x3c4: {  	v54 =	vor.u32 v14, v41  }
0x3c5: {  	v41 =	vor.u32 v16, v41;
	_ =	sdelay $0x1  }
0x3c6: {  	[tilespmem:v52+s23+$0x0] =	vst.idx.msk $0xffff, v2  }
0x3c7: {  	[tilespmem:v53+s23+$0x0] =	vst.idx.msk $0xffff, v2  }
0x3c8: {  	[tilespmem:v54+s23+$0x0] =	vst.idx.msk $0xffff, v2  }
0x3c9: {  	[tilespmem:v41+s23+$0x0] =	vst.idx.msk $0xffff, v2  }
0x3ca: {  	v41 =	vld [tilespmem:s10+$0x14AA0];
	_ =	sdelay $0x4  }
0x3cb: {  	v41 =	vshll.u32 v41, $0x2  }
0x3cc: {  	v41 =	vand.u32 $0x7C, v41  }
0x3cd: {  	v55 =	vor.u32 v18, v41  }
0x3ce: {  	v56 =	vor.u32 v20, v41  }
0x3cf: {  	v57 =	vor.u32 v22, v41  }
0x3d0: {  	v41 =	vor.u32 v24, v41;
	_ =	sdelay $0x1  }
0x3d1: {  	[tilespmem:v55+s23+$0x0] =	vst.idx.msk $0xffff, v2  }
0x3d2: {  	[tilespmem:v56+s23+$0x0] =	vst.idx.msk $0xffff, v2  }
0x3d3: {  	[tilespmem:v57+s23+$0x0] =	vst.idx.msk $0xffff, v2  }
0x3d4: {  	[tilespmem:v41+s23+$0x0] =	vst.idx.msk $0xffff, v2  }
0x3d5: {  	v41 =	vld [tilespmem:s10+$0x14AB0];
	_ =	sdelay $0x4  }
0x3d6: {  	v41 =	vshll.u32 v41, $0x2  }
0x3d7: {  	v41 =	vand.u32 $0x7C, v41  }
0x3d8: {  	v58 =	vor.u32 v26, v41  }
0x3d9: {  	v59 =	vor.u32 v28, v41  }
0x3da: {  	v60 =	vor.u32 v30, v41  }
0x3db: {  	v41 =	vor.u32 v32, v41;
	_ =	sdelay $0x1  }
0x3dc: {  	[tilespmem:v58+s23+$0x0] =	vst.idx.msk $0xffff, v2  }
0x3dd: {  	[tilespmem:v59+s23+$0x0] =	vst.idx.msk $0xffff, v2  }
0x3de: {  	[tilespmem:v60+s23+$0x0] =	vst.idx.msk $0xffff, v2  }
0x3df: {  	[tilespmem:v41+s23+$0x0] =	vst.idx.msk $0xffff, v2  }
0x3e0: {  	v41 =	vld [tilespmem:s10+$0x14AC0];
	_ =	sdelay $0x4  }
0x3e1: {  	v41 =	vshll.u32 v41, $0x2  }
0x3e2: {  	v41 =	vand.u32 $0x7C, v41  }
0x3e3: {  	v61 =	vor.u32 v34, v41  }
0x3e4: {  	v62 =	vor.u32 v36, v41  }
0x3e5: {  	v63 =	vor.u32 v38, v41  }
0x3e6: {  	p4 =	sne.s32 s7, $0x19;
	v41 =	vor.u32 v40, v41  }
.Ltmp14:
0x3e7: {  	_ = 	snop;
	(pc) =	sbr.rel @p4 .LBB2_6-.Ltmp14, $4  }
0x3e8: {  	[tilespmem:v61+s23+$0x0] =	vst.idx.msk $0xffff, v2  }
0x3e9: {  	[tilespmem:v62+s23+$0x0] =	vst.idx.msk $0xffff, v2  }
0x3ea: {  	[tilespmem:v63+s23+$0x0] =	vst.idx.msk $0xffff, v2  }
0x3eb: {  	p3 =	por !p3, !p3;
	[tilespmem:v41+s23+$0x0] =	vst.idx.msk $0xffff, v2  }
0x3ec: {  	s19 =	sadd.s32 $0x1, s19  }
0x3ed: {  	p3 =	sne.s32 s19, $0x5  }
.Ltmp15:
0x3ee: {  	_ = 	snop;
	(pc) =	sbr.rel @p3 .LBB2_5-.Ltmp15, $1  }
0x3ef: {  	_ =	sdelay $0x3  }
0x3f0: {  	s2 =	simm.s32 $0x2  }
.Ltmp16:
0x3f1: {  	_ =	swait.ge [sflag:s2], $0x2800;
	(pc) =	sbr.rel .LBB2_11-.Ltmp16, $4  }
0x3f2: {  	[sflag:s2] =	ssyncset.done $0x0  }
0x3f3: {  	[sflag:s2] =	ssyncadd.s32 $0xFFFFD800  }
0x3f4: {  	s17 =	simm.s32 $0x0;
	[bflag:$0x0] =	sbarrier.arrive $0xFFFF  }
0x3f5: {  	s31 =	stileid.u32;
	s2 =	simm.s32 $0x0;
	s6 =	rddreg [dreg:$0x16]  }
.LBB2_15:
0x3f6: {  	s2 =	sadd.s32 $0x1, s2  }
0x3f7: {  	p3 =	seq.s32 s2, $0x8  }
.Ltmp17:
0x3f8: {  	_ = 	snop;
	(pc) =	sbr.rel @p3 .LBB2_30-.Ltmp17, $2  }
0x3f9: {  	_ =	sdelay $0x2  }
0x3fa: {  	s6 =	sadd.s32 $0x1400, s6  }
.LBB2_11:
0x3fb: {  	s7 =	sshll.u32 s2, $0x4  }
0x3fc: {  	s7 =	sor.u32 s31, s7  }
0x3fd: {  	p3 =	sgt.u32 s7, $0x7C  }
.Ltmp18:
0x3fe: {  	_ = 	snop;
	(pc) =	sbr.rel @p3 .LBB2_15-.Ltmp18, $1  }
0x3ff: {  	_ =	sdelay $0x3  }
0x400: {  	s10 =	smul.u32 $0xA000, s7;
	_ =	sdelay $0x1  }
0x401: {  	s15 =	smul.u32 $0x140, s7;
	s10 =	sshra.s32 s10, $0x2  }
0x402: {  	s12 =	sadd.s32 $0x0, s6;
	s13 =	sadd.s32 $0x0, s30;
	s10 =	sadd.s32 s10, s8  }
0x403: {  	[tilespmem:s1], [sflag:$0x5] =	stream.linear.gather [spmem:s10], $0x2800, $0x38;
	[tilespmem:$0x1FF00] =	vst v63  }
0x404: {  	s12 =	sand.u32 $0x7C, s12;
	s13 =	sand.u32 $0xFFFFFF80, s13;
	_ =	swait.ge [sflag:s29], $0x2800  }
0x405: {  	s12 =	sor.u32 s12, s13;
	s10 =	sand.u32 $0x3FFFFC00, s15;
	[sflag:s29] =	ssyncset.done $0x0  }
0x406: {  	v41 =	vmov s12;
	s10 =	sadd.s32 s10, s9;
	[sflag:s29] =	ssyncadd.s32 $0xFFFFD800  }
0x407: {  	[tilespmem:s25], [sflag:$0x5] =	stream.linear.gather [spmem:s10], $0x800, $0x38;
	[tilespmem:$0x1FF00] =	vst v63  }
0x408: {  	_ =	swait.ge [sflag:s29], $0x800  }
0x409: {  	[sflag:s29] =	ssyncset.done $0x0  }
0x40a: {  	[sflag:s29] =	ssyncadd.s32 $0xFFFFF800  }
0x40b: {  	v41 =	vld.idx.msk [tilespmem:v41+s25+$0x0], $0xffff;
	_ =	sdelay $0x4  }
0x40c: {  	v41 =	vadd.f32 $1.000000020e-16, v41;
	_ =	sdelay $0x1  }
0x40d: {  	(erf) = vrcp.f32 v41;
	_ =	sdelay $0x3  }
0x40e: {  	s19 =	simm.s32 $0x1A6C0  }
0x40f: {  	v47 =	vld [tilespmem:s19+$0xFFFFFFC0];
	_ =	sdelay $0x1  }
0x410: {  	v42 =	vld [tilespmem:$0x1FE80];
	_ =	sdelay $0x1  }
0x411: {  	v43 =	vpop (erf)  }
0x412: {  	v41 =	vmul.f32 v43, v47;
	_ =	sdelay $0x1  }
0x413: {  	v41 =	vadd.f32 v41, v42;
	_ =	sdelay $0x1  }
0x414: {  	s10 =	simm.s32 $0x156C0;
	v41 =	vmax.f32 v41, $0.0e+00  }
0x415: {  	[tilespmem:s10+$0xFFFFFFC0] =	vst v41  }
0x416: {  	v41 =	vld [tilespmem:s19+$0xFFFFFFD0];
	_ =	sdelay $0x1  }
0x417: {  	v48 =	vld [tilespmem:$0x1FE90];
	_ =	sdelay $0x2  }
0x418: {  	s13 =	sor.u32 $0x1, s12;
	v41 =	vmul.f32 v41, v43  }
0x419: {  	v49 =	vmov s13  }
0x41a: {  	v41 =	vadd.f32 v48, v41;
	_ =	sdelay $0x1  }
0x41b: {  	v41 =	vmax.f32 v41, $0.0e+00  }
0x41c: {  	[tilespmem:s10+$0xFFFFFFD0] =	vst v41  }
0x41d: {  	v41 =	vld.idx.msk [tilespmem:v49+s25+$0x0], $0xffff;
	_ =	sdelay $0x4  }
0x41e: {  	v41 =	vadd.f32 $1.000000020e-16, v41;
	_ =	sdelay $0x1  }
0x41f: {  	(erf) = vrcp.f32 v41;
	_ =	sdelay $0x4  }
0x420: {  	v50 =	vld [tilespmem:s19+$0xFFFFFFE0];
	_ =	sdelay $0x1  }
0x421: {  	v51 =	vld [tilespmem:$0x1FEA0];
	_ =	sdelay $0x1  }
0x422: {  	v52 =	vpop (erf)  }
0x423: {  	v41 =	vmul.f32 v52, v50;
	_ =	sdelay $0x1  }
0x424: {  	v41 =	vadd.f32 v41, v51;
	_ =	sdelay $0x1  }
0x425: {  	v41 =	vmax.f32 v41, $0.0e+00  }
0x426: {  	[tilespmem:s10+$0xFFFFFFE0] =	vst v41  }
0x427: {  	v41 =	vld [tilespmem:s19+$0xFFFFFFF0];
	_ =	sdelay $0x1  }
0x428: {  	v53 =	vld [tilespmem:$0x1FEB0];
	_ =	sdelay $0x2  }
0x429: {  	s16 =	sor.u32 $0x2, s12;
	v41 =	vmul.f32 v41, v52  }
0x42a: {  	v54 =	vmov s16  }
0x42b: {  	v41 =	vadd.f32 v53, v41;
	_ =	sdelay $0x1  }
0x42c: {  	v41 =	vmax.f32 v41, $0.0e+00  }
0x42d: {  	[tilespmem:s10+$0xFFFFFFF0] =	vst v41  }
0x42e: {  	v41 =	vld.idx.msk [tilespmem:v54+s25+$0x0], $0xffff;
	_ =	sdelay $0x4  }
0x42f: {  	v41 =	vadd.f32 $1.000000020e-16, v41;
	_ =	sdelay $0x1  }
0x430: {  	(erf) = vrcp.f32 v41;
	_ =	sdelay $0x4  }
0x431: {  	v55 =	vld [tilespmem:s19+$0x0];
	_ =	sdelay $0x1  }
0x432: {  	v56 =	vld [tilespmem:$0x1FEC0];
	_ =	sdelay $0x1  }
0x433: {  	v57 =	vpop (erf)  }
0x434: {  	v41 =	vmul.f32 v57, v55;
	_ =	sdelay $0x1  }
0x435: {  	v41 =	vadd.f32 v41, v56;
	_ =	sdelay $0x1  }
0x436: {  	v41 =	vmax.f32 v41, $0.0e+00  }
0x437: {  	[tilespmem:s10+$0x0] =	vst v41  }
0x438: {  	v41 =	vld [tilespmem:s19+$0x10];
	_ =	sdelay $0x1  }
0x439: {  	v58 =	vld [tilespmem:$0x1FED0];
	_ =	sdelay $0x2  }
0x43a: {  	s12 =	sor.u32 $0x3, s12;
	v41 =	vmul.f32 v41, v57  }
0x43b: {  	v59 =	vmov s12  }
0x43c: {  	v41 =	vadd.f32 v58, v41;
	_ =	sdelay $0x1  }
0x43d: {  	v41 =	vmax.f32 v41, $0.0e+00  }
0x43e: {  	[tilespmem:s10+$0x10] =	vst v41  }
0x43f: {  	v41 =	vld.idx.msk [tilespmem:v59+s25+$0x0], $0xffff;
	_ =	sdelay $0x4  }
0x440: {  	v41 =	vadd.f32 $1.000000020e-16, v41;
	_ =	sdelay $0x1  }
0x441: {  	(erf) = vrcp.f32 v41;
	_ =	sdelay $0x4  }
0x442: {  	v60 =	vld [tilespmem:s19+$0x20];
	_ =	sdelay $0x1  }
0x443: {  	v61 =	vld [tilespmem:$0x1FEE0];
	_ =	sdelay $0x1  }
0x444: {  	v62 =	vpop (erf)  }
0x445: {  	v41 =	vmul.f32 v62, v60;
	_ =	sdelay $0x1  }
0x446: {  	v41 =	vadd.f32 v41, v61;
	_ =	sdelay $0x1  }
0x447: {  	v41 =	vmax.f32 v41, $0.0e+00  }
0x448: {  	[tilespmem:s10+$0x20] =	vst v41  }
0x449: {  	v41 =	vld [tilespmem:s19+$0x30];
	_ =	sdelay $0x1  }
0x44a: {  	v63 =	vld [tilespmem:$0x1FEF0];
	_ =	sdelay $0x1  }
0x44b: {  	s20 =	sadd.s32 $0x4, s6;
	s28 =	sadd.s32 $0x4, s30  }
0x44c: {  	s12 =	sand.u32 $0x7C, s20;
	s13 =	sand.u32 $0xFFFFFF80, s28;
	v41 =	vmul.f32 v41, v62  }
0x44d: {  	s15 =	sor.u32 s12, s13  }
0x44e: {  	v42 =	vadd.f32 v63, v41;
	v41 =	vmov s15  }
0x44f: {  	s20 =	simm.s32 $0x8  }
0x450: {  	s13 =	sor.u32 $0x1, s15;
	s12 =	sor.u32 $0x2, s15;
	s15 =	sor.u32 $0x3, s15;
	v42 =	vmax.f32 v42, $0.0e+00  }
.LBB2_13:
0x451: {  	[tilespmem:s10+$0x30] =	vst v42;
	s10 =	sadd.s32 $0x80, s10  }
0x452: {  	s19 =	sadd.s32 $0x80, s19;
	s16 =	smov.u32 s20;
	s28 =	sadd.s32 $0x4, s20  }
0x453: {  	p3 =	sne.s32 s20, $0x13C;
	v41 =	vld.idx.msk [tilespmem:v41+s25+$0x0], $0xffff;
	_ =	sdelay $0x5  }
0x454: {  	v41 =	vadd.f32 $1.000000020e-16, v41;
	_ =	sdelay $0x1  }
0x455: {  	(erf) = vrcp.f32 v41;
	_ =	sdelay $0x4  }
0x456: {  	v41 =	vld [tilespmem:s19+$0xFFFFFFC0];
	_ =	sdelay $0x1  }
0x457: {  	v42 =	vld [tilespmem:$0x1FE80];
	_ =	sdelay $0x1  }
0x458: {  	v43 =	vpop (erf)  }
0x459: {  	v41 =	vmul.f32 v43, v41;
	_ =	sdelay $0x1  }
0x45a: {  	v41 =	vadd.f32 v41, v42;
	_ =	sdelay $0x1  }
0x45b: {  	v41 =	vmax.f32 v41, $0.0e+00  }
0x45c: {  	[tilespmem:s10+$0xFFFFFFC0] =	vst v41  }
0x45d: {  	v41 =	vld [tilespmem:s19+$0xFFFFFFD0];
	_ =	sdelay $0x1  }
0x45e: {  	v42 =	vld [tilespmem:$0x1FE90];
	_ =	sdelay $0x2  }
0x45f: {  	v41 =	vmul.f32 v41, v43  }
0x460: {  	v43 =	vmov s13  }
0x461: {  	v41 =	vadd.f32 v42, v41;
	_ =	sdelay $0x1  }
0x462: {  	v41 =	vmax.f32 v41, $0.0e+00  }
0x463: {  	[tilespmem:s10+$0xFFFFFFD0] =	vst v41  }
0x464: {  	v41 =	vld.idx.msk [tilespmem:v43+s25+$0x0], $0xffff;
	_ =	sdelay $0x5  }
0x465: {  	v41 =	vadd.f32 $1.000000020e-16, v41;
	_ =	sdelay $0x1  }
0x466: {  	(erf) = vrcp.f32 v41;
	_ =	sdelay $0x4  }
0x467: {  	v41 =	vld [tilespmem:s19+$0xFFFFFFE0];
	_ =	sdelay $0x1  }
0x468: {  	v42 =	vld [tilespmem:$0x1FEA0];
	_ =	sdelay $0x1  }
0x469: {  	v43 =	vpop (erf)  }
0x46a: {  	v41 =	vmul.f32 v43, v41;
	_ =	sdelay $0x1  }
0x46b: {  	v41 =	vadd.f32 v41, v42;
	_ =	sdelay $0x1  }
0x46c: {  	v41 =	vmax.f32 v41, $0.0e+00  }
0x46d: {  	[tilespmem:s10+$0xFFFFFFE0] =	vst v41  }
0x46e: {  	v41 =	vld [tilespmem:s19+$0xFFFFFFF0];
	_ =	sdelay $0x1  }
0x46f: {  	v42 =	vld [tilespmem:$0x1FEB0];
	_ =	sdelay $0x2  }
0x470: {  	v41 =	vmul.f32 v41, v43  }
0x471: {  	v43 =	vmov s12  }
0x472: {  	v41 =	vadd.f32 v42, v41;
	_ =	sdelay $0x1  }
0x473: {  	v41 =	vmax.f32 v41, $0.0e+00  }
0x474: {  	[tilespmem:s10+$0xFFFFFFF0] =	vst v41  }
0x475: {  	v41 =	vld.idx.msk [tilespmem:v43+s25+$0x0], $0xffff;
	_ =	sdelay $0x5  }
0x476: {  	v41 =	vadd.f32 $1.000000020e-16, v41;
	_ =	sdelay $0x1  }
0x477: {  	(erf) = vrcp.f32 v41;
	_ =	sdelay $0x4  }
0x478: {  	v41 =	vld [tilespmem:s19+$0x0];
	_ =	sdelay $0x1  }
0x479: {  	v42 =	vld [tilespmem:$0x1FEC0];
	_ =	sdelay $0x1  }
0x47a: {  	v43 =	vpop (erf)  }
0x47b: {  	v41 =	vmul.f32 v43, v41;
	_ =	sdelay $0x1  }
0x47c: {  	v41 =	vadd.f32 v41, v42;
	_ =	sdelay $0x1  }
0x47d: {  	v41 =	vmax.f32 v41, $0.0e+00  }
0x47e: {  	[tilespmem:s10+$0x0] =	vst v41  }
0x47f: {  	v41 =	vld [tilespmem:s19+$0x10]  }
0x480: {  	v42 =	vld [tilespmem:$0x1FED0];
	_ =	sdelay $0x3  }
0x481: {  	v41 =	vmul.f32 v41, v43  }
0x482: {  	v43 =	vmov s15  }
0x483: {  	v41 =	vadd.f32 v42, v41;
	_ =	sdelay $0x1  }
0x484: {  	v41 =	vmax.f32 v41, $0.0e+00  }
0x485: {  	[tilespmem:s10+$0x10] =	vst v41  }
0x486: {  	v41 =	vld.idx.msk [tilespmem:v43+s25+$0x0], $0xffff  }
0x487: {  	v42 =	vld [tilespmem:s19+$0x20]  }
0x488: {  	v43 =	vld [tilespmem:$0x1FEE0];
	_ =	sdelay $0x3  }
0x489: {  	v41 =	vadd.f32 $1.000000020e-16, v41;
	_ =	sdelay $0x1  }
0x48a: {  	(erf) = vrcp.f32 v41;
	_ =	sdelay $0x8  }
0x48b: {  	v41 =	vpop (erf)  }
0x48c: {  	v42 =	vmul.f32 v41, v42;
	_ =	sdelay $0x1  }
0x48d: {  	v42 =	vadd.f32 v42, v43;
	_ =	sdelay $0x1  }
0x48e: {  	v42 =	vmax.f32 v42, $0.0e+00  }
0x48f: {  	[tilespmem:s10+$0x20] =	vst v42  }
0x490: {  	v42 =	vld [tilespmem:s19+$0x30]  }
0x491: {  	v43 =	vld [tilespmem:$0x1FEF0];
	_ =	sdelay $0x1  }
0x492: {  	s13 =	sadd.s32 s16, s30;
	s12 =	sadd.s32 s16, s6  }
0x493: {  	s13 =	sand.u32 $0xFFFFFF80, s13;
	s12 =	sand.u32 $0x7C, s12  }
.Ltmp19:
0x494: {  	s15 =	sor.u32 s12, s13;
	v42 =	vmul.f32 v42, v41;
	(pc) =	sbr.rel @p3 .LBB2_13-.Ltmp19, $3  }
0x495: {  	s13 =	sor.u32 $0x1, s15;
	s12 =	sor.u32 $0x2, s15;
	v41 =	vmov s15;
	s15 =	sor.u32 $0x3, s15  }
0x496: {  	v42 =	vadd.f32 v43, v42;
	_ =	sdelay $0x1  }
0x497: {  	s20 =	smov.u32 s28;
	v42 =	vmax.f32 v42, $0.0e+00  }
0x498: {  	_ =	sdelay $0x2  }
0x499: {  	[tilespmem:s10+$0x30] =	vst v42  }
0x49a: {  	v41 =	vld.idx.msk [tilespmem:v41+s25+$0x0], $0xffff;
	_ =	sdelay $0x4  }
0x49b: {  	v41 =	vadd.f32 $1.000000020e-16, v41;
	_ =	sdelay $0x1  }
0x49c: {  	(erf) = vrcp.f32 v41;
	_ =	sdelay $0x3  }
0x49d: {  	s16 =	sadd.s32 $0x80, s19  }
0x49e: {  	v47 =	vld [tilespmem:s16+$0xFFFFFFC0];
	_ =	sdelay $0x1  }
0x49f: {  	v42 =	vld [tilespmem:$0x1FE80];
	_ =	sdelay $0x1  }
0x4a0: {  	v43 =	vpop (erf)  }
0x4a1: {  	v41 =	vmul.f32 v43, v47;
	_ =	sdelay $0x1  }
0x4a2: {  	v41 =	vadd.f32 v41, v42;
	_ =	sdelay $0x1  }
0x4a3: {  	s19 =	sadd.s32 $0x80, s10;
	v41 =	vmax.f32 v41, $0.0e+00  }
0x4a4: {  	[tilespmem:s19+$0xFFFFFFC0] =	vst v41  }
0x4a5: {  	v41 =	vld [tilespmem:s16+$0xFFFFFFD0];
	_ =	sdelay $0x1  }
0x4a6: {  	v48 =	vld [tilespmem:$0x1FE90];
	_ =	sdelay $0x2  }
0x4a7: {  	v41 =	vmul.f32 v41, v43  }
0x4a8: {  	v49 =	vmov s13  }
0x4a9: {  	v41 =	vadd.f32 v48, v41;
	_ =	sdelay $0x1  }
0x4aa: {  	v41 =	vmax.f32 v41, $0.0e+00  }
0x4ab: {  	[tilespmem:s19+$0xFFFFFFD0] =	vst v41  }
0x4ac: {  	v41 =	vld.idx.msk [tilespmem:v49+s25+$0x0], $0xffff;
	_ =	sdelay $0x4  }
0x4ad: {  	v41 =	vadd.f32 $1.000000020e-16, v41;
	_ =	sdelay $0x1  }
0x4ae: {  	(erf) = vrcp.f32 v41;
	_ =	sdelay $0x4  }
0x4af: {  	v50 =	vld [tilespmem:s16+$0xFFFFFFE0];
	_ =	sdelay $0x1  }
0x4b0: {  	v51 =	vld [tilespmem:$0x1FEA0];
	_ =	sdelay $0x1  }
0x4b1: {  	v52 =	vpop (erf)  }
0x4b2: {  	v41 =	vmul.f32 v52, v50;
	_ =	sdelay $0x1  }
0x4b3: {  	v41 =	vadd.f32 v41, v51;
	_ =	sdelay $0x1  }
0x4b4: {  	v41 =	vmax.f32 v41, $0.0e+00  }
0x4b5: {  	[tilespmem:s19+$0xFFFFFFE0] =	vst v41  }
0x4b6: {  	v41 =	vld [tilespmem:s16+$0xFFFFFFF0];
	_ =	sdelay $0x1  }
0x4b7: {  	v53 =	vld [tilespmem:$0x1FEB0];
	_ =	sdelay $0x2  }
0x4b8: {  	v41 =	vmul.f32 v41, v52  }
0x4b9: {  	v54 =	vmov s12  }
0x4ba: {  	v41 =	vadd.f32 v53, v41;
	_ =	sdelay $0x1  }
0x4bb: {  	v41 =	vmax.f32 v41, $0.0e+00  }
0x4bc: {  	[tilespmem:s19+$0xFFFFFFF0] =	vst v41  }
0x4bd: {  	v41 =	vld.idx.msk [tilespmem:v54+s25+$0x0], $0xffff;
	_ =	sdelay $0x4  }
0x4be: {  	v41 =	vadd.f32 $1.000000020e-16, v41;
	_ =	sdelay $0x1  }
0x4bf: {  	(erf) = vrcp.f32 v41;
	_ =	sdelay $0x4  }
0x4c0: {  	v55 =	vld [tilespmem:s16+$0x0];
	_ =	sdelay $0x1  }
0x4c1: {  	v56 =	vld [tilespmem:$0x1FEC0];
	_ =	sdelay $0x1  }
0x4c2: {  	v57 =	vpop (erf)  }
0x4c3: {  	v41 =	vmul.f32 v57, v55;
	_ =	sdelay $0x1  }
0x4c4: {  	v41 =	vadd.f32 v41, v56;
	_ =	sdelay $0x1  }
0x4c5: {  	v41 =	vmax.f32 v41, $0.0e+00  }
0x4c6: {  	[tilespmem:s19+$0x0] =	vst v41  }
0x4c7: {  	v41 =	vld [tilespmem:s16+$0x10];
	_ =	sdelay $0x1  }
0x4c8: {  	v58 =	vld [tilespmem:$0x1FED0];
	_ =	sdelay $0x2  }
0x4c9: {  	v41 =	vmul.f32 v41, v57  }
0x4ca: {  	v59 =	vmov s15  }
0x4cb: {  	v41 =	vadd.f32 v58, v41;
	_ =	sdelay $0x1  }
0x4cc: {  	v41 =	vmax.f32 v41, $0.0e+00  }
0x4cd: {  	[tilespmem:s19+$0x10] =	vst v41  }
0x4ce: {  	v41 =	vld.idx.msk [tilespmem:v59+s25+$0x0], $0xffff;
	_ =	sdelay $0x4  }
0x4cf: {  	v41 =	vadd.f32 $1.000000020e-16, v41;
	_ =	sdelay $0x1  }
0x4d0: {  	(erf) = vrcp.f32 v41;
	_ =	sdelay $0x4  }
0x4d1: {  	v60 =	vld [tilespmem:s16+$0x20];
	_ =	sdelay $0x1  }
0x4d2: {  	v61 =	vld [tilespmem:$0x1FEE0];
	_ =	sdelay $0x1  }
0x4d3: {  	v62 =	vpop (erf)  }
0x4d4: {  	v41 =	vmul.f32 v62, v60;
	_ =	sdelay $0x1  }
0x4d5: {  	v41 =	vadd.f32 v41, v61;
	_ =	sdelay $0x1  }
0x4d6: {  	v41 =	vmax.f32 v41, $0.0e+00  }
0x4d7: {  	[tilespmem:s19+$0x20] =	vst v41  }
0x4d8: {  	v41 =	vld [tilespmem:s16+$0x30];
	_ =	sdelay $0x1  }
0x4d9: {  	v63 =	vld [tilespmem:$0x1FEF0];
	_ =	sdelay $0x2  }
0x4da: {  	v41 =	vmul.f32 v41, v62;
	_ =	sdelay $0x1  }
0x4db: {  	v41 =	vadd.f32 v63, v41  }
0x4dc: {  	s7 =	smul.u32 $0x500, s7  }
0x4dd: {  	s20 =	rddreg [dreg:$0xc];
	v41 =	vmax.f32 v41, $0.0e+00  }
.Ltmp20:
0x4de: {  	s28 =	simm.s32 $0x15680;
	s7 =	sadd.s32 s20, s7;
	[tilespmem:s19+$0x30] =	vst v41;
	(pc) =	sbr.rel .LBB2_15-.Ltmp20, $4  }
0x4df: {  	[hbm4b:s7+s17] =	stream.linear.scatter [tilespmem:s28], [sflag:$0x4], $0x2800, $0x38;
	[tilespmem:$0x1FF00] =	vst v63  }
0x4e0: {  	_ =	swait.ge [sflag:s3], $0x2800  }
0x4e1: {  	[sflag:s3] =	ssyncset.done $0x0  }
0x4e2: {  	[sflag:s3] =	ssyncadd.s32 $0xFFFFD800  }
.LBB2_31:
0x4e3: {  	_ =	sfence.sel $0x180000  }
0x4e4: {  	[bflag:$0x0] =	sbarrier.arrive $0xFFFF  }
0x4e5: {  	_ =	strace $0x9000004A  }
0x4e6: {  	[bflag:$0x2] =	sbarrier.arrive $0xFFFF  }
0x4e7: {  	p0 =	sne.s32 s31, $0x0;
	s0 =	rddreg [dreg:$0xa]  }
0x4e8: {  	s0 =	sadd.s32 @!p0 $0x100000, s0  }
0x4e9: {  	[sflag:s0] =	ssyncadd.tile.s32 @!p0 $0x1;
	_ =	shalt  }
.Lfunc_end2:
_tile_overlayer_lowered:
.L_overlay_start_2:
0x4ea: {  	(tag) =	ssettag $0x2  }
0x4eb: {  	s0 =	rddreg [dreg:$0x0];
	s2 =	stileid.u32  }
0x4ec: {  	s1 =	rddreg [dreg:$0x1];
	p0 =	sne.s32 s2, $0x0  }
0x4ed: {  	s3 =	rddreg [dreg:$0x2];
	[bflag:$0x3] =	sbarrier.arrive $0xFFFF;
	s2 =	simm.s32 @!p0 $0x1C04  }
0x4ee: {  	[timem:s3], [sflag:s2] =	dma.local @!p0 [hbm:s0], s1  }
0x4ef: {  	s0 =	simm.s32 @!p0 $0x4  }
0x4f0: {  	_ =	swait.ge @!p0 [sflag:s0], s1  }
0x4f1: {  	s1 =	ssub.s32 @!p0 $0x0, s1;
	[sflag:s0] =	ssyncset.done @!p0 $0x0  }
0x4f2: {  	[sflag:s0] =	ssyncadd.s32 @!p0 s1  }
0x4f3: {  	[bflag:$0x3] =	sbarrier.arrive $0xFFFF  }
0x4f4: {  	_ =	shalt  }

</sc_bundles>
